<compile_context>
chip_gen: v7x
topology: tpu7x:2x2x1
jax: 0.10.2.dev20260603
libtpu: 0.0.44.dev20260713+nightly
codegen_flags: <defaults>
</compile_context>

<pallas_src>
import jax
import jax.numpy as jnp
from jax import lax
from jax.experimental import pallas as pl
from jax.experimental.pallas import tpu as pltpu
from jax.experimental.pallas import tpu_sc as plsc

_B = 100000
_D = 256
_CH = 160
_NCHUNKS = _B // _CH
_NRB = 3
_NIB = 4

_INFO = plsc.get_sparse_core_info()
_NC = _INFO.num_cores
_NW = _INFO.num_cores * _INFO.num_subcores
_ITERS = -(-_NCHUNKS // _NW)

_MESH = plsc.VectorSubcoreMesh(core_axis_name="c", subcore_axis_name="s")


@pl.kernel(
    mesh=_MESH,
    out_type=jax.ShapeDtypeStruct((_B, _D), jnp.float32),
    scratch_types=(
        [pltpu.VMEM((_CH,), jnp.int32) for _ in range(_NIB)]
        + [pltpu.VMEM((_CH, _D), jnp.float32) for _ in range(_NRB)]
        + [pltpu.SemaphoreType.DMA for _ in range(_NIB + 2 * _NRB)]
    ),
)
def _gather_sc(table_hbm, idx_hbm, out_hbm, *scratch):
    idx_v = scratch[:_NIB]
    rows_v = scratch[_NIB:_NIB + _NRB]
    sem_i = scratch[_NIB + _NRB:2 * _NIB + _NRB]
    sem_g = scratch[2 * _NIB + _NRB:2 * _NIB + 2 * _NRB]
    sem_s = scratch[2 * _NIB + 2 * _NRB:]

    wid = lax.axis_index("s") * _NC + lax.axis_index("c")

    def c_of(i):
        return wid + i * _NW

    def idx_copy(i):
        b = i % _NIB
        return pltpu.make_async_copy(idx_hbm.at[pl.ds(c_of(i) * _CH, _CH)],
                                     idx_v[b], sem_i[b])

    def gather_copy(i):
        b = i % _NRB
        return pltpu.make_async_copy(table_hbm.at[idx_v[i % _NIB]],
                                     rows_v[b], sem_g[b])

    def store_copy(i):
        b = i % _NRB
        return pltpu.make_async_copy(rows_v[b],
                                     out_hbm.at[pl.ds(c_of(i) * _CH, _CH)],
                                     sem_s[b])

    _K = 2

    idx_copy(0).start()
    idx_copy(1).start()

    for i in range(_ITERS + _K):
        if i >= _K:
            @pl.when(c_of(i - _K) < _NCHUNKS)
            def _complete(i=i):
                gather_copy(i - _K).wait()
                store_copy(i - _K).start()

        if i < _ITERS:
            @pl.when(c_of(i) < _NCHUNKS)
            def _launch(i=i):
                idx_copy(i).wait()
                if i >= _NRB:
                    store_copy(i - _NRB).wait()
                gather_copy(i).start()

            if i + 2 < _ITERS:
                @pl.when(c_of(i + 2) < _NCHUNKS)
                def _prefetch(i=i):
                    idx_copy(i + 2).start()

    for i in range(_ITERS - _NRB, _ITERS):
        @pl.when(c_of(i) < _NCHUNKS)
        def _drain(i=i):
            store_copy(i).wait()


def kernel(encoded_ast_nodes, symbol_leaf_nodes_indices, symbol_leaf_symbol_idx):
    out = _gather_sc(encoded_ast_nodes, symbol_leaf_nodes_indices)
    return (out, symbol_leaf_symbol_idx)

# --- scband reference (transcript-rebuilt; emitter-appended) ---
"""Pipeline reference for scband-symbol-occurrences-extractor-from-encoded-method-53317724013396 (READ-ONLY COPY).

The authoritative reference and input builder live on the scoring server;
editing this copy changes nothing except your own understanding.
"""

import jax, jax.numpy as jnp
import numpy as np


def setup_inputs(seed: int = 0) -> dict:
    key = jax.random.key(seed)
    k1, k2, k3 = jax.random.split(key, 3)
    encoded_ast_nodes = jax.random.normal(k1, (200000, 256), dtype=jnp.float32)
    symbol_leaf_nodes_indices = jax.random.randint(k2, (100000,), 0, 200000, dtype=jnp.int64 if jax.config.jax_enable_x64 else jnp.int32).astype(jnp.int32)
    symbol_leaf_symbol_idx = jax.random.randint(k3, (100000,), 0, 50000, dtype=jnp.int64 if jax.config.jax_enable_x64 else jnp.int32).astype(jnp.int32)
    return {
        "encoded_ast_nodes": encoded_ast_nodes,
        "symbol_leaf_nodes_indices": symbol_leaf_nodes_indices,
        "symbol_leaf_symbol_idx": symbol_leaf_symbol_idx,
    }


def reference(encoded_ast_nodes, symbol_leaf_nodes_indices, symbol_leaf_symbol_idx):
    # 'tree' / 'paths-folded' AST encoder branch of SymbolOccurrencesExtractorFromEncodedMethod:
    # encodings_of_symbols_occurrences = encoded_ast_nodes[ast_nodes_with_symbol_leaf_nodes_indices, :]
    # symbols_indices_of_symbols_occurrences = ast_nodes_with_symbol_leaf_symbol_idx
    encodings_of_symbols_occurrences = jnp.take(encoded_ast_nodes, symbol_leaf_nodes_indices, axis=0)
    symbols_indices_of_symbols_occurrences = symbol_leaf_symbol_idx
    return (encodings_of_symbols_occurrences, symbols_indices_of_symbols_occurrences)

if __name__ == "__main__":
    import jax
    _d = setup_inputs()
    print(jax.jit(kernel)(*tuple(_d.values())))

</pallas_src>

<mosaic_0001>
#map = affine_map<(d0, d1) -> (0, 0)>
#map1 = affine_map<(d0, d1) -> (0)>
module attributes {stable_mosaic.version = 14 : i64} {
  func.func @_gather_sc(%arg0: i32, %arg1: i32, %arg2: memref<200000x256xf32, #tpu.memory_space<hbm>>, %arg3: memref<100000xi32, #tpu.memory_space<hbm>>, %arg4: memref<100000x256xf32, #tpu.memory_space<hbm>>, %arg5: memref<160xi32, #tpu.memory_space<vmem>>, %arg6: memref<160xi32, #tpu.memory_space<vmem>>, %arg7: memref<160xi32, #tpu.memory_space<vmem>>, %arg8: memref<160xi32, #tpu.memory_space<vmem>>, %arg9: memref<160x256xf32, #tpu.memory_space<vmem>>, %arg10: memref<160x256xf32, #tpu.memory_space<vmem>>, %arg11: memref<160x256xf32, #tpu.memory_space<vmem>>, %arg12: memref<!tpu.dma_semaphore, #tpu.memory_space<semaphore_mem>>, %arg13: memref<!tpu.dma_semaphore, #tpu.memory_space<semaphore_mem>>, %arg14: memref<!tpu.dma_semaphore, #tpu.memory_space<semaphore_mem>>, %arg15: memref<!tpu.dma_semaphore, #tpu.memory_space<semaphore_mem>>, %arg16: memref<!tpu.dma_semaphore, #tpu.memory_space<semaphore_mem>>, %arg17: memref<!tpu.dma_semaphore, #tpu.memory_space<semaphore_mem>>, %arg18: memref<!tpu.dma_semaphore, #tpu.memory_space<semaphore_mem>>, %arg19: memref<!tpu.dma_semaphore, #tpu.memory_space<semaphore_mem>>, %arg20: memref<!tpu.dma_semaphore, #tpu.memory_space<semaphore_mem>>, %arg21: memref<!tpu.dma_semaphore, #tpu.memory_space<semaphore_mem>>) attributes {dimension_semantics = [#tpu.dimension_semantics<core_parallel>, #tpu.dimension_semantics<subcore_parallel>], iteration_bounds = array<i64: 2, 16>, scalar_prefetch = 0 : i64, scratch_operands = 17 : i64, tpu.core_type = #tpu.core_type<sc_vector_subcore>, window_params = [{transform_indices = #map}, {transform_indices = #map1}, {transform_indices = #map}]} {
    %mul3A = arith.constant 2 : i32
    %mul3A_0 = arith.muli %arg1, %mul3A : i32
    %add3A = arith.addi %mul3A_0, %arg0 : i32
    %add3A_1 = arith.constant 0 : i32
    %add3A_2 = arith.addi %add3A, %add3A_1 : i32
    %mul3A_3 = arith.constant 160 : i32
    %mul3A_4 = arith.muli %add3A_2, %mul3A_3 : i32
    %dma_start3A = tpu.memref_slice %arg3[%mul3A_4] : memref<100000xi32, #tpu.memory_space<hbm>> -> memref<160xi32, #tpu.memory_space<hbm>>
    %dma_start3A_5 = tpu.memref_slice %arg3[%mul3A_4] : memref<100000xi32, #tpu.memory_space<hbm>> -> memref<160xi32, #tpu.memory_space<hbm>>
    tpu.enqueue_dma source(%dma_start3A_5 : memref<160xi32, #tpu.memory_space<hbm>>) target(%arg5 : memref<160xi32, #tpu.memory_space<vmem>>) target_semaphore(%arg12 : memref<!tpu.dma_semaphore, #tpu.memory_space<semaphore_mem>>)
    %add3A_6 = arith.constant 32 : i32
    %add3A_7 = arith.addi %add3A, %add3A_6 : i32
    %mul3A_8 = arith.constant 160 : i32
    %mul3A_9 = arith.muli %add3A_7, %mul3A_8 : i32
    %dma_start3A_10 = tpu.memref_slice %arg3[%mul3A_9] : memref<100000xi32, #tpu.memory_space<hbm>> -> memref<160xi32, #tpu.memory_space<hbm>>
    %dma_start3A_11 = tpu.memref_slice %arg3[%mul3A_9] : memref<100000xi32, #tpu.memory_space<hbm>> -> memref<160xi32, #tpu.memory_space<hbm>>
    tpu.enqueue_dma source(%dma_start3A_11 : memref<160xi32, #tpu.memory_space<hbm>>) target(%arg6 : memref<160xi32, #tpu.memory_space<vmem>>) target_semaphore(%arg13 : memref<!tpu.dma_semaphore, #tpu.memory_space<semaphore_mem>>)
    %add3A_12 = arith.constant 0 : i32
    %add3A_13 = arith.addi %add3A, %add3A_12 : i32
    %lt3A = arith.constant 625 : i32
    %lt3A_14 = arith.cmpi slt, %add3A_13, %lt3A : i32
    %convert_element_type3A = arith.extui %lt3A_14 : i1 to i32
    %cond3A = arith.constant 0 : i32
    %cond3A_15 = arith.cmpi ne, %convert_element_type3A, %cond3A : i32
    scf.if %cond3A_15 {
      %add3A_436 = arith.constant 0 : i32
      %add3A_437 = arith.addi %add3A, %add3A_436 : i32
      %mul3A_438 = arith.constant 160 : i32
      %mul3A_439 = arith.muli %add3A_437, %mul3A_438 : i32
      %dma_wait3A = tpu.memref_slice %arg3[%mul3A_439] : memref<100000xi32, #tpu.memory_space<hbm>> -> memref<160xi32, #tpu.memory_space<hbm>>
      %dma_wait3A_440 = tpu.memref_slice %arg3[%mul3A_439] : memref<100000xi32, #tpu.memory_space<hbm>> -> memref<160xi32, #tpu.memory_space<hbm>>
      tpu.wait_dma2 semaphore(%arg12 : memref<!tpu.dma_semaphore, #tpu.memory_space<semaphore_mem>>) src(%dma_wait3A_440 : memref<160xi32, #tpu.memory_space<hbm>>) dst(%arg5 : memref<160xi32, #tpu.memory_space<vmem>>)
      %dma_start3A_441 = arith.constant 0 : i32
      %dma_start3A_442 = arith.constant 0 : i32
      %dma_start3A_443 = tpu.memref_slice %arg2[%dma_start3A_441, %dma_start3A_442] : memref<200000x256xf32, #tpu.memory_space<hbm>> -> memref<200000x256xf32, #tpu.memory_space<hbm>>
      tpu.enqueue_indirect_dma source(%dma_start3A_443 : memref<200000x256xf32, #tpu.memory_space<hbm>>) target(%arg9 : memref<160x256xf32, #tpu.memory_space<vmem>>) offsets(%arg5 : memref<160xi32, #tpu.memory_space<vmem>>) semaphore(%arg16 : memref<!tpu.dma_semaphore, #tpu.memory_space<semaphore_mem>>)
    } else {
    }
    %add3A_16 = arith.constant 64 : i32
    %add3A_17 = arith.addi %add3A, %add3A_16 : i32
    %lt3A_18 = arith.constant 625 : i32
    %lt3A_19 = arith.cmpi slt, %add3A_17, %lt3A_18 : i32
    %convert_element_type3A_20 = arith.extui %lt3A_19 : i1 to i32
    %cond3A_21 = arith.constant 0 : i32
    %cond3A_22 = arith.cmpi ne, %convert_element_type3A_20, %cond3A_21 : i32
    scf.if %cond3A_22 {
      %add3A_436 = arith.constant 64 : i32
      %add3A_437 = arith.addi %add3A, %add3A_436 : i32
      %mul3A_438 = arith.constant 160 : i32
      %mul3A_439 = arith.muli %add3A_437, %mul3A_438 : i32
      %dma_start3A_440 = tpu.memref_slice %arg3[%mul3A_439] : memref<100000xi32, #tpu.memory_space<hbm>> -> memref<160xi32, #tpu.memory_space<hbm>>
      %dma_start3A_441 = tpu.memref_slice %arg3[%mul3A_439] : memref<100000xi32, #tpu.memory_space<hbm>> -> memref<160xi32, #tpu.memory_space<hbm>>
      tpu.enqueue_dma source(%dma_start3A_441 : memref<160xi32, #tpu.memory_space<hbm>>) target(%arg7 : memref<160xi32, #tpu.memory_space<vmem>>) target_semaphore(%arg14 : memref<!tpu.dma_semaphore, #tpu.memory_space<semaphore_mem>>)
    } else {
    }
    %add3A_23 = arith.constant 32 : i32
    %add3A_24 = arith.addi %add3A, %add3A_23 : i32
    %lt3A_25 = arith.constant 625 : i32
    %lt3A_26 = arith.cmpi slt, %add3A_24, %lt3A_25 : i32
    %convert_element_type3A_27 = arith.extui %lt3A_26 : i1 to i32
    %cond3A_28 = arith.constant 0 : i32
    %cond3A_29 = arith.cmpi ne, %convert_element_type3A_27, %cond3A_28 : i32
    scf.if %cond3A_29 {
      %add3A_436 = arith.constant 32 : i32
      %add3A_437 = arith.addi %add3A, %add3A_436 : i32
      %mul3A_438 = arith.constant 160 : i32
      %mul3A_439 = arith.muli %add3A_437, %mul3A_438 : i32
      %dma_wait3A = tpu.memref_slice %arg3[%mul3A_439] : memref<100000xi32, #tpu.memory_space<hbm>> -> memref<160xi32, #tpu.memory_space<hbm>>
      %dma_wait3A_440 = tpu.memref_slice %arg3[%mul3A_439] : memref<100000xi32, #tpu.memory_space<hbm>> -> memref<160xi32, #tpu.memory_space<hbm>>
      tpu.wait_dma2 semaphore(%arg13 : memref<!tpu.dma_semaphore, #tpu.memory_space<semaphore_mem>>) src(%dma_wait3A_440 : memref<160xi32, #tpu.memory_space<hbm>>) dst(%arg6 : memref<160xi32, #tpu.memory_space<vmem>>)
      %dma_start3A_441 = arith.constant 0 : i32
      %dma_start3A_442 = arith.constant 0 : i32
      %dma_start3A_443 = tpu.memref_slice %arg2[%dma_start3A_441, %dma_start3A_442] : memref<200000x256xf32, #tpu.memory_space<hbm>> -> memref<200000x256xf32, #tpu.memory_space<hbm>>
      tpu.enqueue_indirect_dma source(%dma_start3A_443 : memref<200000x256xf32, #tpu.memory_space<hbm>>) target(%arg10 : memref<160x256xf32, #tpu.memory_space<vmem>>) offsets(%arg6 : memref<160xi32, #tpu.memory_space<vmem>>) semaphore(%arg17 : memref<!tpu.dma_semaphore, #tpu.memory_space<semaphore_mem>>)
    } else {
    }
    %add3A_30 = arith.constant 96 : i32
    %add3A_31 = arith.addi %add3A, %add3A_30 : i32
    %lt3A_32 = arith.constant 625 : i32
    %lt3A_33 = arith.cmpi slt, %add3A_31, %lt3A_32 : i32
    %convert_element_type3A_34 = arith.extui %lt3A_33 : i1 to i32
    %cond3A_35 = arith.constant 0 : i32
    %cond3A_36 = arith.cmpi ne, %convert_element_type3A_34, %cond3A_35 : i32
    scf.if %cond3A_36 {
      %add3A_436 = arith.constant 96 : i32
      %add3A_437 = arith.addi %add3A, %add3A_436 : i32
      %mul3A_438 = arith.constant 160 : i32
      %mul3A_439 = arith.muli %add3A_437, %mul3A_438 : i32
      %dma_start3A_440 = tpu.memref_slice %arg3[%mul3A_439] : memref<100000xi32, #tpu.memory_space<hbm>> -> memref<160xi32, #tpu.memory_space<hbm>>
      %dma_start3A_441 = tpu.memref_slice %arg3[%mul3A_439] : memref<100000xi32, #tpu.memory_space<hbm>> -> memref<160xi32, #tpu.memory_space<hbm>>
      tpu.enqueue_dma source(%dma_start3A_441 : memref<160xi32, #tpu.memory_space<hbm>>) target(%arg8 : memref<160xi32, #tpu.memory_space<vmem>>) target_semaphore(%arg15 : memref<!tpu.dma_semaphore, #tpu.memory_space<semaphore_mem>>)
    } else {
    }
    %add3A_37 = arith.constant 0 : i32
    %add3A_38 = arith.addi %add3A, %add3A_37 : i32
    %lt3A_39 = arith.constant 625 : i32
    %lt3A_40 = arith.cmpi slt, %add3A_38, %lt3A_39 : i32
    %convert_element_type3A_41 = arith.extui %lt3A_40 : i1 to i32
    %cond3A_42 = arith.constant 0 : i32
    %cond3A_43 = arith.cmpi ne, %convert_element_type3A_41, %cond3A_42 : i32
    scf.if %cond3A_43 {
      %dma_wait3A = arith.constant 0 : i32
      %dma_wait3A_436 = arith.constant 0 : i32
      %dma_wait3A_437 = tpu.memref_slice %arg2[%dma_wait3A, %dma_wait3A_436] : memref<200000x256xf32, #tpu.memory_space<hbm>> -> memref<200000x256xf32, #tpu.memory_space<hbm>>
      tpu.wait_indirect_dma semaphore(%arg16 : memref<!tpu.dma_semaphore, #tpu.memory_space<semaphore_mem>>) src(%dma_wait3A_437 : memref<200000x256xf32, #tpu.memory_space<hbm>>) dst(%arg9 : memref<160x256xf32, #tpu.memory_space<vmem>>)
      %add3A_438 = arith.constant 0 : i32
      %add3A_439 = arith.addi %add3A, %add3A_438 : i32
      %mul3A_440 = arith.constant 160 : i32
      %mul3A_441 = arith.muli %add3A_439, %mul3A_440 : i32
      %dma_start3A_442 = arith.constant 0 : i32
      %dma_start3A_443 = tpu.memref_slice %arg4[%mul3A_441, %dma_start3A_442] : memref<100000x256xf32, #tpu.memory_space<hbm>> -> memref<160x256xf32, #tpu.memory_space<hbm>>
      %dma_start3A_444 = arith.constant 0 : i32
      %dma_start3A_445 = tpu.memref_slice %arg4[%mul3A_441, %dma_start3A_444] : memref<100000x256xf32, #tpu.memory_space<hbm>> -> memref<160x256xf32, #tpu.memory_space<hbm>>
      tpu.enqueue_dma source(%arg9 : memref<160x256xf32, #tpu.memory_space<vmem>>) target(%dma_start3A_445 : memref<160x256xf32, #tpu.memory_space<hbm>>) target_semaphore(%arg19 : memref<!tpu.dma_semaphore, #tpu.memory_space<semaphore_mem>>)
    } else {
    }
    %add3A_44 = arith.constant 64 : i32
    %add3A_45 = arith.addi %add3A, %add3A_44 : i32
    %lt3A_46 = arith.constant 625 : i32
    %lt3A_47 = arith.cmpi slt, %add3A_45, %lt3A_46 : i32
    %convert_element_type3A_48 = arith.extui %lt3A_47 : i1 to i32
    %cond3A_49 = arith.constant 0 : i32
    %cond3A_50 = arith.cmpi ne, %convert_element_type3A_48, %cond3A_49 : i32
    scf.if %cond3A_50 {
      %add3A_436 = arith.constant 64 : i32
      %add3A_437 = arith.addi %add3A, %add3A_436 : i32
      %mul3A_438 = arith.constant 160 : i32
      %mul3A_439 = arith.muli %add3A_437, %mul3A_438 : i32
      %dma_wait3A = tpu.memref_slice %arg3[%mul3A_439] : memref<100000xi32, #tpu.memory_space<hbm>> -> memref<160xi32, #tpu.memory_space<hbm>>
      %dma_wait3A_440 = tpu.memref_slice %arg3[%mul3A_439] : memref<100000xi32, #tpu.memory_space<hbm>> -> memref<160xi32, #tpu.memory_space<hbm>>
      tpu.wait_dma2 semaphore(%arg14 : memref<!tpu.dma_semaphore, #tpu.memory_space<semaphore_mem>>) src(%dma_wait3A_440 : memref<160xi32, #tpu.memory_space<hbm>>) dst(%arg7 : memref<160xi32, #tpu.memory_space<vmem>>)
      %dma_start3A_441 = arith.constant 0 : i32
      %dma_start3A_442 = arith.constant 0 : i32
      %dma_start3A_443 = tpu.memref_slice %arg2[%dma_start3A_441, %dma_start3A_442] : memref<200000x256xf32, #tpu.memory_space<hbm>> -> memref<200000x256xf32, #tpu.memory_space<hbm>>
      tpu.enqueue_indirect_dma source(%dma_start3A_443 : memref<200000x256xf32, #tpu.memory_space<hbm>>) target(%arg11 : memref<160x256xf32, #tpu.memory_space<vmem>>) offsets(%arg7 : memref<160xi32, #tpu.memory_space<vmem>>) semaphore(%arg18 : memref<!tpu.dma_semaphore, #tpu.memory_space<semaphore_mem>>)
    } else {
    }
    %add3A_51 = arith.constant 128 : i32
    %add3A_52 = arith.addi %add3A, %add3A_51 : i32
    %lt3A_53 = arith.constant 625 : i32
    %lt3A_54 = arith.cmpi slt, %add3A_52, %lt3A_53 : i32
    %convert_element_type3A_55 = arith.extui %lt3A_54 : i1 to i32
    %cond3A_56 = arith.constant 0 : i32
    %cond3A_57 = arith.cmpi ne, %convert_element_type3A_55, %cond3A_56 : i32
    scf.if %cond3A_57 {
      %add3A_436 = arith.constant 128 : i32
      %add3A_437 = arith.addi %add3A, %add3A_436 : i32
      %mul3A_438 = arith.constant 160 : i32
      %mul3A_439 = arith.muli %add3A_437, %mul3A_438 : i32
      %dma_start3A_440 = tpu.memref_slice %arg3[%mul3A_439] : memref<100000xi32, #tpu.memory_space<hbm>> -> memref<160xi32, #tpu.memory_space<hbm>>
      %dma_start3A_441 = tpu.memref_slice %arg3[%mul3A_439] : memref<100000xi32, #tpu.memory_space<hbm>> -> memref<160xi32, #tpu.memory_space<hbm>>
      tpu.enqueue_dma source(%dma_start3A_441 : memref<160xi32, #tpu.memory_space<hbm>>) target(%arg5 : memref<160xi32, #tpu.memory_space<vmem>>) target_semaphore(%arg12 : memref<!tpu.dma_semaphore, #tpu.memory_space<semaphore_mem>>)
    } else {
    }
    %add3A_58 = arith.constant 32 : i32
    %add3A_59 = arith.addi %add3A, %add3A_58 : i32
    %lt3A_60 = arith.constant 625 : i32
    %lt3A_61 = arith.cmpi slt, %add3A_59, %lt3A_60 : i32
    %convert_element_type3A_62 = arith.extui %lt3A_61 : i1 to i32
    %cond3A_63 = arith.constant 0 : i32
    %cond3A_64 = arith.cmpi ne, %convert_element_type3A_62, %cond3A_63 : i32
    scf.if %cond3A_64 {
      %dma_wait3A = arith.constant 0 : i32
      %dma_wait3A_436 = arith.constant 0 : i32
      %dma_wait3A_437 = tpu.memref_slice %arg2[%dma_wait3A, %dma_wait3A_436] : memref<200000x256xf32, #tpu.memory_space<hbm>> -> memref<200000x256xf32, #tpu.memory_space<hbm>>
      tpu.wait_indirect_dma semaphore(%arg17 : memref<!tpu.dma_semaphore, #tpu.memory_space<semaphore_mem>>) src(%dma_wait3A_437 : memref<200000x256xf32, #tpu.memory_space<hbm>>) dst(%arg10 : memref<160x256xf32, #tpu.memory_space<vmem>>)
      %add3A_438 = arith.constant 32 : i32
      %add3A_439 = arith.addi %add3A, %add3A_438 : i32
      %mul3A_440 = arith.constant 160 : i32
      %mul3A_441 = arith.muli %add3A_439, %mul3A_440 : i32
      %dma_start3A_442 = arith.constant 0 : i32
      %dma_start3A_443 = tpu.memref_slice %arg4[%mul3A_441, %dma_start3A_442] : memref<100000x256xf32, #tpu.memory_space<hbm>> -> memref<160x256xf32, #tpu.memory_space<hbm>>
      %dma_start3A_444 = arith.constant 0 : i32
      %dma_start3A_445 = tpu.memref_slice %arg4[%mul3A_441, %dma_start3A_444] : memref<100000x256xf32, #tpu.memory_space<hbm>> -> memref<160x256xf32, #tpu.memory_space<hbm>>
      tpu.enqueue_dma source(%arg10 : memref<160x256xf32, #tpu.memory_space<vmem>>) target(%dma_start3A_445 : memref<160x256xf32, #tpu.memory_space<hbm>>) target_semaphore(%arg20 : memref<!tpu.dma_semaphore, #tpu.memory_space<semaphore_mem>>)
    } else {
    }
    %add3A_65 = arith.constant 96 : i32
    %add3A_66 = arith.addi %add3A, %add3A_65 : i32
    %lt3A_67 = arith.constant 625 : i32
    %lt3A_68 = arith.cmpi slt, %add3A_66, %lt3A_67 : i32
    %convert_element_type3A_69 = arith.extui %lt3A_68 : i1 to i32
    %cond3A_70 = arith.constant 0 : i32
    %cond3A_71 = arith.cmpi ne, %convert_element_type3A_69, %cond3A_70 : i32
    scf.if %cond3A_71 {
      %add3A_436 = arith.constant 96 : i32
      %add3A_437 = arith.addi %add3A, %add3A_436 : i32
      %mul3A_438 = arith.constant 160 : i32
      %mul3A_439 = arith.muli %add3A_437, %mul3A_438 : i32
      %dma_wait3A = tpu.memref_slice %arg3[%mul3A_439] : memref<100000xi32, #tpu.memory_space<hbm>> -> memref<160xi32, #tpu.memory_space<hbm>>
      %dma_wait3A_440 = tpu.memref_slice %arg3[%mul3A_439] : memref<100000xi32, #tpu.memory_space<hbm>> -> memref<160xi32, #tpu.memory_space<hbm>>
      tpu.wait_dma2 semaphore(%arg15 : memref<!tpu.dma_semaphore, #tpu.memory_space<semaphore_mem>>) src(%dma_wait3A_440 : memref<160xi32, #tpu.memory_space<hbm>>) dst(%arg8 : memref<160xi32, #tpu.memory_space<vmem>>)
      %add3A_441 = arith.constant 0 : i32
      %add3A_442 = arith.addi %add3A, %add3A_441 : i32
      %mul3A_443 = arith.constant 160 : i32
      %mul3A_444 = arith.muli %add3A_442, %mul3A_443 : i32
      %dma_wait3A_445 = arith.constant 0 : i32
      %dma_wait3A_446 = tpu.memref_slice %arg4[%mul3A_444, %dma_wait3A_445] : memref<100000x256xf32, #tpu.memory_space<hbm>> -> memref<160x256xf32, #tpu.memory_space<hbm>>
      %dma_wait3A_447 = arith.constant 0 : i32
      %dma_wait3A_448 = tpu.memref_slice %arg4[%mul3A_444, %dma_wait3A_447] : memref<100000x256xf32, #tpu.memory_space<hbm>> -> memref<160x256xf32, #tpu.memory_space<hbm>>
      tpu.wait_dma2 semaphore(%arg19 : memref<!tpu.dma_semaphore, #tpu.memory_space<semaphore_mem>>) src(%arg9 : memref<160x256xf32, #tpu.memory_space<vmem>>) dst(%dma_wait3A_448 : memref<160x256xf32, #tpu.memory_space<hbm>>)
      %dma_start3A_449 = arith.constant 0 : i32
      %dma_start3A_450 = arith.constant 0 : i32
      %dma_start3A_451 = tpu.memref_slice %arg2[%dma_start3A_449, %dma_start3A_450] : memref<200000x256xf32, #tpu.memory_space<hbm>> -> memref<200000x256xf32, #tpu.memory_space<hbm>>
      tpu.enqueue_indirect_dma source(%dma_start3A_451 : memref<200000x256xf32, #tpu.memory_space<hbm>>) target(%arg9 : memref<160x256xf32, #tpu.memory_space<vmem>>) offsets(%arg8 : memref<160xi32, #tpu.memory_space<vmem>>) semaphore(%arg16 : memref<!tpu.dma_semaphore, #tpu.memory_space<semaphore_mem>>)
    } else {
    }
    %add3A_72 = arith.constant 160 : i32
    %add3A_73 = arith.addi %add3A, %add3A_72 : i32
    %lt3A_74 = arith.constant 625 : i32
    %lt3A_75 = arith.cmpi slt, %add3A_73, %lt3A_74 : i32
    %convert_element_type3A_76 = arith.extui %lt3A_75 : i1 to i32
    %cond3A_77 = arith.constant 0 : i32
    %cond3A_78 = arith.cmpi ne, %convert_element_type3A_76, %cond3A_77 : i32
    scf.if %cond3A_78 {
      %add3A_436 = arith.constant 160 : i32
      %add3A_437 = arith.addi %add3A, %add3A_436 : i32
      %mul3A_438 = arith.constant 160 : i32
      %mul3A_439 = arith.muli %add3A_437, %mul3A_438 : i32
      %dma_start3A_440 = tpu.memref_slice %arg3[%mul3A_439] : memref<100000xi32, #tpu.memory_space<hbm>> -> memref<160xi32, #tpu.memory_space<hbm>>
      %dma_start3A_441 = tpu.memref_slice %arg3[%mul3A_439] : memref<100000xi32, #tpu.memory_space<hbm>> -> memref<160xi32, #tpu.memory_space<hbm>>
      tpu.enqueue_dma source(%dma_start3A_441 : memref<160xi32, #tpu.memory_space<hbm>>) target(%arg6 : memref<160xi32, #tpu.memory_space<vmem>>) target_semaphore(%arg13 : memref<!tpu.dma_semaphore, #tpu.memory_space<semaphore_mem>>)
    } else {
    }
    %add3A_79 = arith.constant 64 : i32
    %add3A_80 = arith.addi %add3A, %add3A_79 : i32
    %lt3A_81 = arith.constant 625 : i32
    %lt3A_82 = arith.cmpi slt, %add3A_80, %lt3A_81 : i32
    %convert_element_type3A_83 = arith.extui %lt3A_82 : i1 to i32
    %cond3A_84 = arith.constant 0 : i32
    %cond3A_85 = arith.cmpi ne, %convert_element_type3A_83, %cond3A_84 : i32
    scf.if %cond3A_85 {
      %dma_wait3A = arith.constant 0 : i32
      %dma_wait3A_436 = arith.constant 0 : i32
      %dma_wait3A_437 = tpu.memref_slice %arg2[%dma_wait3A, %dma_wait3A_436] : memref<200000x256xf32, #tpu.memory_space<hbm>> -> memref<200000x256xf32, #tpu.memory_space<hbm>>
      tpu.wait_indirect_dma semaphore(%arg18 : memref<!tpu.dma_semaphore, #tpu.memory_space<semaphore_mem>>) src(%dma_wait3A_437 : memref<200000x256xf32, #tpu.memory_space<hbm>>) dst(%arg11 : memref<160x256xf32, #tpu.memory_space<vmem>>)
      %add3A_438 = arith.constant 64 : i32
      %add3A_439 = arith.addi %add3A, %add3A_438 : i32
      %mul3A_440 = arith.constant 160 : i32
      %mul3A_441 = arith.muli %add3A_439, %mul3A_440 : i32
      %dma_start3A_442 = arith.constant 0 : i32
      %dma_start3A_443 = tpu.memref_slice %arg4[%mul3A_441, %dma_start3A_442] : memref<100000x256xf32, #tpu.memory_space<hbm>> -> memref<160x256xf32, #tpu.memory_space<hbm>>
      %dma_start3A_444 = arith.constant 0 : i32
      %dma_start3A_445 = tpu.memref_slice %arg4[%mul3A_441, %dma_start3A_444] : memref<100000x256xf32, #tpu.memory_space<hbm>> -> memref<160x256xf32, #tpu.memory_space<hbm>>
      tpu.enqueue_dma source(%arg11 : memref<160x256xf32, #tpu.memory_space<vmem>>) target(%dma_start3A_445 : memref<160x256xf32, #tpu.memory_space<hbm>>) target_semaphore(%arg21 : memref<!tpu.dma_semaphore, #tpu.memory_space<semaphore_mem>>)
    } else {
    }
    %add3A_86 = arith.constant 128 : i32
    %add3A_87 = arith.addi %add3A, %add3A_86 : i32
    %lt3A_88 = arith.constant 625 : i32
    %lt3A_89 = arith.cmpi slt, %add3A_87, %lt3A_88 : i32
    %convert_element_type3A_90 = arith.extui %lt3A_89 : i1 to i32
    %cond3A_91 = arith.constant 0 : i32
    %cond3A_92 = arith.cmpi ne, %convert_element_type3A_90, %cond3A_91 : i32
    scf.if %cond3A_92 {
      %add3A_436 = arith.constant 128 : i32
      %add3A_437 = arith.addi %add3A, %add3A_436 : i32
      %mul3A_438 = arith.constant 160 : i32
      %mul3A_439 = arith.muli %add3A_437, %mul3A_438 : i32
      %dma_wait3A = tpu.memref_slice %arg3[%mul3A_439] : memref<100000xi32, #tpu.memory_space<hbm>> -> memref<160xi32, #tpu.memory_space<hbm>>
      %dma_wait3A_440 = tpu.memref_slice %arg3[%mul3A_439] : memref<100000xi32, #tpu.memory_space<hbm>> -> memref<160xi32, #tpu.memory_space<hbm>>
      tpu.wait_dma2 semaphore(%arg12 : memref<!tpu.dma_semaphore, #tpu.memory_space<semaphore_mem>>) src(%dma_wait3A_440 : memref<160xi32, #tpu.memory_space<hbm>>) dst(%arg5 : memref<160xi32, #tpu.memory_space<vmem>>)
      %add3A_441 = arith.constant 32 : i32
      %add3A_442 = arith.addi %add3A, %add3A_441 : i32
      %mul3A_443 = arith.constant 160 : i32
      %mul3A_444 = arith.muli %add3A_442, %mul3A_443 : i32
      %dma_wait3A_445 = arith.constant 0 : i32
      %dma_wait3A_446 = tpu.memref_slice %arg4[%mul3A_444, %dma_wait3A_445] : memref<100000x256xf32, #tpu.memory_space<hbm>> -> memref<160x256xf32, #tpu.memory_space<hbm>>
      %dma_wait3A_447 = arith.constant 0 : i32
      %dma_wait3A_448 = tpu.memref_slice %arg4[%mul3A_444, %dma_wait3A_447] : memref<100000x256xf32, #tpu.memory_space<hbm>> -> memref<160x256xf32, #tpu.memory_space<hbm>>
      tpu.wait_dma2 semaphore(%arg20 : memref<!tpu.dma_semaphore, #tpu.memory_space<semaphore_mem>>) src(%arg10 : memref<160x256xf32, #tpu.memory_space<vmem>>) dst(%dma_wait3A_448 : memref<160x256xf32, #tpu.memory_space<hbm>>)
      %dma_start3A_449 = arith.constant 0 : i32
      %dma_start3A_450 = arith.constant 0 : i32
      %dma_start3A_451 = tpu.memref_slice %arg2[%dma_start3A_449, %dma_start3A_450] : memref<200000x256xf32, #tpu.memory_space<hbm>> -> memref<200000x256xf32, #tpu.memory_space<hbm>>
      tpu.enqueue_indirect_dma source(%dma_start3A_451 : memref<200000x256xf32, #tpu.memory_space<hbm>>) target(%arg10 : memref<160x256xf32, #tpu.memory_space<vmem>>) offsets(%arg5 : memref<160xi32, #tpu.memory_space<vmem>>) semaphore(%arg17 : memref<!tpu.dma_semaphore, #tpu.memory_space<semaphore_mem>>)
    } else {
    }
    %add3A_93 = arith.constant 192 : i32
    %add3A_94 = arith.addi %add3A, %add3A_93 : i32
    %lt3A_95 = arith.constant 625 : i32
    %lt3A_96 = arith.cmpi slt, %add3A_94, %lt3A_95 : i32
    %convert_element_type3A_97 = arith.extui %lt3A_96 : i1 to i32
    %cond3A_98 = arith.constant 0 : i32
    %cond3A_99 = arith.cmpi ne, %convert_element_type3A_97, %cond3A_98 : i32
    scf.if %cond3A_99 {
      %add3A_436 = arith.constant 192 : i32
      %add3A_437 = arith.addi %add3A, %add3A_436 : i32
      %mul3A_438 = arith.constant 160 : i32
      %mul3A_439 = arith.muli %add3A_437, %mul3A_438 : i32
      %dma_start3A_440 = tpu.memref_slice %arg3[%mul3A_439] : memref<100000xi32, #tpu.memory_space<hbm>> -> memref<160xi32, #tpu.memory_space<hbm>>
      %dma_start3A_441 = tpu.memref_slice %arg3[%mul3A_439] : memref<100000xi32, #tpu.memory_space<hbm>> -> memref<160xi32, #tpu.memory_space<hbm>>
      tpu.enqueue_dma source(%dma_start3A_441 : memref<160xi32, #tpu.memory_space<hbm>>) target(%arg7 : memref<160xi32, #tpu.memory_space<vmem>>) target_semaphore(%arg14 : memref<!tpu.dma_semaphore, #tpu.memory_space<semaphore_mem>>)
    } else {
    }
    %add3A_100 = arith.constant 96 : i32
    %add3A_101 = arith.addi %add3A, %add3A_100 : i32
    %lt3A_102 = arith.constant 625 : i32
    %lt3A_103 = arith.cmpi slt, %add3A_101, %lt3A_102 : i32
    %convert_element_type3A_104 = arith.extui %lt3A_103 : i1 to i32
    %cond3A_105 = arith.constant 0 : i32
    %cond3A_106 = arith.cmpi ne, %convert_element_type3A_104, %cond3A_105 : i32
    scf.if %cond3A_106 {
      %dma_wait3A = arith.constant 0 : i32
      %dma_wait3A_436 = arith.constant 0 : i32
      %dma_wait3A_437 = tpu.memref_slice %arg2[%dma_wait3A, %dma_wait3A_436] : memref<200000x256xf32, #tpu.memory_space<hbm>> -> memref<200000x256xf32, #tpu.memory_space<hbm>>
      tpu.wait_indirect_dma semaphore(%arg16 : memref<!tpu.dma_semaphore, #tpu.memory_space<semaphore_mem>>) src(%dma_wait3A_437 : memref<200000x256xf32, #tpu.memory_space<hbm>>) dst(%arg9 : memref<160x256xf32, #tpu.memory_space<vmem>>)
      %add3A_438 = arith.constant 96 : i32
      %add3A_439 = arith.addi %add3A, %add3A_438 : i32
      %mul3A_440 = arith.constant 160 : i32
      %mul3A_441 = arith.muli %add3A_439, %mul3A_440 : i32
      %dma_start3A_442 = arith.constant 0 : i32
      %dma_start3A_443 = tpu.memref_slice %arg4[%mul3A_441, %dma_start3A_442] : memref<100000x256xf32, #tpu.memory_space<hbm>> -> memref<160x256xf32, #tpu.memory_space<hbm>>
      %dma_start3A_444 = arith.constant 0 : i32
      %dma_start3A_445 = tpu.memref_slice %arg4[%mul3A_441, %dma_start3A_444] : memref<100000x256xf32, #tpu.memory_space<hbm>> -> memref<160x256xf32, #tpu.memory_space<hbm>>
      tpu.enqueue_dma source(%arg9 : memref<160x256xf32, #tpu.memory_space<vmem>>) target(%dma_start3A_445 : memref<160x256xf32, #tpu.memory_space<hbm>>) target_semaphore(%arg19 : memref<!tpu.dma_semaphore, #tpu.memory_space<semaphore_mem>>)
    } else {
    }
    %add3A_107 = arith.constant 160 : i32
    %add3A_108 = arith.addi %add3A, %add3A_107 : i32
    %lt3A_109 = arith.constant 625 : i32
    %lt3A_110 = arith.cmpi slt, %add3A_108, %lt3A_109 : i32
    %convert_element_type3A_111 = arith.extui %lt3A_110 : i1 to i32
    %cond3A_112 = arith.constant 0 : i32
    %cond3A_113 = arith.cmpi ne, %convert_element_type3A_111, %cond3A_112 : i32
    scf.if %cond3A_113 {
      %add3A_436 = arith.constant 160 : i32
      %add3A_437 = arith.addi %add3A, %add3A_436 : i32
      %mul3A_438 = arith.constant 160 : i32
      %mul3A_439 = arith.muli %add3A_437, %mul3A_438 : i32
      %dma_wait3A = tpu.memref_slice %arg3[%mul3A_439] : memref<100000xi32, #tpu.memory_space<hbm>> -> memref<160xi32, #tpu.memory_space<hbm>>
      %dma_wait3A_440 = tpu.memref_slice %arg3[%mul3A_439] : memref<100000xi32, #tpu.memory_space<hbm>> -> memref<160xi32, #tpu.memory_space<hbm>>
      tpu.wait_dma2 semaphore(%arg13 : memref<!tpu.dma_semaphore, #tpu.memory_space<semaphore_mem>>) src(%dma_wait3A_440 : memref<160xi32, #tpu.memory_space<hbm>>) dst(%arg6 : memref<160xi32, #tpu.memory_space<vmem>>)
      %add3A_441 = arith.constant 64 : i32
      %add3A_442 = arith.addi %add3A, %add3A_441 : i32
      %mul3A_443 = arith.constant 160 : i32
      %mul3A_444 = arith.muli %add3A_442, %mul3A_443 : i32
      %dma_wait3A_445 = arith.constant 0 : i32
      %dma_wait3A_446 = tpu.memref_slice %arg4[%mul3A_444, %dma_wait3A_445] : memref<100000x256xf32, #tpu.memory_space<hbm>> -> memref<160x256xf32, #tpu.memory_space<hbm>>
      %dma_wait3A_447 = arith.constant 0 : i32
      %dma_wait3A_448 = tpu.memref_slice %arg4[%mul3A_444, %dma_wait3A_447] : memref<100000x256xf32, #tpu.memory_space<hbm>> -> memref<160x256xf32, #tpu.memory_space<hbm>>
      tpu.wait_dma2 semaphore(%arg21 : memref<!tpu.dma_semaphore, #tpu.memory_space<semaphore_mem>>) src(%arg11 : memref<160x256xf32, #tpu.memory_space<vmem>>) dst(%dma_wait3A_448 : memref<160x256xf32, #tpu.memory_space<hbm>>)
      %dma_start3A_449 = arith.constant 0 : i32
      %dma_start3A_450 = arith.constant 0 : i32
      %dma_start3A_451 = tpu.memref_slice %arg2[%dma_start3A_449, %dma_start3A_450] : memref<200000x256xf32, #tpu.memory_space<hbm>> -> memref<200000x256xf32, #tpu.memory_space<hbm>>
      tpu.enqueue_indirect_dma source(%dma_start3A_451 : memref<200000x256xf32, #tpu.memory_space<hbm>>) target(%arg11 : memref<160x256xf32, #tpu.memory_space<vmem>>) offsets(%arg6 : memref<160xi32, #tpu.memory_space<vmem>>) semaphore(%arg18 : memref<!tpu.dma_semaphore, #tpu.memory_space<semaphore_mem>>)
    } else {
    }
    %add3A_114 = arith.constant 224 : i32
    %add3A_115 = arith.addi %add3A, %add3A_114 : i32
    %lt3A_116 = arith.constant 625 : i32
    %lt3A_117 = arith.cmpi slt, %add3A_115, %lt3A_116 : i32
    %convert_element_type3A_118 = arith.extui %lt3A_117 : i1 to i32
    %cond3A_119 = arith.constant 0 : i32
    %cond3A_120 = arith.cmpi ne, %convert_element_type3A_118, %cond3A_119 : i32
    scf.if %cond3A_120 {
      %add3A_436 = arith.constant 224 : i32
      %add3A_437 = arith.addi %add3A, %add3A_436 : i32
      %mul3A_438 = arith.constant 160 : i32
      %mul3A_439 = arith.muli %add3A_437, %mul3A_438 : i32
      %dma_start3A_440 = tpu.memref_slice %arg3[%mul3A_439] : memref<100000xi32, #tpu.memory_space<hbm>> -> memref<160xi32, #tpu.memory_space<hbm>>
      %dma_start3A_441 = tpu.memref_slice %arg3[%mul3A_439] : memref<100000xi32, #tpu.memory_space<hbm>> -> memref<160xi32, #tpu.memory_space<hbm>>
      tpu.enqueue_dma source(%dma_start3A_441 : memref<160xi32, #tpu.memory_space<hbm>>) target(%arg8 : memref<160xi32, #tpu.memory_space<vmem>>) target_semaphore(%arg15 : memref<!tpu.dma_semaphore, #tpu.memory_space<semaphore_mem>>)
    } else {
    }
    %add3A_121 = arith.constant 128 : i32
    %add3A_122 = arith.addi %add3A, %add3A_121 : i32
    %lt3A_123 = arith.constant 625 : i32
    %lt3A_124 = arith.cmpi slt, %add3A_122, %lt3A_123 : i32
    %convert_element_type3A_125 = arith.extui %lt3A_124 : i1 to i32
    %cond3A_126 = arith.constant 0 : i32
    %cond3A_127 = arith.cmpi ne, %convert_element_type3A_125, %cond3A_126 : i32
    scf.if %cond3A_127 {
      %dma_wait3A = arith.constant 0 : i32
      %dma_wait3A_436 = arith.constant 0 : i32
      %dma_wait3A_437 = tpu.memref_slice %arg2[%dma_wait3A, %dma_wait3A_436] : memref<200000x256xf32, #tpu.memory_space<hbm>> -> memref<200000x256xf32, #tpu.memory_space<hbm>>
      tpu.wait_indirect_dma semaphore(%arg17 : memref<!tpu.dma_semaphore, #tpu.memory_space<semaphore_mem>>) src(%dma_wait3A_437 : memref<200000x256xf32, #tpu.memory_space<hbm>>) dst(%arg10 : memref<160x256xf32, #tpu.memory_space<vmem>>)
      %add3A_438 = arith.constant 128 : i32
      %add3A_439 = arith.addi %add3A, %add3A_438 : i32
      %mul3A_440 = arith.constant 160 : i32
      %mul3A_441 = arith.muli %add3A_439, %mul3A_440 : i32
      %dma_start3A_442 = arith.constant 0 : i32
      %dma_start3A_443 = tpu.memref_slice %arg4[%mul3A_441, %dma_start3A_442] : memref<100000x256xf32, #tpu.memory_space<hbm>> -> memref<160x256xf32, #tpu.memory_space<hbm>>
      %dma_start3A_444 = arith.constant 0 : i32
      %dma_start3A_445 = tpu.memref_slice %arg4[%mul3A_441, %dma_start3A_444] : memref<100000x256xf32, #tpu.memory_space<hbm>> -> memref<160x256xf32, #tpu.memory_space<hbm>>
      tpu.enqueue_dma source(%arg10 : memref<160x256xf32, #tpu.memory_space<vmem>>) target(%dma_start3A_445 : memref<160x256xf32, #tpu.memory_space<hbm>>) target_semaphore(%arg20 : memref<!tpu.dma_semaphore, #tpu.memory_space<semaphore_mem>>)
    } else {
    }
    %add3A_128 = arith.constant 192 : i32
    %add3A_129 = arith.addi %add3A, %add3A_128 : i32
    %lt3A_130 = arith.constant 625 : i32
    %lt3A_131 = arith.cmpi slt, %add3A_129, %lt3A_130 : i32
    %convert_element_type3A_132 = arith.extui %lt3A_131 : i1 to i32
    %cond3A_133 = arith.constant 0 : i32
    %cond3A_134 = arith.cmpi ne, %convert_element_type3A_132, %cond3A_133 : i32
    scf.if %cond3A_134 {
      %add3A_436 = arith.constant 192 : i32
      %add3A_437 = arith.addi %add3A, %add3A_436 : i32
      %mul3A_438 = arith.constant 160 : i32
      %mul3A_439 = arith.muli %add3A_437, %mul3A_438 : i32
      %dma_wait3A = tpu.memref_slice %arg3[%mul3A_439] : memref<100000xi32, #tpu.memory_space<hbm>> -> memref<160xi32, #tpu.memory_space<hbm>>
      %dma_wait3A_440 = tpu.memref_slice %arg3[%mul3A_439] : memref<100000xi32, #tpu.memory_space<hbm>> -> memref<160xi32, #tpu.memory_space<hbm>>
      tpu.wait_dma2 semaphore(%arg14 : memref<!tpu.dma_semaphore, #tpu.memory_space<semaphore_mem>>) src(%dma_wait3A_440 : memref<160xi32, #tpu.memory_space<hbm>>) dst(%arg7 : memref<160xi32, #tpu.memory_space<vmem>>)
      %add3A_441 = arith.constant 96 : i32
      %add3A_442 = arith.addi %add3A, %add3A_441 : i32
      %mul3A_443 = arith.constant 160 : i32
      %mul3A_444 = arith.muli %add3A_442, %mul3A_443 : i32
      %dma_wait3A_445 = arith.constant 0 : i32
      %dma_wait3A_446 = tpu.memref_slice %arg4[%mul3A_444, %dma_wait3A_445] : memref<100000x256xf32, #tpu.memory_space<hbm>> -> memref<160x256xf32, #tpu.memory_space<hbm>>
      %dma_wait3A_447 = arith.constant 0 : i32
      %dma_wait3A_448 = tpu.memref_slice %arg4[%mul3A_444, %dma_wait3A_447] : memref<100000x256xf32, #tpu.memory_space<hbm>> -> memref<160x256xf32, #tpu.memory_space<hbm>>
      tpu.wait_dma2 semaphore(%arg19 : memref<!tpu.dma_semaphore, #tpu.memory_space<semaphore_mem>>) src(%arg9 : memref<160x256xf32, #tpu.memory_space<vmem>>) dst(%dma_wait3A_448 : memref<160x256xf32, #tpu.memory_space<hbm>>)
      %dma_start3A_449 = arith.constant 0 : i32
      %dma_start3A_450 = arith.constant 0 : i32
      %dma_start3A_451 = tpu.memref_slice %arg2[%dma_start3A_449, %dma_start3A_450] : memref<200000x256xf32, #tpu.memory_space<hbm>> -> memref<200000x256xf32, #tpu.memory_space<hbm>>
      tpu.enqueue_indirect_dma source(%dma_start3A_451 : memref<200000x256xf32, #tpu.memory_space<hbm>>) target(%arg9 : memref<160x256xf32, #tpu.memory_space<vmem>>) offsets(%arg7 : memref<160xi32, #tpu.memory_space<vmem>>) semaphore(%arg16 : memref<!tpu.dma_semaphore, #tpu.memory_space<semaphore_mem>>)
    } else {
    }
    %add3A_135 = arith.constant 256 : i32
    %add3A_136 = arith.addi %add3A, %add3A_135 : i32
    %lt3A_137 = arith.constant 625 : i32
    %lt3A_138 = arith.cmpi slt, %add3A_136, %lt3A_137 : i32
    %convert_element_type3A_139 = arith.extui %lt3A_138 : i1 to i32
    %cond3A_140 = arith.constant 0 : i32
    %cond3A_141 = arith.cmpi ne, %convert_element_type3A_139, %cond3A_140 : i32
    scf.if %cond3A_141 {
      %add3A_436 = arith.constant 256 : i32
      %add3A_437 = arith.addi %add3A, %add3A_436 : i32
      %mul3A_438 = arith.constant 160 : i32
      %mul3A_439 = arith.muli %add3A_437, %mul3A_438 : i32
      %dma_start3A_440 = tpu.memref_slice %arg3[%mul3A_439] : memref<100000xi32, #tpu.memory_space<hbm>> -> memref<160xi32, #tpu.memory_space<hbm>>
      %dma_start3A_441 = tpu.memref_slice %arg3[%mul3A_439] : memref<100000xi32, #tpu.memory_space<hbm>> -> memref<160xi32, #tpu.memory_space<hbm>>
      tpu.enqueue_dma source(%dma_start3A_441 : memref<160xi32, #tpu.memory_space<hbm>>) target(%arg5 : memref<160xi32, #tpu.memory_space<vmem>>) target_semaphore(%arg12 : memref<!tpu.dma_semaphore, #tpu.memory_space<semaphore_mem>>)
    } else {
    }
    %add3A_142 = arith.constant 160 : i32
    %add3A_143 = arith.addi %add3A, %add3A_142 : i32
    %lt3A_144 = arith.constant 625 : i32
    %lt3A_145 = arith.cmpi slt, %add3A_143, %lt3A_144 : i32
    %convert_element_type3A_146 = arith.extui %lt3A_145 : i1 to i32
    %cond3A_147 = arith.constant 0 : i32
    %cond3A_148 = arith.cmpi ne, %convert_element_type3A_146, %cond3A_147 : i32
    scf.if %cond3A_148 {
      %dma_wait3A = arith.constant 0 : i32
      %dma_wait3A_436 = arith.constant 0 : i32
      %dma_wait3A_437 = tpu.memref_slice %arg2[%dma_wait3A, %dma_wait3A_436] : memref<200000x256xf32, #tpu.memory_space<hbm>> -> memref<200000x256xf32, #tpu.memory_space<hbm>>
      tpu.wait_indirect_dma semaphore(%arg18 : memref<!tpu.dma_semaphore, #tpu.memory_space<semaphore_mem>>) src(%dma_wait3A_437 : memref<200000x256xf32, #tpu.memory_space<hbm>>) dst(%arg11 : memref<160x256xf32, #tpu.memory_space<vmem>>)
      %add3A_438 = arith.constant 160 : i32
      %add3A_439 = arith.addi %add3A, %add3A_438 : i32
      %mul3A_440 = arith.constant 160 : i32
      %mul3A_441 = arith.muli %add3A_439, %mul3A_440 : i32
      %dma_start3A_442 = arith.constant 0 : i32
      %dma_start3A_443 = tpu.memref_slice %arg4[%mul3A_441, %dma_start3A_442] : memref<100000x256xf32, #tpu.memory_space<hbm>> -> memref<160x256xf32, #tpu.memory_space<hbm>>
      %dma_start3A_444 = arith.constant 0 : i32
      %dma_start3A_445 = tpu.memref_slice %arg4[%mul3A_441, %dma_start3A_444] : memref<100000x256xf32, #tpu.memory_space<hbm>> -> memref<160x256xf32, #tpu.memory_space<hbm>>
      tpu.enqueue_dma source(%arg11 : memref<160x256xf32, #tpu.memory_space<vmem>>) target(%dma_start3A_445 : memref<160x256xf32, #tpu.memory_space<hbm>>) target_semaphore(%arg21 : memref<!tpu.dma_semaphore, #tpu.memory_space<semaphore_mem>>)
    } else {
    }
    %add3A_149 = arith.constant 224 : i32
    %add3A_150 = arith.addi %add3A, %add3A_149 : i32
    %lt3A_151 = arith.constant 625 : i32
    %lt3A_152 = arith.cmpi slt, %add3A_150, %lt3A_151 : i32
    %convert_element_type3A_153 = arith.extui %lt3A_152 : i1 to i32
    %cond3A_154 = arith.constant 0 : i32
    %cond3A_155 = arith.cmpi ne, %convert_element_type3A_153, %cond3A_154 : i32
    scf.if %cond3A_155 {
      %add3A_436 = arith.constant 224 : i32
      %add3A_437 = arith.addi %add3A, %add3A_436 : i32
      %mul3A_438 = arith.constant 160 : i32
      %mul3A_439 = arith.muli %add3A_437, %mul3A_438 : i32
      %dma_wait3A = tpu.memref_slice %arg3[%mul3A_439] : memref<100000xi32, #tpu.memory_space<hbm>> -> memref<160xi32, #tpu.memory_space<hbm>>
      %dma_wait3A_440 = tpu.memref_slice %arg3[%mul3A_439] : memref<100000xi32, #tpu.memory_space<hbm>> -> memref<160xi32, #tpu.memory_space<hbm>>
      tpu.wait_dma2 semaphore(%arg15 : memref<!tpu.dma_semaphore, #tpu.memory_space<semaphore_mem>>) src(%dma_wait3A_440 : memref<160xi32, #tpu.memory_space<hbm>>) dst(%arg8 : memref<160xi32, #tpu.memory_space<vmem>>)
      %add3A_441 = arith.constant 128 : i32
      %add3A_442 = arith.addi %add3A, %add3A_441 : i32
      %mul3A_443 = arith.constant 160 : i32
      %mul3A_444 = arith.muli %add3A_442, %mul3A_443 : i32
      %dma_wait3A_445 = arith.constant 0 : i32
      %dma_wait3A_446 = tpu.memref_slice %arg4[%mul3A_444, %dma_wait3A_445] : memref<100000x256xf32, #tpu.memory_space<hbm>> -> memref<160x256xf32, #tpu.memory_space<hbm>>
      %dma_wait3A_447 = arith.constant 0 : i32
      %dma_wait3A_448 = tpu.memref_slice %arg4[%mul3A_444, %dma_wait3A_447] : memref<100000x256xf32, #tpu.memory_space<hbm>> -> memref<160x256xf32, #tpu.memory_space<hbm>>
      tpu.wait_dma2 semaphore(%arg20 : memref<!tpu.dma_semaphore, #tpu.memory_space<semaphore_mem>>) src(%arg10 : memref<160x256xf32, #tpu.memory_space<vmem>>) dst(%dma_wait3A_448 : memref<160x256xf32, #tpu.memory_space<hbm>>)
      %dma_start3A_449 = arith.constant 0 : i32
      %dma_start3A_450 = arith.constant 0 : i32
      %dma_start3A_451 = tpu.memref_slice %arg2[%dma_start3A_449, %dma_start3A_450] : memref<200000x256xf32, #tpu.memory_space<hbm>> -> memref<200000x256xf32, #tpu.memory_space<hbm>>
      tpu.enqueue_indirect_dma source(%dma_start3A_451 : memref<200000x256xf32, #tpu.memory_space<hbm>>) target(%arg10 : memref<160x256xf32, #tpu.memory_space<vmem>>) offsets(%arg8 : memref<160xi32, #tpu.memory_space<vmem>>) semaphore(%arg17 : memref<!tpu.dma_semaphore, #tpu.memory_space<semaphore_mem>>)
    } else {
    }
    %add3A_156 = arith.constant 288 : i32
    %add3A_157 = arith.addi %add3A, %add3A_156 : i32
    %lt3A_158 = arith.constant 625 : i32
    %lt3A_159 = arith.cmpi slt, %add3A_157, %lt3A_158 : i32
    %convert_element_type3A_160 = arith.extui %lt3A_159 : i1 to i32
    %cond3A_161 = arith.constant 0 : i32
    %cond3A_162 = arith.cmpi ne, %convert_element_type3A_160, %cond3A_161 : i32
    scf.if %cond3A_162 {
      %add3A_436 = arith.constant 288 : i32
      %add3A_437 = arith.addi %add3A, %add3A_436 : i32
      %mul3A_438 = arith.constant 160 : i32
      %mul3A_439 = arith.muli %add3A_437, %mul3A_438 : i32
      %dma_start3A_440 = tpu.memref_slice %arg3[%mul3A_439] : memref<100000xi32, #tpu.memory_space<hbm>> -> memref<160xi32, #tpu.memory_space<hbm>>
      %dma_start3A_441 = tpu.memref_slice %arg3[%mul3A_439] : memref<100000xi32, #tpu.memory_space<hbm>> -> memref<160xi32, #tpu.memory_space<hbm>>
      tpu.enqueue_dma source(%dma_start3A_441 : memref<160xi32, #tpu.memory_space<hbm>>) target(%arg6 : memref<160xi32, #tpu.memory_space<vmem>>) target_semaphore(%arg13 : memref<!tpu.dma_semaphore, #tpu.memory_space<semaphore_mem>>)
    } else {
    }
    %add3A_163 = arith.constant 192 : i32
    %add3A_164 = arith.addi %add3A, %add3A_163 : i32
    %lt3A_165 = arith.constant 625 : i32
    %lt3A_166 = arith.cmpi slt, %add3A_164, %lt3A_165 : i32
    %convert_element_type3A_167 = arith.extui %lt3A_166 : i1 to i32
    %cond3A_168 = arith.constant 0 : i32
    %cond3A_169 = arith.cmpi ne, %convert_element_type3A_167, %cond3A_168 : i32
    scf.if %cond3A_169 {
      %dma_wait3A = arith.constant 0 : i32
      %dma_wait3A_436 = arith.constant 0 : i32
      %dma_wait3A_437 = tpu.memref_slice %arg2[%dma_wait3A, %dma_wait3A_436] : memref<200000x256xf32, #tpu.memory_space<hbm>> -> memref<200000x256xf32, #tpu.memory_space<hbm>>
      tpu.wait_indirect_dma semaphore(%arg16 : memref<!tpu.dma_semaphore, #tpu.memory_space<semaphore_mem>>) src(%dma_wait3A_437 : memref<200000x256xf32, #tpu.memory_space<hbm>>) dst(%arg9 : memref<160x256xf32, #tpu.memory_space<vmem>>)
      %add3A_438 = arith.constant 192 : i32
      %add3A_439 = arith.addi %add3A, %add3A_438 : i32
      %mul3A_440 = arith.constant 160 : i32
      %mul3A_441 = arith.muli %add3A_439, %mul3A_440 : i32
      %dma_start3A_442 = arith.constant 0 : i32
      %dma_start3A_443 = tpu.memref_slice %arg4[%mul3A_441, %dma_start3A_442] : memref<100000x256xf32, #tpu.memory_space<hbm>> -> memref<160x256xf32, #tpu.memory_space<hbm>>
      %dma_start3A_444 = arith.constant 0 : i32
      %dma_start3A_445 = tpu.memref_slice %arg4[%mul3A_441, %dma_start3A_444] : memref<100000x256xf32, #tpu.memory_space<hbm>> -> memref<160x256xf32, #tpu.memory_space<hbm>>
      tpu.enqueue_dma source(%arg9 : memref<160x256xf32, #tpu.memory_space<vmem>>) target(%dma_start3A_445 : memref<160x256xf32, #tpu.memory_space<hbm>>) target_semaphore(%arg19 : memref<!tpu.dma_semaphore, #tpu.memory_space<semaphore_mem>>)
    } else {
    }
    %add3A_170 = arith.constant 256 : i32
    %add3A_171 = arith.addi %add3A, %add3A_170 : i32
    %lt3A_172 = arith.constant 625 : i32
    %lt3A_173 = arith.cmpi slt, %add3A_171, %lt3A_172 : i32
    %convert_element_type3A_174 = arith.extui %lt3A_173 : i1 to i32
    %cond3A_175 = arith.constant 0 : i32
    %cond3A_176 = arith.cmpi ne, %convert_element_type3A_174, %cond3A_175 : i32
    scf.if %cond3A_176 {
      %add3A_436 = arith.constant 256 : i32
      %add3A_437 = arith.addi %add3A, %add3A_436 : i32
      %mul3A_438 = arith.constant 160 : i32
      %mul3A_439 = arith.muli %add3A_437, %mul3A_438 : i32
      %dma_wait3A = tpu.memref_slice %arg3[%mul3A_439] : memref<100000xi32, #tpu.memory_space<hbm>> -> memref<160xi32, #tpu.memory_space<hbm>>
      %dma_wait3A_440 = tpu.memref_slice %arg3[%mul3A_439] : memref<100000xi32, #tpu.memory_space<hbm>> -> memref<160xi32, #tpu.memory_space<hbm>>
      tpu.wait_dma2 semaphore(%arg12 : memref<!tpu.dma_semaphore, #tpu.memory_space<semaphore_mem>>) src(%dma_wait3A_440 : memref<160xi32, #tpu.memory_space<hbm>>) dst(%arg5 : memref<160xi32, #tpu.memory_space<vmem>>)
      %add3A_441 = arith.constant 160 : i32
      %add3A_442 = arith.addi %add3A, %add3A_441 : i32
      %mul3A_443 = arith.constant 160 : i32
      %mul3A_444 = arith.muli %add3A_442, %mul3A_443 : i32
      %dma_wait3A_445 = arith.constant 0 : i32
      %dma_wait3A_446 = tpu.memref_slice %arg4[%mul3A_444, %dma_wait3A_445] : memref<100000x256xf32, #tpu.memory_space<hbm>> -> memref<160x256xf32, #tpu.memory_space<hbm>>
      %dma_wait3A_447 = arith.constant 0 : i32
      %dma_wait3A_448 = tpu.memref_slice %arg4[%mul3A_444, %dma_wait3A_447] : memref<100000x256xf32, #tpu.memory_space<hbm>> -> memref<160x256xf32, #tpu.memory_space<hbm>>
      tpu.wait_dma2 semaphore(%arg21 : memref<!tpu.dma_semaphore, #tpu.memory_space<semaphore_mem>>) src(%arg11 : memref<160x256xf32, #tpu.memory_space<vmem>>) dst(%dma_wait3A_448 : memref<160x256xf32, #tpu.memory_space<hbm>>)
      %dma_start3A_449 = arith.constant 0 : i32
      %dma_start3A_450 = arith.constant 0 : i32
      %dma_start3A_451 = tpu.memref_slice %arg2[%dma_start3A_449, %dma_start3A_450] : memref<200000x256xf32, #tpu.memory_space<hbm>> -> memref<200000x256xf32, #tpu.memory_space<hbm>>
      tpu.enqueue_indirect_dma source(%dma_start3A_451 : memref<200000x256xf32, #tpu.memory_space<hbm>>) target(%arg11 : memref<160x256xf32, #tpu.memory_space<vmem>>) offsets(%arg5 : memref<160xi32, #tpu.memory_space<vmem>>) semaphore(%arg18 : memref<!tpu.dma_semaphore, #tpu.memory_space<semaphore_mem>>)
    } else {
    }
    %add3A_177 = arith.constant 320 : i32
    %add3A_178 = arith.addi %add3A, %add3A_177 : i32
    %lt3A_179 = arith.constant 625 : i32
    %lt3A_180 = arith.cmpi slt, %add3A_178, %lt3A_179 : i32
    %convert_element_type3A_181 = arith.extui %lt3A_180 : i1 to i32
    %cond3A_182 = arith.constant 0 : i32
    %cond3A_183 = arith.cmpi ne, %convert_element_type3A_181, %cond3A_182 : i32
    scf.if %cond3A_183 {
      %add3A_436 = arith.constant 320 : i32
      %add3A_437 = arith.addi %add3A, %add3A_436 : i32
      %mul3A_438 = arith.constant 160 : i32
      %mul3A_439 = arith.muli %add3A_437, %mul3A_438 : i32
      %dma_start3A_440 = tpu.memref_slice %arg3[%mul3A_439] : memref<100000xi32, #tpu.memory_space<hbm>> -> memref<160xi32, #tpu.memory_space<hbm>>
      %dma_start3A_441 = tpu.memref_slice %arg3[%mul3A_439] : memref<100000xi32, #tpu.memory_space<hbm>> -> memref<160xi32, #tpu.memory_space<hbm>>
      tpu.enqueue_dma source(%dma_start3A_441 : memref<160xi32, #tpu.memory_space<hbm>>) target(%arg7 : memref<160xi32, #tpu.memory_space<vmem>>) target_semaphore(%arg14 : memref<!tpu.dma_semaphore, #tpu.memory_space<semaphore_mem>>)
    } else {
    }
    %add3A_184 = arith.constant 224 : i32
    %add3A_185 = arith.addi %add3A, %add3A_184 : i32
    %lt3A_186 = arith.constant 625 : i32
    %lt3A_187 = arith.cmpi slt, %add3A_185, %lt3A_186 : i32
    %convert_element_type3A_188 = arith.extui %lt3A_187 : i1 to i32
    %cond3A_189 = arith.constant 0 : i32
    %cond3A_190 = arith.cmpi ne, %convert_element_type3A_188, %cond3A_189 : i32
    scf.if %cond3A_190 {
      %dma_wait3A = arith.constant 0 : i32
      %dma_wait3A_436 = arith.constant 0 : i32
      %dma_wait3A_437 = tpu.memref_slice %arg2[%dma_wait3A, %dma_wait3A_436] : memref<200000x256xf32, #tpu.memory_space<hbm>> -> memref<200000x256xf32, #tpu.memory_space<hbm>>
      tpu.wait_indirect_dma semaphore(%arg17 : memref<!tpu.dma_semaphore, #tpu.memory_space<semaphore_mem>>) src(%dma_wait3A_437 : memref<200000x256xf32, #tpu.memory_space<hbm>>) dst(%arg10 : memref<160x256xf32, #tpu.memory_space<vmem>>)
      %add3A_438 = arith.constant 224 : i32
      %add3A_439 = arith.addi %add3A, %add3A_438 : i32
      %mul3A_440 = arith.constant 160 : i32
      %mul3A_441 = arith.muli %add3A_439, %mul3A_440 : i32
      %dma_start3A_442 = arith.constant 0 : i32
      %dma_start3A_443 = tpu.memref_slice %arg4[%mul3A_441, %dma_start3A_442] : memref<100000x256xf32, #tpu.memory_space<hbm>> -> memref<160x256xf32, #tpu.memory_space<hbm>>
      %dma_start3A_444 = arith.constant 0 : i32
      %dma_start3A_445 = tpu.memref_slice %arg4[%mul3A_441, %dma_start3A_444] : memref<100000x256xf32, #tpu.memory_space<hbm>> -> memref<160x256xf32, #tpu.memory_space<hbm>>
      tpu.enqueue_dma source(%arg10 : memref<160x256xf32, #tpu.memory_space<vmem>>) target(%dma_start3A_445 : memref<160x256xf32, #tpu.memory_space<hbm>>) target_semaphore(%arg20 : memref<!tpu.dma_semaphore, #tpu.memory_space<semaphore_mem>>)
    } else {
    }
    %add3A_191 = arith.constant 288 : i32
    %add3A_192 = arith.addi %add3A, %add3A_191 : i32
    %lt3A_193 = arith.constant 625 : i32
    %lt3A_194 = arith.cmpi slt, %add3A_192, %lt3A_193 : i32
    %convert_element_type3A_195 = arith.extui %lt3A_194 : i1 to i32
    %cond3A_196 = arith.constant 0 : i32
    %cond3A_197 = arith.cmpi ne, %convert_element_type3A_195, %cond3A_196 : i32
    scf.if %cond3A_197 {
      %add3A_436 = arith.constant 288 : i32
      %add3A_437 = arith.addi %add3A, %add3A_436 : i32
      %mul3A_438 = arith.constant 160 : i32
      %mul3A_439 = arith.muli %add3A_437, %mul3A_438 : i32
      %dma_wait3A = tpu.memref_slice %arg3[%mul3A_439] : memref<100000xi32, #tpu.memory_space<hbm>> -> memref<160xi32, #tpu.memory_space<hbm>>
      %dma_wait3A_440 = tpu.memref_slice %arg3[%mul3A_439] : memref<100000xi32, #tpu.memory_space<hbm>> -> memref<160xi32, #tpu.memory_space<hbm>>
      tpu.wait_dma2 semaphore(%arg13 : memref<!tpu.dma_semaphore, #tpu.memory_space<semaphore_mem>>) src(%dma_wait3A_440 : memref<160xi32, #tpu.memory_space<hbm>>) dst(%arg6 : memref<160xi32, #tpu.memory_space<vmem>>)
      %add3A_441 = arith.constant 192 : i32
      %add3A_442 = arith.addi %add3A, %add3A_441 : i32
      %mul3A_443 = arith.constant 160 : i32
      %mul3A_444 = arith.muli %add3A_442, %mul3A_443 : i32
      %dma_wait3A_445 = arith.constant 0 : i32
      %dma_wait3A_446 = tpu.memref_slice %arg4[%mul3A_444, %dma_wait3A_445] : memref<100000x256xf32, #tpu.memory_space<hbm>> -> memref<160x256xf32, #tpu.memory_space<hbm>>
      %dma_wait3A_447 = arith.constant 0 : i32
      %dma_wait3A_448 = tpu.memref_slice %arg4[%mul3A_444, %dma_wait3A_447] : memref<100000x256xf32, #tpu.memory_space<hbm>> -> memref<160x256xf32, #tpu.memory_space<hbm>>
      tpu.wait_dma2 semaphore(%arg19 : memref<!tpu.dma_semaphore, #tpu.memory_space<semaphore_mem>>) src(%arg9 : memref<160x256xf32, #tpu.memory_space<vmem>>) dst(%dma_wait3A_448 : memref<160x256xf32, #tpu.memory_space<hbm>>)
      %dma_start3A_449 = arith.constant 0 : i32
      %dma_start3A_450 = arith.constant 0 : i32
      %dma_start3A_451 = tpu.memref_slice %arg2[%dma_start3A_449, %dma_start3A_450] : memref<200000x256xf32, #tpu.memory_space<hbm>> -> memref<200000x256xf32, #tpu.memory_space<hbm>>
      tpu.enqueue_indirect_dma source(%dma_start3A_451 : memref<200000x256xf32, #tpu.memory_space<hbm>>) target(%arg9 : memref<160x256xf32, #tpu.memory_space<vmem>>) offsets(%arg6 : memref<160xi32, #tpu.memory_space<vmem>>) semaphore(%arg16 : memref<!tpu.dma_semaphore, #tpu.memory_space<semaphore_mem>>)
    } else {
    }
    %add3A_198 = arith.constant 352 : i32
    %add3A_199 = arith.addi %add3A, %add3A_198 : i32
    %lt3A_200 = arith.constant 625 : i32
    %lt3A_201 = arith.cmpi slt, %add3A_199, %lt3A_200 : i32
    %convert_element_type3A_202 = arith.extui %lt3A_201 : i1 to i32
    %cond3A_203 = arith.constant 0 : i32
    %cond3A_204 = arith.cmpi ne, %convert_element_type3A_202, %cond3A_203 : i32
    scf.if %cond3A_204 {
      %add3A_436 = arith.constant 352 : i32
      %add3A_437 = arith.addi %add3A, %add3A_436 : i32
      %mul3A_438 = arith.constant 160 : i32
      %mul3A_439 = arith.muli %add3A_437, %mul3A_438 : i32
      %dma_start3A_440 = tpu.memref_slice %arg3[%mul3A_439] : memref<100000xi32, #tpu.memory_space<hbm>> -> memref<160xi32, #tpu.memory_space<hbm>>
      %dma_start3A_441 = tpu.memref_slice %arg3[%mul3A_439] : memref<100000xi32, #tpu.memory_space<hbm>> -> memref<160xi32, #tpu.memory_space<hbm>>
      tpu.enqueue_dma source(%dma_start3A_441 : memref<160xi32, #tpu.memory_space<hbm>>) target(%arg8 : memref<160xi32, #tpu.memory_space<vmem>>) target_semaphore(%arg15 : memref<!tpu.dma_semaphore, #tpu.memory_space<semaphore_mem>>)
    } else {
    }
    %add3A_205 = arith.constant 256 : i32
    %add3A_206 = arith.addi %add3A, %add3A_205 : i32
    %lt3A_207 = arith.constant 625 : i32
    %lt3A_208 = arith.cmpi slt, %add3A_206, %lt3A_207 : i32
    %convert_element_type3A_209 = arith.extui %lt3A_208 : i1 to i32
    %cond3A_210 = arith.constant 0 : i32
    %cond3A_211 = arith.cmpi ne, %convert_element_type3A_209, %cond3A_210 : i32
    scf.if %cond3A_211 {
      %dma_wait3A = arith.constant 0 : i32
      %dma_wait3A_436 = arith.constant 0 : i32
      %dma_wait3A_437 = tpu.memref_slice %arg2[%dma_wait3A, %dma_wait3A_436] : memref<200000x256xf32, #tpu.memory_space<hbm>> -> memref<200000x256xf32, #tpu.memory_space<hbm>>
      tpu.wait_indirect_dma semaphore(%arg18 : memref<!tpu.dma_semaphore, #tpu.memory_space<semaphore_mem>>) src(%dma_wait3A_437 : memref<200000x256xf32, #tpu.memory_space<hbm>>) dst(%arg11 : memref<160x256xf32, #tpu.memory_space<vmem>>)
      %add3A_438 = arith.constant 256 : i32
      %add3A_439 = arith.addi %add3A, %add3A_438 : i32
      %mul3A_440 = arith.constant 160 : i32
      %mul3A_441 = arith.muli %add3A_439, %mul3A_440 : i32
      %dma_start3A_442 = arith.constant 0 : i32
      %dma_start3A_443 = tpu.memref_slice %arg4[%mul3A_441, %dma_start3A_442] : memref<100000x256xf32, #tpu.memory_space<hbm>> -> memref<160x256xf32, #tpu.memory_space<hbm>>
      %dma_start3A_444 = arith.constant 0 : i32
      %dma_start3A_445 = tpu.memref_slice %arg4[%mul3A_441, %dma_start3A_444] : memref<100000x256xf32, #tpu.memory_space<hbm>> -> memref<160x256xf32, #tpu.memory_space<hbm>>
      tpu.enqueue_dma source(%arg11 : memref<160x256xf32, #tpu.memory_space<vmem>>) target(%dma_start3A_445 : memref<160x256xf32, #tpu.memory_space<hbm>>) target_semaphore(%arg21 : memref<!tpu.dma_semaphore, #tpu.memory_space<semaphore_mem>>)
    } else {
    }
    %add3A_212 = arith.constant 320 : i32
    %add3A_213 = arith.addi %add3A, %add3A_212 : i32
    %lt3A_214 = arith.constant 625 : i32
    %lt3A_215 = arith.cmpi slt, %add3A_213, %lt3A_214 : i32
    %convert_element_type3A_216 = arith.extui %lt3A_215 : i1 to i32
    %cond3A_217 = arith.constant 0 : i32
    %cond3A_218 = arith.cmpi ne, %convert_element_type3A_216, %cond3A_217 : i32
    scf.if %cond3A_218 {
      %add3A_436 = arith.constant 320 : i32
      %add3A_437 = arith.addi %add3A, %add3A_436 : i32
      %mul3A_438 = arith.constant 160 : i32
      %mul3A_439 = arith.muli %add3A_437, %mul3A_438 : i32
      %dma_wait3A = tpu.memref_slice %arg3[%mul3A_439] : memref<100000xi32, #tpu.memory_space<hbm>> -> memref<160xi32, #tpu.memory_space<hbm>>
      %dma_wait3A_440 = tpu.memref_slice %arg3[%mul3A_439] : memref<100000xi32, #tpu.memory_space<hbm>> -> memref<160xi32, #tpu.memory_space<hbm>>
      tpu.wait_dma2 semaphore(%arg14 : memref<!tpu.dma_semaphore, #tpu.memory_space<semaphore_mem>>) src(%dma_wait3A_440 : memref<160xi32, #tpu.memory_space<hbm>>) dst(%arg7 : memref<160xi32, #tpu.memory_space<vmem>>)
      %add3A_441 = arith.constant 224 : i32
      %add3A_442 = arith.addi %add3A, %add3A_441 : i32
      %mul3A_443 = arith.constant 160 : i32
      %mul3A_444 = arith.muli %add3A_442, %mul3A_443 : i32
      %dma_wait3A_445 = arith.constant 0 : i32
      %dma_wait3A_446 = tpu.memref_slice %arg4[%mul3A_444, %dma_wait3A_445] : memref<100000x256xf32, #tpu.memory_space<hbm>> -> memref<160x256xf32, #tpu.memory_space<hbm>>
      %dma_wait3A_447 = arith.constant 0 : i32
      %dma_wait3A_448 = tpu.memref_slice %arg4[%mul3A_444, %dma_wait3A_447] : memref<100000x256xf32, #tpu.memory_space<hbm>> -> memref<160x256xf32, #tpu.memory_space<hbm>>
      tpu.wait_dma2 semaphore(%arg20 : memref<!tpu.dma_semaphore, #tpu.memory_space<semaphore_mem>>) src(%arg10 : memref<160x256xf32, #tpu.memory_space<vmem>>) dst(%dma_wait3A_448 : memref<160x256xf32, #tpu.memory_space<hbm>>)
      %dma_start3A_449 = arith.constant 0 : i32
      %dma_start3A_450 = arith.constant 0 : i32
      %dma_start3A_451 = tpu.memref_slice %arg2[%dma_start3A_449, %dma_start3A_450] : memref<200000x256xf32, #tpu.memory_space<hbm>> -> memref<200000x256xf32, #tpu.memory_space<hbm>>
      tpu.enqueue_indirect_dma source(%dma_start3A_451 : memref<200000x256xf32, #tpu.memory_space<hbm>>) target(%arg10 : memref<160x256xf32, #tpu.memory_space<vmem>>) offsets(%arg7 : memref<160xi32, #tpu.memory_space<vmem>>) semaphore(%arg17 : memref<!tpu.dma_semaphore, #tpu.memory_space<semaphore_mem>>)
    } else {
    }
    %add3A_219 = arith.constant 384 : i32
    %add3A_220 = arith.addi %add3A, %add3A_219 : i32
    %lt3A_221 = arith.constant 625 : i32
    %lt3A_222 = arith.cmpi slt, %add3A_220, %lt3A_221 : i32
    %convert_element_type3A_223 = arith.extui %lt3A_222 : i1 to i32
    %cond3A_224 = arith.constant 0 : i32
    %cond3A_225 = arith.cmpi ne, %convert_element_type3A_223, %cond3A_224 : i32
    scf.if %cond3A_225 {
      %add3A_436 = arith.constant 384 : i32
      %add3A_437 = arith.addi %add3A, %add3A_436 : i32
      %mul3A_438 = arith.constant 160 : i32
      %mul3A_439 = arith.muli %add3A_437, %mul3A_438 : i32
      %dma_start3A_440 = tpu.memref_slice %arg3[%mul3A_439] : memref<100000xi32, #tpu.memory_space<hbm>> -> memref<160xi32, #tpu.memory_space<hbm>>
      %dma_start3A_441 = tpu.memref_slice %arg3[%mul3A_439] : memref<100000xi32, #tpu.memory_space<hbm>> -> memref<160xi32, #tpu.memory_space<hbm>>
      tpu.enqueue_dma source(%dma_start3A_441 : memref<160xi32, #tpu.memory_space<hbm>>) target(%arg5 : memref<160xi32, #tpu.memory_space<vmem>>) target_semaphore(%arg12 : memref<!tpu.dma_semaphore, #tpu.memory_space<semaphore_mem>>)
    } else {
    }
    %add3A_226 = arith.constant 288 : i32
    %add3A_227 = arith.addi %add3A, %add3A_226 : i32
    %lt3A_228 = arith.constant 625 : i32
    %lt3A_229 = arith.cmpi slt, %add3A_227, %lt3A_228 : i32
    %convert_element_type3A_230 = arith.extui %lt3A_229 : i1 to i32
    %cond3A_231 = arith.constant 0 : i32
    %cond3A_232 = arith.cmpi ne, %convert_element_type3A_230, %cond3A_231 : i32
    scf.if %cond3A_232 {
      %dma_wait3A = arith.constant 0 : i32
      %dma_wait3A_436 = arith.constant 0 : i32
      %dma_wait3A_437 = tpu.memref_slice %arg2[%dma_wait3A, %dma_wait3A_436] : memref<200000x256xf32, #tpu.memory_space<hbm>> -> memref<200000x256xf32, #tpu.memory_space<hbm>>
      tpu.wait_indirect_dma semaphore(%arg16 : memref<!tpu.dma_semaphore, #tpu.memory_space<semaphore_mem>>) src(%dma_wait3A_437 : memref<200000x256xf32, #tpu.memory_space<hbm>>) dst(%arg9 : memref<160x256xf32, #tpu.memory_space<vmem>>)
      %add3A_438 = arith.constant 288 : i32
      %add3A_439 = arith.addi %add3A, %add3A_438 : i32
      %mul3A_440 = arith.constant 160 : i32
      %mul3A_441 = arith.muli %add3A_439, %mul3A_440 : i32
      %dma_start3A_442 = arith.constant 0 : i32
      %dma_start3A_443 = tpu.memref_slice %arg4[%mul3A_441, %dma_start3A_442] : memref<100000x256xf32, #tpu.memory_space<hbm>> -> memref<160x256xf32, #tpu.memory_space<hbm>>
      %dma_start3A_444 = arith.constant 0 : i32
      %dma_start3A_445 = tpu.memref_slice %arg4[%mul3A_441, %dma_start3A_444] : memref<100000x256xf32, #tpu.memory_space<hbm>> -> memref<160x256xf32, #tpu.memory_space<hbm>>
      tpu.enqueue_dma source(%arg9 : memref<160x256xf32, #tpu.memory_space<vmem>>) target(%dma_start3A_445 : memref<160x256xf32, #tpu.memory_space<hbm>>) target_semaphore(%arg19 : memref<!tpu.dma_semaphore, #tpu.memory_space<semaphore_mem>>)
    } else {
    }
    %add3A_233 = arith.constant 352 : i32
    %add3A_234 = arith.addi %add3A, %add3A_233 : i32
    %lt3A_235 = arith.constant 625 : i32
    %lt3A_236 = arith.cmpi slt, %add3A_234, %lt3A_235 : i32
    %convert_element_type3A_237 = arith.extui %lt3A_236 : i1 to i32
    %cond3A_238 = arith.constant 0 : i32
    %cond3A_239 = arith.cmpi ne, %convert_element_type3A_237, %cond3A_238 : i32
    scf.if %cond3A_239 {
      %add3A_436 = arith.constant 352 : i32
      %add3A_437 = arith.addi %add3A, %add3A_436 : i32
      %mul3A_438 = arith.constant 160 : i32
      %mul3A_439 = arith.muli %add3A_437, %mul3A_438 : i32
      %dma_wait3A = tpu.memref_slice %arg3[%mul3A_439] : memref<100000xi32, #tpu.memory_space<hbm>> -> memref<160xi32, #tpu.memory_space<hbm>>
      %dma_wait3A_440 = tpu.memref_slice %arg3[%mul3A_439] : memref<100000xi32, #tpu.memory_space<hbm>> -> memref<160xi32, #tpu.memory_space<hbm>>
      tpu.wait_dma2 semaphore(%arg15 : memref<!tpu.dma_semaphore, #tpu.memory_space<semaphore_mem>>) src(%dma_wait3A_440 : memref<160xi32, #tpu.memory_space<hbm>>) dst(%arg8 : memref<160xi32, #tpu.memory_space<vmem>>)
      %add3A_441 = arith.constant 256 : i32
      %add3A_442 = arith.addi %add3A, %add3A_441 : i32
      %mul3A_443 = arith.constant 160 : i32
      %mul3A_444 = arith.muli %add3A_442, %mul3A_443 : i32
      %dma_wait3A_445 = arith.constant 0 : i32
      %dma_wait3A_446 = tpu.memref_slice %arg4[%mul3A_444, %dma_wait3A_445] : memref<100000x256xf32, #tpu.memory_space<hbm>> -> memref<160x256xf32, #tpu.memory_space<hbm>>
      %dma_wait3A_447 = arith.constant 0 : i32
      %dma_wait3A_448 = tpu.memref_slice %arg4[%mul3A_444, %dma_wait3A_447] : memref<100000x256xf32, #tpu.memory_space<hbm>> -> memref<160x256xf32, #tpu.memory_space<hbm>>
      tpu.wait_dma2 semaphore(%arg21 : memref<!tpu.dma_semaphore, #tpu.memory_space<semaphore_mem>>) src(%arg11 : memref<160x256xf32, #tpu.memory_space<vmem>>) dst(%dma_wait3A_448 : memref<160x256xf32, #tpu.memory_space<hbm>>)
      %dma_start3A_449 = arith.constant 0 : i32
      %dma_start3A_450 = arith.constant 0 : i32
      %dma_start3A_451 = tpu.memref_slice %arg2[%dma_start3A_449, %dma_start3A_450] : memref<200000x256xf32, #tpu.memory_space<hbm>> -> memref<200000x256xf32, #tpu.memory_space<hbm>>
      tpu.enqueue_indirect_dma source(%dma_start3A_451 : memref<200000x256xf32, #tpu.memory_space<hbm>>) target(%arg11 : memref<160x256xf32, #tpu.memory_space<vmem>>) offsets(%arg8 : memref<160xi32, #tpu.memory_space<vmem>>) semaphore(%arg18 : memref<!tpu.dma_semaphore, #tpu.memory_space<semaphore_mem>>)
    } else {
    }
    %add3A_240 = arith.constant 416 : i32
    %add3A_241 = arith.addi %add3A, %add3A_240 : i32
    %lt3A_242 = arith.constant 625 : i32
    %lt3A_243 = arith.cmpi slt, %add3A_241, %lt3A_242 : i32
    %convert_element_type3A_244 = arith.extui %lt3A_243 : i1 to i32
    %cond3A_245 = arith.constant 0 : i32
    %cond3A_246 = arith.cmpi ne, %convert_element_type3A_244, %cond3A_245 : i32
    scf.if %cond3A_246 {
      %add3A_436 = arith.constant 416 : i32
      %add3A_437 = arith.addi %add3A, %add3A_436 : i32
      %mul3A_438 = arith.constant 160 : i32
      %mul3A_439 = arith.muli %add3A_437, %mul3A_438 : i32
      %dma_start3A_440 = tpu.memref_slice %arg3[%mul3A_439] : memref<100000xi32, #tpu.memory_space<hbm>> -> memref<160xi32, #tpu.memory_space<hbm>>
      %dma_start3A_441 = tpu.memref_slice %arg3[%mul3A_439] : memref<100000xi32, #tpu.memory_space<hbm>> -> memref<160xi32, #tpu.memory_space<hbm>>
      tpu.enqueue_dma source(%dma_start3A_441 : memref<160xi32, #tpu.memory_space<hbm>>) target(%arg6 : memref<160xi32, #tpu.memory_space<vmem>>) target_semaphore(%arg13 : memref<!tpu.dma_semaphore, #tpu.memory_space<semaphore_mem>>)
    } else {
    }
    %add3A_247 = arith.constant 320 : i32
    %add3A_248 = arith.addi %add3A, %add3A_247 : i32
    %lt3A_249 = arith.constant 625 : i32
    %lt3A_250 = arith.cmpi slt, %add3A_248, %lt3A_249 : i32
    %convert_element_type3A_251 = arith.extui %lt3A_250 : i1 to i32
    %cond3A_252 = arith.constant 0 : i32
    %cond3A_253 = arith.cmpi ne, %convert_element_type3A_251, %cond3A_252 : i32
    scf.if %cond3A_253 {
      %dma_wait3A = arith.constant 0 : i32
      %dma_wait3A_436 = arith.constant 0 : i32
      %dma_wait3A_437 = tpu.memref_slice %arg2[%dma_wait3A, %dma_wait3A_436] : memref<200000x256xf32, #tpu.memory_space<hbm>> -> memref<200000x256xf32, #tpu.memory_space<hbm>>
      tpu.wait_indirect_dma semaphore(%arg17 : memref<!tpu.dma_semaphore, #tpu.memory_space<semaphore_mem>>) src(%dma_wait3A_437 : memref<200000x256xf32, #tpu.memory_space<hbm>>) dst(%arg10 : memref<160x256xf32, #tpu.memory_space<vmem>>)
      %add3A_438 = arith.constant 320 : i32
      %add3A_439 = arith.addi %add3A, %add3A_438 : i32
      %mul3A_440 = arith.constant 160 : i32
      %mul3A_441 = arith.muli %add3A_439, %mul3A_440 : i32
      %dma_start3A_442 = arith.constant 0 : i32
      %dma_start3A_443 = tpu.memref_slice %arg4[%mul3A_441, %dma_start3A_442] : memref<100000x256xf32, #tpu.memory_space<hbm>> -> memref<160x256xf32, #tpu.memory_space<hbm>>
      %dma_start3A_444 = arith.constant 0 : i32
      %dma_start3A_445 = tpu.memref_slice %arg4[%mul3A_441, %dma_start3A_444] : memref<100000x256xf32, #tpu.memory_space<hbm>> -> memref<160x256xf32, #tpu.memory_space<hbm>>
      tpu.enqueue_dma source(%arg10 : memref<160x256xf32, #tpu.memory_space<vmem>>) target(%dma_start3A_445 : memref<160x256xf32, #tpu.memory_space<hbm>>) target_semaphore(%arg20 : memref<!tpu.dma_semaphore, #tpu.memory_space<semaphore_mem>>)
    } else {
    }
    %add3A_254 = arith.constant 384 : i32
    %add3A_255 = arith.addi %add3A, %add3A_254 : i32
    %lt3A_256 = arith.constant 625 : i32
    %lt3A_257 = arith.cmpi slt, %add3A_255, %lt3A_256 : i32
    %convert_element_type3A_258 = arith.extui %lt3A_257 : i1 to i32
    %cond3A_259 = arith.constant 0 : i32
    %cond3A_260 = arith.cmpi ne, %convert_element_type3A_258, %cond3A_259 : i32
    scf.if %cond3A_260 {
      %add3A_436 = arith.constant 384 : i32
      %add3A_437 = arith.addi %add3A, %add3A_436 : i32
      %mul3A_438 = arith.constant 160 : i32
      %mul3A_439 = arith.muli %add3A_437, %mul3A_438 : i32
      %dma_wait3A = tpu.memref_slice %arg3[%mul3A_439] : memref<100000xi32, #tpu.memory_space<hbm>> -> memref<160xi32, #tpu.memory_space<hbm>>
      %dma_wait3A_440 = tpu.memref_slice %arg3[%mul3A_439] : memref<100000xi32, #tpu.memory_space<hbm>> -> memref<160xi32, #tpu.memory_space<hbm>>
      tpu.wait_dma2 semaphore(%arg12 : memref<!tpu.dma_semaphore, #tpu.memory_space<semaphore_mem>>) src(%dma_wait3A_440 : memref<160xi32, #tpu.memory_space<hbm>>) dst(%arg5 : memref<160xi32, #tpu.memory_space<vmem>>)
      %add3A_441 = arith.constant 288 : i32
      %add3A_442 = arith.addi %add3A, %add3A_441 : i32
      %mul3A_443 = arith.constant 160 : i32
      %mul3A_444 = arith.muli %add3A_442, %mul3A_443 : i32
      %dma_wait3A_445 = arith.constant 0 : i32
      %dma_wait3A_446 = tpu.memref_slice %arg4[%mul3A_444, %dma_wait3A_445] : memref<100000x256xf32, #tpu.memory_space<hbm>> -> memref<160x256xf32, #tpu.memory_space<hbm>>
      %dma_wait3A_447 = arith.constant 0 : i32
      %dma_wait3A_448 = tpu.memref_slice %arg4[%mul3A_444, %dma_wait3A_447] : memref<100000x256xf32, #tpu.memory_space<hbm>> -> memref<160x256xf32, #tpu.memory_space<hbm>>
      tpu.wait_dma2 semaphore(%arg19 : memref<!tpu.dma_semaphore, #tpu.memory_space<semaphore_mem>>) src(%arg9 : memref<160x256xf32, #tpu.memory_space<vmem>>) dst(%dma_wait3A_448 : memref<160x256xf32, #tpu.memory_space<hbm>>)
      %dma_start3A_449 = arith.constant 0 : i32
      %dma_start3A_450 = arith.constant 0 : i32
      %dma_start3A_451 = tpu.memref_slice %arg2[%dma_start3A_449, %dma_start3A_450] : memref<200000x256xf32, #tpu.memory_space<hbm>> -> memref<200000x256xf32, #tpu.memory_space<hbm>>
      tpu.enqueue_indirect_dma source(%dma_start3A_451 : memref<200000x256xf32, #tpu.memory_space<hbm>>) target(%arg9 : memref<160x256xf32, #tpu.memory_space<vmem>>) offsets(%arg5 : memref<160xi32, #tpu.memory_space<vmem>>) semaphore(%arg16 : memref<!tpu.dma_semaphore, #tpu.memory_space<semaphore_mem>>)
    } else {
    }
    %add3A_261 = arith.constant 448 : i32
    %add3A_262 = arith.addi %add3A, %add3A_261 : i32
    %lt3A_263 = arith.constant 625 : i32
    %lt3A_264 = arith.cmpi slt, %add3A_262, %lt3A_263 : i32
    %convert_element_type3A_265 = arith.extui %lt3A_264 : i1 to i32
    %cond3A_266 = arith.constant 0 : i32
    %cond3A_267 = arith.cmpi ne, %convert_element_type3A_265, %cond3A_266 : i32
    scf.if %cond3A_267 {
      %add3A_436 = arith.constant 448 : i32
      %add3A_437 = arith.addi %add3A, %add3A_436 : i32
      %mul3A_438 = arith.constant 160 : i32
      %mul3A_439 = arith.muli %add3A_437, %mul3A_438 : i32
      %dma_start3A_440 = tpu.memref_slice %arg3[%mul3A_439] : memref<100000xi32, #tpu.memory_space<hbm>> -> memref<160xi32, #tpu.memory_space<hbm>>
      %dma_start3A_441 = tpu.memref_slice %arg3[%mul3A_439] : memref<100000xi32, #tpu.memory_space<hbm>> -> memref<160xi32, #tpu.memory_space<hbm>>
      tpu.enqueue_dma source(%dma_start3A_441 : memref<160xi32, #tpu.memory_space<hbm>>) target(%arg7 : memref<160xi32, #tpu.memory_space<vmem>>) target_semaphore(%arg14 : memref<!tpu.dma_semaphore, #tpu.memory_space<semaphore_mem>>)
    } else {
    }
    %add3A_268 = arith.constant 352 : i32
    %add3A_269 = arith.addi %add3A, %add3A_268 : i32
    %lt3A_270 = arith.constant 625 : i32
    %lt3A_271 = arith.cmpi slt, %add3A_269, %lt3A_270 : i32
    %convert_element_type3A_272 = arith.extui %lt3A_271 : i1 to i32
    %cond3A_273 = arith.constant 0 : i32
    %cond3A_274 = arith.cmpi ne, %convert_element_type3A_272, %cond3A_273 : i32
    scf.if %cond3A_274 {
      %dma_wait3A = arith.constant 0 : i32
      %dma_wait3A_436 = arith.constant 0 : i32
      %dma_wait3A_437 = tpu.memref_slice %arg2[%dma_wait3A, %dma_wait3A_436] : memref<200000x256xf32, #tpu.memory_space<hbm>> -> memref<200000x256xf32, #tpu.memory_space<hbm>>
      tpu.wait_indirect_dma semaphore(%arg18 : memref<!tpu.dma_semaphore, #tpu.memory_space<semaphore_mem>>) src(%dma_wait3A_437 : memref<200000x256xf32, #tpu.memory_space<hbm>>) dst(%arg11 : memref<160x256xf32, #tpu.memory_space<vmem>>)
      %add3A_438 = arith.constant 352 : i32
      %add3A_439 = arith.addi %add3A, %add3A_438 : i32
      %mul3A_440 = arith.constant 160 : i32
      %mul3A_441 = arith.muli %add3A_439, %mul3A_440 : i32
      %dma_start3A_442 = arith.constant 0 : i32
      %dma_start3A_443 = tpu.memref_slice %arg4[%mul3A_441, %dma_start3A_442] : memref<100000x256xf32, #tpu.memory_space<hbm>> -> memref<160x256xf32, #tpu.memory_space<hbm>>
      %dma_start3A_444 = arith.constant 0 : i32
      %dma_start3A_445 = tpu.memref_slice %arg4[%mul3A_441, %dma_start3A_444] : memref<100000x256xf32, #tpu.memory_space<hbm>> -> memref<160x256xf32, #tpu.memory_space<hbm>>
      tpu.enqueue_dma source(%arg11 : memref<160x256xf32, #tpu.memory_space<vmem>>) target(%dma_start3A_445 : memref<160x256xf32, #tpu.memory_space<hbm>>) target_semaphore(%arg21 : memref<!tpu.dma_semaphore, #tpu.memory_space<semaphore_mem>>)
    } else {
    }
    %add3A_275 = arith.constant 416 : i32
    %add3A_276 = arith.addi %add3A, %add3A_275 : i32
    %lt3A_277 = arith.constant 625 : i32
    %lt3A_278 = arith.cmpi slt, %add3A_276, %lt3A_277 : i32
    %convert_element_type3A_279 = arith.extui %lt3A_278 : i1 to i32
    %cond3A_280 = arith.constant 0 : i32
    %cond3A_281 = arith.cmpi ne, %convert_element_type3A_279, %cond3A_280 : i32
    scf.if %cond3A_281 {
      %add3A_436 = arith.constant 416 : i32
      %add3A_437 = arith.addi %add3A, %add3A_436 : i32
      %mul3A_438 = arith.constant 160 : i32
      %mul3A_439 = arith.muli %add3A_437, %mul3A_438 : i32
      %dma_wait3A = tpu.memref_slice %arg3[%mul3A_439] : memref<100000xi32, #tpu.memory_space<hbm>> -> memref<160xi32, #tpu.memory_space<hbm>>
      %dma_wait3A_440 = tpu.memref_slice %arg3[%mul3A_439] : memref<100000xi32, #tpu.memory_space<hbm>> -> memref<160xi32, #tpu.memory_space<hbm>>
      tpu.wait_dma2 semaphore(%arg13 : memref<!tpu.dma_semaphore, #tpu.memory_space<semaphore_mem>>) src(%dma_wait3A_440 : memref<160xi32, #tpu.memory_space<hbm>>) dst(%arg6 : memref<160xi32, #tpu.memory_space<vmem>>)
      %add3A_441 = arith.constant 320 : i32
      %add3A_442 = arith.addi %add3A, %add3A_441 : i32
      %mul3A_443 = arith.constant 160 : i32
      %mul3A_444 = arith.muli %add3A_442, %mul3A_443 : i32
      %dma_wait3A_445 = arith.constant 0 : i32
      %dma_wait3A_446 = tpu.memref_slice %arg4[%mul3A_444, %dma_wait3A_445] : memref<100000x256xf32, #tpu.memory_space<hbm>> -> memref<160x256xf32, #tpu.memory_space<hbm>>
      %dma_wait3A_447 = arith.constant 0 : i32
      %dma_wait3A_448 = tpu.memref_slice %arg4[%mul3A_444, %dma_wait3A_447] : memref<100000x256xf32, #tpu.memory_space<hbm>> -> memref<160x256xf32, #tpu.memory_space<hbm>>
      tpu.wait_dma2 semaphore(%arg20 : memref<!tpu.dma_semaphore, #tpu.memory_space<semaphore_mem>>) src(%arg10 : memref<160x256xf32, #tpu.memory_space<vmem>>) dst(%dma_wait3A_448 : memref<160x256xf32, #tpu.memory_space<hbm>>)
      %dma_start3A_449 = arith.constant 0 : i32
      %dma_start3A_450 = arith.constant 0 : i32
      %dma_start3A_451 = tpu.memref_slice %arg2[%dma_start3A_449, %dma_start3A_450] : memref<200000x256xf32, #tpu.memory_space<hbm>> -> memref<200000x256xf32, #tpu.memory_space<hbm>>
      tpu.enqueue_indirect_dma source(%dma_start3A_451 : memref<200000x256xf32, #tpu.memory_space<hbm>>) target(%arg10 : memref<160x256xf32, #tpu.memory_space<vmem>>) offsets(%arg6 : memref<160xi32, #tpu.memory_space<vmem>>) semaphore(%arg17 : memref<!tpu.dma_semaphore, #tpu.memory_space<semaphore_mem>>)
    } else {
    }
    %add3A_282 = arith.constant 480 : i32
    %add3A_283 = arith.addi %add3A, %add3A_282 : i32
    %lt3A_284 = arith.constant 625 : i32
    %lt3A_285 = arith.cmpi slt, %add3A_283, %lt3A_284 : i32
    %convert_element_type3A_286 = arith.extui %lt3A_285 : i1 to i32
    %cond3A_287 = arith.constant 0 : i32
    %cond3A_288 = arith.cmpi ne, %convert_element_type3A_286, %cond3A_287 : i32
    scf.if %cond3A_288 {
      %add3A_436 = arith.constant 480 : i32
      %add3A_437 = arith.addi %add3A, %add3A_436 : i32
      %mul3A_438 = arith.constant 160 : i32
      %mul3A_439 = arith.muli %add3A_437, %mul3A_438 : i32
      %dma_start3A_440 = tpu.memref_slice %arg3[%mul3A_439] : memref<100000xi32, #tpu.memory_space<hbm>> -> memref<160xi32, #tpu.memory_space<hbm>>
      %dma_start3A_441 = tpu.memref_slice %arg3[%mul3A_439] : memref<100000xi32, #tpu.memory_space<hbm>> -> memref<160xi32, #tpu.memory_space<hbm>>
      tpu.enqueue_dma source(%dma_start3A_441 : memref<160xi32, #tpu.memory_space<hbm>>) target(%arg8 : memref<160xi32, #tpu.memory_space<vmem>>) target_semaphore(%arg15 : memref<!tpu.dma_semaphore, #tpu.memory_space<semaphore_mem>>)
    } else {
    }
    %add3A_289 = arith.constant 384 : i32
    %add3A_290 = arith.addi %add3A, %add3A_289 : i32
    %lt3A_291 = arith.constant 625 : i32
    %lt3A_292 = arith.cmpi slt, %add3A_290, %lt3A_291 : i32
    %convert_element_type3A_293 = arith.extui %lt3A_292 : i1 to i32
    %cond3A_294 = arith.constant 0 : i32
    %cond3A_295 = arith.cmpi ne, %convert_element_type3A_293, %cond3A_294 : i32
    scf.if %cond3A_295 {
      %dma_wait3A = arith.constant 0 : i32
      %dma_wait3A_436 = arith.constant 0 : i32
      %dma_wait3A_437 = tpu.memref_slice %arg2[%dma_wait3A, %dma_wait3A_436] : memref<200000x256xf32, #tpu.memory_space<hbm>> -> memref<200000x256xf32, #tpu.memory_space<hbm>>
      tpu.wait_indirect_dma semaphore(%arg16 : memref<!tpu.dma_semaphore, #tpu.memory_space<semaphore_mem>>) src(%dma_wait3A_437 : memref<200000x256xf32, #tpu.memory_space<hbm>>) dst(%arg9 : memref<160x256xf32, #tpu.memory_space<vmem>>)
      %add3A_438 = arith.constant 384 : i32
      %add3A_439 = arith.addi %add3A, %add3A_438 : i32
      %mul3A_440 = arith.constant 160 : i32
      %mul3A_441 = arith.muli %add3A_439, %mul3A_440 : i32
      %dma_start3A_442 = arith.constant 0 : i32
      %dma_start3A_443 = tpu.memref_slice %arg4[%mul3A_441, %dma_start3A_442] : memref<100000x256xf32, #tpu.memory_space<hbm>> -> memref<160x256xf32, #tpu.memory_space<hbm>>
      %dma_start3A_444 = arith.constant 0 : i32
      %dma_start3A_445 = tpu.memref_slice %arg4[%mul3A_441, %dma_start3A_444] : memref<100000x256xf32, #tpu.memory_space<hbm>> -> memref<160x256xf32, #tpu.memory_space<hbm>>
      tpu.enqueue_dma source(%arg9 : memref<160x256xf32, #tpu.memory_space<vmem>>) target(%dma_start3A_445 : memref<160x256xf32, #tpu.memory_space<hbm>>) target_semaphore(%arg19 : memref<!tpu.dma_semaphore, #tpu.memory_space<semaphore_mem>>)
    } else {
    }
    %add3A_296 = arith.constant 448 : i32
    %add3A_297 = arith.addi %add3A, %add3A_296 : i32
    %lt3A_298 = arith.constant 625 : i32
    %lt3A_299 = arith.cmpi slt, %add3A_297, %lt3A_298 : i32
    %convert_element_type3A_300 = arith.extui %lt3A_299 : i1 to i32
    %cond3A_301 = arith.constant 0 : i32
    %cond3A_302 = arith.cmpi ne, %convert_element_type3A_300, %cond3A_301 : i32
    scf.if %cond3A_302 {
      %add3A_436 = arith.constant 448 : i32
      %add3A_437 = arith.addi %add3A, %add3A_436 : i32
      %mul3A_438 = arith.constant 160 : i32
      %mul3A_439 = arith.muli %add3A_437, %mul3A_438 : i32
      %dma_wait3A = tpu.memref_slice %arg3[%mul3A_439] : memref<100000xi32, #tpu.memory_space<hbm>> -> memref<160xi32, #tpu.memory_space<hbm>>
      %dma_wait3A_440 = tpu.memref_slice %arg3[%mul3A_439] : memref<100000xi32, #tpu.memory_space<hbm>> -> memref<160xi32, #tpu.memory_space<hbm>>
      tpu.wait_dma2 semaphore(%arg14 : memref<!tpu.dma_semaphore, #tpu.memory_space<semaphore_mem>>) src(%dma_wait3A_440 : memref<160xi32, #tpu.memory_space<hbm>>) dst(%arg7 : memref<160xi32, #tpu.memory_space<vmem>>)
      %add3A_441 = arith.constant 352 : i32
      %add3A_442 = arith.addi %add3A, %add3A_441 : i32
      %mul3A_443 = arith.constant 160 : i32
      %mul3A_444 = arith.muli %add3A_442, %mul3A_443 : i32
      %dma_wait3A_445 = arith.constant 0 : i32
      %dma_wait3A_446 = tpu.memref_slice %arg4[%mul3A_444, %dma_wait3A_445] : memref<100000x256xf32, #tpu.memory_space<hbm>> -> memref<160x256xf32, #tpu.memory_space<hbm>>
      %dma_wait3A_447 = arith.constant 0 : i32
      %dma_wait3A_448 = tpu.memref_slice %arg4[%mul3A_444, %dma_wait3A_447] : memref<100000x256xf32, #tpu.memory_space<hbm>> -> memref<160x256xf32, #tpu.memory_space<hbm>>
      tpu.wait_dma2 semaphore(%arg21 : memref<!tpu.dma_semaphore, #tpu.memory_space<semaphore_mem>>) src(%arg11 : memref<160x256xf32, #tpu.memory_space<vmem>>) dst(%dma_wait3A_448 : memref<160x256xf32, #tpu.memory_space<hbm>>)
      %dma_start3A_449 = arith.constant 0 : i32
      %dma_start3A_450 = arith.constant 0 : i32
      %dma_start3A_451 = tpu.memref_slice %arg2[%dma_start3A_449, %dma_start3A_450] : memref<200000x256xf32, #tpu.memory_space<hbm>> -> memref<200000x256xf32, #tpu.memory_space<hbm>>
      tpu.enqueue_indirect_dma source(%dma_start3A_451 : memref<200000x256xf32, #tpu.memory_space<hbm>>) target(%arg11 : memref<160x256xf32, #tpu.memory_space<vmem>>) offsets(%arg7 : memref<160xi32, #tpu.memory_space<vmem>>) semaphore(%arg18 : memref<!tpu.dma_semaphore, #tpu.memory_space<semaphore_mem>>)
    } else {
    }
    %add3A_303 = arith.constant 512 : i32
    %add3A_304 = arith.addi %add3A, %add3A_303 : i32
    %lt3A_305 = arith.constant 625 : i32
    %lt3A_306 = arith.cmpi slt, %add3A_304, %lt3A_305 : i32
    %convert_element_type3A_307 = arith.extui %lt3A_306 : i1 to i32
    %cond3A_308 = arith.constant 0 : i32
    %cond3A_309 = arith.cmpi ne, %convert_element_type3A_307, %cond3A_308 : i32
    scf.if %cond3A_309 {
      %add3A_436 = arith.constant 512 : i32
      %add3A_437 = arith.addi %add3A, %add3A_436 : i32
      %mul3A_438 = arith.constant 160 : i32
      %mul3A_439 = arith.muli %add3A_437, %mul3A_438 : i32
      %dma_start3A_440 = tpu.memref_slice %arg3[%mul3A_439] : memref<100000xi32, #tpu.memory_space<hbm>> -> memref<160xi32, #tpu.memory_space<hbm>>
      %dma_start3A_441 = tpu.memref_slice %arg3[%mul3A_439] : memref<100000xi32, #tpu.memory_space<hbm>> -> memref<160xi32, #tpu.memory_space<hbm>>
      tpu.enqueue_dma source(%dma_start3A_441 : memref<160xi32, #tpu.memory_space<hbm>>) target(%arg5 : memref<160xi32, #tpu.memory_space<vmem>>) target_semaphore(%arg12 : memref<!tpu.dma_semaphore, #tpu.memory_space<semaphore_mem>>)
    } else {
    }
    %add3A_310 = arith.constant 416 : i32
    %add3A_311 = arith.addi %add3A, %add3A_310 : i32
    %lt3A_312 = arith.constant 625 : i32
    %lt3A_313 = arith.cmpi slt, %add3A_311, %lt3A_312 : i32
    %convert_element_type3A_314 = arith.extui %lt3A_313 : i1 to i32
    %cond3A_315 = arith.constant 0 : i32
    %cond3A_316 = arith.cmpi ne, %convert_element_type3A_314, %cond3A_315 : i32
    scf.if %cond3A_316 {
      %dma_wait3A = arith.constant 0 : i32
      %dma_wait3A_436 = arith.constant 0 : i32
      %dma_wait3A_437 = tpu.memref_slice %arg2[%dma_wait3A, %dma_wait3A_436] : memref<200000x256xf32, #tpu.memory_space<hbm>> -> memref<200000x256xf32, #tpu.memory_space<hbm>>
      tpu.wait_indirect_dma semaphore(%arg17 : memref<!tpu.dma_semaphore, #tpu.memory_space<semaphore_mem>>) src(%dma_wait3A_437 : memref<200000x256xf32, #tpu.memory_space<hbm>>) dst(%arg10 : memref<160x256xf32, #tpu.memory_space<vmem>>)
      %add3A_438 = arith.constant 416 : i32
      %add3A_439 = arith.addi %add3A, %add3A_438 : i32
      %mul3A_440 = arith.constant 160 : i32
      %mul3A_441 = arith.muli %add3A_439, %mul3A_440 : i32
      %dma_start3A_442 = arith.constant 0 : i32
      %dma_start3A_443 = tpu.memref_slice %arg4[%mul3A_441, %dma_start3A_442] : memref<100000x256xf32, #tpu.memory_space<hbm>> -> memref<160x256xf32, #tpu.memory_space<hbm>>
      %dma_start3A_444 = arith.constant 0 : i32
      %dma_start3A_445 = tpu.memref_slice %arg4[%mul3A_441, %dma_start3A_444] : memref<100000x256xf32, #tpu.memory_space<hbm>> -> memref<160x256xf32, #tpu.memory_space<hbm>>
      tpu.enqueue_dma source(%arg10 : memref<160x256xf32, #tpu.memory_space<vmem>>) target(%dma_start3A_445 : memref<160x256xf32, #tpu.memory_space<hbm>>) target_semaphore(%arg20 : memref<!tpu.dma_semaphore, #tpu.memory_space<semaphore_mem>>)
    } else {
    }
    %add3A_317 = arith.constant 480 : i32
    %add3A_318 = arith.addi %add3A, %add3A_317 : i32
    %lt3A_319 = arith.constant 625 : i32
    %lt3A_320 = arith.cmpi slt, %add3A_318, %lt3A_319 : i32
    %convert_element_type3A_321 = arith.extui %lt3A_320 : i1 to i32
    %cond3A_322 = arith.constant 0 : i32
    %cond3A_323 = arith.cmpi ne, %convert_element_type3A_321, %cond3A_322 : i32
    scf.if %cond3A_323 {
      %add3A_436 = arith.constant 480 : i32
      %add3A_437 = arith.addi %add3A, %add3A_436 : i32
      %mul3A_438 = arith.constant 160 : i32
      %mul3A_439 = arith.muli %add3A_437, %mul3A_438 : i32
      %dma_wait3A = tpu.memref_slice %arg3[%mul3A_439] : memref<100000xi32, #tpu.memory_space<hbm>> -> memref<160xi32, #tpu.memory_space<hbm>>
      %dma_wait3A_440 = tpu.memref_slice %arg3[%mul3A_439] : memref<100000xi32, #tpu.memory_space<hbm>> -> memref<160xi32, #tpu.memory_space<hbm>>
      tpu.wait_dma2 semaphore(%arg15 : memref<!tpu.dma_semaphore, #tpu.memory_space<semaphore_mem>>) src(%dma_wait3A_440 : memref<160xi32, #tpu.memory_space<hbm>>) dst(%arg8 : memref<160xi32, #tpu.memory_space<vmem>>)
      %add3A_441 = arith.constant 384 : i32
      %add3A_442 = arith.addi %add3A, %add3A_441 : i32
      %mul3A_443 = arith.constant 160 : i32
      %mul3A_444 = arith.muli %add3A_442, %mul3A_443 : i32
      %dma_wait3A_445 = arith.constant 0 : i32
      %dma_wait3A_446 = tpu.memref_slice %arg4[%mul3A_444, %dma_wait3A_445] : memref<100000x256xf32, #tpu.memory_space<hbm>> -> memref<160x256xf32, #tpu.memory_space<hbm>>
      %dma_wait3A_447 = arith.constant 0 : i32
      %dma_wait3A_448 = tpu.memref_slice %arg4[%mul3A_444, %dma_wait3A_447] : memref<100000x256xf32, #tpu.memory_space<hbm>> -> memref<160x256xf32, #tpu.memory_space<hbm>>
      tpu.wait_dma2 semaphore(%arg19 : memref<!tpu.dma_semaphore, #tpu.memory_space<semaphore_mem>>) src(%arg9 : memref<160x256xf32, #tpu.memory_space<vmem>>) dst(%dma_wait3A_448 : memref<160x256xf32, #tpu.memory_space<hbm>>)
      %dma_start3A_449 = arith.constant 0 : i32
      %dma_start3A_450 = arith.constant 0 : i32
      %dma_start3A_451 = tpu.memref_slice %arg2[%dma_start3A_449, %dma_start3A_450] : memref<200000x256xf32, #tpu.memory_space<hbm>> -> memref<200000x256xf32, #tpu.memory_space<hbm>>
      tpu.enqueue_indirect_dma source(%dma_start3A_451 : memref<200000x256xf32, #tpu.memory_space<hbm>>) target(%arg9 : memref<160x256xf32, #tpu.memory_space<vmem>>) offsets(%arg8 : memref<160xi32, #tpu.memory_space<vmem>>) semaphore(%arg16 : memref<!tpu.dma_semaphore, #tpu.memory_space<semaphore_mem>>)
    } else {
    }
    %add3A_324 = arith.constant 544 : i32
    %add3A_325 = arith.addi %add3A, %add3A_324 : i32
    %lt3A_326 = arith.constant 625 : i32
    %lt3A_327 = arith.cmpi slt, %add3A_325, %lt3A_326 : i32
    %convert_element_type3A_328 = arith.extui %lt3A_327 : i1 to i32
    %cond3A_329 = arith.constant 0 : i32
    %cond3A_330 = arith.cmpi ne, %convert_element_type3A_328, %cond3A_329 : i32
    scf.if %cond3A_330 {
      %add3A_436 = arith.constant 544 : i32
      %add3A_437 = arith.addi %add3A, %add3A_436 : i32
      %mul3A_438 = arith.constant 160 : i32
      %mul3A_439 = arith.muli %add3A_437, %mul3A_438 : i32
      %dma_start3A_440 = tpu.memref_slice %arg3[%mul3A_439] : memref<100000xi32, #tpu.memory_space<hbm>> -> memref<160xi32, #tpu.memory_space<hbm>>
      %dma_start3A_441 = tpu.memref_slice %arg3[%mul3A_439] : memref<100000xi32, #tpu.memory_space<hbm>> -> memref<160xi32, #tpu.memory_space<hbm>>
      tpu.enqueue_dma source(%dma_start3A_441 : memref<160xi32, #tpu.memory_space<hbm>>) target(%arg6 : memref<160xi32, #tpu.memory_space<vmem>>) target_semaphore(%arg13 : memref<!tpu.dma_semaphore, #tpu.memory_space<semaphore_mem>>)
    } else {
    }
    %add3A_331 = arith.constant 448 : i32
    %add3A_332 = arith.addi %add3A, %add3A_331 : i32
    %lt3A_333 = arith.constant 625 : i32
    %lt3A_334 = arith.cmpi slt, %add3A_332, %lt3A_333 : i32
    %convert_element_type3A_335 = arith.extui %lt3A_334 : i1 to i32
    %cond3A_336 = arith.constant 0 : i32
    %cond3A_337 = arith.cmpi ne, %convert_element_type3A_335, %cond3A_336 : i32
    scf.if %cond3A_337 {
      %dma_wait3A = arith.constant 0 : i32
      %dma_wait3A_436 = arith.constant 0 : i32
      %dma_wait3A_437 = tpu.memref_slice %arg2[%dma_wait3A, %dma_wait3A_436] : memref<200000x256xf32, #tpu.memory_space<hbm>> -> memref<200000x256xf32, #tpu.memory_space<hbm>>
      tpu.wait_indirect_dma semaphore(%arg18 : memref<!tpu.dma_semaphore, #tpu.memory_space<semaphore_mem>>) src(%dma_wait3A_437 : memref<200000x256xf32, #tpu.memory_space<hbm>>) dst(%arg11 : memref<160x256xf32, #tpu.memory_space<vmem>>)
      %add3A_438 = arith.constant 448 : i32
      %add3A_439 = arith.addi %add3A, %add3A_438 : i32
      %mul3A_440 = arith.constant 160 : i32
      %mul3A_441 = arith.muli %add3A_439, %mul3A_440 : i32
      %dma_start3A_442 = arith.constant 0 : i32
      %dma_start3A_443 = tpu.memref_slice %arg4[%mul3A_441, %dma_start3A_442] : memref<100000x256xf32, #tpu.memory_space<hbm>> -> memref<160x256xf32, #tpu.memory_space<hbm>>
      %dma_start3A_444 = arith.constant 0 : i32
      %dma_start3A_445 = tpu.memref_slice %arg4[%mul3A_441, %dma_start3A_444] : memref<100000x256xf32, #tpu.memory_space<hbm>> -> memref<160x256xf32, #tpu.memory_space<hbm>>
      tpu.enqueue_dma source(%arg11 : memref<160x256xf32, #tpu.memory_space<vmem>>) target(%dma_start3A_445 : memref<160x256xf32, #tpu.memory_space<hbm>>) target_semaphore(%arg21 : memref<!tpu.dma_semaphore, #tpu.memory_space<semaphore_mem>>)
    } else {
    }
    %add3A_338 = arith.constant 512 : i32
    %add3A_339 = arith.addi %add3A, %add3A_338 : i32
    %lt3A_340 = arith.constant 625 : i32
    %lt3A_341 = arith.cmpi slt, %add3A_339, %lt3A_340 : i32
    %convert_element_type3A_342 = arith.extui %lt3A_341 : i1 to i32
    %cond3A_343 = arith.constant 0 : i32
    %cond3A_344 = arith.cmpi ne, %convert_element_type3A_342, %cond3A_343 : i32
    scf.if %cond3A_344 {
      %add3A_436 = arith.constant 512 : i32
      %add3A_437 = arith.addi %add3A, %add3A_436 : i32
      %mul3A_438 = arith.constant 160 : i32
      %mul3A_439 = arith.muli %add3A_437, %mul3A_438 : i32
      %dma_wait3A = tpu.memref_slice %arg3[%mul3A_439] : memref<100000xi32, #tpu.memory_space<hbm>> -> memref<160xi32, #tpu.memory_space<hbm>>
      %dma_wait3A_440 = tpu.memref_slice %arg3[%mul3A_439] : memref<100000xi32, #tpu.memory_space<hbm>> -> memref<160xi32, #tpu.memory_space<hbm>>
      tpu.wait_dma2 semaphore(%arg12 : memref<!tpu.dma_semaphore, #tpu.memory_space<semaphore_mem>>) src(%dma_wait3A_440 : memref<160xi32, #tpu.memory_space<hbm>>) dst(%arg5 : memref<160xi32, #tpu.memory_space<vmem>>)
      %add3A_441 = arith.constant 416 : i32
      %add3A_442 = arith.addi %add3A, %add3A_441 : i32
      %mul3A_443 = arith.constant 160 : i32
      %mul3A_444 = arith.muli %add3A_442, %mul3A_443 : i32
      %dma_wait3A_445 = arith.constant 0 : i32
      %dma_wait3A_446 = tpu.memref_slice %arg4[%mul3A_444, %dma_wait3A_445] : memref<100000x256xf32, #tpu.memory_space<hbm>> -> memref<160x256xf32, #tpu.memory_space<hbm>>
      %dma_wait3A_447 = arith.constant 0 : i32
      %dma_wait3A_448 = tpu.memref_slice %arg4[%mul3A_444, %dma_wait3A_447] : memref<100000x256xf32, #tpu.memory_space<hbm>> -> memref<160x256xf32, #tpu.memory_space<hbm>>
      tpu.wait_dma2 semaphore(%arg20 : memref<!tpu.dma_semaphore, #tpu.memory_space<semaphore_mem>>) src(%arg10 : memref<160x256xf32, #tpu.memory_space<vmem>>) dst(%dma_wait3A_448 : memref<160x256xf32, #tpu.memory_space<hbm>>)
      %dma_start3A_449 = arith.constant 0 : i32
      %dma_start3A_450 = arith.constant 0 : i32
      %dma_start3A_451 = tpu.memref_slice %arg2[%dma_start3A_449, %dma_start3A_450] : memref<200000x256xf32, #tpu.memory_space<hbm>> -> memref<200000x256xf32, #tpu.memory_space<hbm>>
      tpu.enqueue_indirect_dma source(%dma_start3A_451 : memref<200000x256xf32, #tpu.memory_space<hbm>>) target(%arg10 : memref<160x256xf32, #tpu.memory_space<vmem>>) offsets(%arg5 : memref<160xi32, #tpu.memory_space<vmem>>) semaphore(%arg17 : memref<!tpu.dma_semaphore, #tpu.memory_space<semaphore_mem>>)
    } else {
    }
    %add3A_345 = arith.constant 576 : i32
    %add3A_346 = arith.addi %add3A, %add3A_345 : i32
    %lt3A_347 = arith.constant 625 : i32
    %lt3A_348 = arith.cmpi slt, %add3A_346, %lt3A_347 : i32
    %convert_element_type3A_349 = arith.extui %lt3A_348 : i1 to i32
    %cond3A_350 = arith.constant 0 : i32
    %cond3A_351 = arith.cmpi ne, %convert_element_type3A_349, %cond3A_350 : i32
    scf.if %cond3A_351 {
      %add3A_436 = arith.constant 576 : i32
      %add3A_437 = arith.addi %add3A, %add3A_436 : i32
      %mul3A_438 = arith.constant 160 : i32
      %mul3A_439 = arith.muli %add3A_437, %mul3A_438 : i32
      %dma_start3A_440 = tpu.memref_slice %arg3[%mul3A_439] : memref<100000xi32, #tpu.memory_space<hbm>> -> memref<160xi32, #tpu.memory_space<hbm>>
      %dma_start3A_441 = tpu.memref_slice %arg3[%mul3A_439] : memref<100000xi32, #tpu.memory_space<hbm>> -> memref<160xi32, #tpu.memory_space<hbm>>
      tpu.enqueue_dma source(%dma_start3A_441 : memref<160xi32, #tpu.memory_space<hbm>>) target(%arg7 : memref<160xi32, #tpu.memory_space<vmem>>) target_semaphore(%arg14 : memref<!tpu.dma_semaphore, #tpu.memory_space<semaphore_mem>>)
    } else {
    }
    %add3A_352 = arith.constant 480 : i32
    %add3A_353 = arith.addi %add3A, %add3A_352 : i32
    %lt3A_354 = arith.constant 625 : i32
    %lt3A_355 = arith.cmpi slt, %add3A_353, %lt3A_354 : i32
    %convert_element_type3A_356 = arith.extui %lt3A_355 : i1 to i32
    %cond3A_357 = arith.constant 0 : i32
    %cond3A_358 = arith.cmpi ne, %convert_element_type3A_356, %cond3A_357 : i32
    scf.if %cond3A_358 {
      %dma_wait3A = arith.constant 0 : i32
      %dma_wait3A_436 = arith.constant 0 : i32
      %dma_wait3A_437 = tpu.memref_slice %arg2[%dma_wait3A, %dma_wait3A_436] : memref<200000x256xf32, #tpu.memory_space<hbm>> -> memref<200000x256xf32, #tpu.memory_space<hbm>>
      tpu.wait_indirect_dma semaphore(%arg16 : memref<!tpu.dma_semaphore, #tpu.memory_space<semaphore_mem>>) src(%dma_wait3A_437 : memref<200000x256xf32, #tpu.memory_space<hbm>>) dst(%arg9 : memref<160x256xf32, #tpu.memory_space<vmem>>)
      %add3A_438 = arith.constant 480 : i32
      %add3A_439 = arith.addi %add3A, %add3A_438 : i32
      %mul3A_440 = arith.constant 160 : i32
      %mul3A_441 = arith.muli %add3A_439, %mul3A_440 : i32
      %dma_start3A_442 = arith.constant 0 : i32
      %dma_start3A_443 = tpu.memref_slice %arg4[%mul3A_441, %dma_start3A_442] : memref<100000x256xf32, #tpu.memory_space<hbm>> -> memref<160x256xf32, #tpu.memory_space<hbm>>
      %dma_start3A_444 = arith.constant 0 : i32
      %dma_start3A_445 = tpu.memref_slice %arg4[%mul3A_441, %dma_start3A_444] : memref<100000x256xf32, #tpu.memory_space<hbm>> -> memref<160x256xf32, #tpu.memory_space<hbm>>
      tpu.enqueue_dma source(%arg9 : memref<160x256xf32, #tpu.memory_space<vmem>>) target(%dma_start3A_445 : memref<160x256xf32, #tpu.memory_space<hbm>>) target_semaphore(%arg19 : memref<!tpu.dma_semaphore, #tpu.memory_space<semaphore_mem>>)
    } else {
    }
    %add3A_359 = arith.constant 544 : i32
    %add3A_360 = arith.addi %add3A, %add3A_359 : i32
    %lt3A_361 = arith.constant 625 : i32
    %lt3A_362 = arith.cmpi slt, %add3A_360, %lt3A_361 : i32
    %convert_element_type3A_363 = arith.extui %lt3A_362 : i1 to i32
    %cond3A_364 = arith.constant 0 : i32
    %cond3A_365 = arith.cmpi ne, %convert_element_type3A_363, %cond3A_364 : i32
    scf.if %cond3A_365 {
      %add3A_436 = arith.constant 544 : i32
      %add3A_437 = arith.addi %add3A, %add3A_436 : i32
      %mul3A_438 = arith.constant 160 : i32
      %mul3A_439 = arith.muli %add3A_437, %mul3A_438 : i32
      %dma_wait3A = tpu.memref_slice %arg3[%mul3A_439] : memref<100000xi32, #tpu.memory_space<hbm>> -> memref<160xi32, #tpu.memory_space<hbm>>
      %dma_wait3A_440 = tpu.memref_slice %arg3[%mul3A_439] : memref<100000xi32, #tpu.memory_space<hbm>> -> memref<160xi32, #tpu.memory_space<hbm>>
      tpu.wait_dma2 semaphore(%arg13 : memref<!tpu.dma_semaphore, #tpu.memory_space<semaphore_mem>>) src(%dma_wait3A_440 : memref<160xi32, #tpu.memory_space<hbm>>) dst(%arg6 : memref<160xi32, #tpu.memory_space<vmem>>)
      %add3A_441 = arith.constant 448 : i32
      %add3A_442 = arith.addi %add3A, %add3A_441 : i32
      %mul3A_443 = arith.constant 160 : i32
      %mul3A_444 = arith.muli %add3A_442, %mul3A_443 : i32
      %dma_wait3A_445 = arith.constant 0 : i32
      %dma_wait3A_446 = tpu.memref_slice %arg4[%mul3A_444, %dma_wait3A_445] : memref<100000x256xf32, #tpu.memory_space<hbm>> -> memref<160x256xf32, #tpu.memory_space<hbm>>
      %dma_wait3A_447 = arith.constant 0 : i32
      %dma_wait3A_448 = tpu.memref_slice %arg4[%mul3A_444, %dma_wait3A_447] : memref<100000x256xf32, #tpu.memory_space<hbm>> -> memref<160x256xf32, #tpu.memory_space<hbm>>
      tpu.wait_dma2 semaphore(%arg21 : memref<!tpu.dma_semaphore, #tpu.memory_space<semaphore_mem>>) src(%arg11 : memref<160x256xf32, #tpu.memory_space<vmem>>) dst(%dma_wait3A_448 : memref<160x256xf32, #tpu.memory_space<hbm>>)
      %dma_start3A_449 = arith.constant 0 : i32
      %dma_start3A_450 = arith.constant 0 : i32
      %dma_start3A_451 = tpu.memref_slice %arg2[%dma_start3A_449, %dma_start3A_450] : memref<200000x256xf32, #tpu.memory_space<hbm>> -> memref<200000x256xf32, #tpu.memory_space<hbm>>
      tpu.enqueue_indirect_dma source(%dma_start3A_451 : memref<200000x256xf32, #tpu.memory_space<hbm>>) target(%arg11 : memref<160x256xf32, #tpu.memory_space<vmem>>) offsets(%arg6 : memref<160xi32, #tpu.memory_space<vmem>>) semaphore(%arg18 : memref<!tpu.dma_semaphore, #tpu.memory_space<semaphore_mem>>)
    } else {
    }
    %add3A_366 = arith.constant 608 : i32
    %add3A_367 = arith.addi %add3A, %add3A_366 : i32
    %lt3A_368 = arith.constant 625 : i32
    %lt3A_369 = arith.cmpi slt, %add3A_367, %lt3A_368 : i32
    %convert_element_type3A_370 = arith.extui %lt3A_369 : i1 to i32
    %cond3A_371 = arith.constant 0 : i32
    %cond3A_372 = arith.cmpi ne, %convert_element_type3A_370, %cond3A_371 : i32
    scf.if %cond3A_372 {
      %add3A_436 = arith.constant 608 : i32
      %add3A_437 = arith.addi %add3A, %add3A_436 : i32
      %mul3A_438 = arith.constant 160 : i32
      %mul3A_439 = arith.muli %add3A_437, %mul3A_438 : i32
      %dma_start3A_440 = tpu.memref_slice %arg3[%mul3A_439] : memref<100000xi32, #tpu.memory_space<hbm>> -> memref<160xi32, #tpu.memory_space<hbm>>
      %dma_start3A_441 = tpu.memref_slice %arg3[%mul3A_439] : memref<100000xi32, #tpu.memory_space<hbm>> -> memref<160xi32, #tpu.memory_space<hbm>>
      tpu.enqueue_dma source(%dma_start3A_441 : memref<160xi32, #tpu.memory_space<hbm>>) target(%arg8 : memref<160xi32, #tpu.memory_space<vmem>>) target_semaphore(%arg15 : memref<!tpu.dma_semaphore, #tpu.memory_space<semaphore_mem>>)
    } else {
    }
    %add3A_373 = arith.constant 512 : i32
    %add3A_374 = arith.addi %add3A, %add3A_373 : i32
    %lt3A_375 = arith.constant 625 : i32
    %lt3A_376 = arith.cmpi slt, %add3A_374, %lt3A_375 : i32
    %convert_element_type3A_377 = arith.extui %lt3A_376 : i1 to i32
    %cond3A_378 = arith.constant 0 : i32
    %cond3A_379 = arith.cmpi ne, %convert_element_type3A_377, %cond3A_378 : i32
    scf.if %cond3A_379 {
      %dma_wait3A = arith.constant 0 : i32
      %dma_wait3A_436 = arith.constant 0 : i32
      %dma_wait3A_437 = tpu.memref_slice %arg2[%dma_wait3A, %dma_wait3A_436] : memref<200000x256xf32, #tpu.memory_space<hbm>> -> memref<200000x256xf32, #tpu.memory_space<hbm>>
      tpu.wait_indirect_dma semaphore(%arg17 : memref<!tpu.dma_semaphore, #tpu.memory_space<semaphore_mem>>) src(%dma_wait3A_437 : memref<200000x256xf32, #tpu.memory_space<hbm>>) dst(%arg10 : memref<160x256xf32, #tpu.memory_space<vmem>>)
      %add3A_438 = arith.constant 512 : i32
      %add3A_439 = arith.addi %add3A, %add3A_438 : i32
      %mul3A_440 = arith.constant 160 : i32
      %mul3A_441 = arith.muli %add3A_439, %mul3A_440 : i32
      %dma_start3A_442 = arith.constant 0 : i32
      %dma_start3A_443 = tpu.memref_slice %arg4[%mul3A_441, %dma_start3A_442] : memref<100000x256xf32, #tpu.memory_space<hbm>> -> memref<160x256xf32, #tpu.memory_space<hbm>>
      %dma_start3A_444 = arith.constant 0 : i32
      %dma_start3A_445 = tpu.memref_slice %arg4[%mul3A_441, %dma_start3A_444] : memref<100000x256xf32, #tpu.memory_space<hbm>> -> memref<160x256xf32, #tpu.memory_space<hbm>>
      tpu.enqueue_dma source(%arg10 : memref<160x256xf32, #tpu.memory_space<vmem>>) target(%dma_start3A_445 : memref<160x256xf32, #tpu.memory_space<hbm>>) target_semaphore(%arg20 : memref<!tpu.dma_semaphore, #tpu.memory_space<semaphore_mem>>)
    } else {
    }
    %add3A_380 = arith.constant 576 : i32
    %add3A_381 = arith.addi %add3A, %add3A_380 : i32
    %lt3A_382 = arith.constant 625 : i32
    %lt3A_383 = arith.cmpi slt, %add3A_381, %lt3A_382 : i32
    %convert_element_type3A_384 = arith.extui %lt3A_383 : i1 to i32
    %cond3A_385 = arith.constant 0 : i32
    %cond3A_386 = arith.cmpi ne, %convert_element_type3A_384, %cond3A_385 : i32
    scf.if %cond3A_386 {
      %add3A_436 = arith.constant 576 : i32
      %add3A_437 = arith.addi %add3A, %add3A_436 : i32
      %mul3A_438 = arith.constant 160 : i32
      %mul3A_439 = arith.muli %add3A_437, %mul3A_438 : i32
      %dma_wait3A = tpu.memref_slice %arg3[%mul3A_439] : memref<100000xi32, #tpu.memory_space<hbm>> -> memref<160xi32, #tpu.memory_space<hbm>>
      %dma_wait3A_440 = tpu.memref_slice %arg3[%mul3A_439] : memref<100000xi32, #tpu.memory_space<hbm>> -> memref<160xi32, #tpu.memory_space<hbm>>
      tpu.wait_dma2 semaphore(%arg14 : memref<!tpu.dma_semaphore, #tpu.memory_space<semaphore_mem>>) src(%dma_wait3A_440 : memref<160xi32, #tpu.memory_space<hbm>>) dst(%arg7 : memref<160xi32, #tpu.memory_space<vmem>>)
      %add3A_441 = arith.constant 480 : i32
      %add3A_442 = arith.addi %add3A, %add3A_441 : i32
      %mul3A_443 = arith.constant 160 : i32
      %mul3A_444 = arith.muli %add3A_442, %mul3A_443 : i32
      %dma_wait3A_445 = arith.constant 0 : i32
      %dma_wait3A_446 = tpu.memref_slice %arg4[%mul3A_444, %dma_wait3A_445] : memref<100000x256xf32, #tpu.memory_space<hbm>> -> memref<160x256xf32, #tpu.memory_space<hbm>>
      %dma_wait3A_447 = arith.constant 0 : i32
      %dma_wait3A_448 = tpu.memref_slice %arg4[%mul3A_444, %dma_wait3A_447] : memref<100000x256xf32, #tpu.memory_space<hbm>> -> memref<160x256xf32, #tpu.memory_space<hbm>>
      tpu.wait_dma2 semaphore(%arg19 : memref<!tpu.dma_semaphore, #tpu.memory_space<semaphore_mem>>) src(%arg9 : memref<160x256xf32, #tpu.memory_space<vmem>>) dst(%dma_wait3A_448 : memref<160x256xf32, #tpu.memory_space<hbm>>)
      %dma_start3A_449 = arith.constant 0 : i32
      %dma_start3A_450 = arith.constant 0 : i32
      %dma_start3A_451 = tpu.memref_slice %arg2[%dma_start3A_449, %dma_start3A_450] : memref<200000x256xf32, #tpu.memory_space<hbm>> -> memref<200000x256xf32, #tpu.memory_space<hbm>>
      tpu.enqueue_indirect_dma source(%dma_start3A_451 : memref<200000x256xf32, #tpu.memory_space<hbm>>) target(%arg9 : memref<160x256xf32, #tpu.memory_space<vmem>>) offsets(%arg7 : memref<160xi32, #tpu.memory_space<vmem>>) semaphore(%arg16 : memref<!tpu.dma_semaphore, #tpu.memory_space<semaphore_mem>>)
    } else {
    }
    %add3A_387 = arith.constant 544 : i32
    %add3A_388 = arith.addi %add3A, %add3A_387 : i32
    %lt3A_389 = arith.constant 625 : i32
    %lt3A_390 = arith.cmpi slt, %add3A_388, %lt3A_389 : i32
    %convert_element_type3A_391 = arith.extui %lt3A_390 : i1 to i32
    %cond3A_392 = arith.constant 0 : i32
    %cond3A_393 = arith.cmpi ne, %convert_element_type3A_391, %cond3A_392 : i32
    scf.if %cond3A_393 {
      %dma_wait3A = arith.constant 0 : i32
      %dma_wait3A_436 = arith.constant 0 : i32
      %dma_wait3A_437 = tpu.memref_slice %arg2[%dma_wait3A, %dma_wait3A_436] : memref<200000x256xf32, #tpu.memory_space<hbm>> -> memref<200000x256xf32, #tpu.memory_space<hbm>>
      tpu.wait_indirect_dma semaphore(%arg18 : memref<!tpu.dma_semaphore, #tpu.memory_space<semaphore_mem>>) src(%dma_wait3A_437 : memref<200000x256xf32, #tpu.memory_space<hbm>>) dst(%arg11 : memref<160x256xf32, #tpu.memory_space<vmem>>)
      %add3A_438 = arith.constant 544 : i32
      %add3A_439 = arith.addi %add3A, %add3A_438 : i32
      %mul3A_440 = arith.constant 160 : i32
      %mul3A_441 = arith.muli %add3A_439, %mul3A_440 : i32
      %dma_start3A_442 = arith.constant 0 : i32
      %dma_start3A_443 = tpu.memref_slice %arg4[%mul3A_441, %dma_start3A_442] : memref<100000x256xf32, #tpu.memory_space<hbm>> -> memref<160x256xf32, #tpu.memory_space<hbm>>
      %dma_start3A_444 = arith.constant 0 : i32
      %dma_start3A_445 = tpu.memref_slice %arg4[%mul3A_441, %dma_start3A_444] : memref<100000x256xf32, #tpu.memory_space<hbm>> -> memref<160x256xf32, #tpu.memory_space<hbm>>
      tpu.enqueue_dma source(%arg11 : memref<160x256xf32, #tpu.memory_space<vmem>>) target(%dma_start3A_445 : memref<160x256xf32, #tpu.memory_space<hbm>>) target_semaphore(%arg21 : memref<!tpu.dma_semaphore, #tpu.memory_space<semaphore_mem>>)
    } else {
    }
    %add3A_394 = arith.constant 608 : i32
    %add3A_395 = arith.addi %add3A, %add3A_394 : i32
    %lt3A_396 = arith.constant 625 : i32
    %lt3A_397 = arith.cmpi slt, %add3A_395, %lt3A_396 : i32
    %convert_element_type3A_398 = arith.extui %lt3A_397 : i1 to i32
    %cond3A_399 = arith.constant 0 : i32
    %cond3A_400 = arith.cmpi ne, %convert_element_type3A_398, %cond3A_399 : i32
    scf.if %cond3A_400 {
      %add3A_436 = arith.constant 608 : i32
      %add3A_437 = arith.addi %add3A, %add3A_436 : i32
      %mul3A_438 = arith.constant 160 : i32
      %mul3A_439 = arith.muli %add3A_437, %mul3A_438 : i32
      %dma_wait3A = tpu.memref_slice %arg3[%mul3A_439] : memref<100000xi32, #tpu.memory_space<hbm>> -> memref<160xi32, #tpu.memory_space<hbm>>
      %dma_wait3A_440 = tpu.memref_slice %arg3[%mul3A_439] : memref<100000xi32, #tpu.memory_space<hbm>> -> memref<160xi32, #tpu.memory_space<hbm>>
      tpu.wait_dma2 semaphore(%arg15 : memref<!tpu.dma_semaphore, #tpu.memory_space<semaphore_mem>>) src(%dma_wait3A_440 : memref<160xi32, #tpu.memory_space<hbm>>) dst(%arg8 : memref<160xi32, #tpu.memory_space<vmem>>)
      %add3A_441 = arith.constant 512 : i32
      %add3A_442 = arith.addi %add3A, %add3A_441 : i32
      %mul3A_443 = arith.constant 160 : i32
      %mul3A_444 = arith.muli %add3A_442, %mul3A_443 : i32
      %dma_wait3A_445 = arith.constant 0 : i32
      %dma_wait3A_446 = tpu.memref_slice %arg4[%mul3A_444, %dma_wait3A_445] : memref<100000x256xf32, #tpu.memory_space<hbm>> -> memref<160x256xf32, #tpu.memory_space<hbm>>
      %dma_wait3A_447 = arith.constant 0 : i32
      %dma_wait3A_448 = tpu.memref_slice %arg4[%mul3A_444, %dma_wait3A_447] : memref<100000x256xf32, #tpu.memory_space<hbm>> -> memref<160x256xf32, #tpu.memory_space<hbm>>
      tpu.wait_dma2 semaphore(%arg20 : memref<!tpu.dma_semaphore, #tpu.memory_space<semaphore_mem>>) src(%arg10 : memref<160x256xf32, #tpu.memory_space<vmem>>) dst(%dma_wait3A_448 : memref<160x256xf32, #tpu.memory_space<hbm>>)
      %dma_start3A_449 = arith.constant 0 : i32
      %dma_start3A_450 = arith.constant 0 : i32
      %dma_start3A_451 = tpu.memref_slice %arg2[%dma_start3A_449, %dma_start3A_450] : memref<200000x256xf32, #tpu.memory_space<hbm>> -> memref<200000x256xf32, #tpu.memory_space<hbm>>
      tpu.enqueue_indirect_dma source(%dma_start3A_451 : memref<200000x256xf32, #tpu.memory_space<hbm>>) target(%arg10 : memref<160x256xf32, #tpu.memory_space<vmem>>) offsets(%arg8 : memref<160xi32, #tpu.memory_space<vmem>>) semaphore(%arg17 : memref<!tpu.dma_semaphore, #tpu.memory_space<semaphore_mem>>)
    } else {
    }
    %add3A_401 = arith.constant 576 : i32
    %add3A_402 = arith.addi %add3A, %add3A_401 : i32
    %lt3A_403 = arith.constant 625 : i32
    %lt3A_404 = arith.cmpi slt, %add3A_402, %lt3A_403 : i32
    %convert_element_type3A_405 = arith.extui %lt3A_404 : i1 to i32
    %cond3A_406 = arith.constant 0 : i32
    %cond3A_407 = arith.cmpi ne, %convert_element_type3A_405, %cond3A_406 : i32
    scf.if %cond3A_407 {
      %dma_wait3A = arith.constant 0 : i32
      %dma_wait3A_436 = arith.constant 0 : i32
      %dma_wait3A_437 = tpu.memref_slice %arg2[%dma_wait3A, %dma_wait3A_436] : memref<200000x256xf32, #tpu.memory_space<hbm>> -> memref<200000x256xf32, #tpu.memory_space<hbm>>
      tpu.wait_indirect_dma semaphore(%arg16 : memref<!tpu.dma_semaphore, #tpu.memory_space<semaphore_mem>>) src(%dma_wait3A_437 : memref<200000x256xf32, #tpu.memory_space<hbm>>) dst(%arg9 : memref<160x256xf32, #tpu.memory_space<vmem>>)
      %add3A_438 = arith.constant 576 : i32
      %add3A_439 = arith.addi %add3A, %add3A_438 : i32
      %mul3A_440 = arith.constant 160 : i32
      %mul3A_441 = arith.muli %add3A_439, %mul3A_440 : i32
      %dma_start3A_442 = arith.constant 0 : i32
      %dma_start3A_443 = tpu.memref_slice %arg4[%mul3A_441, %dma_start3A_442] : memref<100000x256xf32, #tpu.memory_space<hbm>> -> memref<160x256xf32, #tpu.memory_space<hbm>>
      %dma_start3A_444 = arith.constant 0 : i32
      %dma_start3A_445 = tpu.memref_slice %arg4[%mul3A_441, %dma_start3A_444] : memref<100000x256xf32, #tpu.memory_space<hbm>> -> memref<160x256xf32, #tpu.memory_space<hbm>>
      tpu.enqueue_dma source(%arg9 : memref<160x256xf32, #tpu.memory_space<vmem>>) target(%dma_start3A_445 : memref<160x256xf32, #tpu.memory_space<hbm>>) target_semaphore(%arg19 : memref<!tpu.dma_semaphore, #tpu.memory_space<semaphore_mem>>)
    } else {
    }
    %add3A_408 = arith.constant 608 : i32
    %add3A_409 = arith.addi %add3A, %add3A_408 : i32
    %lt3A_410 = arith.constant 625 : i32
    %lt3A_411 = arith.cmpi slt, %add3A_409, %lt3A_410 : i32
    %convert_element_type3A_412 = arith.extui %lt3A_411 : i1 to i32
    %cond3A_413 = arith.constant 0 : i32
    %cond3A_414 = arith.cmpi ne, %convert_element_type3A_412, %cond3A_413 : i32
    scf.if %cond3A_414 {
      %dma_wait3A = arith.constant 0 : i32
      %dma_wait3A_436 = arith.constant 0 : i32
      %dma_wait3A_437 = tpu.memref_slice %arg2[%dma_wait3A, %dma_wait3A_436] : memref<200000x256xf32, #tpu.memory_space<hbm>> -> memref<200000x256xf32, #tpu.memory_space<hbm>>
      tpu.wait_indirect_dma semaphore(%arg17 : memref<!tpu.dma_semaphore, #tpu.memory_space<semaphore_mem>>) src(%dma_wait3A_437 : memref<200000x256xf32, #tpu.memory_space<hbm>>) dst(%arg10 : memref<160x256xf32, #tpu.memory_space<vmem>>)
      %add3A_438 = arith.constant 608 : i32
      %add3A_439 = arith.addi %add3A, %add3A_438 : i32
      %mul3A_440 = arith.constant 160 : i32
      %mul3A_441 = arith.muli %add3A_439, %mul3A_440 : i32
      %dma_start3A_442 = arith.constant 0 : i32
      %dma_start3A_443 = tpu.memref_slice %arg4[%mul3A_441, %dma_start3A_442] : memref<100000x256xf32, #tpu.memory_space<hbm>> -> memref<160x256xf32, #tpu.memory_space<hbm>>
      %dma_start3A_444 = arith.constant 0 : i32
      %dma_start3A_445 = tpu.memref_slice %arg4[%mul3A_441, %dma_start3A_444] : memref<100000x256xf32, #tpu.memory_space<hbm>> -> memref<160x256xf32, #tpu.memory_space<hbm>>
      tpu.enqueue_dma source(%arg10 : memref<160x256xf32, #tpu.memory_space<vmem>>) target(%dma_start3A_445 : memref<160x256xf32, #tpu.memory_space<hbm>>) target_semaphore(%arg20 : memref<!tpu.dma_semaphore, #tpu.memory_space<semaphore_mem>>)
    } else {
    }
    %add3A_415 = arith.constant 544 : i32
    %add3A_416 = arith.addi %add3A, %add3A_415 : i32
    %lt3A_417 = arith.constant 625 : i32
    %lt3A_418 = arith.cmpi slt, %add3A_416, %lt3A_417 : i32
    %convert_element_type3A_419 = arith.extui %lt3A_418 : i1 to i32
    %cond3A_420 = arith.constant 0 : i32
    %cond3A_421 = arith.cmpi ne, %convert_element_type3A_419, %cond3A_420 : i32
    scf.if %cond3A_421 {
      %add3A_436 = arith.constant 544 : i32
      %add3A_437 = arith.addi %add3A, %add3A_436 : i32
      %mul3A_438 = arith.constant 160 : i32
      %mul3A_439 = arith.muli %add3A_437, %mul3A_438 : i32
      %dma_wait3A = arith.constant 0 : i32
      %dma_wait3A_440 = tpu.memref_slice %arg4[%mul3A_439, %dma_wait3A] : memref<100000x256xf32, #tpu.memory_space<hbm>> -> memref<160x256xf32, #tpu.memory_space<hbm>>
      %dma_wait3A_441 = arith.constant 0 : i32
      %dma_wait3A_442 = tpu.memref_slice %arg4[%mul3A_439, %dma_wait3A_441] : memref<100000x256xf32, #tpu.memory_space<hbm>> -> memref<160x256xf32, #tpu.memory_space<hbm>>
      tpu.wait_dma2 semaphore(%arg21 : memref<!tpu.dma_semaphore, #tpu.memory_space<semaphore_mem>>) src(%arg11 : memref<160x256xf32, #tpu.memory_space<vmem>>) dst(%dma_wait3A_442 : memref<160x256xf32, #tpu.memory_space<hbm>>)
    } else {
    }
    %add3A_422 = arith.constant 576 : i32
    %add3A_423 = arith.addi %add3A, %add3A_422 : i32
    %lt3A_424 = arith.constant 625 : i32
    %lt3A_425 = arith.cmpi slt, %add3A_423, %lt3A_424 : i32
    %convert_element_type3A_426 = arith.extui %lt3A_425 : i1 to i32
    %cond3A_427 = arith.constant 0 : i32
    %cond3A_428 = arith.cmpi ne, %convert_element_type3A_426, %cond3A_427 : i32
    scf.if %cond3A_428 {
      %add3A_436 = arith.constant 576 : i32
      %add3A_437 = arith.addi %add3A, %add3A_436 : i32
      %mul3A_438 = arith.constant 160 : i32
      %mul3A_439 = arith.muli %add3A_437, %mul3A_438 : i32
      %dma_wait3A = arith.constant 0 : i32
      %dma_wait3A_440 = tpu.memref_slice %arg4[%mul3A_439, %dma_wait3A] : memref<100000x256xf32, #tpu.memory_space<hbm>> -> memref<160x256xf32, #tpu.memory_space<hbm>>
      %dma_wait3A_441 = arith.constant 0 : i32
      %dma_wait3A_442 = tpu.memref_slice %arg4[%mul3A_439, %dma_wait3A_441] : memref<100000x256xf32, #tpu.memory_space<hbm>> -> memref<160x256xf32, #tpu.memory_space<hbm>>
      tpu.wait_dma2 semaphore(%arg19 : memref<!tpu.dma_semaphore, #tpu.memory_space<semaphore_mem>>) src(%arg9 : memref<160x256xf32, #tpu.memory_space<vmem>>) dst(%dma_wait3A_442 : memref<160x256xf32, #tpu.memory_space<hbm>>)
    } else {
    }
    %add3A_429 = arith.constant 608 : i32
    %add3A_430 = arith.addi %add3A, %add3A_429 : i32
    %lt3A_431 = arith.constant 625 : i32
    %lt3A_432 = arith.cmpi slt, %add3A_430, %lt3A_431 : i32
    %convert_element_type3A_433 = arith.extui %lt3A_432 : i1 to i32
    %cond3A_434 = arith.constant 0 : i32
    %cond3A_435 = arith.cmpi ne, %convert_element_type3A_433, %cond3A_434 : i32
    scf.if %cond3A_435 {
      %add3A_436 = arith.constant 608 : i32
      %add3A_437 = arith.addi %add3A, %add3A_436 : i32
      %mul3A_438 = arith.constant 160 : i32
      %mul3A_439 = arith.muli %add3A_437, %mul3A_438 : i32
      %dma_wait3A = arith.constant 0 : i32
      %dma_wait3A_440 = tpu.memref_slice %arg4[%mul3A_439, %dma_wait3A] : memref<100000x256xf32, #tpu.memory_space<hbm>> -> memref<160x256xf32, #tpu.memory_space<hbm>>
      %dma_wait3A_441 = arith.constant 0 : i32
      %dma_wait3A_442 = tpu.memref_slice %arg4[%mul3A_439, %dma_wait3A_441] : memref<100000x256xf32, #tpu.memory_space<hbm>> -> memref<160x256xf32, #tpu.memory_space<hbm>>
      tpu.wait_dma2 semaphore(%arg20 : memref<!tpu.dma_semaphore, #tpu.memory_space<semaphore_mem>>) src(%arg10 : memref<160x256xf32, #tpu.memory_space<vmem>>) dst(%dma_wait3A_442 : memref<160x256xf32, #tpu.memory_space<hbm>>)
    } else {
    }
    return
  }
}

</mosaic_0001>

<sc_bundles>
// kernel: kernel.3.cloned.1.call-start
scs
__scs_entry_jumppad:
0x0: {  	(pc) =	sbr.rel $0x88, $3  }
0x1: {  	(tag) =	ssettag $0x0;
	lr =	simm.s32 $0x1  }
0x2: {  	[smem:$0x3F9E] =	sst lr;
	_ =	strace $0xD0000000  }
0x3: {  	_ = 	snop  }
0x4: {  	_ = 	snop  }
0x5: {  	_ = 	snop  }
0x6: {  	_ = 	snop  }
0x7: {  	_ = 	snop  }
__scs_overlays_trampoline_lowered:
0x8: {  	[smem:$0x3FAD] =	sst s0  }
0x9: {  	[smem:$0x3FAE] =	sst s1  }
0xa: {  	[smem:$0x3FAF] =	sst s2  }
0xb: {  	[smem:$0x3FB0] =	sst s3  }
0xc: {  	[smem:$0x3FB1] =	sst s4  }
0xd: {  	[smem:$0x3FB2] =	sst s5  }
0xe: {  	[smem:$0x3FB3] =	sst s6  }
0xf: {  	[smem:$0x3FB4] =	sst s7  }
0x10: {  	[smem:$0x3FB5] =	sst s8  }
0x11: {  	[smem:$0x3FB6] =	sst s9;
	s0 =	simm.s32 @!p0 $0x0  }
0x12: {  	s1 =	sld [smem:$0x3F9C];
	s0 =	simm.s32 @p0 $0x1  }
0x13: {  	[smem:$0x3FB7] =	sst s0;
	s0 =	simm.s32 @!p1 $0x0  }
0x14: {  	s2 =	sld [smem:$0x3F9B];
	s0 =	simm.s32 @p1 $0x1  }
0x15: {  	[smem:$0x3FB8] =	sst s0;
	s0 =	simm.s32 @!p2 $0x0  }
0x16: {  	s3 =	sld [smem:$0x3FDB];
	s0 =	simm.s32 @p2 $0x1  }
0x17: {  	s4 =	simm.s32 $0x1BF5;
	[smem:$0x3FBA] =	sst s0  }
0x18: {  	s0 =	sld [smem:$0x3F9D];
	_ =	swait.ge [sflag:s4], $0x0  }
0x19: {  	s7 =	sld [smem:$0x3F9E]  }
0x1a: {  	s8 =	sadd.s32 $0xFFFFE003, lr  }
0x1b: {  	s9 =	sadd.s32 $0xFFFFFEF7, lr;
	s5 =	simm.s32 $0xFFFFFFFF;
	p2 =	slt.u32 s8, $0xFFFFF086  }
0x1c: {  	p1 =	slt.u32 s9, $0xF7A;
	s5 =	simm.s32 @!p2 $0x0  }
0x1d: {  	s5 =	simm.s32 @p1 $0x1;
	p0 =	seq.s32 s7, s2  }
0x1e: {  	s7 =	smul.u32 @!p0 $0xF7A, s2;
	p2 =	seq.s32 @!p0 s5, $0x0  }
0x1f: {  	s9 =	smul.u32 $0xF7A, s1;
	s8 =	simm.s32 @!p0 $0x1BF5;
	p2 =	por !p2, p0  }
0x20: {  	[sflag:s8] =	ssyncset.s32 @!p0 $0xFFFFF086;
	s6 =	sadd.s32 @!p0 s3, s7;
	s7 =	simm.s32 @!p0 $0x108  }
0x21: {  	s3 =	sadd.s32 s3, s9;
	s6 =	sadd.s32 @!p0 $0x88, s6;
	s7 =	simm.s32 @p2 $0x1082  }
0x22: {  	[simem:s7], [sflag:s8] =	dma.local @!p0 [hbm:s6], $0xF7A  }
0x23: {  	s9 =	sor.u32 $0xD0000000, s2;
	s6 =	simm.s32 $0x108;
	_ =	swait.ge @!p0 [sflag:s8], $0x0  }
0x24: {  	s3 =	sadd.s32 $0x88, s3;
	s6 =	simm.s32 @!p1 $0x1082;
	[sflag:s4] =	ssyncset.s32 $0xFFFFF086  }
0x25: {  	[simem:s6], [sflag:s4] =	dma.local [hbm:s3], $0xF7A  }
0x26: {  	[smem:$0x3F9E] =	sst s1;
	(tag) =	ssettag s2;
	_ =	strace s9  }
0x27: {  	s1 =	sld [smem:$0x3FAE]  }
0x28: {  	s2 =	sld [smem:$0x3FAF]  }
0x29: {  	s4 =	sld [smem:$0x3FB1]  }
0x2a: {  	p0 =	seq.s32 s5, $0x0;
	s5 =	sld [smem:$0x3FB2]  }
0x2b: {  	s6 =	sld [smem:$0x3FB3]  }
0x2c: {  	s7 =	sld [smem:$0x3FB4]  }
0x2d: {  	s3 =	simm.s32 $0x108;
	s8 =	sld [smem:$0x3FB5]  }
0x2e: {  	s3 =	simm.s32 @!p0 $0x1082;
	s9 =	sld [smem:$0x3FB6]  }
0x2f: {  	lr =	sadd.s32 s0, s3;
	s0 =	sld [smem:$0x3FAD]  }
0x30: {  	s3 =	sld [smem:$0x3FB0]  }
0x31: {  	[smem:$0x3FB9] =	sst s10  }
0x32: {  	s10 =	sld [smem:$0x3FB7];
	_ =	sdelay $0x3  }
0x33: {  	p0 =	seq.s32 s10, $0x1;
	s10 =	sld [smem:$0x3FB9];
	_ =	sdelay $0x3  }
0x34: {  	[smem:$0x3FB9] =	sst s10  }
0x35: {  	s10 =	sld [smem:$0x3FB8];
	_ =	sdelay $0x3  }
0x36: {  	p1 =	seq.s32 s10, $0x1;
	s10 =	sld [smem:$0x3FB9];
	_ =	sdelay $0x3  }
0x37: {  	[smem:$0x3FB9] =	sst s10  }
0x38: {  	s10 =	sld [smem:$0x3FBA]  }
0x39: {  	_ = 	snop;
	(pc) =	sbr.ind lr, $3  }
0x3a: {  	_ = 	snop  }
0x3b: {  	_ = 	snop  }
0x3c: {  	p2 =	seq.s32 s10, $0x1;
	s10 =	sld [smem:$0x3FB9]  }
0x3d: {  	_ =	shalt  }
0x3e: {  	_ =	shalt  }
0x3f: {  	_ =	shalt  }
0x40: {  	_ =	shalt  }
0x41: {  	_ =	shalt  }
0x42: {  	_ =	shalt  }
0x43: {  	_ =	shalt  }
0x44: {  	_ =	shalt  }
0x45: {  	_ =	shalt  }
0x46: {  	_ =	shalt  }
0x47: {  	_ =	shalt  }
0x48: {  	_ =	shalt  }
0x49: {  	_ =	shalt  }
0x4a: {  	_ =	shalt  }
0x4b: {  	_ =	shalt  }
0x4c: {  	_ =	shalt  }
0x4d: {  	_ =	shalt  }
0x4e: {  	_ =	shalt  }
0x4f: {  	_ =	shalt  }
0x50: {  	_ =	shalt  }
0x51: {  	_ =	shalt  }
0x52: {  	_ =	shalt  }
0x53: {  	_ =	shalt  }
0x54: {  	_ =	shalt  }
0x55: {  	_ =	shalt  }
0x56: {  	_ =	shalt  }
0x57: {  	_ =	shalt  }
0x58: {  	_ =	shalt  }
0x59: {  	_ =	shalt  }
0x5a: {  	_ =	shalt  }
0x5b: {  	_ =	shalt  }
0x5c: {  	_ =	shalt  }
0x5d: {  	_ =	shalt  }
0x5e: {  	_ =	shalt  }
0x5f: {  	_ =	shalt  }
0x60: {  	_ =	shalt  }
0x61: {  	_ =	shalt  }
0x62: {  	_ =	shalt  }
0x63: {  	_ =	shalt  }
0x64: {  	_ =	shalt  }
0x65: {  	_ =	shalt  }
0x66: {  	_ =	shalt  }
0x67: {  	_ =	shalt  }
0x68: {  	_ =	shalt  }
0x69: {  	_ =	shalt  }
0x6a: {  	_ =	shalt  }
0x6b: {  	_ =	shalt  }
0x6c: {  	_ =	shalt  }
0x6d: {  	_ =	shalt  }
0x6e: {  	_ =	shalt  }
0x6f: {  	_ =	shalt  }
0x70: {  	_ =	shalt  }
0x71: {  	_ =	shalt  }
0x72: {  	_ =	shalt  }
0x73: {  	_ =	shalt  }
0x74: {  	_ =	shalt  }
0x75: {  	_ =	shalt  }
0x76: {  	_ =	shalt  }
0x77: {  	_ =	shalt  }
0x78: {  	_ =	shalt  }
0x79: {  	_ =	shalt  }
0x7a: {  	_ =	shalt  }
0x7b: {  	_ =	shalt  }
0x7c: {  	_ =	shalt  }
0x7d: {  	_ =	shalt  }
0x7e: {  	_ =	shalt  }
0x7f: {  	_ =	shalt  }
0x80: {  	_ =	shalt  }
0x81: {  	_ =	shalt  }
0x82: {  	_ =	shalt  }
0x83: {  	_ =	shalt  }
0x84: {  	_ =	shalt  }
0x85: {  	_ =	shalt  }
0x86: {  	_ =	shalt  }
0x87: {  	_ =	shalt  }
.Lfunc_end0:
.L_simem_size_0:
called_computation_lowered:
.L_overlay_start_0:
0x88: {  	s2 =	sld [smem:$0x3FD9]  }
0x89: {  	s3 =	sld [smem:$0x3FFE];
	_ =	sdelay $0x1  }
0x8a: {  	s1 =	srdreg.scid  }
0x8b: {  	s0 =	sand.u32 $0x1, s1  }
0x8c: {  	s15 =	sshll.u32 s0, $0xA;
	s2 =	sadd.s32 s3, s2  }
0x8d: {  	s2 =	sadd.s32 s2, s15  }
0x8e: {  	[smem:$0x3FC5] =	sst s2  }
0x8f: {  	_ = 	snop  }
0x90: {  	s2 =	sld [smem:$0x3FD0];
	_ =	sdelay $0x1  }
0x91: {  	s16 =	sld [smem:$0x3FC9]  }
0x92: {  	s5 =	simm.s32 $0xA;
	s6 =	simm.s32 $0x10;
	s4 =	sld [smem:$0x3FC8]  }
0x93: {  	[smem:s6], [sflag:s5] =	dma.local [hbm:s2], $0x1  }
0x94: {  	_ =	swait.eq [sflag:s5], $0x1  }
0x95: {  	[sflag:s5] =	ssyncset.done $0x0  }
0x96: {  	[sflag:s5] =	ssyncadd.s32 $0xFFFFFFFF  }
0x97: {  	s17 =	sld [smem:$0x10];
	(tm) =	ssettm $0x1  }
0x98: {  	s18 =	sld [smem:$0x3FFB];
	_ =	sdelay $0x3  }
0x99: {  	_ =	strace s18  }
0x9a: {  	s5 =	sld [smem:$0x3FFC];
	_ =	sdelay $0x3  }
0x9b: {  	_ =	strace s5  }
0x9c: {  	s5 =	sld [smem:$0x3FFD];
	_ =	sdelay $0x3  }
0x9d: {  	_ =	strace s5  }
0x9e: {  	_ =	strace $0x8FFFFFFF  }
0x9f: {  	s19 =	sld [smem:$0x3FDB];
	_ =	sdelay $0x1  }
0xa0: {  	s20 =	simm.s32 $_scs_section_size  }
0xa1: {  	s7 =	simm.s32 $_size__tile_overlayer_lowered;
	s8 =	simm.s32 $_tile_overlayer_lowered  }
0xa2: {  	s23 =	simm.s32 $0x1BFF;
	s22 =	sshll.u32 s8, $0x1;
	s5 =	sadd.s32 s20, s19  }
0xa3: {  	s9 =	simm.s32 $0x0;
	s21 =	sshll.u32 s7, $0x1;
	s7 =	sadd.s32 s22, s5  }
0xa4: {  	[timem:s9], [sflag:s23] =	dma.local [hbm:s7], s21  }
0xa5: {  	_ =	swait.ge [sflag:s23], s21  }
0xa6: {  	s6 =	ssub.s32 $0x0, s21;
	[sflag:s23] =	ssyncset.done $0x0  }
0xa7: {  	[sflag:s23] =	ssyncadd.s32 s6;
	_ =	sdelay $0x1  }
0xa8: {  	s24 =	simm.s32 $0x1B8B  }
0xa9: {  	_ =	swait.ge [sflag:s24], $0x1  }
0xaa: {  	[sflag:s24] =	ssyncset.done $0x0  }
0xab: {  	s25 =	simm.s32 $0x1B8E;
	[sflag:s24] =	ssyncadd.s32 $0xFFFFFFFF  }
0xac: {  	s26 =	simm.s32 $execute0_lowered;
	[smem:$0x3FD2] =	sst s25  }
0xad: {  	s6 =	sshll.u32 s26, $0x1;
	_ =	strace $0x80000046;
	[dreg:$0x1] =	wrdreg $0xFFFFFFFF  }
0xae: {  	s28 =	simm.s32 $_size_execute0_lowered;
	s5 =	sadd.s32 s5, s6;
	[dreg:$0x0] =	wrdreg $0x0  }
0xaf: {  	s6 =	sshll.u32 s28, $0x1;
	[dreg:$0x2] =	wrdreg s5  }
0xb0: {  	[dreg:$0x3] =	wrdreg s6  }
0xb1: {  	[dreg:$0x4] =	wrdreg $0xC0  }
0xb2: {  	_ =	task [dreg:s9], $0x5FFFF  }
0xb3: {  	[dreg:$0x1] =	wrdreg $0xFFFFFFFF  }
0xb4: {  	[dreg:$0x0] =	wrdreg $0x60  }
0xb5: {  	[dreg:$0x2] =	wrdreg s16  }
0xb6: {  	[dreg:$0x3] =	wrdreg s4  }
0xb7: {  	[dreg:$0x4] =	wrdreg s17  }
0xb8: {  	[dreg:$0x5] =	wrdreg $0x9  }
0xb9: {  	_ =	task.clear_ibuf [dreg:s9], $0x6FFFF;
	_ =	strace $0x90000046  }
0xba: {  	s29 =	simm.s32 $0x9;
	_ =	strace $0x80000048  }
0xbb: {  	_ =	swait.ge [sflag:s29], $0x1  }
0xbc: {  	[sflag:s29] =	ssyncadd.s32 $0xFFFFFFFF  }
0xbd: {  	_ =	strace $0x90000048  }
0xbe: {  	_ =	sfence  }
0xbf: {  	s30 =	sld [smem:$0x0];
	_ =	sdelay $0x2  }
0xc0: {  	s31 =	sshll.u32 s1, $0xD;
	s1 =	sshrl.u32 s1, $0x2  }
0xc1: {  	s3 =	sand.u32 $0x4000, s31;
	s1 =	sadd.s32 s1, s30  }
0xc2: {  	s0 =	sor.u32 s3, s0;
	s1 =	sshll.u32 s1, $0x11  }
0xc3: {  	s0 =	sor.u32 s1, s0  }
0xc4: {  	s0 =	sadd.s32 $0x8F2B, s0  }
0xc5: {  	[sflag:s0] =	ssyncadd.remote.s32 $0x1  }
0xc6: {  	_ =	sfence.sel $0xFFFF  }
0xc7: {  	[dreg:$0x0] =	wrdreg $0xFFFFFFFF;
	(pc) =	sbr.abs _section_cstart, $3  }
0xc8: {  	[dreg:$0x1] =	wrdreg $0xFFFFFFFF  }
0xc9: {  	_ =	task.clear_ibuf [dreg:s9], $0x2FFFF;
	_ =	strace $0x9FFFFFFF  }
0xca: {  	(tm) =	ssettm $0x7FFFFFFF  }
0xcb: {  	_ =	shalt  }
tec
execute0_lowered:
.L_overlay_start_1:
0x0: {  	(tag) =	ssettag $0x1  }
0x1: {  	s0 =	srdreg.scid;
	s2 =	stileid.u32  }
0x2: {  	s1 =	sand.u32 $0x1, s0;
	s29 =	sshll.u32 s2, $0x1  }
0x3: {  	s0 =	sor.u32 s1, s29  }
0x4: {  	s7 =	smul.u32 $0x14, s0;
	s30 =	sor.u32 $0x20, s0  }
0x5: {  	s3 =	sor.u32 $0x40, s0;
	s8 =	smul.u32 $0x14, s30  }
0x6: {  	s4 =	sor.u32 $0x60, s0;
	s9 =	smul.u32 $0x14, s3  }
0x7: {  	s5 =	sor.u32 $0x80, s0;
	s10 =	smul.u32 $0x14, s4  }
0x8: {  	s11 =	smul.u32 $0x14, s5  }
0x9: {  	s6 =	sor.u32 $0xA0, s0;
	s2 =	smul.u32 $0x1400, s30  }
0xa: {  	s23 =	rddreg [dreg:$0x1];
	s13 =	sor.u32 $0xC0, s0;
	s12 =	smul.u32 $0x14, s6  }
0xb: {  	s1 =	ssub.s32 $0x2, s1;
	s15 =	sor.u32 $0xE0, s0;
	s14 =	smul.u32 $0x14, s13  }
0xc: {  	s17 =	sor.u32 $0x100, s0;
	s19 =	sor.u32 $0x120, s0;
	s16 =	smul.u32 $0x14, s15  }
0xd: {  	s21 =	sshrl.u32 s1, $0x1;
	s22 =	sor.u32 $0x140, s0;
	s18 =	smul.u32 $0x14, s17  }
0xe: {  	s28 =	sor.u32 $0x260, s0;
	s20 =	smul.u32 $0x14, s19;
	s7 =	sadd.s32 s23, s7  }
0xf: {  	s1 =	ssub.s32 s1, s21;
	s31 =	smul.u32 $0x14, s22;
	[dreg:$0x4] =	wrdreg s7  }
0x10: {  	s8 =	sadd.s32 s23, s8;
	s7 =	smul.u32 $0x1400, s15;
	s9 =	sadd.s32 s23, s9  }
0x11: {  	s15 =	sadd.s32 s23, s10;
	s24 =	sadd.s32 s23, s11;
	[dreg:$0x5] =	wrdreg s8  }
0x12: {  	s10 =	smul.u32 $0x1400, s19;
	s25 =	sadd.s32 s23, s12;
	[dreg:$0x6] =	wrdreg s9  }
0x13: {  	s12 =	sor.u32 $0x180, s0;
	s14 =	sadd.s32 s23, s14;
	[dreg:$0x7] =	wrdreg s15  }
0x14: {  	s16 =	sadd.s32 s23, s16;
	s18 =	sadd.s32 s23, s18;
	[dreg:$0x8] =	wrdreg s24  }
0x15: {  	s19 =	sor.u32 $0x1E0, s0;
	s20 =	sadd.s32 s23, s20;
	[dreg:$0x9] =	wrdreg s25  }
0x16: {  	s21 =	sadd.s32 s23, s31;
	s8 =	smul.u32 $0x1400, s17;
	[dreg:$0xa] =	wrdreg s14  }
0x17: {  	s9 =	sor.u32 $0x160, s0;
	s14 =	smul.u32 $0x14, s12;
	[dreg:$0xb] =	wrdreg s16  }
0x18: {  	s15 =	sor.u32 $0x1A0, s0;
	s17 =	sor.u32 $0x1C0, s0;
	[dreg:$0xc] =	wrdreg s18  }
0x19: {  	[dreg:$0xd] =	wrdreg s20;
	s30 =	smul.u32 $0x14, s19;
	s24 =	sor.u32 $0x200, s0  }
0x1a: {  	[dreg:$0xe] =	wrdreg s21;
	s25 =	sor.u32 $0x220, s0;
	s21 =	simm.s32 $0x0  }
0x1b: {  	s26 =	smul.u32 $0x14, s9;
	[smem:$0x7FF] =	sst s21;
	s14 =	sadd.s32 s23, s14  }
0x1c: {  	s16 =	smul.u32 $0x14, s15;
	s30 =	sadd.s32 s23, s30;
	[dreg:$0x10] =	wrdreg s14  }
0x1d: {  	s29 =	smul.u32 $0x14, s17;
	s11 =	sadd.s32 s23, s26;
	[dreg:$0x13] =	wrdreg s30  }
0x1e: {  	s31 =	smul.u32 $0x14, s24;
	s16 =	sadd.s32 s23, s16;
	[dreg:$0xf] =	wrdreg s11  }
0x1f: {  	s18 =	sadd.s32 s23, s29;
	s29 =	smul.u32 $0x14, s28;
	[dreg:$0x11] =	wrdreg s16  }
0x20: {  	s26 =	sor.u32 $0x240, s0;
	s31 =	sadd.s32 s23, s31;
	[dreg:$0x12] =	wrdreg s18  }
0x21: {  	s11 =	smul.u32 $0x14, s25;
	[dreg:$0x14] =	wrdreg s31;
	s16 =	sadd.s32 s23, s29  }
0x22: {  	p0 =	sgt.u32 s0, $0x10;
	s14 =	smul.u32 $0x14, s26;
	[dreg:$0x17] =	wrdreg s16  }
0x23: {  	s18 =	smul.u32 $0x1400, s0;
	s11 =	sadd.s32 s23, s11;
	s16 =	rddreg [dreg:$0x2]  }
0x24: {  	s3 =	smul.u32 $0x1400, s3;
	s14 =	sadd.s32 s23, s14;
	[dreg:$0x15] =	wrdreg s11  }
0x25: {  	s4 =	smul.u32 $0x1400, s4;
	[dreg:$0x16] =	wrdreg s14;
	s11 =	sadd.s32 s16, s18  }
0x26: {  	s5 =	smul.u32 $0x1400, s5;
	s2 =	sadd.s32 s16, s2;
	[dreg:$0x18] =	wrdreg s11  }
0x27: {  	s20 =	smul.u32 $0x1400, s22;
	s22 =	sadd.s32 s16, s3;
	[dreg:$0x19] =	wrdreg s2  }
0x28: {  	s6 =	smul.u32 $0x1400, s6;
	s29 =	sadd.s32 s16, s4;
	[dreg:$0x1a] =	wrdreg s22  }
0x29: {  	s13 =	smul.u32 $0x1400, s13;
	s30 =	sadd.s32 s16, s5;
	[dreg:$0x1b] =	wrdreg s29  }
0x2a: {  	s9 =	smul.u32 $0x1400, s9;
	s5 =	sadd.s32 s16, s6;
	[dreg:$0x1c] =	wrdreg s30  }
0x2b: {  	s31 =	smul.u32 $0x1400, s15;
	s6 =	sadd.s32 s16, s13;
	[dreg:$0x1d] =	wrdreg s5  }
0x2c: {  	s23 =	smul.u32 $0x1400, s12;
	s12 =	sadd.s32 s16, s7;
	[dreg:$0x1e] =	wrdreg s6  }
0x2d: {  	s15 =	smul.u32 $0x1400, s19;
	s13 =	sadd.s32 s16, s8;
	[dreg:$0x1f] =	wrdreg s12  }
0x2e: {  	s19 =	smul.u32 $0x1400, s24;
	s18 =	sadd.s32 s16, s20;
	[smem:$0x7F2] =	sst s13  }
0x2f: {  	s24 =	smul.u32 $0x1400, s26;
	s20 =	sadd.s32 s16, s9;
	[smem:$0x7F4] =	sst s18  }
0x30: {  	s0 =	smax.u32 s1, $0x1;
	s3 =	sadd.s32 s16, s31;
	[smem:$0x7F5] =	sst s20  }
0x31: {  	s26 =	sadd.s32 s16, s19;
	s14 =	simm.s32 $0x400;
	[smem:$0x7F7] =	sst s3  }
0x32: {  	s4 =	simm.s32 $0x5;
	s9 =	simm.s32 $0x6;
	[smem:$0x7FA] =	sst s26  }
0x33: {  	s11 =	smul.u32 $0x1400, s17;
	s17 =	sadd.s32 s16, s10;
	s10 =	rddreg [dreg:$0x0]  }
0x34: {  	s2 =	sadd.s32 s16, s23;
	s22 =	smul.u32 $0x1400, s25;
	[smem:$0x7F3] =	sst s17  }
0x35: {  	s25 =	sadd.s32 s16, s15;
	s29 =	smul.u32 $0x1400, s28;
	[smem:$0x7F6] =	sst s2  }
0x36: {  	s30 =	sadd.s32 s16, s24;
	s12 =	simm.s32 $0xA400;
	[smem:$0x7F9] =	sst s25  }
.Ltmp0:
0x37: {  	[smem:$0x7FC] =	sst s30;
	s23 =	sadd.s32 s16, s11;
	(pc) =	sbr.rel .LBB2_1-.Ltmp0, $4  }
0x38: {  	s26 =	simm.s32 $0x4;
	s2 =	sadd.s32 s16, s22;
	[smem:$0x7F8] =	sst s23  }
0x39: {  	v2 =	vlaneseq.u32;
	s15 =	simm.s32 $0x8;
	s31 =	sadd.s32 s16, s29;
	[smem:$0x7FB] =	sst s2  }
0x3a: {  	vm0 =	vmmov $0xffff;
	v1 =	vshrl.u32 v2, $0x3;
	s28 =	simm.s32 $0x9;
	s18 =	simm.s32 $0x7;
	[smem:$0x7FD] =	sst s31  }
0x3b: {  	v0 =	vand.u32 $0x7, v2;
	v2 =	vor.u32 $0x8, v2;
	v1 =	vmul.u32 $0x8, v1;
	s17 =	simm.s32 $0x3;
	s16 =	simm.s32 $0xA;
	_ =	strace $0x80000047  }
.LBB2_3:
0x3c: {  	_ =	swait.ge [sflag:s4], $0xA000  }
0x3d: {  	s19 =	sld [smem:$0x7FC]  }
0x3e: {  	[sflag:s4] =	ssyncset.done $0x0  }
0x3f: {  	s0 =	sld [smem:$0x7F1];
	[sflag:s4] =	ssyncadd.s32 $0xFFFF6000  }
0x40: {  	[hbm4b:s19+s21] =	stream.linear.scatter [tilespmem:s14], [sflag:$0x8], $0xA000, $0x38;
	[tilespmem:$0x1E400] =	vst v63  }
.LBB2_4:
0x41: {  	_ =	swait.ge [sflag:s16], $0xA000  }
0x42: {  	[sflag:s16] =	ssyncset.done $0x0  }
0x43: {  	s0 =	sadd.s32 $0xFFFFFFFF, s0;
	[sflag:s16] =	ssyncadd.s32 $0xFFFF6000  }
0x44: {  	p1 =	sne.s32 s0, $0x0;
	_ =	swait.ge [sflag:s15], $0xA000  }
.Ltmp1:
0x45: {  	[sflag:s15] =	ssyncset.done $0x0;
	(pc) =	sbr.rel @!p1 .LBB2_5-.Ltmp1, $4  }
0x46: {  	s19 =	simm.s32 @!p0 $0x9;
	[sflag:s15] =	ssyncadd.s32 $0xFFFF6000  }
0x47: {  	_ =	swait.ge @!p0 [sflag:s19], $0xA000  }
0x48: {  	[sflag:s19] =	ssyncset.done @!p0 $0x0  }
0x49: {  	[sflag:s19] =	ssyncadd.s32 @!p0 $0xFFFF6000  }
.LBB2_1:
0x4a: {  	[smem:$0x7F1] =	sst s0  }
0x4b: {  	s19 =	rddreg [dreg:$0x4]  }
0x4c: {  	[tilespmem:s21], [sflag:$0x1] =	stream.linear.gather [hbm4b:s19+s21], $0xA0, $0x38;
	[tilespmem:$0x1E400] =	vst v63  }
0x4d: {  	s25 =	rddreg [dreg:$0x5];
	s29 =	simm.s32 $0x100;
	s5 =	simm.s32 $0x1  }
0x4e: {  	[tilespmem:s29], [sflag:$0x2] =	stream.linear.gather [hbm4b:s25+s21], $0xA0, $0x38;
	[tilespmem:$0x1E400] =	vst v63  }
0x4f: {  	_ =	swait.ge [sflag:s5], $0xA0  }
0x50: {  	[sflag:s5] =	ssyncset.done $0x0  }
0x51: {  	[sflag:s5] =	ssyncadd.s32 $0xFFFFFF60  }
0x52: {  	v3 =	vld [tilespmem:$0x0];
	_ =	sdelay $0x4  }
0x53: {  	v4 =	vshll.u32 v3, $0x1  }
0x54: {  	v3 =	vand.u32 $0x7, v3;
	v4 =	vand.u32 $0xFFFFFFF0, v4  }
0x55: {  	v3 =	vor.u32 v3, v4  }
0x56: {  	v4 =	vperm.xlane v3, v0;
	_ =	sdelay $0x1  }
0x57: {  	v3 =	vperm.xlane v3, v2;
	v4 =	vadd.s32 v1, v4;
	_ =	sdelay $0x1  }
0x58: {  	v3 =	vadd.s32 v1, v3;
	_ =	sdelay $0x2  }
0x59: {  	[tilespmem:s14], [sflag:$0x5] =	stream.indirect_vreg.gather [hbm4b:s10+s21], $0x80, v4, vm0, $0xb8;
	[tilespmem:$0x1E400] =	vst v63  }
0x5a: {  	s30 =	simm.s32 $0xC00  }
0x5b: {  	[tilespmem:s30], [sflag:$0x5] =	stream.indirect_vreg.gather [hbm4b:s10+s21], $0x80, v3, vm0, $0xb8;
	[tilespmem:$0x1E400] =	vst v63  }
0x5c: {  	v3 =	vld [tilespmem:$0x10];
	_ =	sdelay $0x4  }
0x5d: {  	v43 =	vshll.u32 v3, $0x1  }
0x5e: {  	v3 =	vand.u32 $0x7, v3;
	v4 =	vand.u32 $0xFFFFFFF0, v43  }
0x5f: {  	v3 =	vor.u32 v3, v4  }
0x60: {  	v4 =	vperm.xlane v3, v0;
	_ =	sdelay $0x1  }
0x61: {  	v3 =	vperm.xlane v3, v2;
	v4 =	vadd.s32 v1, v4;
	_ =	sdelay $0x1  }
0x62: {  	v3 =	vadd.s32 v1, v3;
	_ =	sdelay $0x1  }
0x63: {  	s31 =	simm.s32 $0x1400  }
0x64: {  	[tilespmem:s31], [sflag:$0x5] =	stream.indirect_vreg.gather [hbm4b:s10+s21], $0x80, v4, vm0, $0xb8;
	[tilespmem:$0x1E400] =	vst v63  }
0x65: {  	s2 =	simm.s32 $0x1C00  }
0x66: {  	[tilespmem:s2], [sflag:$0x5] =	stream.indirect_vreg.gather [hbm4b:s10+s21], $0x80, v3, vm0, $0xb8;
	[tilespmem:$0x1E400] =	vst v63  }
0x67: {  	v3 =	vld [tilespmem:$0x20];
	_ =	sdelay $0x4  }
0x68: {  	v44 =	vshll.u32 v3, $0x1  }
0x69: {  	v3 =	vand.u32 $0x7, v3;
	v4 =	vand.u32 $0xFFFFFFF0, v44  }
0x6a: {  	v3 =	vor.u32 v3, v4  }
0x6b: {  	v4 =	vperm.xlane v3, v0;
	_ =	sdelay $0x1  }
0x6c: {  	v3 =	vperm.xlane v3, v2;
	v4 =	vadd.s32 v1, v4;
	_ =	sdelay $0x1  }
0x6d: {  	v3 =	vadd.s32 v1, v3;
	_ =	sdelay $0x1  }
0x6e: {  	s3 =	simm.s32 $0x2400  }
0x6f: {  	[tilespmem:s3], [sflag:$0x5] =	stream.indirect_vreg.gather [hbm4b:s10+s21], $0x80, v4, vm0, $0xb8;
	[tilespmem:$0x1E400] =	vst v63  }
0x70: {  	s6 =	simm.s32 $0x2C00  }
0x71: {  	[tilespmem:s6], [sflag:$0x5] =	stream.indirect_vreg.gather [hbm4b:s10+s21], $0x80, v3, vm0, $0xb8;
	[tilespmem:$0x1E400] =	vst v63  }
0x72: {  	v3 =	vld [tilespmem:$0x30];
	_ =	sdelay $0x4  }
0x73: {  	v45 =	vshll.u32 v3, $0x1  }
0x74: {  	v3 =	vand.u32 $0x7, v3;
	v4 =	vand.u32 $0xFFFFFFF0, v45  }
0x75: {  	v3 =	vor.u32 v3, v4  }
0x76: {  	v4 =	vperm.xlane v3, v0;
	_ =	sdelay $0x1  }
0x77: {  	v3 =	vperm.xlane v3, v2;
	v4 =	vadd.s32 v1, v4;
	_ =	sdelay $0x1  }
0x78: {  	v3 =	vadd.s32 v1, v3;
	_ =	sdelay $0x1  }
0x79: {  	s7 =	simm.s32 $0x3400  }
0x7a: {  	[tilespmem:s7], [sflag:$0x5] =	stream.indirect_vreg.gather [hbm4b:s10+s21], $0x80, v4, vm0, $0xb8;
	[tilespmem:$0x1E400] =	vst v63  }
0x7b: {  	s8 =	simm.s32 $0x3C00  }
0x7c: {  	[tilespmem:s8], [sflag:$0x5] =	stream.indirect_vreg.gather [hbm4b:s10+s21], $0x80, v3, vm0, $0xb8;
	[tilespmem:$0x1E400] =	vst v63  }
0x7d: {  	v3 =	vld [tilespmem:$0x40];
	_ =	sdelay $0x4  }
0x7e: {  	v46 =	vshll.u32 v3, $0x1  }
0x7f: {  	v3 =	vand.u32 $0x7, v3;
	v4 =	vand.u32 $0xFFFFFFF0, v46  }
0x80: {  	v3 =	vor.u32 v3, v4  }
0x81: {  	v4 =	vperm.xlane v3, v0;
	_ =	sdelay $0x1  }
0x82: {  	v3 =	vperm.xlane v3, v2;
	v4 =	vadd.s32 v1, v4;
	_ =	sdelay $0x1  }
0x83: {  	v3 =	vadd.s32 v1, v3;
	_ =	sdelay $0x1  }
0x84: {  	s11 =	simm.s32 $0x4400  }
0x85: {  	[tilespmem:s11], [sflag:$0x5] =	stream.indirect_vreg.gather [hbm4b:s10+s21], $0x80, v4, vm0, $0xb8;
	[tilespmem:$0x1E400] =	vst v63  }
0x86: {  	s13 =	simm.s32 $0x4C00  }
0x87: {  	[tilespmem:s13], [sflag:$0x5] =	stream.indirect_vreg.gather [hbm4b:s10+s21], $0x80, v3, vm0, $0xb8;
	[tilespmem:$0x1E400] =	vst v63  }
0x88: {  	v3 =	vld [tilespmem:$0x50];
	_ =	sdelay $0x4  }
0x89: {  	v47 =	vshll.u32 v3, $0x1  }
0x8a: {  	v3 =	vand.u32 $0x7, v3;
	v4 =	vand.u32 $0xFFFFFFF0, v47  }
0x8b: {  	v3 =	vor.u32 v3, v4  }
0x8c: {  	v4 =	vperm.xlane v3, v0;
	_ =	sdelay $0x1  }
0x8d: {  	v3 =	vperm.xlane v3, v2;
	v4 =	vadd.s32 v1, v4;
	_ =	sdelay $0x1  }
0x8e: {  	v3 =	vadd.s32 v1, v3;
	_ =	sdelay $0x1  }
0x8f: {  	s19 =	simm.s32 $0x5400  }
0x90: {  	[tilespmem:s19], [sflag:$0x5] =	stream.indirect_vreg.gather [hbm4b:s10+s21], $0x80, v4, vm0, $0xb8;
	[tilespmem:$0x1E400] =	vst v63  }
0x91: {  	s20 =	simm.s32 $0x5C00  }
0x92: {  	[tilespmem:s20], [sflag:$0x5] =	stream.indirect_vreg.gather [hbm4b:s10+s21], $0x80, v3, vm0, $0xb8;
	[tilespmem:$0x1E400] =	vst v63  }
0x93: {  	v3 =	vld [tilespmem:$0x60];
	_ =	sdelay $0x4  }
0x94: {  	v48 =	vshll.u32 v3, $0x1  }
0x95: {  	v3 =	vand.u32 $0x7, v3;
	v4 =	vand.u32 $0xFFFFFFF0, v48  }
0x96: {  	v3 =	vor.u32 v3, v4  }
0x97: {  	v4 =	vperm.xlane v3, v0;
	_ =	sdelay $0x1  }
0x98: {  	v3 =	vperm.xlane v3, v2;
	v4 =	vadd.s32 v1, v4;
	_ =	sdelay $0x1  }
0x99: {  	v3 =	vadd.s32 v1, v3;
	_ =	sdelay $0x1  }
0x9a: {  	s22 =	simm.s32 $0x6400  }
0x9b: {  	[tilespmem:s22], [sflag:$0x5] =	stream.indirect_vreg.gather [hbm4b:s10+s21], $0x80, v4, vm0, $0xb8;
	[tilespmem:$0x1E400] =	vst v63  }
0x9c: {  	s25 =	simm.s32 $0x6C00  }
0x9d: {  	[tilespmem:s25], [sflag:$0x5] =	stream.indirect_vreg.gather [hbm4b:s10+s21], $0x80, v3, vm0, $0xb8;
	[tilespmem:$0x1E400] =	vst v63  }
0x9e: {  	v3 =	vld [tilespmem:$0x70];
	_ =	sdelay $0x4  }
0x9f: {  	v49 =	vshll.u32 v3, $0x1  }
0xa0: {  	v3 =	vand.u32 $0x7, v3;
	v4 =	vand.u32 $0xFFFFFFF0, v49  }
0xa1: {  	v3 =	vor.u32 v3, v4  }
0xa2: {  	v4 =	vperm.xlane v3, v0;
	_ =	sdelay $0x1  }
0xa3: {  	v3 =	vperm.xlane v3, v2;
	v4 =	vadd.s32 v1, v4;
	_ =	sdelay $0x1  }
0xa4: {  	v3 =	vadd.s32 v1, v3;
	_ =	sdelay $0x1  }
0xa5: {  	s29 =	simm.s32 $0x7400  }
0xa6: {  	[tilespmem:s29], [sflag:$0x5] =	stream.indirect_vreg.gather [hbm4b:s10+s21], $0x80, v4, vm0, $0xb8;
	[tilespmem:$0x1E400] =	vst v63  }
0xa7: {  	s30 =	simm.s32 $0x7C00  }
0xa8: {  	[tilespmem:s30], [sflag:$0x5] =	stream.indirect_vreg.gather [hbm4b:s10+s21], $0x80, v3, vm0, $0xb8;
	[tilespmem:$0x1E400] =	vst v63  }
0xa9: {  	v3 =	vld [tilespmem:$0x80];
	_ =	sdelay $0x4  }
0xaa: {  	v50 =	vshll.u32 v3, $0x1  }
0xab: {  	v3 =	vand.u32 $0x7, v3;
	v4 =	vand.u32 $0xFFFFFFF0, v50  }
0xac: {  	v3 =	vor.u32 v3, v4  }
0xad: {  	v4 =	vperm.xlane v3, v0;
	_ =	sdelay $0x1  }
0xae: {  	v3 =	vperm.xlane v3, v2;
	v4 =	vadd.s32 v1, v4;
	_ =	sdelay $0x1  }
0xaf: {  	v3 =	vadd.s32 v1, v3;
	_ =	sdelay $0x1  }
0xb0: {  	s31 =	simm.s32 $0x8400  }
0xb1: {  	[tilespmem:s31], [sflag:$0x5] =	stream.indirect_vreg.gather [hbm4b:s10+s21], $0x80, v4, vm0, $0xb8;
	[tilespmem:$0x1E400] =	vst v63  }
0xb2: {  	s6 =	simm.s32 $0x8C00  }
0xb3: {  	[tilespmem:s6], [sflag:$0x5] =	stream.indirect_vreg.gather [hbm4b:s10+s21], $0x80, v3, vm0, $0xb8;
	[tilespmem:$0x1E400] =	vst v63  }
0xb4: {  	v3 =	vld [tilespmem:$0x90];
	_ =	sdelay $0x4  }
0xb5: {  	v51 =	vshll.u32 v3, $0x1  }
0xb6: {  	v3 =	vand.u32 $0x7, v3;
	v4 =	vand.u32 $0xFFFFFFF0, v51  }
0xb7: {  	v3 =	vor.u32 v3, v4  }
0xb8: {  	v4 =	vperm.xlane v3, v0;
	_ =	sdelay $0x1  }
0xb9: {  	v3 =	vperm.xlane v3, v2;
	v4 =	vadd.s32 v1, v4;
	_ =	sdelay $0x1  }
0xba: {  	v3 =	vadd.s32 v1, v3;
	_ =	sdelay $0x1  }
0xbb: {  	s7 =	simm.s32 $0x9400  }
0xbc: {  	[tilespmem:s7], [sflag:$0x5] =	stream.indirect_vreg.gather [hbm4b:s10+s21], $0x80, v4, vm0, $0xb8;
	[tilespmem:$0x1E400] =	vst v63  }
0xbd: {  	s11 =	simm.s32 $0x9C00  }
0xbe: {  	[tilespmem:s11], [sflag:$0x5] =	stream.indirect_vreg.gather [hbm4b:s10+s21], $0x80, v3, vm0, $0xb8;
	[tilespmem:$0x1E400] =	vst v63  }
0xbf: {  	s13 =	rddreg [dreg:$0x6];
	s20 =	simm.s32 $0x200;
	s7 =	simm.s32 $0x2  }
0xc0: {  	[tilespmem:s20], [sflag:$0x3] =	stream.linear.gather [hbm4b:s13+s21], $0xA0, $0x38;
	[tilespmem:$0x1E400] =	vst v63  }
0xc1: {  	_ =	swait.ge [sflag:s7], $0xA0  }
0xc2: {  	[sflag:s7] =	ssyncset.done $0x0  }
0xc3: {  	[sflag:s7] =	ssyncadd.s32 $0xFFFFFF60  }
0xc4: {  	v3 =	vld [tilespmem:$0x100];
	_ =	sdelay $0x4  }
0xc5: {  	v52 =	vshll.u32 v3, $0x1  }
0xc6: {  	v3 =	vand.u32 $0x7, v3;
	v4 =	vand.u32 $0xFFFFFFF0, v52  }
0xc7: {  	v3 =	vor.u32 v3, v4  }
0xc8: {  	v4 =	vperm.xlane v3, v0;
	_ =	sdelay $0x1  }
0xc9: {  	v3 =	vperm.xlane v3, v2;
	v4 =	vadd.s32 v1, v4;
	_ =	sdelay $0x1  }
0xca: {  	v3 =	vadd.s32 v1, v3;
	_ =	sdelay $0x2  }
0xcb: {  	[tilespmem:s12], [sflag:$0x6] =	stream.indirect_vreg.gather [hbm4b:s10+s21], $0x80, v4, vm0, $0xb8;
	[tilespmem:$0x1E400] =	vst v63  }
0xcc: {  	s22 =	simm.s32 $0xAC00  }
0xcd: {  	[tilespmem:s22], [sflag:$0x6] =	stream.indirect_vreg.gather [hbm4b:s10+s21], $0x80, v3, vm0, $0xb8;
	[tilespmem:$0x1E400] =	vst v63  }
0xce: {  	v3 =	vld [tilespmem:$0x110];
	_ =	sdelay $0x4  }
0xcf: {  	v53 =	vshll.u32 v3, $0x1  }
0xd0: {  	v3 =	vand.u32 $0x7, v3;
	v4 =	vand.u32 $0xFFFFFFF0, v53  }
0xd1: {  	v3 =	vor.u32 v3, v4  }
0xd2: {  	v4 =	vperm.xlane v3, v0;
	_ =	sdelay $0x1  }
0xd3: {  	v3 =	vperm.xlane v3, v2;
	v4 =	vadd.s32 v1, v4;
	_ =	sdelay $0x1  }
0xd4: {  	v3 =	vadd.s32 v1, v3;
	_ =	sdelay $0x1  }
0xd5: {  	s25 =	simm.s32 $0xB400  }
0xd6: {  	[tilespmem:s25], [sflag:$0x6] =	stream.indirect_vreg.gather [hbm4b:s10+s21], $0x80, v4, vm0, $0xb8;
	[tilespmem:$0x1E400] =	vst v63  }
0xd7: {  	s29 =	simm.s32 $0xBC00  }
0xd8: {  	[tilespmem:s29], [sflag:$0x6] =	stream.indirect_vreg.gather [hbm4b:s10+s21], $0x80, v3, vm0, $0xb8;
	[tilespmem:$0x1E400] =	vst v63  }
0xd9: {  	v3 =	vld [tilespmem:$0x120];
	_ =	sdelay $0x4  }
0xda: {  	v54 =	vshll.u32 v3, $0x1  }
0xdb: {  	v3 =	vand.u32 $0x7, v3;
	v4 =	vand.u32 $0xFFFFFFF0, v54  }
0xdc: {  	v3 =	vor.u32 v3, v4  }
0xdd: {  	v4 =	vperm.xlane v3, v0;
	_ =	sdelay $0x1  }
0xde: {  	v3 =	vperm.xlane v3, v2;
	v4 =	vadd.s32 v1, v4;
	_ =	sdelay $0x1  }
0xdf: {  	v3 =	vadd.s32 v1, v3;
	_ =	sdelay $0x1  }
0xe0: {  	s30 =	simm.s32 $0xC400  }
0xe1: {  	[tilespmem:s30], [sflag:$0x6] =	stream.indirect_vreg.gather [hbm4b:s10+s21], $0x80, v4, vm0, $0xb8;
	[tilespmem:$0x1E400] =	vst v63  }
0xe2: {  	s31 =	simm.s32 $0xCC00  }
0xe3: {  	[tilespmem:s31], [sflag:$0x6] =	stream.indirect_vreg.gather [hbm4b:s10+s21], $0x80, v3, vm0, $0xb8;
	[tilespmem:$0x1E400] =	vst v63  }
0xe4: {  	v3 =	vld [tilespmem:$0x130];
	_ =	sdelay $0x4  }
0xe5: {  	v55 =	vshll.u32 v3, $0x1  }
0xe6: {  	v3 =	vand.u32 $0x7, v3;
	v4 =	vand.u32 $0xFFFFFFF0, v55  }
0xe7: {  	v3 =	vor.u32 v3, v4  }
0xe8: {  	v4 =	vperm.xlane v3, v0;
	_ =	sdelay $0x1  }
0xe9: {  	v3 =	vperm.xlane v3, v2;
	v4 =	vadd.s32 v1, v4;
	_ =	sdelay $0x1  }
0xea: {  	v3 =	vadd.s32 v1, v3;
	_ =	sdelay $0x1  }
0xeb: {  	s11 =	simm.s32 $0xD400  }
0xec: {  	[tilespmem:s11], [sflag:$0x6] =	stream.indirect_vreg.gather [hbm4b:s10+s21], $0x80, v4, vm0, $0xb8;
	[tilespmem:$0x1E400] =	vst v63  }
0xed: {  	s12 =	simm.s32 $0xDC00  }
0xee: {  	[tilespmem:s12], [sflag:$0x6] =	stream.indirect_vreg.gather [hbm4b:s10+s21], $0x80, v3, vm0, $0xb8;
	[tilespmem:$0x1E400] =	vst v63  }
0xef: {  	v3 =	vld [tilespmem:$0x140];
	_ =	sdelay $0x4  }
0xf0: {  	v56 =	vshll.u32 v3, $0x1  }
0xf1: {  	v3 =	vand.u32 $0x7, v3;
	v4 =	vand.u32 $0xFFFFFFF0, v56  }
0xf2: {  	v3 =	vor.u32 v3, v4  }
0xf3: {  	v4 =	vperm.xlane v3, v0;
	_ =	sdelay $0x1  }
0xf4: {  	v3 =	vperm.xlane v3, v2;
	v4 =	vadd.s32 v1, v4;
	_ =	sdelay $0x1  }
0xf5: {  	v3 =	vadd.s32 v1, v3;
	_ =	sdelay $0x1  }
0xf6: {  	s13 =	simm.s32 $0xE400  }
0xf7: {  	[tilespmem:s13], [sflag:$0x6] =	stream.indirect_vreg.gather [hbm4b:s10+s21], $0x80, v4, vm0, $0xb8;
	[tilespmem:$0x1E400] =	vst v63  }
0xf8: {  	s19 =	simm.s32 $0xEC00  }
0xf9: {  	[tilespmem:s19], [sflag:$0x6] =	stream.indirect_vreg.gather [hbm4b:s10+s21], $0x80, v3, vm0, $0xb8;
	[tilespmem:$0x1E400] =	vst v63  }
0xfa: {  	v3 =	vld [tilespmem:$0x150];
	_ =	sdelay $0x4  }
0xfb: {  	v57 =	vshll.u32 v3, $0x1  }
0xfc: {  	v3 =	vand.u32 $0x7, v3;
	v4 =	vand.u32 $0xFFFFFFF0, v57  }
0xfd: {  	v3 =	vor.u32 v3, v4  }
0xfe: {  	v4 =	vperm.xlane v3, v0;
	_ =	sdelay $0x1  }
0xff: {  	v3 =	vperm.xlane v3, v2;
	v4 =	vadd.s32 v1, v4;
	_ =	sdelay $0x1  }
0x100: {  	v3 =	vadd.s32 v1, v3;
	_ =	sdelay $0x1  }
0x101: {  	s22 =	simm.s32 $0xF400  }
0x102: {  	[tilespmem:s22], [sflag:$0x6] =	stream.indirect_vreg.gather [hbm4b:s10+s21], $0x80, v4, vm0, $0xb8;
	[tilespmem:$0x1E400] =	vst v63  }
0x103: {  	s25 =	simm.s32 $0xFC00  }
0x104: {  	[tilespmem:s25], [sflag:$0x6] =	stream.indirect_vreg.gather [hbm4b:s10+s21], $0x80, v3, vm0, $0xb8;
	[tilespmem:$0x1E400] =	vst v63  }
0x105: {  	v3 =	vld [tilespmem:$0x160];
	_ =	sdelay $0x4  }
0x106: {  	v58 =	vshll.u32 v3, $0x1  }
0x107: {  	v3 =	vand.u32 $0x7, v3;
	v4 =	vand.u32 $0xFFFFFFF0, v58  }
0x108: {  	v3 =	vor.u32 v3, v4  }
0x109: {  	v4 =	vperm.xlane v3, v0;
	_ =	sdelay $0x1  }
0x10a: {  	v3 =	vperm.xlane v3, v2;
	v4 =	vadd.s32 v1, v4;
	_ =	sdelay $0x1  }
0x10b: {  	v3 =	vadd.s32 v1, v3;
	_ =	sdelay $0x1  }
0x10c: {  	s29 =	simm.s32 $0x10400  }
0x10d: {  	[tilespmem:s29], [sflag:$0x6] =	stream.indirect_vreg.gather [hbm4b:s10+s21], $0x80, v4, vm0, $0xb8;
	[tilespmem:$0x1E400] =	vst v63  }
0x10e: {  	s30 =	simm.s32 $0x10C00  }
0x10f: {  	[tilespmem:s30], [sflag:$0x6] =	stream.indirect_vreg.gather [hbm4b:s10+s21], $0x80, v3, vm0, $0xb8;
	[tilespmem:$0x1E400] =	vst v63  }
0x110: {  	v3 =	vld [tilespmem:$0x170];
	_ =	sdelay $0x4  }
0x111: {  	v59 =	vshll.u32 v3, $0x1  }
0x112: {  	v3 =	vand.u32 $0x7, v3;
	v4 =	vand.u32 $0xFFFFFFF0, v59  }
0x113: {  	v3 =	vor.u32 v3, v4  }
0x114: {  	v4 =	vperm.xlane v3, v0;
	_ =	sdelay $0x1  }
0x115: {  	v3 =	vperm.xlane v3, v2;
	v4 =	vadd.s32 v1, v4;
	_ =	sdelay $0x1  }
0x116: {  	v3 =	vadd.s32 v1, v3;
	_ =	sdelay $0x1  }
0x117: {  	s31 =	simm.s32 $0x11400  }
0x118: {  	[tilespmem:s31], [sflag:$0x6] =	stream.indirect_vreg.gather [hbm4b:s10+s21], $0x80, v4, vm0, $0xb8;
	[tilespmem:$0x1E400] =	vst v63  }
0x119: {  	s11 =	simm.s32 $0x11C00  }
0x11a: {  	[tilespmem:s11], [sflag:$0x6] =	stream.indirect_vreg.gather [hbm4b:s10+s21], $0x80, v3, vm0, $0xb8;
	[tilespmem:$0x1E400] =	vst v63  }
0x11b: {  	v3 =	vld [tilespmem:$0x180];
	_ =	sdelay $0x4  }
0x11c: {  	v60 =	vshll.u32 v3, $0x1  }
0x11d: {  	v3 =	vand.u32 $0x7, v3;
	v4 =	vand.u32 $0xFFFFFFF0, v60  }
0x11e: {  	v3 =	vor.u32 v3, v4  }
0x11f: {  	v4 =	vperm.xlane v3, v0;
	_ =	sdelay $0x1  }
0x120: {  	v3 =	vperm.xlane v3, v2;
	v4 =	vadd.s32 v1, v4;
	_ =	sdelay $0x1  }
0x121: {  	v3 =	vadd.s32 v1, v3;
	_ =	sdelay $0x1  }
0x122: {  	s12 =	simm.s32 $0x12400  }
0x123: {  	[tilespmem:s12], [sflag:$0x6] =	stream.indirect_vreg.gather [hbm4b:s10+s21], $0x80, v4, vm0, $0xb8;
	[tilespmem:$0x1E400] =	vst v63  }
0x124: {  	s13 =	simm.s32 $0x12C00  }
0x125: {  	[tilespmem:s13], [sflag:$0x6] =	stream.indirect_vreg.gather [hbm4b:s10+s21], $0x80, v3, vm0, $0xb8;
	[tilespmem:$0x1E400] =	vst v63  }
0x126: {  	v3 =	vld [tilespmem:$0x190];
	_ =	sdelay $0x4  }
0x127: {  	v61 =	vshll.u32 v3, $0x1  }
0x128: {  	v3 =	vand.u32 $0x7, v3;
	v4 =	vand.u32 $0xFFFFFFF0, v61  }
0x129: {  	v3 =	vor.u32 v3, v4  }
0x12a: {  	v4 =	vperm.xlane v3, v0;
	_ =	sdelay $0x1  }
0x12b: {  	v3 =	vperm.xlane v3, v2;
	v4 =	vadd.s32 v1, v4;
	_ =	sdelay $0x1  }
0x12c: {  	v3 =	vadd.s32 v1, v3;
	_ =	sdelay $0x1  }
0x12d: {  	s19 =	simm.s32 $0x13400  }
0x12e: {  	[tilespmem:s19], [sflag:$0x6] =	stream.indirect_vreg.gather [hbm4b:s10+s21], $0x80, v4, vm0, $0xb8;
	[tilespmem:$0x1E400] =	vst v63  }
0x12f: {  	s29 =	simm.s32 $0x13C00  }
0x130: {  	[tilespmem:s29], [sflag:$0x6] =	stream.indirect_vreg.gather [hbm4b:s10+s21], $0x80, v3, vm0, $0xb8;
	[tilespmem:$0x1E400] =	vst v63  }
0x131: {  	s30 =	rddreg [dreg:$0x7];
	s31 =	simm.s32 $0x300  }
0x132: {  	[tilespmem:s31], [sflag:$0x4] =	stream.linear.gather [hbm4b:s30+s21], $0xA0, $0x38;
	[tilespmem:$0x1E400] =	vst v63  }
0x133: {  	_ =	swait.ge [sflag:s4], $0xA000  }
0x134: {  	[sflag:s4] =	ssyncset.done $0x0  }
0x135: {  	s11 =	rddreg [dreg:$0x18];
	[sflag:s4] =	ssyncadd.s32 $0xFFFF6000  }
0x136: {  	[hbm4b:s11+s21] =	stream.linear.scatter [tilespmem:s14], [sflag:$0x8], $0xA000, $0x38;
	[tilespmem:$0x1E400] =	vst v63  }
0x137: {  	_ =	swait.ge [sflag:s17], $0xA0  }
0x138: {  	[sflag:s17] =	ssyncset.done $0x0  }
0x139: {  	[sflag:s17] =	ssyncadd.s32 $0xFFFFFF60  }
0x13a: {  	v3 =	vld [tilespmem:$0x200];
	_ =	sdelay $0x4  }
0x13b: {  	v62 =	vshll.u32 v3, $0x1  }
0x13c: {  	v3 =	vand.u32 $0x7, v3;
	v4 =	vand.u32 $0xFFFFFFF0, v62  }
0x13d: {  	v3 =	vor.u32 v3, v4  }
0x13e: {  	v4 =	vperm.xlane v3, v0;
	_ =	sdelay $0x1  }
0x13f: {  	v3 =	vperm.xlane v3, v2;
	v4 =	vadd.s32 v1, v4;
	_ =	sdelay $0x1  }
0x140: {  	v3 =	vadd.s32 v1, v3;
	_ =	sdelay $0x1  }
0x141: {  	s12 =	simm.s32 $0x14400  }
0x142: {  	[tilespmem:s12], [sflag:$0x7] =	stream.indirect_vreg.gather [hbm4b:s10+s21], $0x80, v4, vm0, $0xb8;
	[tilespmem:$0x1E400] =	vst v63  }
0x143: {  	s13 =	simm.s32 $0x14C00  }
0x144: {  	[tilespmem:s13], [sflag:$0x7] =	stream.indirect_vreg.gather [hbm4b:s10+s21], $0x80, v3, vm0, $0xb8;
	[tilespmem:$0x1E400] =	vst v63  }
0x145: {  	v3 =	vld [tilespmem:$0x210];
	_ =	sdelay $0x4  }
0x146: {  	v63 =	vshll.u32 v3, $0x1  }
0x147: {  	v3 =	vand.u32 $0x7, v3;
	v4 =	vand.u32 $0xFFFFFFF0, v63  }
0x148: {  	v3 =	vor.u32 v3, v4  }
0x149: {  	v4 =	vperm.xlane v3, v0;
	_ =	sdelay $0x1  }
0x14a: {  	v3 =	vperm.xlane v3, v2;
	v4 =	vadd.s32 v1, v4;
	_ =	sdelay $0x1  }
0x14b: {  	v3 =	vadd.s32 v1, v3;
	_ =	sdelay $0x1  }
0x14c: {  	s19 =	simm.s32 $0x15400  }
0x14d: {  	[tilespmem:s19], [sflag:$0x7] =	stream.indirect_vreg.gather [hbm4b:s10+s21], $0x80, v4, vm0, $0xb8;
	[tilespmem:$0x1E400] =	vst v63  }
0x14e: {  	s29 =	simm.s32 $0x15C00  }
0x14f: {  	[tilespmem:s29], [sflag:$0x7] =	stream.indirect_vreg.gather [hbm4b:s10+s21], $0x80, v3, vm0, $0xb8;
	[tilespmem:$0x1E400] =	vst v63  }
0x150: {  	v3 =	vld [tilespmem:$0x220];
	_ =	sdelay $0x4  }
0x151: {  	v8 =	vshll.u32 v3, $0x1  }
0x152: {  	v3 =	vand.u32 $0x7, v3;
	v4 =	vand.u32 $0xFFFFFFF0, v8  }
0x153: {  	v3 =	vor.u32 v3, v4  }
0x154: {  	v4 =	vperm.xlane v3, v0;
	_ =	sdelay $0x1  }
0x155: {  	v3 =	vperm.xlane v3, v2;
	v4 =	vadd.s32 v1, v4;
	_ =	sdelay $0x1  }
0x156: {  	v3 =	vadd.s32 v1, v3;
	_ =	sdelay $0x1  }
0x157: {  	s30 =	simm.s32 $0x16400  }
0x158: {  	[tilespmem:s30], [sflag:$0x7] =	stream.indirect_vreg.gather [hbm4b:s10+s21], $0x80, v4, vm0, $0xb8;
	[tilespmem:$0x1E400] =	vst v63  }
0x159: {  	s31 =	simm.s32 $0x16C00  }
0x15a: {  	[tilespmem:s31], [sflag:$0x7] =	stream.indirect_vreg.gather [hbm4b:s10+s21], $0x80, v3, vm0, $0xb8;
	[tilespmem:$0x1E400] =	vst v63  }
0x15b: {  	v3 =	vld [tilespmem:$0x230];
	_ =	sdelay $0x4  }
0x15c: {  	v9 =	vshll.u32 v3, $0x1  }
0x15d: {  	v3 =	vand.u32 $0x7, v3;
	v4 =	vand.u32 $0xFFFFFFF0, v9  }
0x15e: {  	v3 =	vor.u32 v3, v4  }
0x15f: {  	v4 =	vperm.xlane v3, v0;
	_ =	sdelay $0x1  }
0x160: {  	v3 =	vperm.xlane v3, v2;
	v4 =	vadd.s32 v1, v4;
	_ =	sdelay $0x1  }
0x161: {  	v3 =	vadd.s32 v1, v3;
	_ =	sdelay $0x1  }
0x162: {  	s11 =	simm.s32 $0x17400  }
0x163: {  	[tilespmem:s11], [sflag:$0x7] =	stream.indirect_vreg.gather [hbm4b:s10+s21], $0x80, v4, vm0, $0xb8;
	[tilespmem:$0x1E400] =	vst v63  }
0x164: {  	s12 =	simm.s32 $0x17C00  }
0x165: {  	[tilespmem:s12], [sflag:$0x7] =	stream.indirect_vreg.gather [hbm4b:s10+s21], $0x80, v3, vm0, $0xb8;
	[tilespmem:$0x1E400] =	vst v63  }
0x166: {  	v3 =	vld [tilespmem:$0x240];
	_ =	sdelay $0x4  }
0x167: {  	v10 =	vshll.u32 v3, $0x1  }
0x168: {  	v3 =	vand.u32 $0x7, v3;
	v4 =	vand.u32 $0xFFFFFFF0, v10  }
0x169: {  	v3 =	vor.u32 v3, v4  }
0x16a: {  	v4 =	vperm.xlane v3, v0;
	_ =	sdelay $0x1  }
0x16b: {  	v3 =	vperm.xlane v3, v2;
	v4 =	vadd.s32 v1, v4;
	_ =	sdelay $0x1  }
0x16c: {  	v3 =	vadd.s32 v1, v3;
	_ =	sdelay $0x1  }
0x16d: {  	s13 =	simm.s32 $0x18400  }
0x16e: {  	[tilespmem:s13], [sflag:$0x7] =	stream.indirect_vreg.gather [hbm4b:s10+s21], $0x80, v4, vm0, $0xb8;
	[tilespmem:$0x1E400] =	vst v63  }
0x16f: {  	s19 =	simm.s32 $0x18C00  }
0x170: {  	[tilespmem:s19], [sflag:$0x7] =	stream.indirect_vreg.gather [hbm4b:s10+s21], $0x80, v3, vm0, $0xb8;
	[tilespmem:$0x1E400] =	vst v63  }
0x171: {  	v3 =	vld [tilespmem:$0x250];
	_ =	sdelay $0x4  }
0x172: {  	v11 =	vshll.u32 v3, $0x1  }
0x173: {  	v3 =	vand.u32 $0x7, v3;
	v4 =	vand.u32 $0xFFFFFFF0, v11  }
0x174: {  	v3 =	vor.u32 v3, v4  }
0x175: {  	v4 =	vperm.xlane v3, v0;
	_ =	sdelay $0x1  }
0x176: {  	v3 =	vperm.xlane v3, v2;
	v4 =	vadd.s32 v1, v4;
	_ =	sdelay $0x1  }
0x177: {  	v3 =	vadd.s32 v1, v3;
	_ =	sdelay $0x1  }
0x178: {  	s29 =	simm.s32 $0x19400  }
0x179: {  	[tilespmem:s29], [sflag:$0x7] =	stream.indirect_vreg.gather [hbm4b:s10+s21], $0x80, v4, vm0, $0xb8;
	[tilespmem:$0x1E400] =	vst v63  }
0x17a: {  	s31 =	simm.s32 $0x19C00  }
0x17b: {  	[tilespmem:s31], [sflag:$0x7] =	stream.indirect_vreg.gather [hbm4b:s10+s21], $0x80, v3, vm0, $0xb8;
	[tilespmem:$0x1E400] =	vst v63  }
0x17c: {  	v3 =	vld [tilespmem:$0x260];
	_ =	sdelay $0x4  }
0x17d: {  	v12 =	vshll.u32 v3, $0x1  }
0x17e: {  	v3 =	vand.u32 $0x7, v3;
	v4 =	vand.u32 $0xFFFFFFF0, v12  }
0x17f: {  	v3 =	vor.u32 v3, v4  }
0x180: {  	v4 =	vperm.xlane v3, v0;
	_ =	sdelay $0x1  }
0x181: {  	v3 =	vperm.xlane v3, v2;
	v4 =	vadd.s32 v1, v4;
	_ =	sdelay $0x1  }
0x182: {  	v3 =	vadd.s32 v1, v3;
	_ =	sdelay $0x1  }
0x183: {  	s11 =	simm.s32 $0x1A400  }
0x184: {  	[tilespmem:s11], [sflag:$0x7] =	stream.indirect_vreg.gather [hbm4b:s10+s21], $0x80, v4, vm0, $0xb8;
	[tilespmem:$0x1E400] =	vst v63  }
0x185: {  	s12 =	simm.s32 $0x1AC00  }
0x186: {  	[tilespmem:s12], [sflag:$0x7] =	stream.indirect_vreg.gather [hbm4b:s10+s21], $0x80, v3, vm0, $0xb8;
	[tilespmem:$0x1E400] =	vst v63  }
0x187: {  	v3 =	vld [tilespmem:$0x270];
	_ =	sdelay $0x4  }
0x188: {  	v13 =	vshll.u32 v3, $0x1  }
0x189: {  	v3 =	vand.u32 $0x7, v3;
	v4 =	vand.u32 $0xFFFFFFF0, v13  }
0x18a: {  	v3 =	vor.u32 v3, v4  }
0x18b: {  	v4 =	vperm.xlane v3, v0;
	_ =	sdelay $0x1  }
0x18c: {  	v3 =	vperm.xlane v3, v2;
	v4 =	vadd.s32 v1, v4;
	_ =	sdelay $0x1  }
0x18d: {  	v3 =	vadd.s32 v1, v3;
	_ =	sdelay $0x1  }
0x18e: {  	s13 =	simm.s32 $0x1B400  }
0x18f: {  	[tilespmem:s13], [sflag:$0x7] =	stream.indirect_vreg.gather [hbm4b:s10+s21], $0x80, v4, vm0, $0xb8;
	[tilespmem:$0x1E400] =	vst v63  }
0x190: {  	s19 =	simm.s32 $0x1BC00  }
0x191: {  	[tilespmem:s19], [sflag:$0x7] =	stream.indirect_vreg.gather [hbm4b:s10+s21], $0x80, v3, vm0, $0xb8;
	[tilespmem:$0x1E400] =	vst v63  }
0x192: {  	v3 =	vld [tilespmem:$0x280];
	_ =	sdelay $0x4  }
0x193: {  	v14 =	vshll.u32 v3, $0x1  }
0x194: {  	v3 =	vand.u32 $0x7, v3;
	v4 =	vand.u32 $0xFFFFFFF0, v14  }
0x195: {  	v3 =	vor.u32 v3, v4  }
0x196: {  	v4 =	vperm.xlane v3, v0;
	_ =	sdelay $0x1  }
0x197: {  	v3 =	vperm.xlane v3, v2;
	v4 =	vadd.s32 v1, v4;
	_ =	sdelay $0x1  }
0x198: {  	v3 =	vadd.s32 v1, v3;
	_ =	sdelay $0x1  }
0x199: {  	s29 =	simm.s32 $0x1C400  }
0x19a: {  	[tilespmem:s29], [sflag:$0x7] =	stream.indirect_vreg.gather [hbm4b:s10+s21], $0x80, v4, vm0, $0xb8;
	[tilespmem:$0x1E400] =	vst v63  }
0x19b: {  	s31 =	simm.s32 $0x1CC00  }
0x19c: {  	[tilespmem:s31], [sflag:$0x7] =	stream.indirect_vreg.gather [hbm4b:s10+s21], $0x80, v3, vm0, $0xb8;
	[tilespmem:$0x1E400] =	vst v63  }
0x19d: {  	v3 =	vld [tilespmem:$0x290];
	_ =	sdelay $0x4  }
0x19e: {  	v15 =	vshll.u32 v3, $0x1  }
0x19f: {  	v3 =	vand.u32 $0x7, v3;
	v4 =	vand.u32 $0xFFFFFFF0, v15  }
0x1a0: {  	v3 =	vor.u32 v3, v4  }
0x1a1: {  	v4 =	vperm.xlane v3, v0;
	_ =	sdelay $0x1  }
0x1a2: {  	v3 =	vperm.xlane v3, v2;
	v4 =	vadd.s32 v1, v4;
	_ =	sdelay $0x1  }
0x1a3: {  	v3 =	vadd.s32 v1, v3;
	_ =	sdelay $0x1  }
0x1a4: {  	s11 =	simm.s32 $0x1D400  }
0x1a5: {  	[tilespmem:s11], [sflag:$0x7] =	stream.indirect_vreg.gather [hbm4b:s10+s21], $0x80, v4, vm0, $0xb8;
	[tilespmem:$0x1E400] =	vst v63  }
0x1a6: {  	s12 =	simm.s32 $0x1DC00  }
0x1a7: {  	[tilespmem:s12], [sflag:$0x7] =	stream.indirect_vreg.gather [hbm4b:s10+s21], $0x80, v3, vm0, $0xb8;
	[tilespmem:$0x1E400] =	vst v63  }
0x1a8: {  	s13 =	rddreg [dreg:$0x8]  }
0x1a9: {  	[tilespmem:s21], [sflag:$0x1] =	stream.linear.gather [hbm4b:s13+s21], $0xA0, $0x38;
	[tilespmem:$0x1E400] =	vst v63  }
0x1aa: {  	_ =	swait.ge [sflag:s9], $0xA000  }
0x1ab: {  	[sflag:s9] =	ssyncset.done $0x0  }
0x1ac: {  	s31 =	simm.s32 $0xA400;
	s29 =	rddreg [dreg:$0x19];
	[sflag:s9] =	ssyncadd.s32 $0xFFFF6000  }
0x1ad: {  	[hbm4b:s29+s21] =	stream.linear.scatter [tilespmem:s31], [sflag:$0x9], $0xA000, $0x38;
	[tilespmem:$0x1E400] =	vst v63  }
0x1ae: {  	_ =	swait.ge [sflag:s26], $0xA0  }
0x1af: {  	[sflag:s26] =	ssyncset.done $0x0  }
0x1b0: {  	[sflag:s26] =	ssyncadd.s32 $0xFFFFFF60  }
0x1b1: {  	_ =	swait.ge [sflag:s15], $0xA000  }
0x1b2: {  	[sflag:s15] =	ssyncset.done $0x0  }
0x1b3: {  	[sflag:s15] =	ssyncadd.s32 $0xFFFF6000  }
0x1b4: {  	v3 =	vld [tilespmem:$0x300];
	_ =	sdelay $0x4  }
0x1b5: {  	v16 =	vshll.u32 v3, $0x1  }
0x1b6: {  	v3 =	vand.u32 $0x7, v3;
	v4 =	vand.u32 $0xFFFFFFF0, v16  }
0x1b7: {  	v3 =	vor.u32 v3, v4  }
0x1b8: {  	v4 =	vperm.xlane v3, v0;
	_ =	sdelay $0x1  }
0x1b9: {  	v3 =	vperm.xlane v3, v2;
	v4 =	vadd.s32 v1, v4;
	_ =	sdelay $0x1  }
0x1ba: {  	v3 =	vadd.s32 v1, v3;
	_ =	sdelay $0x2  }
0x1bb: {  	[tilespmem:s14], [sflag:$0x5] =	stream.indirect_vreg.gather [hbm4b:s10+s21], $0x80, v4, vm0, $0xb8;
	[tilespmem:$0x1E400] =	vst v63  }
0x1bc: {  	s1 =	simm.s32 $0xC00  }
0x1bd: {  	[tilespmem:s1], [sflag:$0x5] =	stream.indirect_vreg.gather [hbm4b:s10+s21], $0x80, v3, vm0, $0xb8;
	[tilespmem:$0x1E400] =	vst v63  }
0x1be: {  	v3 =	vld [tilespmem:$0x310];
	_ =	sdelay $0x4  }
0x1bf: {  	v17 =	vshll.u32 v3, $0x1  }
0x1c0: {  	v3 =	vand.u32 $0x7, v3;
	v4 =	vand.u32 $0xFFFFFFF0, v17  }
0x1c1: {  	v3 =	vor.u32 v3, v4  }
0x1c2: {  	v4 =	vperm.xlane v3, v0;
	_ =	sdelay $0x1  }
0x1c3: {  	v3 =	vperm.xlane v3, v2;
	v4 =	vadd.s32 v1, v4;
	_ =	sdelay $0x1  }
0x1c4: {  	v3 =	vadd.s32 v1, v3;
	_ =	sdelay $0x1  }
0x1c5: {  	s29 =	simm.s32 $0x1400  }
0x1c6: {  	[tilespmem:s29], [sflag:$0x5] =	stream.indirect_vreg.gather [hbm4b:s10+s21], $0x80, v4, vm0, $0xb8;
	[tilespmem:$0x1E400] =	vst v63  }
0x1c7: {  	s2 =	simm.s32 $0x1C00  }
0x1c8: {  	[tilespmem:s2], [sflag:$0x5] =	stream.indirect_vreg.gather [hbm4b:s10+s21], $0x80, v3, vm0, $0xb8;
	[tilespmem:$0x1E400] =	vst v63  }
0x1c9: {  	v3 =	vld [tilespmem:$0x320];
	_ =	sdelay $0x4  }
0x1ca: {  	v18 =	vshll.u32 v3, $0x1  }
0x1cb: {  	v3 =	vand.u32 $0x7, v3;
	v4 =	vand.u32 $0xFFFFFFF0, v18  }
0x1cc: {  	v3 =	vor.u32 v3, v4  }
0x1cd: {  	v4 =	vperm.xlane v3, v0;
	_ =	sdelay $0x1  }
0x1ce: {  	v3 =	vperm.xlane v3, v2;
	v4 =	vadd.s32 v1, v4;
	_ =	sdelay $0x1  }
0x1cf: {  	v3 =	vadd.s32 v1, v3;
	_ =	sdelay $0x1  }
0x1d0: {  	s31 =	simm.s32 $0x2400  }
0x1d1: {  	[tilespmem:s31], [sflag:$0x5] =	stream.indirect_vreg.gather [hbm4b:s10+s21], $0x80, v4, vm0, $0xb8;
	[tilespmem:$0x1E400] =	vst v63  }
0x1d2: {  	s3 =	simm.s32 $0x2C00  }
0x1d3: {  	[tilespmem:s3], [sflag:$0x5] =	stream.indirect_vreg.gather [hbm4b:s10+s21], $0x80, v3, vm0, $0xb8;
	[tilespmem:$0x1E400] =	vst v63  }
0x1d4: {  	v3 =	vld [tilespmem:$0x330];
	_ =	sdelay $0x4  }
0x1d5: {  	v19 =	vshll.u32 v3, $0x1  }
0x1d6: {  	v3 =	vand.u32 $0x7, v3;
	v4 =	vand.u32 $0xFFFFFFF0, v19  }
0x1d7: {  	v3 =	vor.u32 v3, v4  }
0x1d8: {  	v4 =	vperm.xlane v3, v0;
	_ =	sdelay $0x1  }
0x1d9: {  	v3 =	vperm.xlane v3, v2;
	v4 =	vadd.s32 v1, v4;
	_ =	sdelay $0x1  }
0x1da: {  	v3 =	vadd.s32 v1, v3;
	_ =	sdelay $0x1  }
0x1db: {  	s2 =	simm.s32 $0x3400  }
0x1dc: {  	[tilespmem:s2], [sflag:$0x5] =	stream.indirect_vreg.gather [hbm4b:s10+s21], $0x80, v4, vm0, $0xb8;
	[tilespmem:$0x1E400] =	vst v63  }
0x1dd: {  	s8 =	simm.s32 $0x3C00  }
0x1de: {  	[tilespmem:s8], [sflag:$0x5] =	stream.indirect_vreg.gather [hbm4b:s10+s21], $0x80, v3, vm0, $0xb8;
	[tilespmem:$0x1E400] =	vst v63  }
0x1df: {  	v3 =	vld [tilespmem:$0x340];
	_ =	sdelay $0x4  }
0x1e0: {  	v20 =	vshll.u32 v3, $0x1  }
0x1e1: {  	v3 =	vand.u32 $0x7, v3;
	v4 =	vand.u32 $0xFFFFFFF0, v20  }
0x1e2: {  	v3 =	vor.u32 v3, v4  }
0x1e3: {  	v4 =	vperm.xlane v3, v0;
	_ =	sdelay $0x1  }
0x1e4: {  	v3 =	vperm.xlane v3, v2;
	v4 =	vadd.s32 v1, v4;
	_ =	sdelay $0x1  }
0x1e5: {  	v3 =	vadd.s32 v1, v3;
	_ =	sdelay $0x1  }
0x1e6: {  	s3 =	simm.s32 $0x4400  }
0x1e7: {  	[tilespmem:s3], [sflag:$0x5] =	stream.indirect_vreg.gather [hbm4b:s10+s21], $0x80, v4, vm0, $0xb8;
	[tilespmem:$0x1E400] =	vst v63  }
0x1e8: {  	s23 =	simm.s32 $0x4C00  }
0x1e9: {  	[tilespmem:s23], [sflag:$0x5] =	stream.indirect_vreg.gather [hbm4b:s10+s21], $0x80, v3, vm0, $0xb8;
	[tilespmem:$0x1E400] =	vst v63  }
0x1ea: {  	v3 =	vld [tilespmem:$0x350];
	_ =	sdelay $0x4  }
0x1eb: {  	v21 =	vshll.u32 v3, $0x1  }
0x1ec: {  	v3 =	vand.u32 $0x7, v3;
	v4 =	vand.u32 $0xFFFFFFF0, v21  }
0x1ed: {  	v3 =	vor.u32 v3, v4  }
0x1ee: {  	v4 =	vperm.xlane v3, v0;
	_ =	sdelay $0x1  }
0x1ef: {  	v3 =	vperm.xlane v3, v2;
	v4 =	vadd.s32 v1, v4;
	_ =	sdelay $0x1  }
0x1f0: {  	v3 =	vadd.s32 v1, v3;
	_ =	sdelay $0x1  }
0x1f1: {  	s2 =	simm.s32 $0x5400  }
0x1f2: {  	[tilespmem:s2], [sflag:$0x5] =	stream.indirect_vreg.gather [hbm4b:s10+s21], $0x80, v4, vm0, $0xb8;
	[tilespmem:$0x1E400] =	vst v63  }
0x1f3: {  	s24 =	simm.s32 $0x5C00  }
0x1f4: {  	[tilespmem:s24], [sflag:$0x5] =	stream.indirect_vreg.gather [hbm4b:s10+s21], $0x80, v3, vm0, $0xb8;
	[tilespmem:$0x1E400] =	vst v63  }
0x1f5: {  	v3 =	vld [tilespmem:$0x360];
	_ =	sdelay $0x4  }
0x1f6: {  	v22 =	vshll.u32 v3, $0x1  }
0x1f7: {  	v3 =	vand.u32 $0x7, v3;
	v4 =	vand.u32 $0xFFFFFFF0, v22  }
0x1f8: {  	v3 =	vor.u32 v3, v4  }
0x1f9: {  	v4 =	vperm.xlane v3, v0;
	_ =	sdelay $0x1  }
0x1fa: {  	v3 =	vperm.xlane v3, v2;
	v4 =	vadd.s32 v1, v4;
	_ =	sdelay $0x1  }
0x1fb: {  	v3 =	vadd.s32 v1, v3;
	_ =	sdelay $0x1  }
0x1fc: {  	s3 =	simm.s32 $0x6400  }
0x1fd: {  	[tilespmem:s3], [sflag:$0x5] =	stream.indirect_vreg.gather [hbm4b:s10+s21], $0x80, v4, vm0, $0xb8;
	[tilespmem:$0x1E400] =	vst v63  }
0x1fe: {  	s26 =	simm.s32 $0x6C00  }
0x1ff: {  	[tilespmem:s26], [sflag:$0x5] =	stream.indirect_vreg.gather [hbm4b:s10+s21], $0x80, v3, vm0, $0xb8;
	[tilespmem:$0x1E400] =	vst v63  }
0x200: {  	v3 =	vld [tilespmem:$0x370];
	_ =	sdelay $0x4  }
0x201: {  	v23 =	vshll.u32 v3, $0x1  }
0x202: {  	v3 =	vand.u32 $0x7, v3;
	v4 =	vand.u32 $0xFFFFFFF0, v23  }
0x203: {  	v3 =	vor.u32 v3, v4  }
0x204: {  	v4 =	vperm.xlane v3, v0;
	_ =	sdelay $0x1  }
0x205: {  	v3 =	vperm.xlane v3, v2;
	v4 =	vadd.s32 v1, v4;
	_ =	sdelay $0x1  }
0x206: {  	v3 =	vadd.s32 v1, v3;
	_ =	sdelay $0x1  }
0x207: {  	s8 =	simm.s32 $0x7400  }
0x208: {  	[tilespmem:s8], [sflag:$0x5] =	stream.indirect_vreg.gather [hbm4b:s10+s21], $0x80, v4, vm0, $0xb8;
	[tilespmem:$0x1E400] =	vst v63  }
0x209: {  	s14 =	simm.s32 $0x7C00  }
0x20a: {  	[tilespmem:s14], [sflag:$0x5] =	stream.indirect_vreg.gather [hbm4b:s10+s21], $0x80, v3, vm0, $0xb8;
	[tilespmem:$0x1E400] =	vst v63  }
0x20b: {  	v3 =	vld [tilespmem:$0x380];
	_ =	sdelay $0x4  }
0x20c: {  	v24 =	vshll.u32 v3, $0x1  }
0x20d: {  	v3 =	vand.u32 $0x7, v3;
	v4 =	vand.u32 $0xFFFFFFF0, v24  }
0x20e: {  	v3 =	vor.u32 v3, v4  }
0x20f: {  	v4 =	vperm.xlane v3, v0;
	_ =	sdelay $0x1  }
0x210: {  	v3 =	vperm.xlane v3, v2;
	v4 =	vadd.s32 v1, v4;
	_ =	sdelay $0x1  }
0x211: {  	v3 =	vadd.s32 v1, v3;
	_ =	sdelay $0x1  }
0x212: {  	s23 =	simm.s32 $0x8400  }
0x213: {  	[tilespmem:s23], [sflag:$0x5] =	stream.indirect_vreg.gather [hbm4b:s10+s21], $0x80, v4, vm0, $0xb8;
	[tilespmem:$0x1E400] =	vst v63  }
0x214: {  	s13 =	simm.s32 $0x8C00  }
0x215: {  	[tilespmem:s13], [sflag:$0x5] =	stream.indirect_vreg.gather [hbm4b:s10+s21], $0x80, v3, vm0, $0xb8;
	[tilespmem:$0x1E400] =	vst v63  }
0x216: {  	v3 =	vld [tilespmem:$0x390];
	_ =	sdelay $0x4  }
0x217: {  	v25 =	vshll.u32 v3, $0x1  }
0x218: {  	v3 =	vand.u32 $0x7, v3;
	v4 =	vand.u32 $0xFFFFFFF0, v25  }
0x219: {  	v3 =	vor.u32 v3, v4  }
0x21a: {  	v4 =	vperm.xlane v3, v0;
	_ =	sdelay $0x1  }
0x21b: {  	v3 =	vperm.xlane v3, v2;
	v4 =	vadd.s32 v1, v4;
	_ =	sdelay $0x1  }
0x21c: {  	v3 =	vadd.s32 v1, v3;
	_ =	sdelay $0x1  }
0x21d: {  	s24 =	simm.s32 $0x9400  }
0x21e: {  	[tilespmem:s24], [sflag:$0x5] =	stream.indirect_vreg.gather [hbm4b:s10+s21], $0x80, v4, vm0, $0xb8;
	[tilespmem:$0x1E400] =	vst v63  }
0x21f: {  	s6 =	simm.s32 $0x9C00  }
0x220: {  	[tilespmem:s6], [sflag:$0x5] =	stream.indirect_vreg.gather [hbm4b:s10+s21], $0x80, v3, vm0, $0xb8;
	[tilespmem:$0x1E400] =	vst v63  }
0x221: {  	s12 =	simm.s32 $0x100;
	s6 =	rddreg [dreg:$0x9]  }
0x222: {  	[tilespmem:s12], [sflag:$0x2] =	stream.linear.gather [hbm4b:s6+s21], $0xA0, $0x38;
	[tilespmem:$0x1E400] =	vst v63  }
0x223: {  	_ =	swait.ge [sflag:s18], $0xA000  }
0x224: {  	[sflag:s18] =	ssyncset.done $0x0  }
0x225: {  	s6 =	simm.s32 $0x14400;
	s0 =	rddreg [dreg:$0x1a];
	[sflag:s18] =	ssyncadd.s32 $0xFFFF6000  }
0x226: {  	[hbm4b:s0+s21] =	stream.linear.scatter [tilespmem:s6], [sflag:$0xA], $0xA000, $0x38;
	[tilespmem:$0x1E400] =	vst v63  }
0x227: {  	_ =	swait.ge [sflag:s5], $0xA0  }
0x228: {  	[sflag:s5] =	ssyncset.done $0x0  }
0x229: {  	[sflag:s5] =	ssyncadd.s32 $0xFFFFFF60  }
0x22a: {  	_ =	swait.ge [sflag:s28], $0xA000  }
0x22b: {  	[sflag:s28] =	ssyncset.done $0x0  }
0x22c: {  	[sflag:s28] =	ssyncadd.s32 $0xFFFF6000  }
0x22d: {  	v3 =	vld [tilespmem:$0x0];
	_ =	sdelay $0x4  }
0x22e: {  	v26 =	vshll.u32 v3, $0x1  }
0x22f: {  	v3 =	vand.u32 $0x7, v3;
	v4 =	vand.u32 $0xFFFFFFF0, v26  }
0x230: {  	v3 =	vor.u32 v3, v4  }
0x231: {  	v4 =	vperm.xlane v3, v0;
	_ =	sdelay $0x1  }
0x232: {  	v3 =	vperm.xlane v3, v2;
	v4 =	vadd.s32 v1, v4;
	_ =	sdelay $0x1  }
0x233: {  	v3 =	vadd.s32 v1, v3;
	_ =	sdelay $0x1  }
0x234: {  	s1 =	simm.s32 $0xA400  }
0x235: {  	[tilespmem:s1], [sflag:$0x6] =	stream.indirect_vreg.gather [hbm4b:s10+s21], $0x80, v4, vm0, $0xb8;
	[tilespmem:$0x1E400] =	vst v63  }
0x236: {  	s19 =	simm.s32 $0xAC00  }
0x237: {  	[tilespmem:s19], [sflag:$0x6] =	stream.indirect_vreg.gather [hbm4b:s10+s21], $0x80, v3, vm0, $0xb8;
	[tilespmem:$0x1E400] =	vst v63  }
0x238: {  	v3 =	vld [tilespmem:$0x10];
	_ =	sdelay $0x4  }
0x239: {  	v27 =	vshll.u32 v3, $0x1  }
0x23a: {  	v3 =	vand.u32 $0x7, v3;
	v4 =	vand.u32 $0xFFFFFFF0, v27  }
0x23b: {  	v3 =	vor.u32 v3, v4  }
0x23c: {  	v4 =	vperm.xlane v3, v0;
	_ =	sdelay $0x1  }
0x23d: {  	v3 =	vperm.xlane v3, v2;
	v4 =	vadd.s32 v1, v4;
	_ =	sdelay $0x1  }
0x23e: {  	v3 =	vadd.s32 v1, v3;
	_ =	sdelay $0x1  }
0x23f: {  	s1 =	simm.s32 $0xB400  }
0x240: {  	[tilespmem:s1], [sflag:$0x6] =	stream.indirect_vreg.gather [hbm4b:s10+s21], $0x80, v4, vm0, $0xb8;
	[tilespmem:$0x1E400] =	vst v63  }
0x241: {  	s12 =	simm.s32 $0xBC00  }
0x242: {  	[tilespmem:s12], [sflag:$0x6] =	stream.indirect_vreg.gather [hbm4b:s10+s21], $0x80, v3, vm0, $0xb8;
	[tilespmem:$0x1E400] =	vst v63  }
0x243: {  	v3 =	vld [tilespmem:$0x20];
	_ =	sdelay $0x4  }
0x244: {  	v28 =	vshll.u32 v3, $0x1  }
0x245: {  	v3 =	vand.u32 $0x7, v3;
	v4 =	vand.u32 $0xFFFFFFF0, v28  }
0x246: {  	v3 =	vor.u32 v3, v4  }
0x247: {  	v4 =	vperm.xlane v3, v0;
	_ =	sdelay $0x1  }
0x248: {  	v3 =	vperm.xlane v3, v2;
	v4 =	vadd.s32 v1, v4;
	_ =	sdelay $0x1  }
0x249: {  	v3 =	vadd.s32 v1, v3;
	_ =	sdelay $0x1  }
0x24a: {  	s19 =	simm.s32 $0xC400  }
0x24b: {  	[tilespmem:s19], [sflag:$0x6] =	stream.indirect_vreg.gather [hbm4b:s10+s21], $0x80, v4, vm0, $0xb8;
	[tilespmem:$0x1E400] =	vst v63  }
0x24c: {  	s1 =	simm.s32 $0xCC00  }
0x24d: {  	[tilespmem:s1], [sflag:$0x6] =	stream.indirect_vreg.gather [hbm4b:s10+s21], $0x80, v3, vm0, $0xb8;
	[tilespmem:$0x1E400] =	vst v63  }
0x24e: {  	v3 =	vld [tilespmem:$0x30];
	_ =	sdelay $0x4  }
0x24f: {  	v29 =	vshll.u32 v3, $0x1  }
0x250: {  	v3 =	vand.u32 $0x7, v3;
	v4 =	vand.u32 $0xFFFFFFF0, v29  }
0x251: {  	v3 =	vor.u32 v3, v4  }
0x252: {  	v4 =	vperm.xlane v3, v0;
	_ =	sdelay $0x1  }
0x253: {  	v3 =	vperm.xlane v3, v2;
	v4 =	vadd.s32 v1, v4;
	_ =	sdelay $0x1  }
0x254: {  	v3 =	vadd.s32 v1, v3;
	_ =	sdelay $0x1  }
0x255: {  	s20 =	simm.s32 $0xD400  }
0x256: {  	[tilespmem:s20], [sflag:$0x6] =	stream.indirect_vreg.gather [hbm4b:s10+s21], $0x80, v4, vm0, $0xb8;
	[tilespmem:$0x1E400] =	vst v63  }
0x257: {  	s12 =	simm.s32 $0xDC00  }
0x258: {  	[tilespmem:s12], [sflag:$0x6] =	stream.indirect_vreg.gather [hbm4b:s10+s21], $0x80, v3, vm0, $0xb8;
	[tilespmem:$0x1E400] =	vst v63  }
0x259: {  	v3 =	vld [tilespmem:$0x40];
	_ =	sdelay $0x4  }
0x25a: {  	v30 =	vshll.u32 v3, $0x1  }
0x25b: {  	v3 =	vand.u32 $0x7, v3;
	v4 =	vand.u32 $0xFFFFFFF0, v30  }
0x25c: {  	v3 =	vor.u32 v3, v4  }
0x25d: {  	v4 =	vperm.xlane v3, v0;
	_ =	sdelay $0x1  }
0x25e: {  	v3 =	vperm.xlane v3, v2;
	v4 =	vadd.s32 v1, v4;
	_ =	sdelay $0x1  }
0x25f: {  	v3 =	vadd.s32 v1, v3;
	_ =	sdelay $0x1  }
0x260: {  	s19 =	simm.s32 $0xE400  }
0x261: {  	[tilespmem:s19], [sflag:$0x6] =	stream.indirect_vreg.gather [hbm4b:s10+s21], $0x80, v4, vm0, $0xb8;
	[tilespmem:$0x1E400] =	vst v63  }
0x262: {  	s20 =	simm.s32 $0xEC00  }
0x263: {  	[tilespmem:s20], [sflag:$0x6] =	stream.indirect_vreg.gather [hbm4b:s10+s21], $0x80, v3, vm0, $0xb8;
	[tilespmem:$0x1E400] =	vst v63  }
0x264: {  	v3 =	vld [tilespmem:$0x50];
	_ =	sdelay $0x4  }
0x265: {  	v31 =	vshll.u32 v3, $0x1  }
0x266: {  	v3 =	vand.u32 $0x7, v3;
	v4 =	vand.u32 $0xFFFFFFF0, v31  }
0x267: {  	v3 =	vor.u32 v3, v4  }
0x268: {  	v4 =	vperm.xlane v3, v0;
	_ =	sdelay $0x1  }
0x269: {  	v3 =	vperm.xlane v3, v2;
	v4 =	vadd.s32 v1, v4;
	_ =	sdelay $0x1  }
0x26a: {  	v3 =	vadd.s32 v1, v3;
	_ =	sdelay $0x1  }
0x26b: {  	s1 =	simm.s32 $0xF400  }
0x26c: {  	[tilespmem:s1], [sflag:$0x6] =	stream.indirect_vreg.gather [hbm4b:s10+s21], $0x80, v4, vm0, $0xb8;
	[tilespmem:$0x1E400] =	vst v63  }
0x26d: {  	s12 =	simm.s32 $0xFC00  }
0x26e: {  	[tilespmem:s12], [sflag:$0x6] =	stream.indirect_vreg.gather [hbm4b:s10+s21], $0x80, v3, vm0, $0xb8;
	[tilespmem:$0x1E400] =	vst v63  }
0x26f: {  	v3 =	vld [tilespmem:$0x60];
	_ =	sdelay $0x4  }
0x270: {  	v32 =	vshll.u32 v3, $0x1  }
0x271: {  	v3 =	vand.u32 $0x7, v3;
	v4 =	vand.u32 $0xFFFFFFF0, v32  }
0x272: {  	v3 =	vor.u32 v3, v4  }
0x273: {  	v4 =	vperm.xlane v3, v0;
	_ =	sdelay $0x1  }
0x274: {  	v3 =	vperm.xlane v3, v2;
	v4 =	vadd.s32 v1, v4;
	_ =	sdelay $0x1  }
0x275: {  	v3 =	vadd.s32 v1, v3;
	_ =	sdelay $0x1  }
0x276: {  	s19 =	simm.s32 $0x10400  }
0x277: {  	[tilespmem:s19], [sflag:$0x6] =	stream.indirect_vreg.gather [hbm4b:s10+s21], $0x80, v4, vm0, $0xb8;
	[tilespmem:$0x1E400] =	vst v63  }
0x278: {  	s20 =	simm.s32 $0x10C00  }
0x279: {  	[tilespmem:s20], [sflag:$0x6] =	stream.indirect_vreg.gather [hbm4b:s10+s21], $0x80, v3, vm0, $0xb8;
	[tilespmem:$0x1E400] =	vst v63  }
0x27a: {  	v3 =	vld [tilespmem:$0x70];
	_ =	sdelay $0x4  }
0x27b: {  	v33 =	vshll.u32 v3, $0x1  }
0x27c: {  	v3 =	vand.u32 $0x7, v3;
	v4 =	vand.u32 $0xFFFFFFF0, v33  }
0x27d: {  	v3 =	vor.u32 v3, v4  }
0x27e: {  	v4 =	vperm.xlane v3, v0;
	_ =	sdelay $0x1  }
0x27f: {  	v3 =	vperm.xlane v3, v2;
	v4 =	vadd.s32 v1, v4;
	_ =	sdelay $0x1  }
0x280: {  	v3 =	vadd.s32 v1, v3;
	_ =	sdelay $0x1  }
0x281: {  	s22 =	simm.s32 $0x11400  }
0x282: {  	[tilespmem:s22], [sflag:$0x6] =	stream.indirect_vreg.gather [hbm4b:s10+s21], $0x80, v4, vm0, $0xb8;
	[tilespmem:$0x1E400] =	vst v63  }
0x283: {  	s1 =	simm.s32 $0x11C00  }
0x284: {  	[tilespmem:s1], [sflag:$0x6] =	stream.indirect_vreg.gather [hbm4b:s10+s21], $0x80, v3, vm0, $0xb8;
	[tilespmem:$0x1E400] =	vst v63  }
0x285: {  	v3 =	vld [tilespmem:$0x80];
	_ =	sdelay $0x4  }
0x286: {  	v34 =	vshll.u32 v3, $0x1  }
0x287: {  	v3 =	vand.u32 $0x7, v3;
	v4 =	vand.u32 $0xFFFFFFF0, v34  }
0x288: {  	v3 =	vor.u32 v3, v4  }
0x289: {  	v4 =	vperm.xlane v3, v0;
	_ =	sdelay $0x1  }
0x28a: {  	v3 =	vperm.xlane v3, v2;
	v4 =	vadd.s32 v1, v4;
	_ =	sdelay $0x1  }
0x28b: {  	v3 =	vadd.s32 v1, v3;
	_ =	sdelay $0x1  }
0x28c: {  	s25 =	simm.s32 $0x12400  }
0x28d: {  	[tilespmem:s25], [sflag:$0x6] =	stream.indirect_vreg.gather [hbm4b:s10+s21], $0x80, v4, vm0, $0xb8;
	[tilespmem:$0x1E400] =	vst v63  }
0x28e: {  	s12 =	simm.s32 $0x12C00  }
0x28f: {  	[tilespmem:s12], [sflag:$0x6] =	stream.indirect_vreg.gather [hbm4b:s10+s21], $0x80, v3, vm0, $0xb8;
	[tilespmem:$0x1E400] =	vst v63  }
0x290: {  	v3 =	vld [tilespmem:$0x90];
	_ =	sdelay $0x4  }
0x291: {  	v35 =	vshll.u32 v3, $0x1  }
0x292: {  	v3 =	vand.u32 $0x7, v3;
	v4 =	vand.u32 $0xFFFFFFF0, v35  }
0x293: {  	v3 =	vor.u32 v3, v4  }
0x294: {  	v4 =	vperm.xlane v3, v0;
	_ =	sdelay $0x1  }
0x295: {  	v3 =	vperm.xlane v3, v2;
	v4 =	vadd.s32 v1, v4;
	_ =	sdelay $0x1  }
0x296: {  	v3 =	vadd.s32 v1, v3;
	_ =	sdelay $0x1  }
0x297: {  	s19 =	simm.s32 $0x13400  }
0x298: {  	[tilespmem:s19], [sflag:$0x6] =	stream.indirect_vreg.gather [hbm4b:s10+s21], $0x80, v4, vm0, $0xb8;
	[tilespmem:$0x1E400] =	vst v63  }
0x299: {  	s20 =	simm.s32 $0x13C00  }
0x29a: {  	[tilespmem:s20], [sflag:$0x6] =	stream.indirect_vreg.gather [hbm4b:s10+s21], $0x80, v3, vm0, $0xb8;
	[tilespmem:$0x1E400] =	vst v63  }
0x29b: {  	s22 =	rddreg [dreg:$0xa];
	s25 =	simm.s32 $0x200  }
0x29c: {  	[tilespmem:s25], [sflag:$0x3] =	stream.linear.gather [hbm4b:s22+s21], $0xA0, $0x38;
	[tilespmem:$0x1E400] =	vst v63  }
0x29d: {  	_ =	swait.ge [sflag:s4], $0xA000  }
0x29e: {  	[sflag:s4] =	ssyncset.done $0x0  }
0x29f: {  	s11 =	simm.s32 $0x400;
	s1 =	rddreg [dreg:$0x1b];
	[sflag:s4] =	ssyncadd.s32 $0xFFFF6000  }
0x2a0: {  	[hbm4b:s1+s21] =	stream.linear.scatter [tilespmem:s11], [sflag:$0x8], $0xA000, $0x38;
	[tilespmem:$0x1E400] =	vst v63  }
0x2a1: {  	_ =	swait.ge [sflag:s7], $0xA0  }
0x2a2: {  	[sflag:s7] =	ssyncset.done $0x0  }
0x2a3: {  	[sflag:s7] =	ssyncadd.s32 $0xFFFFFF60  }
0x2a4: {  	_ =	swait.ge [sflag:s16], $0xA000  }
0x2a5: {  	[sflag:s16] =	ssyncset.done $0x0  }
0x2a6: {  	[sflag:s16] =	ssyncadd.s32 $0xFFFF6000  }
0x2a7: {  	v3 =	vld [tilespmem:$0x100];
	_ =	sdelay $0x4  }
0x2a8: {  	v36 =	vshll.u32 v3, $0x1  }
0x2a9: {  	v3 =	vand.u32 $0x7, v3;
	v4 =	vand.u32 $0xFFFFFFF0, v36  }
0x2aa: {  	v3 =	vor.u32 v3, v4  }
0x2ab: {  	v4 =	vperm.xlane v3, v0;
	_ =	sdelay $0x1  }
0x2ac: {  	v3 =	vperm.xlane v3, v2;
	v4 =	vadd.s32 v1, v4;
	_ =	sdelay $0x1  }
0x2ad: {  	v3 =	vadd.s32 v1, v3;
	_ =	sdelay $0x2  }
0x2ae: {  	[tilespmem:s6], [sflag:$0x7] =	stream.indirect_vreg.gather [hbm4b:s10+s21], $0x80, v4, vm0, $0xb8;
	[tilespmem:$0x1E400] =	vst v63  }
0x2af: {  	s6 =	simm.s32 $0x14C00  }
0x2b0: {  	[tilespmem:s6], [sflag:$0x7] =	stream.indirect_vreg.gather [hbm4b:s10+s21], $0x80, v3, vm0, $0xb8;
	[tilespmem:$0x1E400] =	vst v63  }
0x2b1: {  	v3 =	vld [tilespmem:$0x110];
	_ =	sdelay $0x4  }
0x2b2: {  	v37 =	vshll.u32 v3, $0x1  }
0x2b3: {  	v3 =	vand.u32 $0x7, v3;
	v4 =	vand.u32 $0xFFFFFFF0, v37  }
0x2b4: {  	v3 =	vor.u32 v3, v4  }
0x2b5: {  	v4 =	vperm.xlane v3, v0;
	_ =	sdelay $0x1  }
0x2b6: {  	v3 =	vperm.xlane v3, v2;
	v4 =	vadd.s32 v1, v4;
	_ =	sdelay $0x1  }
0x2b7: {  	v3 =	vadd.s32 v1, v3;
	_ =	sdelay $0x1  }
0x2b8: {  	s6 =	simm.s32 $0x15400  }
0x2b9: {  	[tilespmem:s6], [sflag:$0x7] =	stream.indirect_vreg.gather [hbm4b:s10+s21], $0x80, v4, vm0, $0xb8;
	[tilespmem:$0x1E400] =	vst v63  }
0x2ba: {  	s12 =	simm.s32 $0x15C00  }
0x2bb: {  	[tilespmem:s12], [sflag:$0x7] =	stream.indirect_vreg.gather [hbm4b:s10+s21], $0x80, v3, vm0, $0xb8;
	[tilespmem:$0x1E400] =	vst v63  }
0x2bc: {  	v3 =	vld [tilespmem:$0x120];
	_ =	sdelay $0x4  }
0x2bd: {  	v38 =	vshll.u32 v3, $0x1  }
0x2be: {  	v3 =	vand.u32 $0x7, v3;
	v4 =	vand.u32 $0xFFFFFFF0, v38  }
0x2bf: {  	v3 =	vor.u32 v3, v4  }
0x2c0: {  	v4 =	vperm.xlane v3, v0;
	_ =	sdelay $0x1  }
0x2c1: {  	v3 =	vperm.xlane v3, v2;
	v4 =	vadd.s32 v1, v4;
	_ =	sdelay $0x1  }
0x2c2: {  	v3 =	vadd.s32 v1, v3;
	_ =	sdelay $0x1  }
0x2c3: {  	s12 =	simm.s32 $0x16400  }
0x2c4: {  	[tilespmem:s12], [sflag:$0x7] =	stream.indirect_vreg.gather [hbm4b:s10+s21], $0x80, v4, vm0, $0xb8;
	[tilespmem:$0x1E400] =	vst v63  }
0x2c5: {  	s16 =	simm.s32 $0x16C00  }
0x2c6: {  	[tilespmem:s16], [sflag:$0x7] =	stream.indirect_vreg.gather [hbm4b:s10+s21], $0x80, v3, vm0, $0xb8;
	[tilespmem:$0x1E400] =	vst v63  }
0x2c7: {  	v3 =	vld [tilespmem:$0x130];
	_ =	sdelay $0x4  }
0x2c8: {  	v39 =	vshll.u32 v3, $0x1  }
0x2c9: {  	v3 =	vand.u32 $0x7, v3;
	v4 =	vand.u32 $0xFFFFFFF0, v39  }
0x2ca: {  	v3 =	vor.u32 v3, v4  }
0x2cb: {  	v4 =	vperm.xlane v3, v0;
	_ =	sdelay $0x1  }
0x2cc: {  	v3 =	vperm.xlane v3, v2;
	v4 =	vadd.s32 v1, v4;
	_ =	sdelay $0x1  }
0x2cd: {  	v3 =	vadd.s32 v1, v3;
	_ =	sdelay $0x1  }
0x2ce: {  	s25 =	simm.s32 $0x17400  }
0x2cf: {  	[tilespmem:s25], [sflag:$0x7] =	stream.indirect_vreg.gather [hbm4b:s10+s21], $0x80, v4, vm0, $0xb8;
	[tilespmem:$0x1E400] =	vst v63  }
0x2d0: {  	s30 =	simm.s32 $0x17C00  }
0x2d1: {  	[tilespmem:s30], [sflag:$0x7] =	stream.indirect_vreg.gather [hbm4b:s10+s21], $0x80, v3, vm0, $0xb8;
	[tilespmem:$0x1E400] =	vst v63  }
0x2d2: {  	v3 =	vld [tilespmem:$0x140];
	_ =	sdelay $0x4  }
0x2d3: {  	v40 =	vshll.u32 v3, $0x1  }
0x2d4: {  	v3 =	vand.u32 $0x7, v3;
	v4 =	vand.u32 $0xFFFFFFF0, v40  }
0x2d5: {  	v3 =	vor.u32 v3, v4  }
0x2d6: {  	v4 =	vperm.xlane v3, v0;
	_ =	sdelay $0x1  }
0x2d7: {  	v3 =	vperm.xlane v3, v2;
	v4 =	vadd.s32 v1, v4;
	_ =	sdelay $0x1  }
0x2d8: {  	v3 =	vadd.s32 v1, v3;
	_ =	sdelay $0x1  }
0x2d9: {  	s30 =	simm.s32 $0x18400  }
0x2da: {  	[tilespmem:s30], [sflag:$0x7] =	stream.indirect_vreg.gather [hbm4b:s10+s21], $0x80, v4, vm0, $0xb8;
	[tilespmem:$0x1E400] =	vst v63  }
0x2db: {  	s19 =	simm.s32 $0x18C00  }
0x2dc: {  	[tilespmem:s19], [sflag:$0x7] =	stream.indirect_vreg.gather [hbm4b:s10+s21], $0x80, v3, vm0, $0xb8;
	[tilespmem:$0x1E400] =	vst v63  }
0x2dd: {  	v3 =	vld [tilespmem:$0x150];
	_ =	sdelay $0x4  }
0x2de: {  	v41 =	vshll.u32 v3, $0x1  }
0x2df: {  	v3 =	vand.u32 $0x7, v3;
	v4 =	vand.u32 $0xFFFFFFF0, v41  }
0x2e0: {  	v3 =	vor.u32 v3, v4  }
0x2e1: {  	v4 =	vperm.xlane v3, v0;
	_ =	sdelay $0x1  }
0x2e2: {  	v3 =	vperm.xlane v3, v2;
	v4 =	vadd.s32 v1, v4;
	_ =	sdelay $0x1  }
0x2e3: {  	v3 =	vadd.s32 v1, v3;
	_ =	sdelay $0x1  }
0x2e4: {  	s28 =	simm.s32 $0x19400  }
0x2e5: {  	[tilespmem:s28], [sflag:$0x7] =	stream.indirect_vreg.gather [hbm4b:s10+s21], $0x80, v4, vm0, $0xb8;
	[tilespmem:$0x1E400] =	vst v63  }
0x2e6: {  	s20 =	simm.s32 $0x19C00  }
0x2e7: {  	[tilespmem:s20], [sflag:$0x7] =	stream.indirect_vreg.gather [hbm4b:s10+s21], $0x80, v3, vm0, $0xb8;
	[tilespmem:$0x1E400] =	vst v63  }
0x2e8: {  	v3 =	vld [tilespmem:$0x160];
	_ =	sdelay $0x4  }
0x2e9: {  	v42 =	vshll.u32 v3, $0x1  }
0x2ea: {  	v3 =	vand.u32 $0x7, v3;
	v4 =	vand.u32 $0xFFFFFFF0, v42  }
0x2eb: {  	v3 =	vor.u32 v3, v4  }
0x2ec: {  	v4 =	vperm.xlane v3, v0;
	_ =	sdelay $0x1  }
0x2ed: {  	v3 =	vperm.xlane v3, v2;
	v4 =	vadd.s32 v1, v4;
	_ =	sdelay $0x1  }
0x2ee: {  	v3 =	vadd.s32 v1, v3;
	_ =	sdelay $0x1  }
0x2ef: {  	s20 =	simm.s32 $0x1A400  }
0x2f0: {  	[tilespmem:s20], [sflag:$0x7] =	stream.indirect_vreg.gather [hbm4b:s10+s21], $0x80, v4, vm0, $0xb8;
	[tilespmem:$0x1E400] =	vst v63  }
0x2f1: {  	s22 =	simm.s32 $0x1AC00  }
0x2f2: {  	[tilespmem:s22], [sflag:$0x7] =	stream.indirect_vreg.gather [hbm4b:s10+s21], $0x80, v3, vm0, $0xb8;
	[tilespmem:$0x1E400] =	vst v63  }
0x2f3: {  	v3 =	vld [tilespmem:$0x170];
	_ =	sdelay $0x4  }
0x2f4: {  	v43 =	vshll.u32 v3, $0x1  }
0x2f5: {  	v3 =	vand.u32 $0x7, v3;
	v4 =	vand.u32 $0xFFFFFFF0, v43  }
0x2f6: {  	v3 =	vor.u32 v3, v4  }
0x2f7: {  	v4 =	vperm.xlane v3, v0;
	_ =	sdelay $0x1  }
0x2f8: {  	v3 =	vperm.xlane v3, v2;
	v4 =	vadd.s32 v1, v4;
	_ =	sdelay $0x1  }
0x2f9: {  	v3 =	vadd.s32 v1, v3;
	_ =	sdelay $0x1  }
0x2fa: {  	s22 =	simm.s32 $0x1B400  }
0x2fb: {  	[tilespmem:s22], [sflag:$0x7] =	stream.indirect_vreg.gather [hbm4b:s10+s21], $0x80, v4, vm0, $0xb8;
	[tilespmem:$0x1E400] =	vst v63  }
0x2fc: {  	s19 =	simm.s32 $0x1BC00  }
0x2fd: {  	[tilespmem:s19], [sflag:$0x7] =	stream.indirect_vreg.gather [hbm4b:s10+s21], $0x80, v3, vm0, $0xb8;
	[tilespmem:$0x1E400] =	vst v63  }
0x2fe: {  	v3 =	vld [tilespmem:$0x180];
	_ =	sdelay $0x4  }
0x2ff: {  	v44 =	vshll.u32 v3, $0x1  }
0x300: {  	v3 =	vand.u32 $0x7, v3;
	v4 =	vand.u32 $0xFFFFFFF0, v44  }
0x301: {  	v3 =	vor.u32 v3, v4  }
0x302: {  	v4 =	vperm.xlane v3, v0;
	_ =	sdelay $0x1  }
0x303: {  	v3 =	vperm.xlane v3, v2;
	v4 =	vadd.s32 v1, v4;
	_ =	sdelay $0x1  }
0x304: {  	v3 =	vadd.s32 v1, v3;
	_ =	sdelay $0x1  }
0x305: {  	s19 =	simm.s32 $0x1C400  }
0x306: {  	[tilespmem:s19], [sflag:$0x7] =	stream.indirect_vreg.gather [hbm4b:s10+s21], $0x80, v4, vm0, $0xb8;
	[tilespmem:$0x1E400] =	vst v63  }
0x307: {  	s19 =	simm.s32 $0x1CC00  }
0x308: {  	[tilespmem:s19], [sflag:$0x7] =	stream.indirect_vreg.gather [hbm4b:s10+s21], $0x80, v3, vm0, $0xb8;
	[tilespmem:$0x1E400] =	vst v63  }
0x309: {  	v3 =	vld [tilespmem:$0x190];
	_ =	sdelay $0x4  }
0x30a: {  	v45 =	vshll.u32 v3, $0x1  }
0x30b: {  	v3 =	vand.u32 $0x7, v3;
	v4 =	vand.u32 $0xFFFFFFF0, v45  }
0x30c: {  	v3 =	vor.u32 v3, v4  }
0x30d: {  	v4 =	vperm.xlane v3, v0;
	_ =	sdelay $0x1  }
0x30e: {  	v3 =	vperm.xlane v3, v2;
	v4 =	vadd.s32 v1, v4;
	_ =	sdelay $0x1  }
0x30f: {  	v3 =	vadd.s32 v1, v3;
	_ =	sdelay $0x1  }
0x310: {  	s19 =	simm.s32 $0x1D400  }
0x311: {  	[tilespmem:s19], [sflag:$0x7] =	stream.indirect_vreg.gather [hbm4b:s10+s21], $0x80, v4, vm0, $0xb8;
	[tilespmem:$0x1E400] =	vst v63  }
0x312: {  	s19 =	simm.s32 $0x1DC00  }
0x313: {  	[tilespmem:s19], [sflag:$0x7] =	stream.indirect_vreg.gather [hbm4b:s10+s21], $0x80, v3, vm0, $0xb8;
	[tilespmem:$0x1E400] =	vst v63  }
0x314: {  	s0 =	simm.s32 $0x300;
	s19 =	rddreg [dreg:$0xb]  }
0x315: {  	[tilespmem:s0], [sflag:$0x4] =	stream.linear.gather [hbm4b:s19+s21], $0xA0, $0x38;
	[tilespmem:$0x1E400] =	vst v63  }
0x316: {  	_ =	swait.ge [sflag:s9], $0xA000  }
0x317: {  	[sflag:s9] =	ssyncset.done $0x0  }
0x318: {  	s0 =	simm.s32 $0xA400;
	s19 =	rddreg [dreg:$0x1c];
	[sflag:s9] =	ssyncadd.s32 $0xFFFF6000  }
0x319: {  	[hbm4b:s19+s21] =	stream.linear.scatter [tilespmem:s0], [sflag:$0x9], $0xA000, $0x38;
	[tilespmem:$0x1E400] =	vst v63  }
0x31a: {  	_ =	swait.ge [sflag:s17], $0xA0  }
0x31b: {  	[sflag:s17] =	ssyncset.done $0x0  }
0x31c: {  	[sflag:s17] =	ssyncadd.s32 $0xFFFFFF60  }
0x31d: {  	_ =	swait.ge [sflag:s15], $0xA000  }
0x31e: {  	[sflag:s15] =	ssyncset.done $0x0  }
0x31f: {  	[sflag:s15] =	ssyncadd.s32 $0xFFFF6000  }
0x320: {  	v3 =	vld [tilespmem:$0x200];
	_ =	sdelay $0x4  }
0x321: {  	v46 =	vshll.u32 v3, $0x1  }
0x322: {  	v3 =	vand.u32 $0x7, v3;
	v4 =	vand.u32 $0xFFFFFFF0, v46  }
0x323: {  	v3 =	vor.u32 v3, v4  }
0x324: {  	v4 =	vperm.xlane v3, v0;
	_ =	sdelay $0x1  }
0x325: {  	v3 =	vperm.xlane v3, v2;
	v4 =	vadd.s32 v1, v4;
	_ =	sdelay $0x1  }
0x326: {  	v3 =	vadd.s32 v1, v3;
	_ =	sdelay $0x2  }
0x327: {  	[tilespmem:s11], [sflag:$0x5] =	stream.indirect_vreg.gather [hbm4b:s10+s21], $0x80, v4, vm0, $0xb8;
	[tilespmem:$0x1E400] =	vst v63  }
0x328: {  	s19 =	simm.s32 $0xC00  }
0x329: {  	[tilespmem:s19], [sflag:$0x5] =	stream.indirect_vreg.gather [hbm4b:s10+s21], $0x80, v3, vm0, $0xb8;
	[tilespmem:$0x1E400] =	vst v63  }
0x32a: {  	v3 =	vld [tilespmem:$0x210];
	_ =	sdelay $0x4  }
0x32b: {  	v47 =	vshll.u32 v3, $0x1  }
0x32c: {  	v3 =	vand.u32 $0x7, v3;
	v4 =	vand.u32 $0xFFFFFFF0, v47  }
0x32d: {  	v3 =	vor.u32 v3, v4  }
0x32e: {  	v4 =	vperm.xlane v3, v0;
	_ =	sdelay $0x1  }
0x32f: {  	v3 =	vperm.xlane v3, v2;
	v4 =	vadd.s32 v1, v4;
	_ =	sdelay $0x1  }
0x330: {  	v3 =	vadd.s32 v1, v3;
	_ =	sdelay $0x2  }
0x331: {  	[tilespmem:s29], [sflag:$0x5] =	stream.indirect_vreg.gather [hbm4b:s10+s21], $0x80, v4, vm0, $0xb8;
	[tilespmem:$0x1E400] =	vst v63  }
0x332: {  	s29 =	simm.s32 $0x1C00  }
0x333: {  	[tilespmem:s29], [sflag:$0x5] =	stream.indirect_vreg.gather [hbm4b:s10+s21], $0x80, v3, vm0, $0xb8;
	[tilespmem:$0x1E400] =	vst v63  }
0x334: {  	v3 =	vld [tilespmem:$0x220];
	_ =	sdelay $0x4  }
0x335: {  	v48 =	vshll.u32 v3, $0x1  }
0x336: {  	v3 =	vand.u32 $0x7, v3;
	v4 =	vand.u32 $0xFFFFFFF0, v48  }
0x337: {  	v3 =	vor.u32 v3, v4  }
0x338: {  	v4 =	vperm.xlane v3, v0;
	_ =	sdelay $0x1  }
0x339: {  	v3 =	vperm.xlane v3, v2;
	v4 =	vadd.s32 v1, v4;
	_ =	sdelay $0x1  }
0x33a: {  	v3 =	vadd.s32 v1, v3;
	_ =	sdelay $0x2  }
0x33b: {  	[tilespmem:s31], [sflag:$0x5] =	stream.indirect_vreg.gather [hbm4b:s10+s21], $0x80, v4, vm0, $0xb8;
	[tilespmem:$0x1E400] =	vst v63  }
0x33c: {  	s31 =	simm.s32 $0x2C00  }
0x33d: {  	[tilespmem:s31], [sflag:$0x5] =	stream.indirect_vreg.gather [hbm4b:s10+s21], $0x80, v3, vm0, $0xb8;
	[tilespmem:$0x1E400] =	vst v63  }
0x33e: {  	v3 =	vld [tilespmem:$0x230];
	_ =	sdelay $0x4  }
0x33f: {  	v49 =	vshll.u32 v3, $0x1  }
0x340: {  	v3 =	vand.u32 $0x7, v3;
	v4 =	vand.u32 $0xFFFFFFF0, v49  }
0x341: {  	v3 =	vor.u32 v3, v4  }
0x342: {  	v4 =	vperm.xlane v3, v0;
	_ =	sdelay $0x1  }
0x343: {  	v3 =	vperm.xlane v3, v2;
	v4 =	vadd.s32 v1, v4;
	_ =	sdelay $0x1  }
0x344: {  	v3 =	vadd.s32 v1, v3;
	_ =	sdelay $0x1  }
0x345: {  	s11 =	simm.s32 $0x3400  }
0x346: {  	[tilespmem:s11], [sflag:$0x5] =	stream.indirect_vreg.gather [hbm4b:s10+s21], $0x80, v4, vm0, $0xb8;
	[tilespmem:$0x1E400] =	vst v63  }
0x347: {  	s19 =	simm.s32 $0x3C00  }
0x348: {  	[tilespmem:s19], [sflag:$0x5] =	stream.indirect_vreg.gather [hbm4b:s10+s21], $0x80, v3, vm0, $0xb8;
	[tilespmem:$0x1E400] =	vst v63  }
0x349: {  	v3 =	vld [tilespmem:$0x240];
	_ =	sdelay $0x4  }
0x34a: {  	v50 =	vshll.u32 v3, $0x1  }
0x34b: {  	v3 =	vand.u32 $0x7, v3;
	v4 =	vand.u32 $0xFFFFFFF0, v50  }
0x34c: {  	v3 =	vor.u32 v3, v4  }
0x34d: {  	v4 =	vperm.xlane v3, v0;
	_ =	sdelay $0x1  }
0x34e: {  	v3 =	vperm.xlane v3, v2;
	v4 =	vadd.s32 v1, v4;
	_ =	sdelay $0x1  }
0x34f: {  	v3 =	vadd.s32 v1, v3;
	_ =	sdelay $0x1  }
0x350: {  	s29 =	simm.s32 $0x4400  }
0x351: {  	[tilespmem:s29], [sflag:$0x5] =	stream.indirect_vreg.gather [hbm4b:s10+s21], $0x80, v4, vm0, $0xb8;
	[tilespmem:$0x1E400] =	vst v63  }
0x352: {  	s31 =	simm.s32 $0x4C00  }
0x353: {  	[tilespmem:s31], [sflag:$0x5] =	stream.indirect_vreg.gather [hbm4b:s10+s21], $0x80, v3, vm0, $0xb8;
	[tilespmem:$0x1E400] =	vst v63  }
0x354: {  	v3 =	vld [tilespmem:$0x250];
	_ =	sdelay $0x4  }
0x355: {  	v51 =	vshll.u32 v3, $0x1  }
0x356: {  	v3 =	vand.u32 $0x7, v3;
	v4 =	vand.u32 $0xFFFFFFF0, v51  }
0x357: {  	v3 =	vor.u32 v3, v4  }
0x358: {  	v4 =	vperm.xlane v3, v0;
	_ =	sdelay $0x1  }
0x359: {  	v3 =	vperm.xlane v3, v2;
	v4 =	vadd.s32 v1, v4;
	_ =	sdelay $0x1  }
0x35a: {  	v3 =	vadd.s32 v1, v3;
	_ =	sdelay $0x2  }
0x35b: {  	[tilespmem:s2], [sflag:$0x5] =	stream.indirect_vreg.gather [hbm4b:s10+s21], $0x80, v4, vm0, $0xb8;
	[tilespmem:$0x1E400] =	vst v63  }
0x35c: {  	s11 =	simm.s32 $0x5C00  }
0x35d: {  	[tilespmem:s11], [sflag:$0x5] =	stream.indirect_vreg.gather [hbm4b:s10+s21], $0x80, v3, vm0, $0xb8;
	[tilespmem:$0x1E400] =	vst v63  }
0x35e: {  	v3 =	vld [tilespmem:$0x260];
	_ =	sdelay $0x4  }
0x35f: {  	v52 =	vshll.u32 v3, $0x1  }
0x360: {  	v3 =	vand.u32 $0x7, v3;
	v4 =	vand.u32 $0xFFFFFFF0, v52  }
0x361: {  	v3 =	vor.u32 v3, v4  }
0x362: {  	v4 =	vperm.xlane v3, v0;
	_ =	sdelay $0x1  }
0x363: {  	v3 =	vperm.xlane v3, v2;
	v4 =	vadd.s32 v1, v4;
	_ =	sdelay $0x1  }
0x364: {  	v3 =	vadd.s32 v1, v3;
	_ =	sdelay $0x2  }
0x365: {  	[tilespmem:s3], [sflag:$0x5] =	stream.indirect_vreg.gather [hbm4b:s10+s21], $0x80, v4, vm0, $0xb8;
	[tilespmem:$0x1E400] =	vst v63  }
0x366: {  	_ = 	snop  }
0x367: {  	[tilespmem:s26], [sflag:$0x5] =	stream.indirect_vreg.gather [hbm4b:s10+s21], $0x80, v3, vm0, $0xb8;
	[tilespmem:$0x1E400] =	vst v63  }
0x368: {  	v3 =	vld [tilespmem:$0x270];
	_ =	sdelay $0x4  }
0x369: {  	v53 =	vshll.u32 v3, $0x1  }
0x36a: {  	v3 =	vand.u32 $0x7, v3;
	v4 =	vand.u32 $0xFFFFFFF0, v53  }
0x36b: {  	v3 =	vor.u32 v3, v4  }
0x36c: {  	v4 =	vperm.xlane v3, v0;
	_ =	sdelay $0x1  }
0x36d: {  	v3 =	vperm.xlane v3, v2;
	v4 =	vadd.s32 v1, v4;
	_ =	sdelay $0x1  }
0x36e: {  	v3 =	vadd.s32 v1, v3;
	_ =	sdelay $0x2  }
0x36f: {  	[tilespmem:s8], [sflag:$0x5] =	stream.indirect_vreg.gather [hbm4b:s10+s21], $0x80, v4, vm0, $0xb8;
	[tilespmem:$0x1E400] =	vst v63  }
0x370: {  	_ = 	snop  }
0x371: {  	[tilespmem:s14], [sflag:$0x5] =	stream.indirect_vreg.gather [hbm4b:s10+s21], $0x80, v3, vm0, $0xb8;
	[tilespmem:$0x1E400] =	vst v63  }
0x372: {  	v3 =	vld [tilespmem:$0x280];
	_ =	sdelay $0x4  }
0x373: {  	v54 =	vshll.u32 v3, $0x1  }
0x374: {  	v3 =	vand.u32 $0x7, v3;
	v4 =	vand.u32 $0xFFFFFFF0, v54  }
0x375: {  	v3 =	vor.u32 v3, v4  }
0x376: {  	v4 =	vperm.xlane v3, v0;
	_ =	sdelay $0x1  }
0x377: {  	v3 =	vperm.xlane v3, v2;
	v4 =	vadd.s32 v1, v4;
	_ =	sdelay $0x1  }
0x378: {  	v3 =	vadd.s32 v1, v3;
	_ =	sdelay $0x2  }
0x379: {  	[tilespmem:s23], [sflag:$0x5] =	stream.indirect_vreg.gather [hbm4b:s10+s21], $0x80, v4, vm0, $0xb8;
	[tilespmem:$0x1E400] =	vst v63  }
0x37a: {  	_ = 	snop  }
0x37b: {  	[tilespmem:s13], [sflag:$0x5] =	stream.indirect_vreg.gather [hbm4b:s10+s21], $0x80, v3, vm0, $0xb8;
	[tilespmem:$0x1E400] =	vst v63  }
0x37c: {  	v3 =	vld [tilespmem:$0x290];
	_ =	sdelay $0x4  }
0x37d: {  	v55 =	vshll.u32 v3, $0x1  }
0x37e: {  	v3 =	vand.u32 $0x7, v3;
	v4 =	vand.u32 $0xFFFFFFF0, v55  }
0x37f: {  	v3 =	vor.u32 v3, v4  }
0x380: {  	v4 =	vperm.xlane v3, v0;
	_ =	sdelay $0x1  }
0x381: {  	v3 =	vperm.xlane v3, v2;
	v4 =	vadd.s32 v1, v4;
	_ =	sdelay $0x1  }
0x382: {  	v3 =	vadd.s32 v1, v3;
	_ =	sdelay $0x2  }
0x383: {  	[tilespmem:s24], [sflag:$0x5] =	stream.indirect_vreg.gather [hbm4b:s10+s21], $0x80, v4, vm0, $0xb8;
	[tilespmem:$0x1E400] =	vst v63  }
0x384: {  	s19 =	simm.s32 $0x9C00  }
0x385: {  	[tilespmem:s19], [sflag:$0x5] =	stream.indirect_vreg.gather [hbm4b:s10+s21], $0x80, v3, vm0, $0xb8;
	[tilespmem:$0x1E400] =	vst v63  }
0x386: {  	s23 =	rddreg [dreg:$0xc]  }
0x387: {  	[tilespmem:s21], [sflag:$0x1] =	stream.linear.gather [hbm4b:s23+s21], $0xA0, $0x38;
	[tilespmem:$0x1E400] =	vst v63  }
0x388: {  	_ =	swait.ge [sflag:s18], $0xA000  }
0x389: {  	s1 =	simm.s32 $0x14400;
	[sflag:s18] =	ssyncset.done $0x0  }
0x38a: {  	s26 =	simm.s32 $0x4;
	s24 =	rddreg [dreg:$0x1d];
	[sflag:s18] =	ssyncadd.s32 $0xFFFF6000  }
0x38b: {  	[hbm4b:s24+s21] =	stream.linear.scatter [tilespmem:s1], [sflag:$0xA], $0xA000, $0x38;
	[tilespmem:$0x1E400] =	vst v63  }
0x38c: {  	_ =	swait.ge [sflag:s26], $0xA0  }
0x38d: {  	[sflag:s26] =	ssyncset.done $0x0  }
0x38e: {  	s16 =	simm.s32 $0x9;
	[sflag:s26] =	ssyncadd.s32 $0xFFFFFF60  }
0x38f: {  	_ =	swait.ge [sflag:s16], $0xA000  }
0x390: {  	[sflag:s16] =	ssyncset.done $0x0  }
0x391: {  	[sflag:s16] =	ssyncadd.s32 $0xFFFF6000  }
0x392: {  	v3 =	vld [tilespmem:$0x300];
	_ =	sdelay $0x4  }
0x393: {  	v56 =	vshll.u32 v3, $0x1  }
0x394: {  	v3 =	vand.u32 $0x7, v3;
	v4 =	vand.u32 $0xFFFFFFF0, v56  }
0x395: {  	v3 =	vor.u32 v3, v4  }
0x396: {  	v4 =	vperm.xlane v3, v0;
	_ =	sdelay $0x1  }
0x397: {  	v3 =	vperm.xlane v3, v2;
	v4 =	vadd.s32 v1, v4;
	_ =	sdelay $0x1  }
0x398: {  	v3 =	vadd.s32 v1, v3;
	_ =	sdelay $0x1  }
0x399: {  	s29 =	simm.s32 $0xA400  }
0x39a: {  	[tilespmem:s29], [sflag:$0x6] =	stream.indirect_vreg.gather [hbm4b:s10+s21], $0x80, v4, vm0, $0xb8;
	[tilespmem:$0x1E400] =	vst v63  }
0x39b: {  	s31 =	simm.s32 $0xAC00  }
0x39c: {  	[tilespmem:s31], [sflag:$0x6] =	stream.indirect_vreg.gather [hbm4b:s10+s21], $0x80, v3, vm0, $0xb8;
	[tilespmem:$0x1E400] =	vst v63  }
0x39d: {  	v3 =	vld [tilespmem:$0x310];
	_ =	sdelay $0x4  }
0x39e: {  	v57 =	vshll.u32 v3, $0x1  }
0x39f: {  	v3 =	vand.u32 $0x7, v3;
	v4 =	vand.u32 $0xFFFFFFF0, v57  }
0x3a0: {  	v3 =	vor.u32 v3, v4  }
0x3a1: {  	v4 =	vperm.xlane v3, v0;
	_ =	sdelay $0x1  }
0x3a2: {  	v3 =	vperm.xlane v3, v2;
	v4 =	vadd.s32 v1, v4;
	_ =	sdelay $0x1  }
0x3a3: {  	v3 =	vadd.s32 v1, v3;
	_ =	sdelay $0x1  }
0x3a4: {  	s1 =	simm.s32 $0xB400  }
0x3a5: {  	[tilespmem:s1], [sflag:$0x6] =	stream.indirect_vreg.gather [hbm4b:s10+s21], $0x80, v4, vm0, $0xb8;
	[tilespmem:$0x1E400] =	vst v63  }
0x3a6: {  	s3 =	simm.s32 $0xBC00  }
0x3a7: {  	[tilespmem:s3], [sflag:$0x6] =	stream.indirect_vreg.gather [hbm4b:s10+s21], $0x80, v3, vm0, $0xb8;
	[tilespmem:$0x1E400] =	vst v63  }
0x3a8: {  	v3 =	vld [tilespmem:$0x320];
	_ =	sdelay $0x4  }
0x3a9: {  	v58 =	vshll.u32 v3, $0x1  }
0x3aa: {  	v3 =	vand.u32 $0x7, v3;
	v4 =	vand.u32 $0xFFFFFFF0, v58  }
0x3ab: {  	v3 =	vor.u32 v3, v4  }
0x3ac: {  	v4 =	vperm.xlane v3, v0;
	_ =	sdelay $0x1  }
0x3ad: {  	v3 =	vperm.xlane v3, v2;
	v4 =	vadd.s32 v1, v4;
	_ =	sdelay $0x1  }
0x3ae: {  	v3 =	vadd.s32 v1, v3;
	_ =	sdelay $0x1  }
0x3af: {  	s8 =	simm.s32 $0xC400  }
0x3b0: {  	[tilespmem:s8], [sflag:$0x6] =	stream.indirect_vreg.gather [hbm4b:s10+s21], $0x80, v4, vm0, $0xb8;
	[tilespmem:$0x1E400] =	vst v63  }
0x3b1: {  	s11 =	simm.s32 $0xCC00  }
0x3b2: {  	[tilespmem:s11], [sflag:$0x6] =	stream.indirect_vreg.gather [hbm4b:s10+s21], $0x80, v3, vm0, $0xb8;
	[tilespmem:$0x1E400] =	vst v63  }
0x3b3: {  	v3 =	vld [tilespmem:$0x330];
	_ =	sdelay $0x4  }
0x3b4: {  	v59 =	vshll.u32 v3, $0x1  }
0x3b5: {  	v3 =	vand.u32 $0x7, v3;
	v4 =	vand.u32 $0xFFFFFFF0, v59  }
0x3b6: {  	v3 =	vor.u32 v3, v4  }
0x3b7: {  	v4 =	vperm.xlane v3, v0;
	_ =	sdelay $0x1  }
0x3b8: {  	v3 =	vperm.xlane v3, v2;
	v4 =	vadd.s32 v1, v4;
	_ =	sdelay $0x1  }
0x3b9: {  	v3 =	vadd.s32 v1, v3;
	_ =	sdelay $0x1  }
0x3ba: {  	s11 =	simm.s32 $0xD400  }
0x3bb: {  	[tilespmem:s11], [sflag:$0x6] =	stream.indirect_vreg.gather [hbm4b:s10+s21], $0x80, v4, vm0, $0xb8;
	[tilespmem:$0x1E400] =	vst v63  }
0x3bc: {  	s13 =	simm.s32 $0xDC00  }
0x3bd: {  	[tilespmem:s13], [sflag:$0x6] =	stream.indirect_vreg.gather [hbm4b:s10+s21], $0x80, v3, vm0, $0xb8;
	[tilespmem:$0x1E400] =	vst v63  }
0x3be: {  	v3 =	vld [tilespmem:$0x340];
	_ =	sdelay $0x4  }
0x3bf: {  	v60 =	vshll.u32 v3, $0x1  }
0x3c0: {  	v3 =	vand.u32 $0x7, v3;
	v4 =	vand.u32 $0xFFFFFFF0, v60  }
0x3c1: {  	v3 =	vor.u32 v3, v4  }
0x3c2: {  	v4 =	vperm.xlane v3, v0;
	_ =	sdelay $0x1  }
0x3c3: {  	v3 =	vperm.xlane v3, v2;
	v4 =	vadd.s32 v1, v4;
	_ =	sdelay $0x1  }
0x3c4: {  	v3 =	vadd.s32 v1, v3;
	_ =	sdelay $0x1  }
0x3c5: {  	s19 =	simm.s32 $0xE400  }
0x3c6: {  	[tilespmem:s19], [sflag:$0x6] =	stream.indirect_vreg.gather [hbm4b:s10+s21], $0x80, v4, vm0, $0xb8;
	[tilespmem:$0x1E400] =	vst v63  }
0x3c7: {  	s23 =	simm.s32 $0xEC00  }
0x3c8: {  	[tilespmem:s23], [sflag:$0x6] =	stream.indirect_vreg.gather [hbm4b:s10+s21], $0x80, v3, vm0, $0xb8;
	[tilespmem:$0x1E400] =	vst v63  }
0x3c9: {  	v3 =	vld [tilespmem:$0x350];
	_ =	sdelay $0x4  }
0x3ca: {  	v61 =	vshll.u32 v3, $0x1  }
0x3cb: {  	v3 =	vand.u32 $0x7, v3;
	v4 =	vand.u32 $0xFFFFFFF0, v61  }
0x3cc: {  	v3 =	vor.u32 v3, v4  }
0x3cd: {  	v4 =	vperm.xlane v3, v0;
	_ =	sdelay $0x1  }
0x3ce: {  	v3 =	vperm.xlane v3, v2;
	v4 =	vadd.s32 v1, v4;
	_ =	sdelay $0x1  }
0x3cf: {  	v3 =	vadd.s32 v1, v3;
	_ =	sdelay $0x1  }
0x3d0: {  	s24 =	simm.s32 $0xF400  }
0x3d1: {  	[tilespmem:s24], [sflag:$0x6] =	stream.indirect_vreg.gather [hbm4b:s10+s21], $0x80, v4, vm0, $0xb8;
	[tilespmem:$0x1E400] =	vst v63  }
0x3d2: {  	s29 =	simm.s32 $0xFC00  }
0x3d3: {  	[tilespmem:s29], [sflag:$0x6] =	stream.indirect_vreg.gather [hbm4b:s10+s21], $0x80, v3, vm0, $0xb8;
	[tilespmem:$0x1E400] =	vst v63  }
0x3d4: {  	v3 =	vld [tilespmem:$0x360];
	_ =	sdelay $0x4  }
0x3d5: {  	v62 =	vshll.u32 v3, $0x1  }
0x3d6: {  	v3 =	vand.u32 $0x7, v3;
	v4 =	vand.u32 $0xFFFFFFF0, v62  }
0x3d7: {  	v3 =	vor.u32 v3, v4  }
0x3d8: {  	v4 =	vperm.xlane v3, v0;
	_ =	sdelay $0x1  }
0x3d9: {  	v3 =	vperm.xlane v3, v2;
	v4 =	vadd.s32 v1, v4;
	_ =	sdelay $0x1  }
0x3da: {  	v3 =	vadd.s32 v1, v3;
	_ =	sdelay $0x1  }
0x3db: {  	s31 =	simm.s32 $0x10400  }
0x3dc: {  	[tilespmem:s31], [sflag:$0x6] =	stream.indirect_vreg.gather [hbm4b:s10+s21], $0x80, v4, vm0, $0xb8;
	[tilespmem:$0x1E400] =	vst v63  }
0x3dd: {  	s1 =	simm.s32 $0x10C00  }
0x3de: {  	[tilespmem:s1], [sflag:$0x6] =	stream.indirect_vreg.gather [hbm4b:s10+s21], $0x80, v3, vm0, $0xb8;
	[tilespmem:$0x1E400] =	vst v63  }
0x3df: {  	v3 =	vld [tilespmem:$0x370];
	_ =	sdelay $0x4  }
0x3e0: {  	v63 =	vshll.u32 v3, $0x1  }
0x3e1: {  	v3 =	vand.u32 $0x7, v3;
	v4 =	vand.u32 $0xFFFFFFF0, v63  }
0x3e2: {  	v3 =	vor.u32 v3, v4  }
0x3e3: {  	v4 =	vperm.xlane v3, v0;
	_ =	sdelay $0x1  }
0x3e4: {  	v3 =	vperm.xlane v3, v2;
	v4 =	vadd.s32 v1, v4;
	_ =	sdelay $0x1  }
0x3e5: {  	v3 =	vadd.s32 v1, v3;
	_ =	sdelay $0x1  }
0x3e6: {  	s29 =	simm.s32 $0x11400  }
0x3e7: {  	[tilespmem:s29], [sflag:$0x6] =	stream.indirect_vreg.gather [hbm4b:s10+s21], $0x80, v4, vm0, $0xb8;
	[tilespmem:$0x1E400] =	vst v63  }
0x3e8: {  	s8 =	simm.s32 $0x11C00  }
0x3e9: {  	[tilespmem:s8], [sflag:$0x6] =	stream.indirect_vreg.gather [hbm4b:s10+s21], $0x80, v3, vm0, $0xb8;
	[tilespmem:$0x1E400] =	vst v63  }
0x3ea: {  	v3 =	vld [tilespmem:$0x380];
	_ =	sdelay $0x4  }
0x3eb: {  	v8 =	vshll.u32 v3, $0x1  }
0x3ec: {  	v3 =	vand.u32 $0x7, v3;
	v4 =	vand.u32 $0xFFFFFFF0, v8  }
0x3ed: {  	v3 =	vor.u32 v3, v4  }
0x3ee: {  	v4 =	vperm.xlane v3, v0;
	_ =	sdelay $0x1  }
0x3ef: {  	v3 =	vperm.xlane v3, v2;
	v4 =	vadd.s32 v1, v4;
	_ =	sdelay $0x1  }
0x3f0: {  	v3 =	vadd.s32 v1, v3;
	_ =	sdelay $0x1  }
0x3f1: {  	s0 =	simm.s32 $0x12400  }
0x3f2: {  	[tilespmem:s0], [sflag:$0x6] =	stream.indirect_vreg.gather [hbm4b:s10+s21], $0x80, v4, vm0, $0xb8;
	[tilespmem:$0x1E400] =	vst v63  }
0x3f3: {  	s13 =	simm.s32 $0x12C00  }
0x3f4: {  	[tilespmem:s13], [sflag:$0x6] =	stream.indirect_vreg.gather [hbm4b:s10+s21], $0x80, v3, vm0, $0xb8;
	[tilespmem:$0x1E400] =	vst v63  }
0x3f5: {  	v3 =	vld [tilespmem:$0x390];
	_ =	sdelay $0x4  }
0x3f6: {  	v9 =	vshll.u32 v3, $0x1  }
0x3f7: {  	v3 =	vand.u32 $0x7, v3;
	v4 =	vand.u32 $0xFFFFFFF0, v9  }
0x3f8: {  	v3 =	vor.u32 v3, v4  }
0x3f9: {  	v4 =	vperm.xlane v3, v0;
	_ =	sdelay $0x1  }
0x3fa: {  	v3 =	vperm.xlane v3, v2;
	v4 =	vadd.s32 v1, v4;
	_ =	sdelay $0x1  }
0x3fb: {  	v3 =	vadd.s32 v1, v3;
	_ =	sdelay $0x1  }
0x3fc: {  	s19 =	simm.s32 $0x13400  }
0x3fd: {  	[tilespmem:s19], [sflag:$0x6] =	stream.indirect_vreg.gather [hbm4b:s10+s21], $0x80, v4, vm0, $0xb8;
	[tilespmem:$0x1E400] =	vst v63  }
0x3fe: {  	s23 =	simm.s32 $0x13C00  }
0x3ff: {  	[tilespmem:s23], [sflag:$0x6] =	stream.indirect_vreg.gather [hbm4b:s10+s21], $0x80, v3, vm0, $0xb8;
	[tilespmem:$0x1E400] =	vst v63  }
0x400: {  	s24 =	rddreg [dreg:$0xd];
	s31 =	simm.s32 $0x100  }
0x401: {  	[tilespmem:s31], [sflag:$0x2] =	stream.linear.gather [hbm4b:s24+s21], $0xA0, $0x38;
	[tilespmem:$0x1E400] =	vst v63  }
0x402: {  	_ =	swait.ge [sflag:s4], $0xA000  }
0x403: {  	[sflag:s4] =	ssyncset.done $0x0  }
0x404: {  	s14 =	simm.s32 $0x400;
	s1 =	rddreg [dreg:$0x1e];
	[sflag:s4] =	ssyncadd.s32 $0xFFFF6000  }
0x405: {  	[hbm4b:s1+s21] =	stream.linear.scatter [tilespmem:s14], [sflag:$0x8], $0xA000, $0x38;
	[tilespmem:$0x1E400] =	vst v63  }
0x406: {  	_ =	swait.ge [sflag:s5], $0xA0  }
0x407: {  	[sflag:s5] =	ssyncset.done $0x0  }
0x408: {  	s16 =	simm.s32 $0xA;
	[sflag:s5] =	ssyncadd.s32 $0xFFFFFF60  }
0x409: {  	_ =	swait.ge [sflag:s16], $0xA000  }
0x40a: {  	[sflag:s16] =	ssyncset.done $0x0  }
0x40b: {  	[sflag:s16] =	ssyncadd.s32 $0xFFFF6000  }
0x40c: {  	v3 =	vld [tilespmem:$0x0];
	_ =	sdelay $0x4  }
0x40d: {  	v10 =	vshll.u32 v3, $0x1  }
0x40e: {  	v3 =	vand.u32 $0x7, v3;
	v4 =	vand.u32 $0xFFFFFFF0, v10  }
0x40f: {  	v3 =	vor.u32 v3, v4  }
0x410: {  	v4 =	vperm.xlane v3, v0;
	_ =	sdelay $0x1  }
0x411: {  	v3 =	vperm.xlane v3, v2;
	v4 =	vadd.s32 v1, v4;
	_ =	sdelay $0x1  }
0x412: {  	v3 =	vadd.s32 v1, v3;
	_ =	sdelay $0x1  }
0x413: {  	s2 =	simm.s32 $0x14400  }
0x414: {  	[tilespmem:s2], [sflag:$0x7] =	stream.indirect_vreg.gather [hbm4b:s10+s21], $0x80, v4, vm0, $0xb8;
	[tilespmem:$0x1E400] =	vst v63  }
0x415: {  	s8 =	simm.s32 $0x14C00  }
0x416: {  	[tilespmem:s8], [sflag:$0x7] =	stream.indirect_vreg.gather [hbm4b:s10+s21], $0x80, v3, vm0, $0xb8;
	[tilespmem:$0x1E400] =	vst v63  }
0x417: {  	v3 =	vld [tilespmem:$0x10];
	_ =	sdelay $0x4  }
0x418: {  	v11 =	vshll.u32 v3, $0x1  }
0x419: {  	v3 =	vand.u32 $0x7, v3;
	v4 =	vand.u32 $0xFFFFFFF0, v11  }
0x41a: {  	v3 =	vor.u32 v3, v4  }
0x41b: {  	v4 =	vperm.xlane v3, v0;
	_ =	sdelay $0x1  }
0x41c: {  	v3 =	vperm.xlane v3, v2;
	v4 =	vadd.s32 v1, v4;
	_ =	sdelay $0x1  }
0x41d: {  	v3 =	vadd.s32 v1, v3;
	_ =	sdelay $0x2  }
0x41e: {  	[tilespmem:s6], [sflag:$0x7] =	stream.indirect_vreg.gather [hbm4b:s10+s21], $0x80, v4, vm0, $0xb8;
	[tilespmem:$0x1E400] =	vst v63  }
0x41f: {  	s13 =	simm.s32 $0x15C00  }
0x420: {  	[tilespmem:s13], [sflag:$0x7] =	stream.indirect_vreg.gather [hbm4b:s10+s21], $0x80, v3, vm0, $0xb8;
	[tilespmem:$0x1E400] =	vst v63  }
0x421: {  	v3 =	vld [tilespmem:$0x20];
	_ =	sdelay $0x4  }
0x422: {  	v12 =	vshll.u32 v3, $0x1  }
0x423: {  	v3 =	vand.u32 $0x7, v3;
	v4 =	vand.u32 $0xFFFFFFF0, v12  }
0x424: {  	v3 =	vor.u32 v3, v4  }
0x425: {  	v4 =	vperm.xlane v3, v0;
	_ =	sdelay $0x1  }
0x426: {  	v3 =	vperm.xlane v3, v2;
	v4 =	vadd.s32 v1, v4;
	_ =	sdelay $0x1  }
0x427: {  	v3 =	vadd.s32 v1, v3;
	_ =	sdelay $0x2  }
0x428: {  	[tilespmem:s12], [sflag:$0x7] =	stream.indirect_vreg.gather [hbm4b:s10+s21], $0x80, v4, vm0, $0xb8;
	[tilespmem:$0x1E400] =	vst v63  }
0x429: {  	s23 =	simm.s32 $0x16C00  }
0x42a: {  	[tilespmem:s23], [sflag:$0x7] =	stream.indirect_vreg.gather [hbm4b:s10+s21], $0x80, v3, vm0, $0xb8;
	[tilespmem:$0x1E400] =	vst v63  }
0x42b: {  	v3 =	vld [tilespmem:$0x30];
	_ =	sdelay $0x4  }
0x42c: {  	v13 =	vshll.u32 v3, $0x1  }
0x42d: {  	v3 =	vand.u32 $0x7, v3;
	v4 =	vand.u32 $0xFFFFFFF0, v13  }
0x42e: {  	v3 =	vor.u32 v3, v4  }
0x42f: {  	v4 =	vperm.xlane v3, v0;
	_ =	sdelay $0x1  }
0x430: {  	v3 =	vperm.xlane v3, v2;
	v4 =	vadd.s32 v1, v4;
	_ =	sdelay $0x1  }
0x431: {  	v3 =	vadd.s32 v1, v3;
	_ =	sdelay $0x2  }
0x432: {  	[tilespmem:s25], [sflag:$0x7] =	stream.indirect_vreg.gather [hbm4b:s10+s21], $0x80, v4, vm0, $0xb8;
	[tilespmem:$0x1E400] =	vst v63  }
0x433: {  	s24 =	simm.s32 $0x17C00  }
0x434: {  	[tilespmem:s24], [sflag:$0x7] =	stream.indirect_vreg.gather [hbm4b:s10+s21], $0x80, v3, vm0, $0xb8;
	[tilespmem:$0x1E400] =	vst v63  }
0x435: {  	v3 =	vld [tilespmem:$0x40];
	_ =	sdelay $0x4  }
0x436: {  	v14 =	vshll.u32 v3, $0x1  }
0x437: {  	v3 =	vand.u32 $0x7, v3;
	v4 =	vand.u32 $0xFFFFFFF0, v14  }
0x438: {  	v3 =	vor.u32 v3, v4  }
0x439: {  	v4 =	vperm.xlane v3, v0;
	_ =	sdelay $0x1  }
0x43a: {  	v3 =	vperm.xlane v3, v2;
	v4 =	vadd.s32 v1, v4;
	_ =	sdelay $0x1  }
0x43b: {  	v3 =	vadd.s32 v1, v3;
	_ =	sdelay $0x2  }
0x43c: {  	[tilespmem:s30], [sflag:$0x7] =	stream.indirect_vreg.gather [hbm4b:s10+s21], $0x80, v4, vm0, $0xb8;
	[tilespmem:$0x1E400] =	vst v63  }
0x43d: {  	s25 =	simm.s32 $0x18C00  }
0x43e: {  	[tilespmem:s25], [sflag:$0x7] =	stream.indirect_vreg.gather [hbm4b:s10+s21], $0x80, v3, vm0, $0xb8;
	[tilespmem:$0x1E400] =	vst v63  }
0x43f: {  	v3 =	vld [tilespmem:$0x50];
	_ =	sdelay $0x4  }
0x440: {  	v15 =	vshll.u32 v3, $0x1  }
0x441: {  	v3 =	vand.u32 $0x7, v3;
	v4 =	vand.u32 $0xFFFFFFF0, v15  }
0x442: {  	v3 =	vor.u32 v3, v4  }
0x443: {  	v4 =	vperm.xlane v3, v0;
	_ =	sdelay $0x1  }
0x444: {  	v3 =	vperm.xlane v3, v2;
	v4 =	vadd.s32 v1, v4;
	_ =	sdelay $0x1  }
0x445: {  	v3 =	vadd.s32 v1, v3;
	_ =	sdelay $0x2  }
0x446: {  	[tilespmem:s28], [sflag:$0x7] =	stream.indirect_vreg.gather [hbm4b:s10+s21], $0x80, v4, vm0, $0xb8;
	[tilespmem:$0x1E400] =	vst v63  }
0x447: {  	s30 =	simm.s32 $0x19C00  }
0x448: {  	[tilespmem:s30], [sflag:$0x7] =	stream.indirect_vreg.gather [hbm4b:s10+s21], $0x80, v3, vm0, $0xb8;
	[tilespmem:$0x1E400] =	vst v63  }
0x449: {  	v3 =	vld [tilespmem:$0x60];
	_ =	sdelay $0x4  }
0x44a: {  	v16 =	vshll.u32 v3, $0x1  }
0x44b: {  	v3 =	vand.u32 $0x7, v3;
	v4 =	vand.u32 $0xFFFFFFF0, v16  }
0x44c: {  	v3 =	vor.u32 v3, v4  }
0x44d: {  	v4 =	vperm.xlane v3, v0;
	_ =	sdelay $0x1  }
0x44e: {  	v3 =	vperm.xlane v3, v2;
	v4 =	vadd.s32 v1, v4;
	_ =	sdelay $0x1  }
0x44f: {  	v3 =	vadd.s32 v1, v3;
	_ =	sdelay $0x2  }
0x450: {  	[tilespmem:s20], [sflag:$0x7] =	stream.indirect_vreg.gather [hbm4b:s10+s21], $0x80, v4, vm0, $0xb8;
	[tilespmem:$0x1E400] =	vst v63  }
0x451: {  	s31 =	simm.s32 $0x1AC00  }
0x452: {  	[tilespmem:s31], [sflag:$0x7] =	stream.indirect_vreg.gather [hbm4b:s10+s21], $0x80, v3, vm0, $0xb8;
	[tilespmem:$0x1E400] =	vst v63  }
0x453: {  	v3 =	vld [tilespmem:$0x70];
	_ =	sdelay $0x4  }
0x454: {  	v17 =	vshll.u32 v3, $0x1  }
0x455: {  	v3 =	vand.u32 $0x7, v3;
	v4 =	vand.u32 $0xFFFFFFF0, v17  }
0x456: {  	v3 =	vor.u32 v3, v4  }
0x457: {  	v4 =	vperm.xlane v3, v0;
	_ =	sdelay $0x1  }
0x458: {  	v3 =	vperm.xlane v3, v2;
	v4 =	vadd.s32 v1, v4;
	_ =	sdelay $0x1  }
0x459: {  	v3 =	vadd.s32 v1, v3;
	_ =	sdelay $0x2  }
0x45a: {  	[tilespmem:s22], [sflag:$0x7] =	stream.indirect_vreg.gather [hbm4b:s10+s21], $0x80, v4, vm0, $0xb8;
	[tilespmem:$0x1E400] =	vst v63  }
0x45b: {  	s12 =	simm.s32 $0x1BC00  }
0x45c: {  	[tilespmem:s12], [sflag:$0x7] =	stream.indirect_vreg.gather [hbm4b:s10+s21], $0x80, v3, vm0, $0xb8;
	[tilespmem:$0x1E400] =	vst v63  }
0x45d: {  	v3 =	vld [tilespmem:$0x80];
	_ =	sdelay $0x4  }
0x45e: {  	v18 =	vshll.u32 v3, $0x1  }
0x45f: {  	v3 =	vand.u32 $0x7, v3;
	v4 =	vand.u32 $0xFFFFFFF0, v18  }
0x460: {  	v3 =	vor.u32 v3, v4  }
0x461: {  	v4 =	vperm.xlane v3, v0;
	_ =	sdelay $0x1  }
0x462: {  	v3 =	vperm.xlane v3, v2;
	v4 =	vadd.s32 v1, v4;
	_ =	sdelay $0x1  }
0x463: {  	v3 =	vadd.s32 v1, v3;
	_ =	sdelay $0x1  }
0x464: {  	s6 =	simm.s32 $0x1C400  }
0x465: {  	[tilespmem:s6], [sflag:$0x7] =	stream.indirect_vreg.gather [hbm4b:s10+s21], $0x80, v4, vm0, $0xb8;
	[tilespmem:$0x1E400] =	vst v63  }
0x466: {  	s20 =	simm.s32 $0x1CC00  }
0x467: {  	[tilespmem:s20], [sflag:$0x7] =	stream.indirect_vreg.gather [hbm4b:s10+s21], $0x80, v3, vm0, $0xb8;
	[tilespmem:$0x1E400] =	vst v63  }
0x468: {  	v3 =	vld [tilespmem:$0x90];
	_ =	sdelay $0x4  }
0x469: {  	v19 =	vshll.u32 v3, $0x1  }
0x46a: {  	v3 =	vand.u32 $0x7, v3;
	v4 =	vand.u32 $0xFFFFFFF0, v19  }
0x46b: {  	v3 =	vor.u32 v3, v4  }
0x46c: {  	v4 =	vperm.xlane v3, v0;
	_ =	sdelay $0x1  }
0x46d: {  	v3 =	vperm.xlane v3, v2;
	v4 =	vadd.s32 v1, v4;
	_ =	sdelay $0x1  }
0x46e: {  	v3 =	vadd.s32 v1, v3;
	_ =	sdelay $0x1  }
0x46f: {  	s19 =	simm.s32 $0x1D400  }
0x470: {  	[tilespmem:s19], [sflag:$0x7] =	stream.indirect_vreg.gather [hbm4b:s10+s21], $0x80, v4, vm0, $0xb8;
	[tilespmem:$0x1E400] =	vst v63  }
0x471: {  	s22 =	simm.s32 $0x1DC00  }
0x472: {  	[tilespmem:s22], [sflag:$0x7] =	stream.indirect_vreg.gather [hbm4b:s10+s21], $0x80, v3, vm0, $0xb8;
	[tilespmem:$0x1E400] =	vst v63  }
0x473: {  	s6 =	rddreg [dreg:$0xe];
	s22 =	simm.s32 $0x200  }
0x474: {  	[tilespmem:s22], [sflag:$0x3] =	stream.linear.gather [hbm4b:s6+s21], $0xA0, $0x38;
	[tilespmem:$0x1E400] =	vst v63  }
0x475: {  	_ =	swait.ge [sflag:s9], $0xA000  }
0x476: {  	[sflag:s9] =	ssyncset.done $0x0  }
0x477: {  	s22 =	simm.s32 $0xA400;
	s6 =	rddreg [dreg:$0x1f];
	[sflag:s9] =	ssyncadd.s32 $0xFFFF6000  }
0x478: {  	[hbm4b:s6+s21] =	stream.linear.scatter [tilespmem:s22], [sflag:$0x9], $0xA000, $0x38;
	[tilespmem:$0x1E400] =	vst v63  }
0x479: {  	_ =	swait.ge [sflag:s7], $0xA0  }
0x47a: {  	[sflag:s7] =	ssyncset.done $0x0  }
0x47b: {  	[sflag:s7] =	ssyncadd.s32 $0xFFFFFF60  }
0x47c: {  	_ =	swait.ge [sflag:s15], $0xA000  }
0x47d: {  	[sflag:s15] =	ssyncset.done $0x0  }
0x47e: {  	[sflag:s15] =	ssyncadd.s32 $0xFFFF6000  }
0x47f: {  	v3 =	vld [tilespmem:$0x100];
	_ =	sdelay $0x4  }
0x480: {  	v20 =	vshll.u32 v3, $0x1  }
0x481: {  	v3 =	vand.u32 $0x7, v3;
	v4 =	vand.u32 $0xFFFFFFF0, v20  }
0x482: {  	v3 =	vor.u32 v3, v4  }
0x483: {  	v4 =	vperm.xlane v3, v0;
	_ =	sdelay $0x1  }
0x484: {  	v3 =	vperm.xlane v3, v2;
	v4 =	vadd.s32 v1, v4;
	_ =	sdelay $0x1  }
0x485: {  	v3 =	vadd.s32 v1, v3;
	_ =	sdelay $0x2  }
0x486: {  	[tilespmem:s14], [sflag:$0x5] =	stream.indirect_vreg.gather [hbm4b:s10+s21], $0x80, v4, vm0, $0xb8;
	[tilespmem:$0x1E400] =	vst v63  }
0x487: {  	s6 =	simm.s32 $0xC00  }
0x488: {  	[tilespmem:s6], [sflag:$0x5] =	stream.indirect_vreg.gather [hbm4b:s10+s21], $0x80, v3, vm0, $0xb8;
	[tilespmem:$0x1E400] =	vst v63  }
0x489: {  	v3 =	vld [tilespmem:$0x110];
	_ =	sdelay $0x4  }
0x48a: {  	v21 =	vshll.u32 v3, $0x1  }
0x48b: {  	v3 =	vand.u32 $0x7, v3;
	v4 =	vand.u32 $0xFFFFFFF0, v21  }
0x48c: {  	v3 =	vor.u32 v3, v4  }
0x48d: {  	v4 =	vperm.xlane v3, v0;
	_ =	sdelay $0x1  }
0x48e: {  	v3 =	vperm.xlane v3, v2;
	v4 =	vadd.s32 v1, v4;
	_ =	sdelay $0x1  }
0x48f: {  	v3 =	vadd.s32 v1, v3;
	_ =	sdelay $0x1  }
0x490: {  	s19 =	simm.s32 $0x1400  }
0x491: {  	[tilespmem:s19], [sflag:$0x5] =	stream.indirect_vreg.gather [hbm4b:s10+s21], $0x80, v4, vm0, $0xb8;
	[tilespmem:$0x1E400] =	vst v63  }
0x492: {  	s22 =	simm.s32 $0x1C00  }
0x493: {  	[tilespmem:s22], [sflag:$0x5] =	stream.indirect_vreg.gather [hbm4b:s10+s21], $0x80, v3, vm0, $0xb8;
	[tilespmem:$0x1E400] =	vst v63  }
0x494: {  	v3 =	vld [tilespmem:$0x120];
	_ =	sdelay $0x4  }
0x495: {  	v22 =	vshll.u32 v3, $0x1  }
0x496: {  	v3 =	vand.u32 $0x7, v3;
	v4 =	vand.u32 $0xFFFFFFF0, v22  }
0x497: {  	v3 =	vor.u32 v3, v4  }
0x498: {  	v4 =	vperm.xlane v3, v0;
	_ =	sdelay $0x1  }
0x499: {  	v3 =	vperm.xlane v3, v2;
	v4 =	vadd.s32 v1, v4;
	_ =	sdelay $0x1  }
0x49a: {  	v3 =	vadd.s32 v1, v3;
	_ =	sdelay $0x1  }
0x49b: {  	s6 =	simm.s32 $0x2400  }
0x49c: {  	[tilespmem:s6], [sflag:$0x5] =	stream.indirect_vreg.gather [hbm4b:s10+s21], $0x80, v4, vm0, $0xb8;
	[tilespmem:$0x1E400] =	vst v63  }
0x49d: {  	s19 =	simm.s32 $0x2C00  }
0x49e: {  	[tilespmem:s19], [sflag:$0x5] =	stream.indirect_vreg.gather [hbm4b:s10+s21], $0x80, v3, vm0, $0xb8;
	[tilespmem:$0x1E400] =	vst v63  }
0x49f: {  	v3 =	vld [tilespmem:$0x130];
	_ =	sdelay $0x4  }
0x4a0: {  	v23 =	vshll.u32 v3, $0x1  }
0x4a1: {  	v3 =	vand.u32 $0x7, v3;
	v4 =	vand.u32 $0xFFFFFFF0, v23  }
0x4a2: {  	v3 =	vor.u32 v3, v4  }
0x4a3: {  	v4 =	vperm.xlane v3, v0;
	_ =	sdelay $0x1  }
0x4a4: {  	v3 =	vperm.xlane v3, v2;
	v4 =	vadd.s32 v1, v4;
	_ =	sdelay $0x1  }
0x4a5: {  	v3 =	vadd.s32 v1, v3;
	_ =	sdelay $0x1  }
0x4a6: {  	s22 =	simm.s32 $0x3400  }
0x4a7: {  	[tilespmem:s22], [sflag:$0x5] =	stream.indirect_vreg.gather [hbm4b:s10+s21], $0x80, v4, vm0, $0xb8;
	[tilespmem:$0x1E400] =	vst v63  }
0x4a8: {  	s6 =	simm.s32 $0x3C00  }
0x4a9: {  	[tilespmem:s6], [sflag:$0x5] =	stream.indirect_vreg.gather [hbm4b:s10+s21], $0x80, v3, vm0, $0xb8;
	[tilespmem:$0x1E400] =	vst v63  }
0x4aa: {  	v3 =	vld [tilespmem:$0x140];
	_ =	sdelay $0x4  }
0x4ab: {  	v24 =	vshll.u32 v3, $0x1  }
0x4ac: {  	v3 =	vand.u32 $0x7, v3;
	v4 =	vand.u32 $0xFFFFFFF0, v24  }
0x4ad: {  	v3 =	vor.u32 v3, v4  }
0x4ae: {  	v4 =	vperm.xlane v3, v0;
	_ =	sdelay $0x1  }
0x4af: {  	v3 =	vperm.xlane v3, v2;
	v4 =	vadd.s32 v1, v4;
	_ =	sdelay $0x1  }
0x4b0: {  	v3 =	vadd.s32 v1, v3;
	_ =	sdelay $0x1  }
0x4b1: {  	s19 =	simm.s32 $0x4400  }
0x4b2: {  	[tilespmem:s19], [sflag:$0x5] =	stream.indirect_vreg.gather [hbm4b:s10+s21], $0x80, v4, vm0, $0xb8;
	[tilespmem:$0x1E400] =	vst v63  }
0x4b3: {  	s22 =	simm.s32 $0x4C00  }
0x4b4: {  	[tilespmem:s22], [sflag:$0x5] =	stream.indirect_vreg.gather [hbm4b:s10+s21], $0x80, v3, vm0, $0xb8;
	[tilespmem:$0x1E400] =	vst v63  }
0x4b5: {  	v3 =	vld [tilespmem:$0x150];
	_ =	sdelay $0x4  }
0x4b6: {  	v25 =	vshll.u32 v3, $0x1  }
0x4b7: {  	v3 =	vand.u32 $0x7, v3;
	v4 =	vand.u32 $0xFFFFFFF0, v25  }
0x4b8: {  	v3 =	vor.u32 v3, v4  }
0x4b9: {  	v4 =	vperm.xlane v3, v0;
	_ =	sdelay $0x1  }
0x4ba: {  	v3 =	vperm.xlane v3, v2;
	v4 =	vadd.s32 v1, v4;
	_ =	sdelay $0x1  }
0x4bb: {  	v3 =	vadd.s32 v1, v3;
	_ =	sdelay $0x1  }
0x4bc: {  	s6 =	simm.s32 $0x5400  }
0x4bd: {  	[tilespmem:s6], [sflag:$0x5] =	stream.indirect_vreg.gather [hbm4b:s10+s21], $0x80, v4, vm0, $0xb8;
	[tilespmem:$0x1E400] =	vst v63  }
0x4be: {  	s19 =	simm.s32 $0x5C00  }
0x4bf: {  	[tilespmem:s19], [sflag:$0x5] =	stream.indirect_vreg.gather [hbm4b:s10+s21], $0x80, v3, vm0, $0xb8;
	[tilespmem:$0x1E400] =	vst v63  }
0x4c0: {  	v3 =	vld [tilespmem:$0x160];
	_ =	sdelay $0x4  }
0x4c1: {  	v26 =	vshll.u32 v3, $0x1  }
0x4c2: {  	v3 =	vand.u32 $0x7, v3;
	v4 =	vand.u32 $0xFFFFFFF0, v26  }
0x4c3: {  	v3 =	vor.u32 v3, v4  }
0x4c4: {  	v4 =	vperm.xlane v3, v0;
	_ =	sdelay $0x1  }
0x4c5: {  	v3 =	vperm.xlane v3, v2;
	v4 =	vadd.s32 v1, v4;
	_ =	sdelay $0x1  }
0x4c6: {  	v3 =	vadd.s32 v1, v3;
	_ =	sdelay $0x1  }
0x4c7: {  	s22 =	simm.s32 $0x6400  }
0x4c8: {  	[tilespmem:s22], [sflag:$0x5] =	stream.indirect_vreg.gather [hbm4b:s10+s21], $0x80, v4, vm0, $0xb8;
	[tilespmem:$0x1E400] =	vst v63  }
0x4c9: {  	s6 =	simm.s32 $0x6C00  }
0x4ca: {  	[tilespmem:s6], [sflag:$0x5] =	stream.indirect_vreg.gather [hbm4b:s10+s21], $0x80, v3, vm0, $0xb8;
	[tilespmem:$0x1E400] =	vst v63  }
0x4cb: {  	v3 =	vld [tilespmem:$0x170];
	_ =	sdelay $0x4  }
0x4cc: {  	v27 =	vshll.u32 v3, $0x1  }
0x4cd: {  	v3 =	vand.u32 $0x7, v3;
	v4 =	vand.u32 $0xFFFFFFF0, v27  }
0x4ce: {  	v3 =	vor.u32 v3, v4  }
0x4cf: {  	v4 =	vperm.xlane v3, v0;
	_ =	sdelay $0x1  }
0x4d0: {  	v3 =	vperm.xlane v3, v2;
	v4 =	vadd.s32 v1, v4;
	_ =	sdelay $0x1  }
0x4d1: {  	v3 =	vadd.s32 v1, v3;
	_ =	sdelay $0x1  }
0x4d2: {  	s19 =	simm.s32 $0x7400  }
0x4d3: {  	[tilespmem:s19], [sflag:$0x5] =	stream.indirect_vreg.gather [hbm4b:s10+s21], $0x80, v4, vm0, $0xb8;
	[tilespmem:$0x1E400] =	vst v63  }
0x4d4: {  	s22 =	simm.s32 $0x7C00  }
0x4d5: {  	[tilespmem:s22], [sflag:$0x5] =	stream.indirect_vreg.gather [hbm4b:s10+s21], $0x80, v3, vm0, $0xb8;
	[tilespmem:$0x1E400] =	vst v63  }
0x4d6: {  	v3 =	vld [tilespmem:$0x180];
	_ =	sdelay $0x4  }
0x4d7: {  	v28 =	vshll.u32 v3, $0x1  }
0x4d8: {  	v3 =	vand.u32 $0x7, v3;
	v4 =	vand.u32 $0xFFFFFFF0, v28  }
0x4d9: {  	v3 =	vor.u32 v3, v4  }
0x4da: {  	v4 =	vperm.xlane v3, v0;
	_ =	sdelay $0x1  }
0x4db: {  	v3 =	vperm.xlane v3, v2;
	v4 =	vadd.s32 v1, v4;
	_ =	sdelay $0x1  }
0x4dc: {  	v3 =	vadd.s32 v1, v3;
	_ =	sdelay $0x1  }
0x4dd: {  	s6 =	simm.s32 $0x8400  }
0x4de: {  	[tilespmem:s6], [sflag:$0x5] =	stream.indirect_vreg.gather [hbm4b:s10+s21], $0x80, v4, vm0, $0xb8;
	[tilespmem:$0x1E400] =	vst v63  }
0x4df: {  	s19 =	simm.s32 $0x8C00  }
0x4e0: {  	[tilespmem:s19], [sflag:$0x5] =	stream.indirect_vreg.gather [hbm4b:s10+s21], $0x80, v3, vm0, $0xb8;
	[tilespmem:$0x1E400] =	vst v63  }
0x4e1: {  	v3 =	vld [tilespmem:$0x190];
	_ =	sdelay $0x4  }
0x4e2: {  	v29 =	vshll.u32 v3, $0x1  }
0x4e3: {  	v3 =	vand.u32 $0x7, v3;
	v4 =	vand.u32 $0xFFFFFFF0, v29  }
0x4e4: {  	v3 =	vor.u32 v3, v4  }
0x4e5: {  	v4 =	vperm.xlane v3, v0;
	_ =	sdelay $0x1  }
0x4e6: {  	v3 =	vperm.xlane v3, v2;
	v4 =	vadd.s32 v1, v4;
	_ =	sdelay $0x1  }
0x4e7: {  	v3 =	vadd.s32 v1, v3;
	_ =	sdelay $0x1  }
0x4e8: {  	s22 =	simm.s32 $0x9400  }
0x4e9: {  	[tilespmem:s22], [sflag:$0x5] =	stream.indirect_vreg.gather [hbm4b:s10+s21], $0x80, v4, vm0, $0xb8;
	[tilespmem:$0x1E400] =	vst v63  }
0x4ea: {  	s22 =	simm.s32 $0x9C00  }
0x4eb: {  	[tilespmem:s22], [sflag:$0x5] =	stream.indirect_vreg.gather [hbm4b:s10+s21], $0x80, v3, vm0, $0xb8;
	[tilespmem:$0x1E400] =	vst v63  }
0x4ec: {  	s1 =	rddreg [dreg:$0xf];
	s6 =	simm.s32 $0x300  }
0x4ed: {  	[tilespmem:s6], [sflag:$0x4] =	stream.linear.gather [hbm4b:s1+s21], $0xA0, $0x38;
	[tilespmem:$0x1E400] =	vst v63  }
0x4ee: {  	_ =	swait.ge [sflag:s18], $0xA000  }
0x4ef: {  	s1 =	sld [smem:$0x7F2]  }
0x4f0: {  	[sflag:s18] =	ssyncset.done $0x0  }
0x4f1: {  	[sflag:s18] =	ssyncadd.s32 $0xFFFF6000  }
0x4f2: {  	[hbm4b:s1+s21] =	stream.linear.scatter [tilespmem:s2], [sflag:$0xA], $0xA000, $0x38;
	[tilespmem:$0x1E400] =	vst v63  }
0x4f3: {  	_ =	swait.ge [sflag:s17], $0xA0  }
0x4f4: {  	[sflag:s17] =	ssyncset.done $0x0  }
0x4f5: {  	s28 =	simm.s32 $0x9;
	[sflag:s17] =	ssyncadd.s32 $0xFFFFFF60  }
0x4f6: {  	_ =	swait.ge [sflag:s28], $0xA000  }
0x4f7: {  	[sflag:s28] =	ssyncset.done $0x0  }
0x4f8: {  	[sflag:s28] =	ssyncadd.s32 $0xFFFF6000  }
0x4f9: {  	v3 =	vld [tilespmem:$0x200];
	_ =	sdelay $0x4  }
0x4fa: {  	v30 =	vshll.u32 v3, $0x1  }
0x4fb: {  	v3 =	vand.u32 $0x7, v3;
	v4 =	vand.u32 $0xFFFFFFF0, v30  }
0x4fc: {  	v3 =	vor.u32 v3, v4  }
0x4fd: {  	v4 =	vperm.xlane v3, v0;
	_ =	sdelay $0x1  }
0x4fe: {  	v3 =	vperm.xlane v3, v2;
	v4 =	vadd.s32 v1, v4;
	_ =	sdelay $0x1  }
0x4ff: {  	v3 =	vadd.s32 v1, v3;
	_ =	sdelay $0x1  }
0x500: {  	s2 =	simm.s32 $0xA400  }
0x501: {  	[tilespmem:s2], [sflag:$0x6] =	stream.indirect_vreg.gather [hbm4b:s10+s21], $0x80, v4, vm0, $0xb8;
	[tilespmem:$0x1E400] =	vst v63  }
0x502: {  	s6 =	simm.s32 $0xAC00  }
0x503: {  	[tilespmem:s6], [sflag:$0x6] =	stream.indirect_vreg.gather [hbm4b:s10+s21], $0x80, v3, vm0, $0xb8;
	[tilespmem:$0x1E400] =	vst v63  }
0x504: {  	v3 =	vld [tilespmem:$0x210];
	_ =	sdelay $0x4  }
0x505: {  	v31 =	vshll.u32 v3, $0x1  }
0x506: {  	v3 =	vand.u32 $0x7, v3;
	v4 =	vand.u32 $0xFFFFFFF0, v31  }
0x507: {  	v3 =	vor.u32 v3, v4  }
0x508: {  	v4 =	vperm.xlane v3, v0;
	_ =	sdelay $0x1  }
0x509: {  	v3 =	vperm.xlane v3, v2;
	v4 =	vadd.s32 v1, v4;
	_ =	sdelay $0x1  }
0x50a: {  	v3 =	vadd.s32 v1, v3;
	_ =	sdelay $0x1  }
0x50b: {  	s19 =	simm.s32 $0xB400  }
0x50c: {  	[tilespmem:s19], [sflag:$0x6] =	stream.indirect_vreg.gather [hbm4b:s10+s21], $0x80, v4, vm0, $0xb8;
	[tilespmem:$0x1E400] =	vst v63  }
0x50d: {  	s2 =	simm.s32 $0xBC00  }
0x50e: {  	[tilespmem:s2], [sflag:$0x6] =	stream.indirect_vreg.gather [hbm4b:s10+s21], $0x80, v3, vm0, $0xb8;
	[tilespmem:$0x1E400] =	vst v63  }
0x50f: {  	v3 =	vld [tilespmem:$0x220];
	_ =	sdelay $0x4  }
0x510: {  	v32 =	vshll.u32 v3, $0x1  }
0x511: {  	v3 =	vand.u32 $0x7, v3;
	v4 =	vand.u32 $0xFFFFFFF0, v32  }
0x512: {  	v3 =	vor.u32 v3, v4  }
0x513: {  	v4 =	vperm.xlane v3, v0;
	_ =	sdelay $0x1  }
0x514: {  	v3 =	vperm.xlane v3, v2;
	v4 =	vadd.s32 v1, v4;
	_ =	sdelay $0x1  }
0x515: {  	v3 =	vadd.s32 v1, v3;
	_ =	sdelay $0x1  }
0x516: {  	s3 =	simm.s32 $0xC400  }
0x517: {  	[tilespmem:s3], [sflag:$0x6] =	stream.indirect_vreg.gather [hbm4b:s10+s21], $0x80, v4, vm0, $0xb8;
	[tilespmem:$0x1E400] =	vst v63  }
0x518: {  	s3 =	simm.s32 $0xCC00  }
0x519: {  	[tilespmem:s3], [sflag:$0x6] =	stream.indirect_vreg.gather [hbm4b:s10+s21], $0x80, v3, vm0, $0xb8;
	[tilespmem:$0x1E400] =	vst v63  }
0x51a: {  	v3 =	vld [tilespmem:$0x230];
	_ =	sdelay $0x4  }
0x51b: {  	v33 =	vshll.u32 v3, $0x1  }
0x51c: {  	v3 =	vand.u32 $0x7, v3;
	v4 =	vand.u32 $0xFFFFFFF0, v33  }
0x51d: {  	v3 =	vor.u32 v3, v4  }
0x51e: {  	v4 =	vperm.xlane v3, v0;
	_ =	sdelay $0x1  }
0x51f: {  	v3 =	vperm.xlane v3, v2;
	v4 =	vadd.s32 v1, v4;
	_ =	sdelay $0x1  }
0x520: {  	v3 =	vadd.s32 v1, v3;
	_ =	sdelay $0x2  }
0x521: {  	[tilespmem:s11], [sflag:$0x6] =	stream.indirect_vreg.gather [hbm4b:s10+s21], $0x80, v4, vm0, $0xb8;
	[tilespmem:$0x1E400] =	vst v63  }
0x522: {  	s2 =	simm.s32 $0xDC00  }
0x523: {  	[tilespmem:s2], [sflag:$0x6] =	stream.indirect_vreg.gather [hbm4b:s10+s21], $0x80, v3, vm0, $0xb8;
	[tilespmem:$0x1E400] =	vst v63  }
0x524: {  	v3 =	vld [tilespmem:$0x240];
	_ =	sdelay $0x4  }
0x525: {  	v34 =	vshll.u32 v3, $0x1  }
0x526: {  	v3 =	vand.u32 $0x7, v3;
	v4 =	vand.u32 $0xFFFFFFF0, v34  }
0x527: {  	v3 =	vor.u32 v3, v4  }
0x528: {  	v4 =	vperm.xlane v3, v0;
	_ =	sdelay $0x1  }
0x529: {  	v3 =	vperm.xlane v3, v2;
	v4 =	vadd.s32 v1, v4;
	_ =	sdelay $0x1  }
0x52a: {  	v3 =	vadd.s32 v1, v3;
	_ =	sdelay $0x1  }
0x52b: {  	s6 =	simm.s32 $0xE400  }
0x52c: {  	[tilespmem:s6], [sflag:$0x6] =	stream.indirect_vreg.gather [hbm4b:s10+s21], $0x80, v4, vm0, $0xb8;
	[tilespmem:$0x1E400] =	vst v63  }
0x52d: {  	s11 =	simm.s32 $0xEC00  }
0x52e: {  	[tilespmem:s11], [sflag:$0x6] =	stream.indirect_vreg.gather [hbm4b:s10+s21], $0x80, v3, vm0, $0xb8;
	[tilespmem:$0x1E400] =	vst v63  }
0x52f: {  	v3 =	vld [tilespmem:$0x250];
	_ =	sdelay $0x4  }
0x530: {  	v35 =	vshll.u32 v3, $0x1  }
0x531: {  	v3 =	vand.u32 $0x7, v3;
	v4 =	vand.u32 $0xFFFFFFF0, v35  }
0x532: {  	v3 =	vor.u32 v3, v4  }
0x533: {  	v4 =	vperm.xlane v3, v0;
	_ =	sdelay $0x1  }
0x534: {  	v3 =	vperm.xlane v3, v2;
	v4 =	vadd.s32 v1, v4;
	_ =	sdelay $0x1  }
0x535: {  	v3 =	vadd.s32 v1, v3;
	_ =	sdelay $0x1  }
0x536: {  	s19 =	simm.s32 $0xF400  }
0x537: {  	[tilespmem:s19], [sflag:$0x6] =	stream.indirect_vreg.gather [hbm4b:s10+s21], $0x80, v4, vm0, $0xb8;
	[tilespmem:$0x1E400] =	vst v63  }
0x538: {  	s3 =	simm.s32 $0xFC00  }
0x539: {  	[tilespmem:s3], [sflag:$0x6] =	stream.indirect_vreg.gather [hbm4b:s10+s21], $0x80, v3, vm0, $0xb8;
	[tilespmem:$0x1E400] =	vst v63  }
0x53a: {  	v3 =	vld [tilespmem:$0x260];
	_ =	sdelay $0x4  }
0x53b: {  	v36 =	vshll.u32 v3, $0x1  }
0x53c: {  	v3 =	vand.u32 $0x7, v3;
	v4 =	vand.u32 $0xFFFFFFF0, v36  }
0x53d: {  	v3 =	vor.u32 v3, v4  }
0x53e: {  	v4 =	vperm.xlane v3, v0;
	_ =	sdelay $0x1  }
0x53f: {  	v3 =	vperm.xlane v3, v2;
	v4 =	vadd.s32 v1, v4;
	_ =	sdelay $0x1  }
0x540: {  	v3 =	vadd.s32 v1, v3;
	_ =	sdelay $0x1  }
0x541: {  	s6 =	simm.s32 $0x10400  }
0x542: {  	[tilespmem:s6], [sflag:$0x6] =	stream.indirect_vreg.gather [hbm4b:s10+s21], $0x80, v4, vm0, $0xb8;
	[tilespmem:$0x1E400] =	vst v63  }
0x543: {  	s11 =	simm.s32 $0x10C00  }
0x544: {  	[tilespmem:s11], [sflag:$0x6] =	stream.indirect_vreg.gather [hbm4b:s10+s21], $0x80, v3, vm0, $0xb8;
	[tilespmem:$0x1E400] =	vst v63  }
0x545: {  	v3 =	vld [tilespmem:$0x270];
	_ =	sdelay $0x4  }
0x546: {  	v37 =	vshll.u32 v3, $0x1  }
0x547: {  	v3 =	vand.u32 $0x7, v3;
	v4 =	vand.u32 $0xFFFFFFF0, v37  }
0x548: {  	v3 =	vor.u32 v3, v4  }
0x549: {  	v4 =	vperm.xlane v3, v0;
	_ =	sdelay $0x1  }
0x54a: {  	v3 =	vperm.xlane v3, v2;
	v4 =	vadd.s32 v1, v4;
	_ =	sdelay $0x1  }
0x54b: {  	v3 =	vadd.s32 v1, v3;
	_ =	sdelay $0x2  }
0x54c: {  	[tilespmem:s29], [sflag:$0x6] =	stream.indirect_vreg.gather [hbm4b:s10+s21], $0x80, v4, vm0, $0xb8;
	[tilespmem:$0x1E400] =	vst v63  }
0x54d: {  	s3 =	simm.s32 $0x11C00  }
0x54e: {  	[tilespmem:s3], [sflag:$0x6] =	stream.indirect_vreg.gather [hbm4b:s10+s21], $0x80, v3, vm0, $0xb8;
	[tilespmem:$0x1E400] =	vst v63  }
0x54f: {  	v3 =	vld [tilespmem:$0x280];
	_ =	sdelay $0x4  }
0x550: {  	v38 =	vshll.u32 v3, $0x1  }
0x551: {  	v3 =	vand.u32 $0x7, v3;
	v4 =	vand.u32 $0xFFFFFFF0, v38  }
0x552: {  	v3 =	vor.u32 v3, v4  }
0x553: {  	v4 =	vperm.xlane v3, v0;
	_ =	sdelay $0x1  }
0x554: {  	v3 =	vperm.xlane v3, v2;
	v4 =	vadd.s32 v1, v4;
	_ =	sdelay $0x1  }
0x555: {  	v3 =	vadd.s32 v1, v3;
	_ =	sdelay $0x2  }
0x556: {  	[tilespmem:s0], [sflag:$0x6] =	stream.indirect_vreg.gather [hbm4b:s10+s21], $0x80, v4, vm0, $0xb8;
	[tilespmem:$0x1E400] =	vst v63  }
0x557: {  	s6 =	simm.s32 $0x12C00  }
0x558: {  	[tilespmem:s6], [sflag:$0x6] =	stream.indirect_vreg.gather [hbm4b:s10+s21], $0x80, v3, vm0, $0xb8;
	[tilespmem:$0x1E400] =	vst v63  }
0x559: {  	v3 =	vld [tilespmem:$0x290];
	_ =	sdelay $0x4  }
0x55a: {  	v39 =	vshll.u32 v3, $0x1  }
0x55b: {  	v3 =	vand.u32 $0x7, v3;
	v4 =	vand.u32 $0xFFFFFFF0, v39  }
0x55c: {  	v3 =	vor.u32 v3, v4  }
0x55d: {  	v4 =	vperm.xlane v3, v0;
	_ =	sdelay $0x1  }
0x55e: {  	v3 =	vperm.xlane v3, v2;
	v4 =	vadd.s32 v1, v4;
	_ =	sdelay $0x1  }
0x55f: {  	v3 =	vadd.s32 v1, v3;
	_ =	sdelay $0x1  }
0x560: {  	s19 =	simm.s32 $0x13400  }
0x561: {  	[tilespmem:s19], [sflag:$0x6] =	stream.indirect_vreg.gather [hbm4b:s10+s21], $0x80, v4, vm0, $0xb8;
	[tilespmem:$0x1E400] =	vst v63  }
0x562: {  	s29 =	simm.s32 $0x13C00  }
0x563: {  	[tilespmem:s29], [sflag:$0x6] =	stream.indirect_vreg.gather [hbm4b:s10+s21], $0x80, v3, vm0, $0xb8;
	[tilespmem:$0x1E400] =	vst v63  }
0x564: {  	s1 =	rddreg [dreg:$0x10]  }
0x565: {  	[tilespmem:s21], [sflag:$0x1] =	stream.linear.gather [hbm4b:s1+s21], $0xA0, $0x38;
	[tilespmem:$0x1E400] =	vst v63  }
0x566: {  	_ =	swait.ge [sflag:s4], $0xA000  }
0x567: {  	s11 =	sld [smem:$0x7F3]  }
0x568: {  	[sflag:s4] =	ssyncset.done $0x0  }
0x569: {  	[sflag:s4] =	ssyncadd.s32 $0xFFFF6000  }
0x56a: {  	[hbm4b:s11+s21] =	stream.linear.scatter [tilespmem:s14], [sflag:$0x8], $0xA000, $0x38;
	[tilespmem:$0x1E400] =	vst v63  }
0x56b: {  	_ =	swait.ge [sflag:s26], $0xA0  }
0x56c: {  	[sflag:s26] =	ssyncset.done $0x0  }
0x56d: {  	[sflag:s26] =	ssyncadd.s32 $0xFFFFFF60  }
0x56e: {  	_ =	swait.ge [sflag:s16], $0xA000  }
0x56f: {  	[sflag:s16] =	ssyncset.done $0x0  }
0x570: {  	[sflag:s16] =	ssyncadd.s32 $0xFFFF6000  }
0x571: {  	v3 =	vld [tilespmem:$0x300];
	_ =	sdelay $0x4  }
0x572: {  	v40 =	vshll.u32 v3, $0x1  }
0x573: {  	v3 =	vand.u32 $0x7, v3;
	v4 =	vand.u32 $0xFFFFFFF0, v40  }
0x574: {  	v3 =	vor.u32 v3, v4  }
0x575: {  	v4 =	vperm.xlane v3, v0;
	_ =	sdelay $0x1  }
0x576: {  	v3 =	vperm.xlane v3, v2;
	v4 =	vadd.s32 v1, v4;
	_ =	sdelay $0x1  }
0x577: {  	v3 =	vadd.s32 v1, v3;
	_ =	sdelay $0x1  }
0x578: {  	s0 =	simm.s32 $0x14400  }
0x579: {  	[tilespmem:s0], [sflag:$0x7] =	stream.indirect_vreg.gather [hbm4b:s10+s21], $0x80, v4, vm0, $0xb8;
	[tilespmem:$0x1E400] =	vst v63  }
0x57a: {  	_ = 	snop  }
0x57b: {  	[tilespmem:s8], [sflag:$0x7] =	stream.indirect_vreg.gather [hbm4b:s10+s21], $0x80, v3, vm0, $0xb8;
	[tilespmem:$0x1E400] =	vst v63  }
0x57c: {  	v3 =	vld [tilespmem:$0x310];
	_ =	sdelay $0x4  }
0x57d: {  	v41 =	vshll.u32 v3, $0x1  }
0x57e: {  	v3 =	vand.u32 $0x7, v3;
	v4 =	vand.u32 $0xFFFFFFF0, v41  }
0x57f: {  	v3 =	vor.u32 v3, v4  }
0x580: {  	v4 =	vperm.xlane v3, v0;
	_ =	sdelay $0x1  }
0x581: {  	v3 =	vperm.xlane v3, v2;
	v4 =	vadd.s32 v1, v4;
	_ =	sdelay $0x1  }
0x582: {  	v3 =	vadd.s32 v1, v3;
	_ =	sdelay $0x1  }
0x583: {  	s8 =	simm.s32 $0x15400  }
0x584: {  	[tilespmem:s8], [sflag:$0x7] =	stream.indirect_vreg.gather [hbm4b:s10+s21], $0x80, v4, vm0, $0xb8;
	[tilespmem:$0x1E400] =	vst v63  }
0x585: {  	_ = 	snop  }
0x586: {  	[tilespmem:s13], [sflag:$0x7] =	stream.indirect_vreg.gather [hbm4b:s10+s21], $0x80, v3, vm0, $0xb8;
	[tilespmem:$0x1E400] =	vst v63  }
0x587: {  	v3 =	vld [tilespmem:$0x320];
	_ =	sdelay $0x4  }
0x588: {  	v42 =	vshll.u32 v3, $0x1  }
0x589: {  	v3 =	vand.u32 $0x7, v3;
	v4 =	vand.u32 $0xFFFFFFF0, v42  }
0x58a: {  	v3 =	vor.u32 v3, v4  }
0x58b: {  	v4 =	vperm.xlane v3, v0;
	_ =	sdelay $0x1  }
0x58c: {  	v3 =	vperm.xlane v3, v2;
	v4 =	vadd.s32 v1, v4;
	_ =	sdelay $0x1  }
0x58d: {  	v3 =	vadd.s32 v1, v3;
	_ =	sdelay $0x1  }
0x58e: {  	s11 =	simm.s32 $0x16400  }
0x58f: {  	[tilespmem:s11], [sflag:$0x7] =	stream.indirect_vreg.gather [hbm4b:s10+s21], $0x80, v4, vm0, $0xb8;
	[tilespmem:$0x1E400] =	vst v63  }
0x590: {  	_ = 	snop  }
0x591: {  	[tilespmem:s23], [sflag:$0x7] =	stream.indirect_vreg.gather [hbm4b:s10+s21], $0x80, v3, vm0, $0xb8;
	[tilespmem:$0x1E400] =	vst v63  }
0x592: {  	v3 =	vld [tilespmem:$0x330];
	_ =	sdelay $0x4  }
0x593: {  	v43 =	vshll.u32 v3, $0x1  }
0x594: {  	v3 =	vand.u32 $0x7, v3;
	v4 =	vand.u32 $0xFFFFFFF0, v43  }
0x595: {  	v3 =	vor.u32 v3, v4  }
0x596: {  	v4 =	vperm.xlane v3, v0;
	_ =	sdelay $0x1  }
0x597: {  	v3 =	vperm.xlane v3, v2;
	v4 =	vadd.s32 v1, v4;
	_ =	sdelay $0x1  }
0x598: {  	v3 =	vadd.s32 v1, v3;
	_ =	sdelay $0x1  }
0x599: {  	s13 =	simm.s32 $0x17400  }
0x59a: {  	[tilespmem:s13], [sflag:$0x7] =	stream.indirect_vreg.gather [hbm4b:s10+s21], $0x80, v4, vm0, $0xb8;
	[tilespmem:$0x1E400] =	vst v63  }
0x59b: {  	_ = 	snop  }
0x59c: {  	[tilespmem:s24], [sflag:$0x7] =	stream.indirect_vreg.gather [hbm4b:s10+s21], $0x80, v3, vm0, $0xb8;
	[tilespmem:$0x1E400] =	vst v63  }
0x59d: {  	v3 =	vld [tilespmem:$0x340];
	_ =	sdelay $0x4  }
0x59e: {  	v44 =	vshll.u32 v3, $0x1  }
0x59f: {  	v3 =	vand.u32 $0x7, v3;
	v4 =	vand.u32 $0xFFFFFFF0, v44  }
0x5a0: {  	v3 =	vor.u32 v3, v4  }
0x5a1: {  	v4 =	vperm.xlane v3, v0;
	_ =	sdelay $0x1  }
0x5a2: {  	v3 =	vperm.xlane v3, v2;
	v4 =	vadd.s32 v1, v4;
	_ =	sdelay $0x1  }
0x5a3: {  	v3 =	vadd.s32 v1, v3;
	_ =	sdelay $0x1  }
0x5a4: {  	s23 =	simm.s32 $0x18400  }
0x5a5: {  	[tilespmem:s23], [sflag:$0x7] =	stream.indirect_vreg.gather [hbm4b:s10+s21], $0x80, v4, vm0, $0xb8;
	[tilespmem:$0x1E400] =	vst v63  }
0x5a6: {  	_ = 	snop  }
0x5a7: {  	[tilespmem:s25], [sflag:$0x7] =	stream.indirect_vreg.gather [hbm4b:s10+s21], $0x80, v3, vm0, $0xb8;
	[tilespmem:$0x1E400] =	vst v63  }
0x5a8: {  	v3 =	vld [tilespmem:$0x350];
	_ =	sdelay $0x4  }
0x5a9: {  	v45 =	vshll.u32 v3, $0x1  }
0x5aa: {  	v3 =	vand.u32 $0x7, v3;
	v4 =	vand.u32 $0xFFFFFFF0, v45  }
0x5ab: {  	v3 =	vor.u32 v3, v4  }
0x5ac: {  	v4 =	vperm.xlane v3, v0;
	_ =	sdelay $0x1  }
0x5ad: {  	v3 =	vperm.xlane v3, v2;
	v4 =	vadd.s32 v1, v4;
	_ =	sdelay $0x1  }
0x5ae: {  	v3 =	vadd.s32 v1, v3;
	_ =	sdelay $0x1  }
0x5af: {  	s25 =	simm.s32 $0x19400  }
0x5b0: {  	[tilespmem:s25], [sflag:$0x7] =	stream.indirect_vreg.gather [hbm4b:s10+s21], $0x80, v4, vm0, $0xb8;
	[tilespmem:$0x1E400] =	vst v63  }
0x5b1: {  	_ = 	snop  }
0x5b2: {  	[tilespmem:s30], [sflag:$0x7] =	stream.indirect_vreg.gather [hbm4b:s10+s21], $0x80, v3, vm0, $0xb8;
	[tilespmem:$0x1E400] =	vst v63  }
0x5b3: {  	v3 =	vld [tilespmem:$0x360];
	_ =	sdelay $0x4  }
0x5b4: {  	v46 =	vshll.u32 v3, $0x1  }
0x5b5: {  	v3 =	vand.u32 $0x7, v3;
	v4 =	vand.u32 $0xFFFFFFF0, v46  }
0x5b6: {  	v3 =	vor.u32 v3, v4  }
0x5b7: {  	v4 =	vperm.xlane v3, v0;
	_ =	sdelay $0x1  }
0x5b8: {  	v3 =	vperm.xlane v3, v2;
	v4 =	vadd.s32 v1, v4;
	_ =	sdelay $0x1  }
0x5b9: {  	v3 =	vadd.s32 v1, v3;
	_ =	sdelay $0x1  }
0x5ba: {  	s24 =	simm.s32 $0x1A400  }
0x5bb: {  	[tilespmem:s24], [sflag:$0x7] =	stream.indirect_vreg.gather [hbm4b:s10+s21], $0x80, v4, vm0, $0xb8;
	[tilespmem:$0x1E400] =	vst v63  }
0x5bc: {  	_ = 	snop  }
0x5bd: {  	[tilespmem:s31], [sflag:$0x7] =	stream.indirect_vreg.gather [hbm4b:s10+s21], $0x80, v3, vm0, $0xb8;
	[tilespmem:$0x1E400] =	vst v63  }
0x5be: {  	v3 =	vld [tilespmem:$0x370];
	_ =	sdelay $0x4  }
0x5bf: {  	v47 =	vshll.u32 v3, $0x1  }
0x5c0: {  	v3 =	vand.u32 $0x7, v3;
	v4 =	vand.u32 $0xFFFFFFF0, v47  }
0x5c1: {  	v3 =	vor.u32 v3, v4  }
0x5c2: {  	v4 =	vperm.xlane v3, v0;
	_ =	sdelay $0x1  }
0x5c3: {  	v3 =	vperm.xlane v3, v2;
	v4 =	vadd.s32 v1, v4;
	_ =	sdelay $0x1  }
0x5c4: {  	v3 =	vadd.s32 v1, v3;
	_ =	sdelay $0x1  }
0x5c5: {  	s29 =	simm.s32 $0x1B400  }
0x5c6: {  	[tilespmem:s29], [sflag:$0x7] =	stream.indirect_vreg.gather [hbm4b:s10+s21], $0x80, v4, vm0, $0xb8;
	[tilespmem:$0x1E400] =	vst v63  }
0x5c7: {  	_ = 	snop  }
0x5c8: {  	[tilespmem:s12], [sflag:$0x7] =	stream.indirect_vreg.gather [hbm4b:s10+s21], $0x80, v3, vm0, $0xb8;
	[tilespmem:$0x1E400] =	vst v63  }
0x5c9: {  	v3 =	vld [tilespmem:$0x380];
	_ =	sdelay $0x4  }
0x5ca: {  	v48 =	vshll.u32 v3, $0x1  }
0x5cb: {  	v3 =	vand.u32 $0x7, v3;
	v4 =	vand.u32 $0xFFFFFFF0, v48  }
0x5cc: {  	v3 =	vor.u32 v3, v4  }
0x5cd: {  	v4 =	vperm.xlane v3, v0;
	_ =	sdelay $0x1  }
0x5ce: {  	v3 =	vperm.xlane v3, v2;
	v4 =	vadd.s32 v1, v4;
	_ =	sdelay $0x1  }
0x5cf: {  	v3 =	vadd.s32 v1, v3;
	_ =	sdelay $0x1  }
0x5d0: {  	s12 =	simm.s32 $0x1C400  }
0x5d1: {  	[tilespmem:s12], [sflag:$0x7] =	stream.indirect_vreg.gather [hbm4b:s10+s21], $0x80, v4, vm0, $0xb8;
	[tilespmem:$0x1E400] =	vst v63  }
0x5d2: {  	_ = 	snop  }
0x5d3: {  	[tilespmem:s20], [sflag:$0x7] =	stream.indirect_vreg.gather [hbm4b:s10+s21], $0x80, v3, vm0, $0xb8;
	[tilespmem:$0x1E400] =	vst v63  }
0x5d4: {  	v3 =	vld [tilespmem:$0x390];
	_ =	sdelay $0x4  }
0x5d5: {  	v49 =	vshll.u32 v3, $0x1  }
0x5d6: {  	v3 =	vand.u32 $0x7, v3;
	v4 =	vand.u32 $0xFFFFFFF0, v49  }
0x5d7: {  	v3 =	vor.u32 v3, v4  }
0x5d8: {  	v4 =	vperm.xlane v3, v0;
	_ =	sdelay $0x1  }
0x5d9: {  	v3 =	vperm.xlane v3, v2;
	v4 =	vadd.s32 v1, v4;
	_ =	sdelay $0x1  }
0x5da: {  	v3 =	vadd.s32 v1, v3;
	_ =	sdelay $0x1  }
0x5db: {  	s19 =	simm.s32 $0x1D400  }
0x5dc: {  	[tilespmem:s19], [sflag:$0x7] =	stream.indirect_vreg.gather [hbm4b:s10+s21], $0x80, v4, vm0, $0xb8;
	[tilespmem:$0x1E400] =	vst v63  }
0x5dd: {  	s20 =	simm.s32 $0x1DC00  }
0x5de: {  	[tilespmem:s20], [sflag:$0x7] =	stream.indirect_vreg.gather [hbm4b:s10+s21], $0x80, v3, vm0, $0xb8;
	[tilespmem:$0x1E400] =	vst v63  }
0x5df: {  	s30 =	rddreg [dreg:$0x11];
	s31 =	simm.s32 $0x100  }
0x5e0: {  	[tilespmem:s31], [sflag:$0x2] =	stream.linear.gather [hbm4b:s30+s21], $0xA0, $0x38;
	[tilespmem:$0x1E400] =	vst v63  }
0x5e1: {  	_ =	swait.ge [sflag:s9], $0xA000  }
0x5e2: {  	s1 =	sld [smem:$0x7F4]  }
0x5e3: {  	[sflag:s9] =	ssyncset.done $0x0  }
0x5e4: {  	s12 =	simm.s32 $0xA400;
	[sflag:s9] =	ssyncadd.s32 $0xFFFF6000  }
0x5e5: {  	[hbm4b:s1+s21] =	stream.linear.scatter [tilespmem:s12], [sflag:$0x9], $0xA000, $0x38;
	[tilespmem:$0x1E400] =	vst v63  }
0x5e6: {  	_ =	swait.ge [sflag:s5], $0xA0  }
0x5e7: {  	[sflag:s5] =	ssyncset.done $0x0  }
0x5e8: {  	[sflag:s5] =	ssyncadd.s32 $0xFFFFFF60  }
0x5e9: {  	_ =	swait.ge [sflag:s15], $0xA000  }
0x5ea: {  	[sflag:s15] =	ssyncset.done $0x0  }
0x5eb: {  	[sflag:s15] =	ssyncadd.s32 $0xFFFF6000  }
0x5ec: {  	v3 =	vld [tilespmem:$0x0];
	_ =	sdelay $0x4  }
0x5ed: {  	v50 =	vshll.u32 v3, $0x1  }
0x5ee: {  	v3 =	vand.u32 $0x7, v3;
	v4 =	vand.u32 $0xFFFFFFF0, v50  }
0x5ef: {  	v3 =	vor.u32 v3, v4  }
0x5f0: {  	v4 =	vperm.xlane v3, v0;
	_ =	sdelay $0x1  }
0x5f1: {  	v3 =	vperm.xlane v3, v2;
	v4 =	vadd.s32 v1, v4;
	_ =	sdelay $0x1  }
0x5f2: {  	v3 =	vadd.s32 v1, v3;
	_ =	sdelay $0x2  }
0x5f3: {  	[tilespmem:s14], [sflag:$0x5] =	stream.indirect_vreg.gather [hbm4b:s10+s21], $0x80, v4, vm0, $0xb8;
	[tilespmem:$0x1E400] =	vst v63  }
0x5f4: {  	s20 =	simm.s32 $0xC00  }
0x5f5: {  	[tilespmem:s20], [sflag:$0x5] =	stream.indirect_vreg.gather [hbm4b:s10+s21], $0x80, v3, vm0, $0xb8;
	[tilespmem:$0x1E400] =	vst v63  }
0x5f6: {  	v3 =	vld [tilespmem:$0x10];
	_ =	sdelay $0x4  }
0x5f7: {  	v51 =	vshll.u32 v3, $0x1  }
0x5f8: {  	v3 =	vand.u32 $0x7, v3;
	v4 =	vand.u32 $0xFFFFFFF0, v51  }
0x5f9: {  	v3 =	vor.u32 v3, v4  }
0x5fa: {  	v4 =	vperm.xlane v3, v0;
	_ =	sdelay $0x1  }
0x5fb: {  	v3 =	vperm.xlane v3, v2;
	v4 =	vadd.s32 v1, v4;
	_ =	sdelay $0x1  }
0x5fc: {  	v3 =	vadd.s32 v1, v3;
	_ =	sdelay $0x1  }
0x5fd: {  	s30 =	simm.s32 $0x1400  }
0x5fe: {  	[tilespmem:s30], [sflag:$0x5] =	stream.indirect_vreg.gather [hbm4b:s10+s21], $0x80, v4, vm0, $0xb8;
	[tilespmem:$0x1E400] =	vst v63  }
0x5ff: {  	s31 =	simm.s32 $0x1C00  }
0x600: {  	[tilespmem:s31], [sflag:$0x5] =	stream.indirect_vreg.gather [hbm4b:s10+s21], $0x80, v3, vm0, $0xb8;
	[tilespmem:$0x1E400] =	vst v63  }
0x601: {  	v3 =	vld [tilespmem:$0x20];
	_ =	sdelay $0x4  }
0x602: {  	v52 =	vshll.u32 v3, $0x1  }
0x603: {  	v3 =	vand.u32 $0x7, v3;
	v4 =	vand.u32 $0xFFFFFFF0, v52  }
0x604: {  	v3 =	vor.u32 v3, v4  }
0x605: {  	v4 =	vperm.xlane v3, v0;
	_ =	sdelay $0x1  }
0x606: {  	v3 =	vperm.xlane v3, v2;
	v4 =	vadd.s32 v1, v4;
	_ =	sdelay $0x1  }
0x607: {  	v3 =	vadd.s32 v1, v3;
	_ =	sdelay $0x1  }
0x608: {  	s12 =	simm.s32 $0x2400  }
0x609: {  	[tilespmem:s12], [sflag:$0x5] =	stream.indirect_vreg.gather [hbm4b:s10+s21], $0x80, v4, vm0, $0xb8;
	[tilespmem:$0x1E400] =	vst v63  }
0x60a: {  	s19 =	simm.s32 $0x2C00  }
0x60b: {  	[tilespmem:s19], [sflag:$0x5] =	stream.indirect_vreg.gather [hbm4b:s10+s21], $0x80, v3, vm0, $0xb8;
	[tilespmem:$0x1E400] =	vst v63  }
0x60c: {  	v3 =	vld [tilespmem:$0x30];
	_ =	sdelay $0x4  }
0x60d: {  	v53 =	vshll.u32 v3, $0x1  }
0x60e: {  	v3 =	vand.u32 $0x7, v3;
	v4 =	vand.u32 $0xFFFFFFF0, v53  }
0x60f: {  	v3 =	vor.u32 v3, v4  }
0x610: {  	v4 =	vperm.xlane v3, v0;
	_ =	sdelay $0x1  }
0x611: {  	v3 =	vperm.xlane v3, v2;
	v4 =	vadd.s32 v1, v4;
	_ =	sdelay $0x1  }
0x612: {  	v3 =	vadd.s32 v1, v3;
	_ =	sdelay $0x1  }
0x613: {  	s20 =	simm.s32 $0x3400  }
0x614: {  	[tilespmem:s20], [sflag:$0x5] =	stream.indirect_vreg.gather [hbm4b:s10+s21], $0x80, v4, vm0, $0xb8;
	[tilespmem:$0x1E400] =	vst v63  }
0x615: {  	s30 =	simm.s32 $0x3C00  }
0x616: {  	[tilespmem:s30], [sflag:$0x5] =	stream.indirect_vreg.gather [hbm4b:s10+s21], $0x80, v3, vm0, $0xb8;
	[tilespmem:$0x1E400] =	vst v63  }
0x617: {  	v3 =	vld [tilespmem:$0x40];
	_ =	sdelay $0x4  }
0x618: {  	v54 =	vshll.u32 v3, $0x1  }
0x619: {  	v3 =	vand.u32 $0x7, v3;
	v4 =	vand.u32 $0xFFFFFFF0, v54  }
0x61a: {  	v3 =	vor.u32 v3, v4  }
0x61b: {  	v4 =	vperm.xlane v3, v0;
	_ =	sdelay $0x1  }
0x61c: {  	v3 =	vperm.xlane v3, v2;
	v4 =	vadd.s32 v1, v4;
	_ =	sdelay $0x1  }
0x61d: {  	v3 =	vadd.s32 v1, v3;
	_ =	sdelay $0x1  }
0x61e: {  	s31 =	simm.s32 $0x4400  }
0x61f: {  	[tilespmem:s31], [sflag:$0x5] =	stream.indirect_vreg.gather [hbm4b:s10+s21], $0x80, v4, vm0, $0xb8;
	[tilespmem:$0x1E400] =	vst v63  }
0x620: {  	s12 =	simm.s32 $0x4C00  }
0x621: {  	[tilespmem:s12], [sflag:$0x5] =	stream.indirect_vreg.gather [hbm4b:s10+s21], $0x80, v3, vm0, $0xb8;
	[tilespmem:$0x1E400] =	vst v63  }
0x622: {  	v3 =	vld [tilespmem:$0x50];
	_ =	sdelay $0x4  }
0x623: {  	v55 =	vshll.u32 v3, $0x1  }
0x624: {  	v3 =	vand.u32 $0x7, v3;
	v4 =	vand.u32 $0xFFFFFFF0, v55  }
0x625: {  	v3 =	vor.u32 v3, v4  }
0x626: {  	v4 =	vperm.xlane v3, v0;
	_ =	sdelay $0x1  }
0x627: {  	v3 =	vperm.xlane v3, v2;
	v4 =	vadd.s32 v1, v4;
	_ =	sdelay $0x1  }
0x628: {  	v3 =	vadd.s32 v1, v3;
	_ =	sdelay $0x1  }
0x629: {  	s19 =	simm.s32 $0x5400  }
0x62a: {  	[tilespmem:s19], [sflag:$0x5] =	stream.indirect_vreg.gather [hbm4b:s10+s21], $0x80, v4, vm0, $0xb8;
	[tilespmem:$0x1E400] =	vst v63  }
0x62b: {  	s20 =	simm.s32 $0x5C00  }
0x62c: {  	[tilespmem:s20], [sflag:$0x5] =	stream.indirect_vreg.gather [hbm4b:s10+s21], $0x80, v3, vm0, $0xb8;
	[tilespmem:$0x1E400] =	vst v63  }
0x62d: {  	v3 =	vld [tilespmem:$0x60];
	_ =	sdelay $0x4  }
0x62e: {  	v56 =	vshll.u32 v3, $0x1  }
0x62f: {  	v3 =	vand.u32 $0x7, v3;
	v4 =	vand.u32 $0xFFFFFFF0, v56  }
0x630: {  	v3 =	vor.u32 v3, v4  }
0x631: {  	v4 =	vperm.xlane v3, v0;
	_ =	sdelay $0x1  }
0x632: {  	v3 =	vperm.xlane v3, v2;
	v4 =	vadd.s32 v1, v4;
	_ =	sdelay $0x1  }
0x633: {  	v3 =	vadd.s32 v1, v3;
	_ =	sdelay $0x1  }
0x634: {  	s30 =	simm.s32 $0x6400  }
0x635: {  	[tilespmem:s30], [sflag:$0x5] =	stream.indirect_vreg.gather [hbm4b:s10+s21], $0x80, v4, vm0, $0xb8;
	[tilespmem:$0x1E400] =	vst v63  }
0x636: {  	s31 =	simm.s32 $0x6C00  }
0x637: {  	[tilespmem:s31], [sflag:$0x5] =	stream.indirect_vreg.gather [hbm4b:s10+s21], $0x80, v3, vm0, $0xb8;
	[tilespmem:$0x1E400] =	vst v63  }
0x638: {  	v3 =	vld [tilespmem:$0x70];
	_ =	sdelay $0x4  }
0x639: {  	v57 =	vshll.u32 v3, $0x1  }
0x63a: {  	v3 =	vand.u32 $0x7, v3;
	v4 =	vand.u32 $0xFFFFFFF0, v57  }
0x63b: {  	v3 =	vor.u32 v3, v4  }
0x63c: {  	v4 =	vperm.xlane v3, v0;
	_ =	sdelay $0x1  }
0x63d: {  	v3 =	vperm.xlane v3, v2;
	v4 =	vadd.s32 v1, v4;
	_ =	sdelay $0x1  }
0x63e: {  	v3 =	vadd.s32 v1, v3;
	_ =	sdelay $0x1  }
0x63f: {  	s12 =	simm.s32 $0x7400  }
0x640: {  	[tilespmem:s12], [sflag:$0x5] =	stream.indirect_vreg.gather [hbm4b:s10+s21], $0x80, v4, vm0, $0xb8;
	[tilespmem:$0x1E400] =	vst v63  }
0x641: {  	s19 =	simm.s32 $0x7C00  }
0x642: {  	[tilespmem:s19], [sflag:$0x5] =	stream.indirect_vreg.gather [hbm4b:s10+s21], $0x80, v3, vm0, $0xb8;
	[tilespmem:$0x1E400] =	vst v63  }
0x643: {  	v3 =	vld [tilespmem:$0x80];
	_ =	sdelay $0x4  }
0x644: {  	v58 =	vshll.u32 v3, $0x1  }
0x645: {  	v3 =	vand.u32 $0x7, v3;
	v4 =	vand.u32 $0xFFFFFFF0, v58  }
0x646: {  	v3 =	vor.u32 v3, v4  }
0x647: {  	v4 =	vperm.xlane v3, v0;
	_ =	sdelay $0x1  }
0x648: {  	v3 =	vperm.xlane v3, v2;
	v4 =	vadd.s32 v1, v4;
	_ =	sdelay $0x1  }
0x649: {  	v3 =	vadd.s32 v1, v3;
	_ =	sdelay $0x1  }
0x64a: {  	s20 =	simm.s32 $0x8400  }
0x64b: {  	[tilespmem:s20], [sflag:$0x5] =	stream.indirect_vreg.gather [hbm4b:s10+s21], $0x80, v4, vm0, $0xb8;
	[tilespmem:$0x1E400] =	vst v63  }
0x64c: {  	s30 =	simm.s32 $0x8C00  }
0x64d: {  	[tilespmem:s30], [sflag:$0x5] =	stream.indirect_vreg.gather [hbm4b:s10+s21], $0x80, v3, vm0, $0xb8;
	[tilespmem:$0x1E400] =	vst v63  }
0x64e: {  	v3 =	vld [tilespmem:$0x90];
	_ =	sdelay $0x4  }
0x64f: {  	v59 =	vshll.u32 v3, $0x1  }
0x650: {  	v3 =	vand.u32 $0x7, v3;
	v4 =	vand.u32 $0xFFFFFFF0, v59  }
0x651: {  	v3 =	vor.u32 v3, v4  }
0x652: {  	v4 =	vperm.xlane v3, v0;
	_ =	sdelay $0x1  }
0x653: {  	v3 =	vperm.xlane v3, v2;
	v4 =	vadd.s32 v1, v4;
	_ =	sdelay $0x1  }
0x654: {  	v3 =	vadd.s32 v1, v3;
	_ =	sdelay $0x1  }
0x655: {  	s31 =	simm.s32 $0x9400  }
0x656: {  	[tilespmem:s31], [sflag:$0x5] =	stream.indirect_vreg.gather [hbm4b:s10+s21], $0x80, v4, vm0, $0xb8;
	[tilespmem:$0x1E400] =	vst v63  }
0x657: {  	_ = 	snop  }
0x658: {  	[tilespmem:s22], [sflag:$0x5] =	stream.indirect_vreg.gather [hbm4b:s10+s21], $0x80, v3, vm0, $0xb8;
	[tilespmem:$0x1E400] =	vst v63  }
0x659: {  	s12 =	rddreg [dreg:$0x12];
	s20 =	simm.s32 $0x200  }
0x65a: {  	[tilespmem:s20], [sflag:$0x3] =	stream.linear.gather [hbm4b:s12+s21], $0xA0, $0x38;
	[tilespmem:$0x1E400] =	vst v63  }
0x65b: {  	_ =	swait.ge [sflag:s18], $0xA000  }
0x65c: {  	s22 =	sld [smem:$0x7F5]  }
0x65d: {  	[sflag:s18] =	ssyncset.done $0x0  }
0x65e: {  	[sflag:s18] =	ssyncadd.s32 $0xFFFF6000  }
0x65f: {  	[hbm4b:s22+s21] =	stream.linear.scatter [tilespmem:s0], [sflag:$0xA], $0xA000, $0x38;
	[tilespmem:$0x1E400] =	vst v63  }
0x660: {  	_ =	swait.ge [sflag:s7], $0xA0  }
0x661: {  	[sflag:s7] =	ssyncset.done $0x0  }
0x662: {  	[sflag:s7] =	ssyncadd.s32 $0xFFFFFF60  }
0x663: {  	_ =	swait.ge [sflag:s28], $0xA000  }
0x664: {  	[sflag:s28] =	ssyncset.done $0x0  }
0x665: {  	[sflag:s28] =	ssyncadd.s32 $0xFFFF6000  }
0x666: {  	v3 =	vld [tilespmem:$0x100];
	_ =	sdelay $0x4  }
0x667: {  	v60 =	vshll.u32 v3, $0x1  }
0x668: {  	v3 =	vand.u32 $0x7, v3;
	v4 =	vand.u32 $0xFFFFFFF0, v60  }
0x669: {  	v3 =	vor.u32 v3, v4  }
0x66a: {  	v4 =	vperm.xlane v3, v0;
	_ =	sdelay $0x1  }
0x66b: {  	v3 =	vperm.xlane v3, v2;
	v4 =	vadd.s32 v1, v4;
	_ =	sdelay $0x1  }
0x66c: {  	v3 =	vadd.s32 v1, v3;
	_ =	sdelay $0x1  }
0x66d: {  	s30 =	simm.s32 $0xA400  }
0x66e: {  	[tilespmem:s30], [sflag:$0x6] =	stream.indirect_vreg.gather [hbm4b:s10+s21], $0x80, v4, vm0, $0xb8;
	[tilespmem:$0x1E400] =	vst v63  }
0x66f: {  	s31 =	simm.s32 $0xAC00  }
0x670: {  	[tilespmem:s31], [sflag:$0x6] =	stream.indirect_vreg.gather [hbm4b:s10+s21], $0x80, v3, vm0, $0xb8;
	[tilespmem:$0x1E400] =	vst v63  }
0x671: {  	v3 =	vld [tilespmem:$0x110];
	_ =	sdelay $0x4  }
0x672: {  	v61 =	vshll.u32 v3, $0x1  }
0x673: {  	v3 =	vand.u32 $0x7, v3;
	v4 =	vand.u32 $0xFFFFFFF0, v61  }
0x674: {  	v3 =	vor.u32 v3, v4  }
0x675: {  	v4 =	vperm.xlane v3, v0;
	_ =	sdelay $0x1  }
0x676: {  	v3 =	vperm.xlane v3, v2;
	v4 =	vadd.s32 v1, v4;
	_ =	sdelay $0x1  }
0x677: {  	v3 =	vadd.s32 v1, v3;
	_ =	sdelay $0x1  }
0x678: {  	s12 =	simm.s32 $0xB400  }
0x679: {  	[tilespmem:s12], [sflag:$0x6] =	stream.indirect_vreg.gather [hbm4b:s10+s21], $0x80, v4, vm0, $0xb8;
	[tilespmem:$0x1E400] =	vst v63  }
0x67a: {  	s19 =	simm.s32 $0xBC00  }
0x67b: {  	[tilespmem:s19], [sflag:$0x6] =	stream.indirect_vreg.gather [hbm4b:s10+s21], $0x80, v3, vm0, $0xb8;
	[tilespmem:$0x1E400] =	vst v63  }
0x67c: {  	v3 =	vld [tilespmem:$0x120];
	_ =	sdelay $0x4  }
0x67d: {  	v62 =	vshll.u32 v3, $0x1  }
0x67e: {  	v3 =	vand.u32 $0x7, v3;
	v4 =	vand.u32 $0xFFFFFFF0, v62  }
0x67f: {  	v3 =	vor.u32 v3, v4  }
0x680: {  	v4 =	vperm.xlane v3, v0;
	_ =	sdelay $0x1  }
0x681: {  	v3 =	vperm.xlane v3, v2;
	v4 =	vadd.s32 v1, v4;
	_ =	sdelay $0x1  }
0x682: {  	v3 =	vadd.s32 v1, v3;
	_ =	sdelay $0x1  }
0x683: {  	s20 =	simm.s32 $0xC400  }
0x684: {  	[tilespmem:s20], [sflag:$0x6] =	stream.indirect_vreg.gather [hbm4b:s10+s21], $0x80, v4, vm0, $0xb8;
	[tilespmem:$0x1E400] =	vst v63  }
0x685: {  	s30 =	simm.s32 $0xCC00  }
0x686: {  	[tilespmem:s30], [sflag:$0x6] =	stream.indirect_vreg.gather [hbm4b:s10+s21], $0x80, v3, vm0, $0xb8;
	[tilespmem:$0x1E400] =	vst v63  }
0x687: {  	v3 =	vld [tilespmem:$0x130];
	_ =	sdelay $0x4  }
0x688: {  	v63 =	vshll.u32 v3, $0x1  }
0x689: {  	v3 =	vand.u32 $0x7, v3;
	v4 =	vand.u32 $0xFFFFFFF0, v63  }
0x68a: {  	v3 =	vor.u32 v3, v4  }
0x68b: {  	v4 =	vperm.xlane v3, v0;
	_ =	sdelay $0x1  }
0x68c: {  	v3 =	vperm.xlane v3, v2;
	v4 =	vadd.s32 v1, v4;
	_ =	sdelay $0x1  }
0x68d: {  	v3 =	vadd.s32 v1, v3;
	_ =	sdelay $0x1  }
0x68e: {  	s31 =	simm.s32 $0xD400  }
0x68f: {  	[tilespmem:s31], [sflag:$0x6] =	stream.indirect_vreg.gather [hbm4b:s10+s21], $0x80, v4, vm0, $0xb8;
	[tilespmem:$0x1E400] =	vst v63  }
0x690: {  	_ = 	snop  }
0x691: {  	[tilespmem:s2], [sflag:$0x6] =	stream.indirect_vreg.gather [hbm4b:s10+s21], $0x80, v3, vm0, $0xb8;
	[tilespmem:$0x1E400] =	vst v63  }
0x692: {  	v3 =	vld [tilespmem:$0x140];
	_ =	sdelay $0x4  }
0x693: {  	v8 =	vshll.u32 v3, $0x1  }
0x694: {  	v3 =	vand.u32 $0x7, v3;
	v4 =	vand.u32 $0xFFFFFFF0, v8  }
0x695: {  	v3 =	vor.u32 v3, v4  }
0x696: {  	v4 =	vperm.xlane v3, v0;
	_ =	sdelay $0x1  }
0x697: {  	v3 =	vperm.xlane v3, v2;
	v4 =	vadd.s32 v1, v4;
	_ =	sdelay $0x1  }
0x698: {  	v3 =	vadd.s32 v1, v3;
	_ =	sdelay $0x1  }
0x699: {  	s2 =	simm.s32 $0xE400  }
0x69a: {  	[tilespmem:s2], [sflag:$0x6] =	stream.indirect_vreg.gather [hbm4b:s10+s21], $0x80, v4, vm0, $0xb8;
	[tilespmem:$0x1E400] =	vst v63  }
0x69b: {  	s12 =	simm.s32 $0xEC00  }
0x69c: {  	[tilespmem:s12], [sflag:$0x6] =	stream.indirect_vreg.gather [hbm4b:s10+s21], $0x80, v3, vm0, $0xb8;
	[tilespmem:$0x1E400] =	vst v63  }
0x69d: {  	v3 =	vld [tilespmem:$0x150];
	_ =	sdelay $0x4  }
0x69e: {  	v9 =	vshll.u32 v3, $0x1  }
0x69f: {  	v3 =	vand.u32 $0x7, v3;
	v4 =	vand.u32 $0xFFFFFFF0, v9  }
0x6a0: {  	v3 =	vor.u32 v3, v4  }
0x6a1: {  	v4 =	vperm.xlane v3, v0;
	_ =	sdelay $0x1  }
0x6a2: {  	v3 =	vperm.xlane v3, v2;
	v4 =	vadd.s32 v1, v4;
	_ =	sdelay $0x1  }
0x6a3: {  	v3 =	vadd.s32 v1, v3;
	_ =	sdelay $0x1  }
0x6a4: {  	s19 =	simm.s32 $0xF400  }
0x6a5: {  	[tilespmem:s19], [sflag:$0x6] =	stream.indirect_vreg.gather [hbm4b:s10+s21], $0x80, v4, vm0, $0xb8;
	[tilespmem:$0x1E400] =	vst v63  }
0x6a6: {  	s2 =	simm.s32 $0xFC00  }
0x6a7: {  	[tilespmem:s2], [sflag:$0x6] =	stream.indirect_vreg.gather [hbm4b:s10+s21], $0x80, v3, vm0, $0xb8;
	[tilespmem:$0x1E400] =	vst v63  }
0x6a8: {  	v3 =	vld [tilespmem:$0x160];
	_ =	sdelay $0x4  }
0x6a9: {  	v10 =	vshll.u32 v3, $0x1  }
0x6aa: {  	v3 =	vand.u32 $0x7, v3;
	v4 =	vand.u32 $0xFFFFFFF0, v10  }
0x6ab: {  	v3 =	vor.u32 v3, v4  }
0x6ac: {  	v4 =	vperm.xlane v3, v0;
	_ =	sdelay $0x1  }
0x6ad: {  	v3 =	vperm.xlane v3, v2;
	v4 =	vadd.s32 v1, v4;
	_ =	sdelay $0x1  }
0x6ae: {  	v3 =	vadd.s32 v1, v3;
	_ =	sdelay $0x1  }
0x6af: {  	s12 =	simm.s32 $0x10400  }
0x6b0: {  	[tilespmem:s12], [sflag:$0x6] =	stream.indirect_vreg.gather [hbm4b:s10+s21], $0x80, v4, vm0, $0xb8;
	[tilespmem:$0x1E400] =	vst v63  }
0x6b1: {  	s19 =	simm.s32 $0x10C00  }
0x6b2: {  	[tilespmem:s19], [sflag:$0x6] =	stream.indirect_vreg.gather [hbm4b:s10+s21], $0x80, v3, vm0, $0xb8;
	[tilespmem:$0x1E400] =	vst v63  }
0x6b3: {  	v3 =	vld [tilespmem:$0x170];
	_ =	sdelay $0x4  }
0x6b4: {  	v11 =	vshll.u32 v3, $0x1  }
0x6b5: {  	v3 =	vand.u32 $0x7, v3;
	v4 =	vand.u32 $0xFFFFFFF0, v11  }
0x6b6: {  	v3 =	vor.u32 v3, v4  }
0x6b7: {  	v4 =	vperm.xlane v3, v0;
	_ =	sdelay $0x1  }
0x6b8: {  	v3 =	vperm.xlane v3, v2;
	v4 =	vadd.s32 v1, v4;
	_ =	sdelay $0x1  }
0x6b9: {  	v3 =	vadd.s32 v1, v3;
	_ =	sdelay $0x1  }
0x6ba: {  	s2 =	simm.s32 $0x11400  }
0x6bb: {  	[tilespmem:s2], [sflag:$0x6] =	stream.indirect_vreg.gather [hbm4b:s10+s21], $0x80, v4, vm0, $0xb8;
	[tilespmem:$0x1E400] =	vst v63  }
0x6bc: {  	_ = 	snop  }
0x6bd: {  	[tilespmem:s3], [sflag:$0x6] =	stream.indirect_vreg.gather [hbm4b:s10+s21], $0x80, v3, vm0, $0xb8;
	[tilespmem:$0x1E400] =	vst v63  }
0x6be: {  	v3 =	vld [tilespmem:$0x180];
	_ =	sdelay $0x4  }
0x6bf: {  	v12 =	vshll.u32 v3, $0x1  }
0x6c0: {  	v3 =	vand.u32 $0x7, v3;
	v4 =	vand.u32 $0xFFFFFFF0, v12  }
0x6c1: {  	v3 =	vor.u32 v3, v4  }
0x6c2: {  	v4 =	vperm.xlane v3, v0;
	_ =	sdelay $0x1  }
0x6c3: {  	v3 =	vperm.xlane v3, v2;
	v4 =	vadd.s32 v1, v4;
	_ =	sdelay $0x1  }
0x6c4: {  	v3 =	vadd.s32 v1, v3;
	_ =	sdelay $0x1  }
0x6c5: {  	s3 =	simm.s32 $0x12400  }
0x6c6: {  	[tilespmem:s3], [sflag:$0x6] =	stream.indirect_vreg.gather [hbm4b:s10+s21], $0x80, v4, vm0, $0xb8;
	[tilespmem:$0x1E400] =	vst v63  }
0x6c7: {  	_ = 	snop  }
0x6c8: {  	[tilespmem:s6], [sflag:$0x6] =	stream.indirect_vreg.gather [hbm4b:s10+s21], $0x80, v3, vm0, $0xb8;
	[tilespmem:$0x1E400] =	vst v63  }
0x6c9: {  	v3 =	vld [tilespmem:$0x190];
	_ =	sdelay $0x4  }
0x6ca: {  	v13 =	vshll.u32 v3, $0x1  }
0x6cb: {  	v3 =	vand.u32 $0x7, v3;
	v4 =	vand.u32 $0xFFFFFFF0, v13  }
0x6cc: {  	v3 =	vor.u32 v3, v4  }
0x6cd: {  	v4 =	vperm.xlane v3, v0;
	_ =	sdelay $0x1  }
0x6ce: {  	v3 =	vperm.xlane v3, v2;
	v4 =	vadd.s32 v1, v4;
	_ =	sdelay $0x1  }
0x6cf: {  	v3 =	vadd.s32 v1, v3;
	_ =	sdelay $0x1  }
0x6d0: {  	s12 =	simm.s32 $0x13400  }
0x6d1: {  	[tilespmem:s12], [sflag:$0x6] =	stream.indirect_vreg.gather [hbm4b:s10+s21], $0x80, v4, vm0, $0xb8;
	[tilespmem:$0x1E400] =	vst v63  }
0x6d2: {  	s19 =	simm.s32 $0x13C00  }
0x6d3: {  	[tilespmem:s19], [sflag:$0x6] =	stream.indirect_vreg.gather [hbm4b:s10+s21], $0x80, v3, vm0, $0xb8;
	[tilespmem:$0x1E400] =	vst v63  }
0x6d4: {  	s2 =	rddreg [dreg:$0x13];
	s3 =	simm.s32 $0x300  }
0x6d5: {  	[tilespmem:s3], [sflag:$0x4] =	stream.linear.gather [hbm4b:s2+s21], $0xA0, $0x38;
	[tilespmem:$0x1E400] =	vst v63  }
0x6d6: {  	_ =	swait.ge [sflag:s4], $0xA000  }
0x6d7: {  	s6 =	sld [smem:$0x7F6]  }
0x6d8: {  	[sflag:s4] =	ssyncset.done $0x0  }
0x6d9: {  	[sflag:s4] =	ssyncadd.s32 $0xFFFF6000  }
0x6da: {  	[hbm4b:s6+s21] =	stream.linear.scatter [tilespmem:s14], [sflag:$0x8], $0xA000, $0x38;
	[tilespmem:$0x1E400] =	vst v63  }
0x6db: {  	_ =	swait.ge [sflag:s17], $0xA0  }
0x6dc: {  	[sflag:s17] =	ssyncset.done $0x0  }
0x6dd: {  	[sflag:s17] =	ssyncadd.s32 $0xFFFFFF60  }
0x6de: {  	_ =	swait.ge [sflag:s16], $0xA000  }
0x6df: {  	[sflag:s16] =	ssyncset.done $0x0  }
0x6e0: {  	[sflag:s16] =	ssyncadd.s32 $0xFFFF6000  }
0x6e1: {  	v3 =	vld [tilespmem:$0x200];
	_ =	sdelay $0x4  }
0x6e2: {  	v14 =	vshll.u32 v3, $0x1  }
0x6e3: {  	v3 =	vand.u32 $0x7, v3;
	v4 =	vand.u32 $0xFFFFFFF0, v14  }
0x6e4: {  	v3 =	vor.u32 v3, v4  }
0x6e5: {  	v4 =	vperm.xlane v3, v0;
	_ =	sdelay $0x1  }
0x6e6: {  	v3 =	vperm.xlane v3, v2;
	v4 =	vadd.s32 v1, v4;
	_ =	sdelay $0x1  }
0x6e7: {  	v3 =	vadd.s32 v1, v3;
	_ =	sdelay $0x1  }
0x6e8: {  	s0 =	simm.s32 $0x14400  }
0x6e9: {  	[tilespmem:s0], [sflag:$0x7] =	stream.indirect_vreg.gather [hbm4b:s10+s21], $0x80, v4, vm0, $0xb8;
	[tilespmem:$0x1E400] =	vst v63  }
0x6ea: {  	s1 =	simm.s32 $0x14C00  }
0x6eb: {  	[tilespmem:s1], [sflag:$0x7] =	stream.indirect_vreg.gather [hbm4b:s10+s21], $0x80, v3, vm0, $0xb8;
	[tilespmem:$0x1E400] =	vst v63  }
0x6ec: {  	v3 =	vld [tilespmem:$0x210];
	_ =	sdelay $0x4  }
0x6ed: {  	v15 =	vshll.u32 v3, $0x1  }
0x6ee: {  	v3 =	vand.u32 $0x7, v3;
	v4 =	vand.u32 $0xFFFFFFF0, v15  }
0x6ef: {  	v3 =	vor.u32 v3, v4  }
0x6f0: {  	v4 =	vperm.xlane v3, v0;
	_ =	sdelay $0x1  }
0x6f1: {  	v3 =	vperm.xlane v3, v2;
	v4 =	vadd.s32 v1, v4;
	_ =	sdelay $0x1  }
0x6f2: {  	v3 =	vadd.s32 v1, v3;
	_ =	sdelay $0x2  }
0x6f3: {  	[tilespmem:s8], [sflag:$0x7] =	stream.indirect_vreg.gather [hbm4b:s10+s21], $0x80, v4, vm0, $0xb8;
	[tilespmem:$0x1E400] =	vst v63  }
0x6f4: {  	s2 =	simm.s32 $0x15C00  }
0x6f5: {  	[tilespmem:s2], [sflag:$0x7] =	stream.indirect_vreg.gather [hbm4b:s10+s21], $0x80, v3, vm0, $0xb8;
	[tilespmem:$0x1E400] =	vst v63  }
0x6f6: {  	v3 =	vld [tilespmem:$0x220];
	_ =	sdelay $0x4  }
0x6f7: {  	v16 =	vshll.u32 v3, $0x1  }
0x6f8: {  	v3 =	vand.u32 $0x7, v3;
	v4 =	vand.u32 $0xFFFFFFF0, v16  }
0x6f9: {  	v3 =	vor.u32 v3, v4  }
0x6fa: {  	v4 =	vperm.xlane v3, v0;
	_ =	sdelay $0x1  }
0x6fb: {  	v3 =	vperm.xlane v3, v2;
	v4 =	vadd.s32 v1, v4;
	_ =	sdelay $0x1  }
0x6fc: {  	v3 =	vadd.s32 v1, v3;
	_ =	sdelay $0x2  }
0x6fd: {  	[tilespmem:s11], [sflag:$0x7] =	stream.indirect_vreg.gather [hbm4b:s10+s21], $0x80, v4, vm0, $0xb8;
	[tilespmem:$0x1E400] =	vst v63  }
0x6fe: {  	s3 =	simm.s32 $0x16C00  }
0x6ff: {  	[tilespmem:s3], [sflag:$0x7] =	stream.indirect_vreg.gather [hbm4b:s10+s21], $0x80, v3, vm0, $0xb8;
	[tilespmem:$0x1E400] =	vst v63  }
0x700: {  	v3 =	vld [tilespmem:$0x230];
	_ =	sdelay $0x4  }
0x701: {  	v17 =	vshll.u32 v3, $0x1  }
0x702: {  	v3 =	vand.u32 $0x7, v3;
	v4 =	vand.u32 $0xFFFFFFF0, v17  }
0x703: {  	v3 =	vor.u32 v3, v4  }
0x704: {  	v4 =	vperm.xlane v3, v0;
	_ =	sdelay $0x1  }
0x705: {  	v3 =	vperm.xlane v3, v2;
	v4 =	vadd.s32 v1, v4;
	_ =	sdelay $0x1  }
0x706: {  	v3 =	vadd.s32 v1, v3;
	_ =	sdelay $0x2  }
0x707: {  	[tilespmem:s13], [sflag:$0x7] =	stream.indirect_vreg.gather [hbm4b:s10+s21], $0x80, v4, vm0, $0xb8;
	[tilespmem:$0x1E400] =	vst v63  }
0x708: {  	s6 =	simm.s32 $0x17C00  }
0x709: {  	[tilespmem:s6], [sflag:$0x7] =	stream.indirect_vreg.gather [hbm4b:s10+s21], $0x80, v3, vm0, $0xb8;
	[tilespmem:$0x1E400] =	vst v63  }
0x70a: {  	v3 =	vld [tilespmem:$0x240];
	_ =	sdelay $0x4  }
0x70b: {  	v18 =	vshll.u32 v3, $0x1  }
0x70c: {  	v3 =	vand.u32 $0x7, v3;
	v4 =	vand.u32 $0xFFFFFFF0, v18  }
0x70d: {  	v3 =	vor.u32 v3, v4  }
0x70e: {  	v4 =	vperm.xlane v3, v0;
	_ =	sdelay $0x1  }
0x70f: {  	v3 =	vperm.xlane v3, v2;
	v4 =	vadd.s32 v1, v4;
	_ =	sdelay $0x1  }
0x710: {  	v3 =	vadd.s32 v1, v3;
	_ =	sdelay $0x2  }
0x711: {  	[tilespmem:s23], [sflag:$0x7] =	stream.indirect_vreg.gather [hbm4b:s10+s21], $0x80, v4, vm0, $0xb8;
	[tilespmem:$0x1E400] =	vst v63  }
0x712: {  	s19 =	simm.s32 $0x18C00  }
0x713: {  	[tilespmem:s19], [sflag:$0x7] =	stream.indirect_vreg.gather [hbm4b:s10+s21], $0x80, v3, vm0, $0xb8;
	[tilespmem:$0x1E400] =	vst v63  }
0x714: {  	v3 =	vld [tilespmem:$0x250];
	_ =	sdelay $0x4  }
0x715: {  	v19 =	vshll.u32 v3, $0x1  }
0x716: {  	v3 =	vand.u32 $0x7, v3;
	v4 =	vand.u32 $0xFFFFFFF0, v19  }
0x717: {  	v3 =	vor.u32 v3, v4  }
0x718: {  	v4 =	vperm.xlane v3, v0;
	_ =	sdelay $0x1  }
0x719: {  	v3 =	vperm.xlane v3, v2;
	v4 =	vadd.s32 v1, v4;
	_ =	sdelay $0x1  }
0x71a: {  	v3 =	vadd.s32 v1, v3;
	_ =	sdelay $0x2  }
0x71b: {  	[tilespmem:s25], [sflag:$0x7] =	stream.indirect_vreg.gather [hbm4b:s10+s21], $0x80, v4, vm0, $0xb8;
	[tilespmem:$0x1E400] =	vst v63  }
0x71c: {  	s1 =	simm.s32 $0x19C00  }
0x71d: {  	[tilespmem:s1], [sflag:$0x7] =	stream.indirect_vreg.gather [hbm4b:s10+s21], $0x80, v3, vm0, $0xb8;
	[tilespmem:$0x1E400] =	vst v63  }
0x71e: {  	v3 =	vld [tilespmem:$0x260];
	_ =	sdelay $0x4  }
0x71f: {  	v20 =	vshll.u32 v3, $0x1  }
0x720: {  	v3 =	vand.u32 $0x7, v3;
	v4 =	vand.u32 $0xFFFFFFF0, v20  }
0x721: {  	v3 =	vor.u32 v3, v4  }
0x722: {  	v4 =	vperm.xlane v3, v0;
	_ =	sdelay $0x1  }
0x723: {  	v3 =	vperm.xlane v3, v2;
	v4 =	vadd.s32 v1, v4;
	_ =	sdelay $0x1  }
0x724: {  	v3 =	vadd.s32 v1, v3;
	_ =	sdelay $0x2  }
0x725: {  	[tilespmem:s24], [sflag:$0x7] =	stream.indirect_vreg.gather [hbm4b:s10+s21], $0x80, v4, vm0, $0xb8;
	[tilespmem:$0x1E400] =	vst v63  }
0x726: {  	s2 =	simm.s32 $0x1AC00  }
0x727: {  	[tilespmem:s2], [sflag:$0x7] =	stream.indirect_vreg.gather [hbm4b:s10+s21], $0x80, v3, vm0, $0xb8;
	[tilespmem:$0x1E400] =	vst v63  }
0x728: {  	v3 =	vld [tilespmem:$0x270];
	_ =	sdelay $0x4  }
0x729: {  	v21 =	vshll.u32 v3, $0x1  }
0x72a: {  	v3 =	vand.u32 $0x7, v3;
	v4 =	vand.u32 $0xFFFFFFF0, v21  }
0x72b: {  	v3 =	vor.u32 v3, v4  }
0x72c: {  	v4 =	vperm.xlane v3, v0;
	_ =	sdelay $0x1  }
0x72d: {  	v3 =	vperm.xlane v3, v2;
	v4 =	vadd.s32 v1, v4;
	_ =	sdelay $0x1  }
0x72e: {  	v3 =	vadd.s32 v1, v3;
	_ =	sdelay $0x2  }
0x72f: {  	[tilespmem:s29], [sflag:$0x7] =	stream.indirect_vreg.gather [hbm4b:s10+s21], $0x80, v4, vm0, $0xb8;
	[tilespmem:$0x1E400] =	vst v63  }
0x730: {  	s6 =	simm.s32 $0x1BC00  }
0x731: {  	[tilespmem:s6], [sflag:$0x7] =	stream.indirect_vreg.gather [hbm4b:s10+s21], $0x80, v3, vm0, $0xb8;
	[tilespmem:$0x1E400] =	vst v63  }
0x732: {  	v3 =	vld [tilespmem:$0x280];
	_ =	sdelay $0x4  }
0x733: {  	v22 =	vshll.u32 v3, $0x1  }
0x734: {  	v3 =	vand.u32 $0x7, v3;
	v4 =	vand.u32 $0xFFFFFFF0, v22  }
0x735: {  	v3 =	vor.u32 v3, v4  }
0x736: {  	v4 =	vperm.xlane v3, v0;
	_ =	sdelay $0x1  }
0x737: {  	v3 =	vperm.xlane v3, v2;
	v4 =	vadd.s32 v1, v4;
	_ =	sdelay $0x1  }
0x738: {  	v3 =	vadd.s32 v1, v3;
	_ =	sdelay $0x1  }
0x739: {  	s19 =	simm.s32 $0x1C400  }
0x73a: {  	[tilespmem:s19], [sflag:$0x7] =	stream.indirect_vreg.gather [hbm4b:s10+s21], $0x80, v4, vm0, $0xb8;
	[tilespmem:$0x1E400] =	vst v63  }
0x73b: {  	s25 =	simm.s32 $0x1CC00  }
0x73c: {  	[tilespmem:s25], [sflag:$0x7] =	stream.indirect_vreg.gather [hbm4b:s10+s21], $0x80, v3, vm0, $0xb8;
	[tilespmem:$0x1E400] =	vst v63  }
0x73d: {  	v3 =	vld [tilespmem:$0x290];
	_ =	sdelay $0x4  }
0x73e: {  	v23 =	vshll.u32 v3, $0x1  }
0x73f: {  	v3 =	vand.u32 $0x7, v3;
	v4 =	vand.u32 $0xFFFFFFF0, v23  }
0x740: {  	v3 =	vor.u32 v3, v4  }
0x741: {  	v4 =	vperm.xlane v3, v0;
	_ =	sdelay $0x1  }
0x742: {  	v3 =	vperm.xlane v3, v2;
	v4 =	vadd.s32 v1, v4;
	_ =	sdelay $0x1  }
0x743: {  	v3 =	vadd.s32 v1, v3;
	_ =	sdelay $0x1  }
0x744: {  	s1 =	simm.s32 $0x1D400  }
0x745: {  	[tilespmem:s1], [sflag:$0x7] =	stream.indirect_vreg.gather [hbm4b:s10+s21], $0x80, v4, vm0, $0xb8;
	[tilespmem:$0x1E400] =	vst v63  }
0x746: {  	s2 =	simm.s32 $0x1DC00  }
0x747: {  	[tilespmem:s2], [sflag:$0x7] =	stream.indirect_vreg.gather [hbm4b:s10+s21], $0x80, v3, vm0, $0xb8;
	[tilespmem:$0x1E400] =	vst v63  }
0x748: {  	s6 =	rddreg [dreg:$0x14]  }
0x749: {  	[tilespmem:s21], [sflag:$0x1] =	stream.linear.gather [hbm4b:s6+s21], $0xA0, $0x38;
	[tilespmem:$0x1E400] =	vst v63  }
0x74a: {  	_ =	swait.ge [sflag:s9], $0xA000  }
0x74b: {  	s25 =	sld [smem:$0x7F7]  }
0x74c: {  	[sflag:s9] =	ssyncset.done $0x0  }
0x74d: {  	s0 =	simm.s32 $0xA400;
	[sflag:s9] =	ssyncadd.s32 $0xFFFF6000  }
0x74e: {  	[hbm4b:s25+s21] =	stream.linear.scatter [tilespmem:s0], [sflag:$0x9], $0xA000, $0x38;
	[tilespmem:$0x1E400] =	vst v63  }
0x74f: {  	_ =	swait.ge [sflag:s26], $0xA0  }
0x750: {  	[sflag:s26] =	ssyncset.done $0x0  }
0x751: {  	[sflag:s26] =	ssyncadd.s32 $0xFFFFFF60  }
0x752: {  	_ =	swait.ge [sflag:s15], $0xA000  }
0x753: {  	[sflag:s15] =	ssyncset.done $0x0  }
0x754: {  	[sflag:s15] =	ssyncadd.s32 $0xFFFF6000  }
0x755: {  	v3 =	vld [tilespmem:$0x300];
	_ =	sdelay $0x4  }
0x756: {  	v24 =	vshll.u32 v3, $0x1  }
0x757: {  	v3 =	vand.u32 $0x7, v3;
	v4 =	vand.u32 $0xFFFFFFF0, v24  }
0x758: {  	v3 =	vor.u32 v3, v4  }
0x759: {  	v4 =	vperm.xlane v3, v0;
	_ =	sdelay $0x1  }
0x75a: {  	v3 =	vperm.xlane v3, v2;
	v4 =	vadd.s32 v1, v4;
	_ =	sdelay $0x1  }
0x75b: {  	v3 =	vadd.s32 v1, v3;
	_ =	sdelay $0x2  }
0x75c: {  	[tilespmem:s14], [sflag:$0x5] =	stream.indirect_vreg.gather [hbm4b:s10+s21], $0x80, v4, vm0, $0xb8;
	[tilespmem:$0x1E400] =	vst v63  }
0x75d: {  	s2 =	simm.s32 $0xC00  }
0x75e: {  	[tilespmem:s2], [sflag:$0x5] =	stream.indirect_vreg.gather [hbm4b:s10+s21], $0x80, v3, vm0, $0xb8;
	[tilespmem:$0x1E400] =	vst v63  }
0x75f: {  	v3 =	vld [tilespmem:$0x310];
	_ =	sdelay $0x4  }
0x760: {  	v25 =	vshll.u32 v3, $0x1  }
0x761: {  	v3 =	vand.u32 $0x7, v3;
	v4 =	vand.u32 $0xFFFFFFF0, v25  }
0x762: {  	v3 =	vor.u32 v3, v4  }
0x763: {  	v4 =	vperm.xlane v3, v0;
	_ =	sdelay $0x1  }
0x764: {  	v3 =	vperm.xlane v3, v2;
	v4 =	vadd.s32 v1, v4;
	_ =	sdelay $0x1  }
0x765: {  	v3 =	vadd.s32 v1, v3;
	_ =	sdelay $0x1  }
0x766: {  	s6 =	simm.s32 $0x1400  }
0x767: {  	[tilespmem:s6], [sflag:$0x5] =	stream.indirect_vreg.gather [hbm4b:s10+s21], $0x80, v4, vm0, $0xb8;
	[tilespmem:$0x1E400] =	vst v63  }
0x768: {  	s19 =	simm.s32 $0x1C00  }
0x769: {  	[tilespmem:s19], [sflag:$0x5] =	stream.indirect_vreg.gather [hbm4b:s10+s21], $0x80, v3, vm0, $0xb8;
	[tilespmem:$0x1E400] =	vst v63  }
0x76a: {  	v3 =	vld [tilespmem:$0x320];
	_ =	sdelay $0x4  }
0x76b: {  	v26 =	vshll.u32 v3, $0x1  }
0x76c: {  	v3 =	vand.u32 $0x7, v3;
	v4 =	vand.u32 $0xFFFFFFF0, v26  }
0x76d: {  	v3 =	vor.u32 v3, v4  }
0x76e: {  	v4 =	vperm.xlane v3, v0;
	_ =	sdelay $0x1  }
0x76f: {  	v3 =	vperm.xlane v3, v2;
	v4 =	vadd.s32 v1, v4;
	_ =	sdelay $0x1  }
0x770: {  	v3 =	vadd.s32 v1, v3;
	_ =	sdelay $0x1  }
0x771: {  	s25 =	simm.s32 $0x2400  }
0x772: {  	[tilespmem:s25], [sflag:$0x5] =	stream.indirect_vreg.gather [hbm4b:s10+s21], $0x80, v4, vm0, $0xb8;
	[tilespmem:$0x1E400] =	vst v63  }
0x773: {  	s1 =	simm.s32 $0x2C00  }
0x774: {  	[tilespmem:s1], [sflag:$0x5] =	stream.indirect_vreg.gather [hbm4b:s10+s21], $0x80, v3, vm0, $0xb8;
	[tilespmem:$0x1E400] =	vst v63  }
0x775: {  	v3 =	vld [tilespmem:$0x330];
	_ =	sdelay $0x4  }
0x776: {  	v27 =	vshll.u32 v3, $0x1  }
0x777: {  	v3 =	vand.u32 $0x7, v3;
	v4 =	vand.u32 $0xFFFFFFF0, v27  }
0x778: {  	v3 =	vor.u32 v3, v4  }
0x779: {  	v4 =	vperm.xlane v3, v0;
	_ =	sdelay $0x1  }
0x77a: {  	v3 =	vperm.xlane v3, v2;
	v4 =	vadd.s32 v1, v4;
	_ =	sdelay $0x1  }
0x77b: {  	v3 =	vadd.s32 v1, v3;
	_ =	sdelay $0x1  }
0x77c: {  	s2 =	simm.s32 $0x3400  }
0x77d: {  	[tilespmem:s2], [sflag:$0x5] =	stream.indirect_vreg.gather [hbm4b:s10+s21], $0x80, v4, vm0, $0xb8;
	[tilespmem:$0x1E400] =	vst v63  }
0x77e: {  	s6 =	simm.s32 $0x3C00  }
0x77f: {  	[tilespmem:s6], [sflag:$0x5] =	stream.indirect_vreg.gather [hbm4b:s10+s21], $0x80, v3, vm0, $0xb8;
	[tilespmem:$0x1E400] =	vst v63  }
0x780: {  	v3 =	vld [tilespmem:$0x340];
	_ =	sdelay $0x4  }
0x781: {  	v28 =	vshll.u32 v3, $0x1  }
0x782: {  	v3 =	vand.u32 $0x7, v3;
	v4 =	vand.u32 $0xFFFFFFF0, v28  }
0x783: {  	v3 =	vor.u32 v3, v4  }
0x784: {  	v4 =	vperm.xlane v3, v0;
	_ =	sdelay $0x1  }
0x785: {  	v3 =	vperm.xlane v3, v2;
	v4 =	vadd.s32 v1, v4;
	_ =	sdelay $0x1  }
0x786: {  	v3 =	vadd.s32 v1, v3;
	_ =	sdelay $0x1  }
0x787: {  	s19 =	simm.s32 $0x4400  }
0x788: {  	[tilespmem:s19], [sflag:$0x5] =	stream.indirect_vreg.gather [hbm4b:s10+s21], $0x80, v4, vm0, $0xb8;
	[tilespmem:$0x1E400] =	vst v63  }
0x789: {  	s25 =	simm.s32 $0x4C00  }
0x78a: {  	[tilespmem:s25], [sflag:$0x5] =	stream.indirect_vreg.gather [hbm4b:s10+s21], $0x80, v3, vm0, $0xb8;
	[tilespmem:$0x1E400] =	vst v63  }
0x78b: {  	v3 =	vld [tilespmem:$0x350];
	_ =	sdelay $0x4  }
0x78c: {  	v29 =	vshll.u32 v3, $0x1  }
0x78d: {  	v3 =	vand.u32 $0x7, v3;
	v4 =	vand.u32 $0xFFFFFFF0, v29  }
0x78e: {  	v3 =	vor.u32 v3, v4  }
0x78f: {  	v4 =	vperm.xlane v3, v0;
	_ =	sdelay $0x1  }
0x790: {  	v3 =	vperm.xlane v3, v2;
	v4 =	vadd.s32 v1, v4;
	_ =	sdelay $0x1  }
0x791: {  	v3 =	vadd.s32 v1, v3;
	_ =	sdelay $0x1  }
0x792: {  	s1 =	simm.s32 $0x5400  }
0x793: {  	[tilespmem:s1], [sflag:$0x5] =	stream.indirect_vreg.gather [hbm4b:s10+s21], $0x80, v4, vm0, $0xb8;
	[tilespmem:$0x1E400] =	vst v63  }
0x794: {  	s2 =	simm.s32 $0x5C00  }
0x795: {  	[tilespmem:s2], [sflag:$0x5] =	stream.indirect_vreg.gather [hbm4b:s10+s21], $0x80, v3, vm0, $0xb8;
	[tilespmem:$0x1E400] =	vst v63  }
0x796: {  	v3 =	vld [tilespmem:$0x360];
	_ =	sdelay $0x4  }
0x797: {  	v30 =	vshll.u32 v3, $0x1  }
0x798: {  	v3 =	vand.u32 $0x7, v3;
	v4 =	vand.u32 $0xFFFFFFF0, v30  }
0x799: {  	v3 =	vor.u32 v3, v4  }
0x79a: {  	v4 =	vperm.xlane v3, v0;
	_ =	sdelay $0x1  }
0x79b: {  	v3 =	vperm.xlane v3, v2;
	v4 =	vadd.s32 v1, v4;
	_ =	sdelay $0x1  }
0x79c: {  	v3 =	vadd.s32 v1, v3;
	_ =	sdelay $0x1  }
0x79d: {  	s6 =	simm.s32 $0x6400  }
0x79e: {  	[tilespmem:s6], [sflag:$0x5] =	stream.indirect_vreg.gather [hbm4b:s10+s21], $0x80, v4, vm0, $0xb8;
	[tilespmem:$0x1E400] =	vst v63  }
0x79f: {  	s19 =	simm.s32 $0x6C00  }
0x7a0: {  	[tilespmem:s19], [sflag:$0x5] =	stream.indirect_vreg.gather [hbm4b:s10+s21], $0x80, v3, vm0, $0xb8;
	[tilespmem:$0x1E400] =	vst v63  }
0x7a1: {  	v3 =	vld [tilespmem:$0x370];
	_ =	sdelay $0x4  }
0x7a2: {  	v31 =	vshll.u32 v3, $0x1  }
0x7a3: {  	v3 =	vand.u32 $0x7, v3;
	v4 =	vand.u32 $0xFFFFFFF0, v31  }
0x7a4: {  	v3 =	vor.u32 v3, v4  }
0x7a5: {  	v4 =	vperm.xlane v3, v0;
	_ =	sdelay $0x1  }
0x7a6: {  	v3 =	vperm.xlane v3, v2;
	v4 =	vadd.s32 v1, v4;
	_ =	sdelay $0x1  }
0x7a7: {  	v3 =	vadd.s32 v1, v3;
	_ =	sdelay $0x1  }
0x7a8: {  	s25 =	simm.s32 $0x7400  }
0x7a9: {  	[tilespmem:s25], [sflag:$0x5] =	stream.indirect_vreg.gather [hbm4b:s10+s21], $0x80, v4, vm0, $0xb8;
	[tilespmem:$0x1E400] =	vst v63  }
0x7aa: {  	s1 =	simm.s32 $0x7C00  }
0x7ab: {  	[tilespmem:s1], [sflag:$0x5] =	stream.indirect_vreg.gather [hbm4b:s10+s21], $0x80, v3, vm0, $0xb8;
	[tilespmem:$0x1E400] =	vst v63  }
0x7ac: {  	v3 =	vld [tilespmem:$0x380];
	_ =	sdelay $0x4  }
0x7ad: {  	v32 =	vshll.u32 v3, $0x1  }
0x7ae: {  	v3 =	vand.u32 $0x7, v3;
	v4 =	vand.u32 $0xFFFFFFF0, v32  }
0x7af: {  	v3 =	vor.u32 v3, v4  }
0x7b0: {  	v4 =	vperm.xlane v3, v0;
	_ =	sdelay $0x1  }
0x7b1: {  	v3 =	vperm.xlane v3, v2;
	v4 =	vadd.s32 v1, v4;
	_ =	sdelay $0x1  }
0x7b2: {  	v3 =	vadd.s32 v1, v3;
	_ =	sdelay $0x1  }
0x7b3: {  	s2 =	simm.s32 $0x8400  }
0x7b4: {  	[tilespmem:s2], [sflag:$0x5] =	stream.indirect_vreg.gather [hbm4b:s10+s21], $0x80, v4, vm0, $0xb8;
	[tilespmem:$0x1E400] =	vst v63  }
0x7b5: {  	s6 =	simm.s32 $0x8C00  }
0x7b6: {  	[tilespmem:s6], [sflag:$0x5] =	stream.indirect_vreg.gather [hbm4b:s10+s21], $0x80, v3, vm0, $0xb8;
	[tilespmem:$0x1E400] =	vst v63  }
0x7b7: {  	v3 =	vld [tilespmem:$0x390];
	_ =	sdelay $0x4  }
0x7b8: {  	v33 =	vshll.u32 v3, $0x1  }
0x7b9: {  	v3 =	vand.u32 $0x7, v3;
	v4 =	vand.u32 $0xFFFFFFF0, v33  }
0x7ba: {  	v3 =	vor.u32 v3, v4  }
0x7bb: {  	v4 =	vperm.xlane v3, v0;
	_ =	sdelay $0x1  }
0x7bc: {  	v3 =	vperm.xlane v3, v2;
	v4 =	vadd.s32 v1, v4;
	_ =	sdelay $0x1  }
0x7bd: {  	v3 =	vadd.s32 v1, v3;
	_ =	sdelay $0x1  }
0x7be: {  	s19 =	simm.s32 $0x9400  }
0x7bf: {  	[tilespmem:s19], [sflag:$0x5] =	stream.indirect_vreg.gather [hbm4b:s10+s21], $0x80, v4, vm0, $0xb8;
	[tilespmem:$0x1E400] =	vst v63  }
0x7c0: {  	s25 =	simm.s32 $0x9C00  }
0x7c1: {  	[tilespmem:s25], [sflag:$0x5] =	stream.indirect_vreg.gather [hbm4b:s10+s21], $0x80, v3, vm0, $0xb8;
	[tilespmem:$0x1E400] =	vst v63  }
0x7c2: {  	s1 =	rddreg [dreg:$0x15];
	s2 =	simm.s32 $0x100  }
0x7c3: {  	[tilespmem:s2], [sflag:$0x2] =	stream.linear.gather [hbm4b:s1+s21], $0xA0, $0x38;
	[tilespmem:$0x1E400] =	vst v63  }
0x7c4: {  	_ =	swait.ge [sflag:s18], $0xA000  }
0x7c5: {  	s6 =	sld [smem:$0x7F8]  }
0x7c6: {  	[sflag:s18] =	ssyncset.done $0x0  }
0x7c7: {  	s1 =	simm.s32 $0x14400;
	[sflag:s18] =	ssyncadd.s32 $0xFFFF6000  }
0x7c8: {  	[hbm4b:s6+s21] =	stream.linear.scatter [tilespmem:s1], [sflag:$0xA], $0xA000, $0x38;
	[tilespmem:$0x1E400] =	vst v63  }
0x7c9: {  	_ =	swait.ge [sflag:s5], $0xA0  }
0x7ca: {  	[sflag:s5] =	ssyncset.done $0x0  }
0x7cb: {  	[sflag:s5] =	ssyncadd.s32 $0xFFFFFF60  }
0x7cc: {  	_ =	swait.ge [sflag:s28], $0xA000  }
0x7cd: {  	[sflag:s28] =	ssyncset.done $0x0  }
0x7ce: {  	[sflag:s28] =	ssyncadd.s32 $0xFFFF6000  }
0x7cf: {  	v3 =	vld [tilespmem:$0x0];
	_ =	sdelay $0x4  }
0x7d0: {  	v34 =	vshll.u32 v3, $0x1  }
0x7d1: {  	v3 =	vand.u32 $0x7, v3;
	v4 =	vand.u32 $0xFFFFFFF0, v34  }
0x7d2: {  	v3 =	vor.u32 v3, v4  }
0x7d3: {  	v4 =	vperm.xlane v3, v0;
	_ =	sdelay $0x1  }
0x7d4: {  	v3 =	vperm.xlane v3, v2;
	v4 =	vadd.s32 v1, v4;
	_ =	sdelay $0x1  }
0x7d5: {  	v3 =	vadd.s32 v1, v3;
	_ =	sdelay $0x1  }
0x7d6: {  	s19 =	simm.s32 $0xA400  }
0x7d7: {  	[tilespmem:s19], [sflag:$0x6] =	stream.indirect_vreg.gather [hbm4b:s10+s21], $0x80, v4, vm0, $0xb8;
	[tilespmem:$0x1E400] =	vst v63  }
0x7d8: {  	s22 =	simm.s32 $0xAC00  }
0x7d9: {  	[tilespmem:s22], [sflag:$0x6] =	stream.indirect_vreg.gather [hbm4b:s10+s21], $0x80, v3, vm0, $0xb8;
	[tilespmem:$0x1E400] =	vst v63  }
0x7da: {  	v3 =	vld [tilespmem:$0x10];
	_ =	sdelay $0x4  }
0x7db: {  	v35 =	vshll.u32 v3, $0x1  }
0x7dc: {  	v3 =	vand.u32 $0x7, v3;
	v4 =	vand.u32 $0xFFFFFFF0, v35  }
0x7dd: {  	v3 =	vor.u32 v3, v4  }
0x7de: {  	v4 =	vperm.xlane v3, v0;
	_ =	sdelay $0x1  }
0x7df: {  	v3 =	vperm.xlane v3, v2;
	v4 =	vadd.s32 v1, v4;
	_ =	sdelay $0x1  }
0x7e0: {  	v3 =	vadd.s32 v1, v3;
	_ =	sdelay $0x1  }
0x7e1: {  	s0 =	simm.s32 $0xB400  }
0x7e2: {  	[tilespmem:s0], [sflag:$0x6] =	stream.indirect_vreg.gather [hbm4b:s10+s21], $0x80, v4, vm0, $0xb8;
	[tilespmem:$0x1E400] =	vst v63  }
0x7e3: {  	s22 =	simm.s32 $0xBC00  }
0x7e4: {  	[tilespmem:s22], [sflag:$0x6] =	stream.indirect_vreg.gather [hbm4b:s10+s21], $0x80, v3, vm0, $0xb8;
	[tilespmem:$0x1E400] =	vst v63  }
0x7e5: {  	v3 =	vld [tilespmem:$0x20];
	_ =	sdelay $0x4  }
0x7e6: {  	v36 =	vshll.u32 v3, $0x1  }
0x7e7: {  	v3 =	vand.u32 $0x7, v3;
	v4 =	vand.u32 $0xFFFFFFF0, v36  }
0x7e8: {  	v3 =	vor.u32 v3, v4  }
0x7e9: {  	v4 =	vperm.xlane v3, v0;
	_ =	sdelay $0x1  }
0x7ea: {  	v3 =	vperm.xlane v3, v2;
	v4 =	vadd.s32 v1, v4;
	_ =	sdelay $0x1  }
0x7eb: {  	v3 =	vadd.s32 v1, v3;
	_ =	sdelay $0x1  }
0x7ec: {  	s2 =	simm.s32 $0xC400  }
0x7ed: {  	[tilespmem:s2], [sflag:$0x6] =	stream.indirect_vreg.gather [hbm4b:s10+s21], $0x80, v4, vm0, $0xb8;
	[tilespmem:$0x1E400] =	vst v63  }
0x7ee: {  	s20 =	simm.s32 $0xCC00  }
0x7ef: {  	[tilespmem:s20], [sflag:$0x6] =	stream.indirect_vreg.gather [hbm4b:s10+s21], $0x80, v3, vm0, $0xb8;
	[tilespmem:$0x1E400] =	vst v63  }
0x7f0: {  	v3 =	vld [tilespmem:$0x30];
	_ =	sdelay $0x4  }
0x7f1: {  	v37 =	vshll.u32 v3, $0x1  }
0x7f2: {  	v3 =	vand.u32 $0x7, v3;
	v4 =	vand.u32 $0xFFFFFFF0, v37  }
0x7f3: {  	v3 =	vor.u32 v3, v4  }
0x7f4: {  	v4 =	vperm.xlane v3, v0;
	_ =	sdelay $0x1  }
0x7f5: {  	v3 =	vperm.xlane v3, v2;
	v4 =	vadd.s32 v1, v4;
	_ =	sdelay $0x1  }
0x7f6: {  	v3 =	vadd.s32 v1, v3;
	_ =	sdelay $0x1  }
0x7f7: {  	s25 =	simm.s32 $0xD400  }
0x7f8: {  	[tilespmem:s25], [sflag:$0x6] =	stream.indirect_vreg.gather [hbm4b:s10+s21], $0x80, v4, vm0, $0xb8;
	[tilespmem:$0x1E400] =	vst v63  }
0x7f9: {  	s30 =	simm.s32 $0xDC00  }
0x7fa: {  	[tilespmem:s30], [sflag:$0x6] =	stream.indirect_vreg.gather [hbm4b:s10+s21], $0x80, v3, vm0, $0xb8;
	[tilespmem:$0x1E400] =	vst v63  }
0x7fb: {  	v3 =	vld [tilespmem:$0x40];
	_ =	sdelay $0x4  }
0x7fc: {  	v38 =	vshll.u32 v3, $0x1  }
0x7fd: {  	v3 =	vand.u32 $0x7, v3;
	v4 =	vand.u32 $0xFFFFFFF0, v38  }
0x7fe: {  	v3 =	vor.u32 v3, v4  }
0x7ff: {  	v4 =	vperm.xlane v3, v0;
	_ =	sdelay $0x1  }
0x800: {  	v3 =	vperm.xlane v3, v2;
	v4 =	vadd.s32 v1, v4;
	_ =	sdelay $0x1  }
0x801: {  	v3 =	vadd.s32 v1, v3;
	_ =	sdelay $0x1  }
0x802: {  	s5 =	simm.s32 $0xE400  }
0x803: {  	[tilespmem:s5], [sflag:$0x6] =	stream.indirect_vreg.gather [hbm4b:s10+s21], $0x80, v4, vm0, $0xb8;
	[tilespmem:$0x1E400] =	vst v63  }
0x804: {  	s31 =	simm.s32 $0xEC00  }
0x805: {  	[tilespmem:s31], [sflag:$0x6] =	stream.indirect_vreg.gather [hbm4b:s10+s21], $0x80, v3, vm0, $0xb8;
	[tilespmem:$0x1E400] =	vst v63  }
0x806: {  	v3 =	vld [tilespmem:$0x50];
	_ =	sdelay $0x4  }
0x807: {  	v39 =	vshll.u32 v3, $0x1  }
0x808: {  	v3 =	vand.u32 $0x7, v3;
	v4 =	vand.u32 $0xFFFFFFF0, v39  }
0x809: {  	v3 =	vor.u32 v3, v4  }
0x80a: {  	v4 =	vperm.xlane v3, v0;
	_ =	sdelay $0x1  }
0x80b: {  	v3 =	vperm.xlane v3, v2;
	v4 =	vadd.s32 v1, v4;
	_ =	sdelay $0x1  }
0x80c: {  	v3 =	vadd.s32 v1, v3;
	_ =	sdelay $0x1  }
0x80d: {  	s6 =	simm.s32 $0xF400  }
0x80e: {  	[tilespmem:s6], [sflag:$0x6] =	stream.indirect_vreg.gather [hbm4b:s10+s21], $0x80, v4, vm0, $0xb8;
	[tilespmem:$0x1E400] =	vst v63  }
0x80f: {  	s30 =	simm.s32 $0xFC00  }
0x810: {  	[tilespmem:s30], [sflag:$0x6] =	stream.indirect_vreg.gather [hbm4b:s10+s21], $0x80, v3, vm0, $0xb8;
	[tilespmem:$0x1E400] =	vst v63  }
0x811: {  	v3 =	vld [tilespmem:$0x60];
	_ =	sdelay $0x4  }
0x812: {  	v40 =	vshll.u32 v3, $0x1  }
0x813: {  	v3 =	vand.u32 $0x7, v3;
	v4 =	vand.u32 $0xFFFFFFF0, v40  }
0x814: {  	v3 =	vor.u32 v3, v4  }
0x815: {  	v4 =	vperm.xlane v3, v0;
	_ =	sdelay $0x1  }
0x816: {  	v3 =	vperm.xlane v3, v2;
	v4 =	vadd.s32 v1, v4;
	_ =	sdelay $0x1  }
0x817: {  	v3 =	vadd.s32 v1, v3;
	_ =	sdelay $0x1  }
0x818: {  	s25 =	simm.s32 $0x10400  }
0x819: {  	[tilespmem:s25], [sflag:$0x6] =	stream.indirect_vreg.gather [hbm4b:s10+s21], $0x80, v4, vm0, $0xb8;
	[tilespmem:$0x1E400] =	vst v63  }
0x81a: {  	s31 =	simm.s32 $0x10C00  }
0x81b: {  	[tilespmem:s31], [sflag:$0x6] =	stream.indirect_vreg.gather [hbm4b:s10+s21], $0x80, v3, vm0, $0xb8;
	[tilespmem:$0x1E400] =	vst v63  }
0x81c: {  	v3 =	vld [tilespmem:$0x70];
	_ =	sdelay $0x4  }
0x81d: {  	v41 =	vshll.u32 v3, $0x1  }
0x81e: {  	v3 =	vand.u32 $0x7, v3;
	v4 =	vand.u32 $0xFFFFFFF0, v41  }
0x81f: {  	v3 =	vor.u32 v3, v4  }
0x820: {  	v4 =	vperm.xlane v3, v0;
	_ =	sdelay $0x1  }
0x821: {  	v3 =	vperm.xlane v3, v2;
	v4 =	vadd.s32 v1, v4;
	_ =	sdelay $0x1  }
0x822: {  	v3 =	vadd.s32 v1, v3;
	_ =	sdelay $0x1  }
0x823: {  	s20 =	simm.s32 $0x11400  }
0x824: {  	[tilespmem:s20], [sflag:$0x6] =	stream.indirect_vreg.gather [hbm4b:s10+s21], $0x80, v4, vm0, $0xb8;
	[tilespmem:$0x1E400] =	vst v63  }
0x825: {  	s22 =	simm.s32 $0x11C00  }
0x826: {  	[tilespmem:s22], [sflag:$0x6] =	stream.indirect_vreg.gather [hbm4b:s10+s21], $0x80, v3, vm0, $0xb8;
	[tilespmem:$0x1E400] =	vst v63  }
0x827: {  	v3 =	vld [tilespmem:$0x80];
	_ =	sdelay $0x4  }
0x828: {  	v42 =	vshll.u32 v3, $0x1  }
0x829: {  	v3 =	vand.u32 $0x7, v3;
	v4 =	vand.u32 $0xFFFFFFF0, v42  }
0x82a: {  	v3 =	vor.u32 v3, v4  }
0x82b: {  	v4 =	vperm.xlane v3, v0;
	_ =	sdelay $0x1  }
0x82c: {  	v3 =	vperm.xlane v3, v2;
	v4 =	vadd.s32 v1, v4;
	_ =	sdelay $0x1  }
0x82d: {  	v3 =	vadd.s32 v1, v3;
	_ =	sdelay $0x1  }
0x82e: {  	s30 =	simm.s32 $0x12400  }
0x82f: {  	[tilespmem:s30], [sflag:$0x6] =	stream.indirect_vreg.gather [hbm4b:s10+s21], $0x80, v4, vm0, $0xb8;
	[tilespmem:$0x1E400] =	vst v63  }
0x830: {  	s31 =	simm.s32 $0x12C00  }
0x831: {  	[tilespmem:s31], [sflag:$0x6] =	stream.indirect_vreg.gather [hbm4b:s10+s21], $0x80, v3, vm0, $0xb8;
	[tilespmem:$0x1E400] =	vst v63  }
0x832: {  	v3 =	vld [tilespmem:$0x90];
	_ =	sdelay $0x4  }
0x833: {  	v43 =	vshll.u32 v3, $0x1  }
0x834: {  	v3 =	vand.u32 $0x7, v3;
	v4 =	vand.u32 $0xFFFFFFF0, v43  }
0x835: {  	v3 =	vor.u32 v3, v4  }
0x836: {  	v4 =	vperm.xlane v3, v0;
	_ =	sdelay $0x1  }
0x837: {  	v3 =	vperm.xlane v3, v2;
	v4 =	vadd.s32 v1, v4;
	_ =	sdelay $0x1  }
0x838: {  	v3 =	vadd.s32 v1, v3;
	_ =	sdelay $0x1  }
0x839: {  	s12 =	simm.s32 $0x13400  }
0x83a: {  	[tilespmem:s12], [sflag:$0x6] =	stream.indirect_vreg.gather [hbm4b:s10+s21], $0x80, v4, vm0, $0xb8;
	[tilespmem:$0x1E400] =	vst v63  }
0x83b: {  	s19 =	simm.s32 $0x13C00  }
0x83c: {  	[tilespmem:s19], [sflag:$0x6] =	stream.indirect_vreg.gather [hbm4b:s10+s21], $0x80, v3, vm0, $0xb8;
	[tilespmem:$0x1E400] =	vst v63  }
0x83d: {  	s20 =	rddreg [dreg:$0x16];
	s22 =	simm.s32 $0x200  }
0x83e: {  	[tilespmem:s22], [sflag:$0x3] =	stream.linear.gather [hbm4b:s20+s21], $0xA0, $0x38;
	[tilespmem:$0x1E400] =	vst v63  }
0x83f: {  	_ =	swait.ge [sflag:s4], $0xA000  }
0x840: {  	s30 =	sld [smem:$0x7F9]  }
0x841: {  	[sflag:s4] =	ssyncset.done $0x0  }
0x842: {  	[sflag:s4] =	ssyncadd.s32 $0xFFFF6000  }
0x843: {  	[hbm4b:s30+s21] =	stream.linear.scatter [tilespmem:s14], [sflag:$0x8], $0xA000, $0x38;
	[tilespmem:$0x1E400] =	vst v63  }
0x844: {  	_ =	swait.ge [sflag:s7], $0xA0  }
0x845: {  	[sflag:s7] =	ssyncset.done $0x0  }
0x846: {  	[sflag:s7] =	ssyncadd.s32 $0xFFFFFF60  }
0x847: {  	_ =	swait.ge [sflag:s16], $0xA000  }
0x848: {  	[sflag:s16] =	ssyncset.done $0x0  }
0x849: {  	[sflag:s16] =	ssyncadd.s32 $0xFFFF6000  }
0x84a: {  	v3 =	vld [tilespmem:$0x100];
	_ =	sdelay $0x4  }
0x84b: {  	v44 =	vshll.u32 v3, $0x1  }
0x84c: {  	v3 =	vand.u32 $0x7, v3;
	v4 =	vand.u32 $0xFFFFFFF0, v44  }
0x84d: {  	v3 =	vor.u32 v3, v4  }
0x84e: {  	v4 =	vperm.xlane v3, v0;
	_ =	sdelay $0x1  }
0x84f: {  	v3 =	vperm.xlane v3, v2;
	v4 =	vadd.s32 v1, v4;
	_ =	sdelay $0x1  }
0x850: {  	v3 =	vadd.s32 v1, v3;
	_ =	sdelay $0x2  }
0x851: {  	[tilespmem:s1], [sflag:$0x7] =	stream.indirect_vreg.gather [hbm4b:s10+s21], $0x80, v4, vm0, $0xb8;
	[tilespmem:$0x1E400] =	vst v63  }
0x852: {  	s31 =	simm.s32 $0x14C00  }
0x853: {  	[tilespmem:s31], [sflag:$0x7] =	stream.indirect_vreg.gather [hbm4b:s10+s21], $0x80, v3, vm0, $0xb8;
	[tilespmem:$0x1E400] =	vst v63  }
0x854: {  	v3 =	vld [tilespmem:$0x110];
	_ =	sdelay $0x4  }
0x855: {  	v45 =	vshll.u32 v3, $0x1  }
0x856: {  	v3 =	vand.u32 $0x7, v3;
	v4 =	vand.u32 $0xFFFFFFF0, v45  }
0x857: {  	v3 =	vor.u32 v3, v4  }
0x858: {  	v4 =	vperm.xlane v3, v0;
	_ =	sdelay $0x1  }
0x859: {  	v3 =	vperm.xlane v3, v2;
	v4 =	vadd.s32 v1, v4;
	_ =	sdelay $0x1  }
0x85a: {  	v3 =	vadd.s32 v1, v3;
	_ =	sdelay $0x1  }
0x85b: {  	s8 =	simm.s32 $0x15400  }
0x85c: {  	[tilespmem:s8], [sflag:$0x7] =	stream.indirect_vreg.gather [hbm4b:s10+s21], $0x80, v4, vm0, $0xb8;
	[tilespmem:$0x1E400] =	vst v63  }
0x85d: {  	s12 =	simm.s32 $0x15C00  }
0x85e: {  	[tilespmem:s12], [sflag:$0x7] =	stream.indirect_vreg.gather [hbm4b:s10+s21], $0x80, v3, vm0, $0xb8;
	[tilespmem:$0x1E400] =	vst v63  }
0x85f: {  	v3 =	vld [tilespmem:$0x120];
	_ =	sdelay $0x4  }
0x860: {  	v46 =	vshll.u32 v3, $0x1  }
0x861: {  	v3 =	vand.u32 $0x7, v3;
	v4 =	vand.u32 $0xFFFFFFF0, v46  }
0x862: {  	v3 =	vor.u32 v3, v4  }
0x863: {  	v4 =	vperm.xlane v3, v0;
	_ =	sdelay $0x1  }
0x864: {  	v3 =	vperm.xlane v3, v2;
	v4 =	vadd.s32 v1, v4;
	_ =	sdelay $0x1  }
0x865: {  	v3 =	vadd.s32 v1, v3;
	_ =	sdelay $0x1  }
0x866: {  	s11 =	simm.s32 $0x16400  }
0x867: {  	[tilespmem:s11], [sflag:$0x7] =	stream.indirect_vreg.gather [hbm4b:s10+s21], $0x80, v4, vm0, $0xb8;
	[tilespmem:$0x1E400] =	vst v63  }
0x868: {  	s19 =	simm.s32 $0x16C00  }
0x869: {  	[tilespmem:s19], [sflag:$0x7] =	stream.indirect_vreg.gather [hbm4b:s10+s21], $0x80, v3, vm0, $0xb8;
	[tilespmem:$0x1E400] =	vst v63  }
0x86a: {  	v3 =	vld [tilespmem:$0x130];
	_ =	sdelay $0x4  }
0x86b: {  	v47 =	vshll.u32 v3, $0x1  }
0x86c: {  	v3 =	vand.u32 $0x7, v3;
	v4 =	vand.u32 $0xFFFFFFF0, v47  }
0x86d: {  	v3 =	vor.u32 v3, v4  }
0x86e: {  	v4 =	vperm.xlane v3, v0;
	_ =	sdelay $0x1  }
0x86f: {  	v3 =	vperm.xlane v3, v2;
	v4 =	vadd.s32 v1, v4;
	_ =	sdelay $0x1  }
0x870: {  	v3 =	vadd.s32 v1, v3;
	_ =	sdelay $0x1  }
0x871: {  	s13 =	simm.s32 $0x17400  }
0x872: {  	[tilespmem:s13], [sflag:$0x7] =	stream.indirect_vreg.gather [hbm4b:s10+s21], $0x80, v4, vm0, $0xb8;
	[tilespmem:$0x1E400] =	vst v63  }
0x873: {  	s20 =	simm.s32 $0x17C00  }
0x874: {  	[tilespmem:s20], [sflag:$0x7] =	stream.indirect_vreg.gather [hbm4b:s10+s21], $0x80, v3, vm0, $0xb8;
	[tilespmem:$0x1E400] =	vst v63  }
0x875: {  	v3 =	vld [tilespmem:$0x140];
	_ =	sdelay $0x4  }
0x876: {  	v48 =	vshll.u32 v3, $0x1  }
0x877: {  	v3 =	vand.u32 $0x7, v3;
	v4 =	vand.u32 $0xFFFFFFF0, v48  }
0x878: {  	v3 =	vor.u32 v3, v4  }
0x879: {  	v4 =	vperm.xlane v3, v0;
	_ =	sdelay $0x1  }
0x87a: {  	v3 =	vperm.xlane v3, v2;
	v4 =	vadd.s32 v1, v4;
	_ =	sdelay $0x1  }
0x87b: {  	v3 =	vadd.s32 v1, v3;
	_ =	sdelay $0x1  }
0x87c: {  	s23 =	simm.s32 $0x18400  }
0x87d: {  	[tilespmem:s23], [sflag:$0x7] =	stream.indirect_vreg.gather [hbm4b:s10+s21], $0x80, v4, vm0, $0xb8;
	[tilespmem:$0x1E400] =	vst v63  }
0x87e: {  	s22 =	simm.s32 $0x18C00  }
0x87f: {  	[tilespmem:s22], [sflag:$0x7] =	stream.indirect_vreg.gather [hbm4b:s10+s21], $0x80, v3, vm0, $0xb8;
	[tilespmem:$0x1E400] =	vst v63  }
0x880: {  	v3 =	vld [tilespmem:$0x150];
	_ =	sdelay $0x4  }
0x881: {  	v49 =	vshll.u32 v3, $0x1  }
0x882: {  	v3 =	vand.u32 $0x7, v3;
	v4 =	vand.u32 $0xFFFFFFF0, v49  }
0x883: {  	v3 =	vor.u32 v3, v4  }
0x884: {  	v4 =	vperm.xlane v3, v0;
	_ =	sdelay $0x1  }
0x885: {  	v3 =	vperm.xlane v3, v2;
	v4 =	vadd.s32 v1, v4;
	_ =	sdelay $0x1  }
0x886: {  	v3 =	vadd.s32 v1, v3;
	_ =	sdelay $0x1  }
0x887: {  	s3 =	simm.s32 $0x19400  }
0x888: {  	[tilespmem:s3], [sflag:$0x7] =	stream.indirect_vreg.gather [hbm4b:s10+s21], $0x80, v4, vm0, $0xb8;
	[tilespmem:$0x1E400] =	vst v63  }
0x889: {  	s23 =	simm.s32 $0x19C00  }
0x88a: {  	[tilespmem:s23], [sflag:$0x7] =	stream.indirect_vreg.gather [hbm4b:s10+s21], $0x80, v3, vm0, $0xb8;
	[tilespmem:$0x1E400] =	vst v63  }
0x88b: {  	v3 =	vld [tilespmem:$0x160];
	_ =	sdelay $0x4  }
0x88c: {  	v50 =	vshll.u32 v3, $0x1  }
0x88d: {  	v3 =	vand.u32 $0x7, v3;
	v4 =	vand.u32 $0xFFFFFFF0, v50  }
0x88e: {  	v3 =	vor.u32 v3, v4  }
0x88f: {  	v4 =	vperm.xlane v3, v0;
	_ =	sdelay $0x1  }
0x890: {  	v3 =	vperm.xlane v3, v2;
	v4 =	vadd.s32 v1, v4;
	_ =	sdelay $0x1  }
0x891: {  	v3 =	vadd.s32 v1, v3;
	_ =	sdelay $0x1  }
0x892: {  	s24 =	simm.s32 $0x1A400  }
0x893: {  	[tilespmem:s24], [sflag:$0x7] =	stream.indirect_vreg.gather [hbm4b:s10+s21], $0x80, v4, vm0, $0xb8;
	[tilespmem:$0x1E400] =	vst v63  }
0x894: {  	s30 =	simm.s32 $0x1AC00  }
0x895: {  	[tilespmem:s30], [sflag:$0x7] =	stream.indirect_vreg.gather [hbm4b:s10+s21], $0x80, v3, vm0, $0xb8;
	[tilespmem:$0x1E400] =	vst v63  }
0x896: {  	v3 =	vld [tilespmem:$0x170];
	_ =	sdelay $0x4  }
0x897: {  	v51 =	vshll.u32 v3, $0x1  }
0x898: {  	v3 =	vand.u32 $0x7, v3;
	v4 =	vand.u32 $0xFFFFFFF0, v51  }
0x899: {  	v3 =	vor.u32 v3, v4  }
0x89a: {  	v4 =	vperm.xlane v3, v0;
	_ =	sdelay $0x1  }
0x89b: {  	v3 =	vperm.xlane v3, v2;
	v4 =	vadd.s32 v1, v4;
	_ =	sdelay $0x1  }
0x89c: {  	v3 =	vadd.s32 v1, v3;
	_ =	sdelay $0x1  }
0x89d: {  	s29 =	simm.s32 $0x1B400  }
0x89e: {  	[tilespmem:s29], [sflag:$0x7] =	stream.indirect_vreg.gather [hbm4b:s10+s21], $0x80, v4, vm0, $0xb8;
	[tilespmem:$0x1E400] =	vst v63  }
0x89f: {  	s31 =	simm.s32 $0x1BC00  }
0x8a0: {  	[tilespmem:s31], [sflag:$0x7] =	stream.indirect_vreg.gather [hbm4b:s10+s21], $0x80, v3, vm0, $0xb8;
	[tilespmem:$0x1E400] =	vst v63  }
0x8a1: {  	v3 =	vld [tilespmem:$0x180];
	_ =	sdelay $0x4  }
0x8a2: {  	v52 =	vshll.u32 v3, $0x1  }
0x8a3: {  	v3 =	vand.u32 $0x7, v3;
	v4 =	vand.u32 $0xFFFFFFF0, v52  }
0x8a4: {  	v3 =	vor.u32 v3, v4  }
0x8a5: {  	v4 =	vperm.xlane v3, v0;
	_ =	sdelay $0x1  }
0x8a6: {  	v3 =	vperm.xlane v3, v2;
	v4 =	vadd.s32 v1, v4;
	_ =	sdelay $0x1  }
0x8a7: {  	v3 =	vadd.s32 v1, v3;
	_ =	sdelay $0x1  }
0x8a8: {  	s3 =	simm.s32 $0x1C400  }
0x8a9: {  	[tilespmem:s3], [sflag:$0x7] =	stream.indirect_vreg.gather [hbm4b:s10+s21], $0x80, v4, vm0, $0xb8;
	[tilespmem:$0x1E400] =	vst v63  }
0x8aa: {  	s8 =	simm.s32 $0x1CC00  }
0x8ab: {  	[tilespmem:s8], [sflag:$0x7] =	stream.indirect_vreg.gather [hbm4b:s10+s21], $0x80, v3, vm0, $0xb8;
	[tilespmem:$0x1E400] =	vst v63  }
0x8ac: {  	v3 =	vld [tilespmem:$0x190];
	_ =	sdelay $0x4  }
0x8ad: {  	v53 =	vshll.u32 v3, $0x1  }
0x8ae: {  	v3 =	vand.u32 $0x7, v3;
	v4 =	vand.u32 $0xFFFFFFF0, v53  }
0x8af: {  	v3 =	vor.u32 v3, v4  }
0x8b0: {  	v4 =	vperm.xlane v3, v0;
	_ =	sdelay $0x1  }
0x8b1: {  	v3 =	vperm.xlane v3, v2;
	v4 =	vadd.s32 v1, v4;
	_ =	sdelay $0x1  }
0x8b2: {  	v3 =	vadd.s32 v1, v3;
	_ =	sdelay $0x1  }
0x8b3: {  	s11 =	simm.s32 $0x1D400  }
0x8b4: {  	[tilespmem:s11], [sflag:$0x7] =	stream.indirect_vreg.gather [hbm4b:s10+s21], $0x80, v4, vm0, $0xb8;
	[tilespmem:$0x1E400] =	vst v63  }
0x8b5: {  	s12 =	simm.s32 $0x1DC00  }
0x8b6: {  	[tilespmem:s12], [sflag:$0x7] =	stream.indirect_vreg.gather [hbm4b:s10+s21], $0x80, v3, vm0, $0xb8;
	[tilespmem:$0x1E400] =	vst v63  }
0x8b7: {  	s19 =	simm.s32 @!p0 $0x0;
	s20 =	simm.s32 @!p0 $0x300;
	s22 =	rddreg [dreg:$0x17]  }
0x8b8: {  	[tilespmem:s20], [sflag:$0x4] =	stream.linear.gather @!p0 [hbm4b:s22+s19], $0xA0, $0x38;
	[tilespmem:$0x1E400] =	vst v63  }
0x8b9: {  	_ =	swait.ge [sflag:s9], $0xA000  }
0x8ba: {  	s13 =	sld [smem:$0x7FA]  }
0x8bb: {  	[sflag:s9] =	ssyncset.done $0x0  }
0x8bc: {  	s12 =	simm.s32 $0xA400;
	[sflag:s9] =	ssyncadd.s32 $0xFFFF6000  }
0x8bd: {  	[hbm4b:s13+s21] =	stream.linear.scatter [tilespmem:s12], [sflag:$0x9], $0xA000, $0x38;
	[tilespmem:$0x1E400] =	vst v63  }
0x8be: {  	_ =	swait.ge [sflag:s17], $0xA0  }
0x8bf: {  	[sflag:s17] =	ssyncset.done $0x0  }
0x8c0: {  	[sflag:s17] =	ssyncadd.s32 $0xFFFFFF60  }
0x8c1: {  	_ =	swait.ge [sflag:s15], $0xA000  }
0x8c2: {  	[sflag:s15] =	ssyncset.done $0x0  }
0x8c3: {  	[sflag:s15] =	ssyncadd.s32 $0xFFFF6000  }
0x8c4: {  	v3 =	vld [tilespmem:$0x200];
	_ =	sdelay $0x4  }
0x8c5: {  	v54 =	vshll.u32 v3, $0x1  }
0x8c6: {  	v3 =	vand.u32 $0x7, v3;
	v4 =	vand.u32 $0xFFFFFFF0, v54  }
0x8c7: {  	v3 =	vor.u32 v3, v4  }
0x8c8: {  	v4 =	vperm.xlane v3, v0;
	_ =	sdelay $0x1  }
0x8c9: {  	v3 =	vperm.xlane v3, v2;
	v4 =	vadd.s32 v1, v4;
	_ =	sdelay $0x1  }
0x8ca: {  	v3 =	vadd.s32 v1, v3;
	_ =	sdelay $0x2  }
0x8cb: {  	[tilespmem:s14], [sflag:$0x5] =	stream.indirect_vreg.gather [hbm4b:s10+s21], $0x80, v4, vm0, $0xb8;
	[tilespmem:$0x1E400] =	vst v63  }
0x8cc: {  	s19 =	simm.s32 $0xC00  }
0x8cd: {  	[tilespmem:s19], [sflag:$0x5] =	stream.indirect_vreg.gather [hbm4b:s10+s21], $0x80, v3, vm0, $0xb8;
	[tilespmem:$0x1E400] =	vst v63  }
0x8ce: {  	v3 =	vld [tilespmem:$0x210];
	_ =	sdelay $0x4  }
0x8cf: {  	v55 =	vshll.u32 v3, $0x1  }
0x8d0: {  	v3 =	vand.u32 $0x7, v3;
	v4 =	vand.u32 $0xFFFFFFF0, v55  }
0x8d1: {  	v3 =	vor.u32 v3, v4  }
0x8d2: {  	v4 =	vperm.xlane v3, v0;
	_ =	sdelay $0x1  }
0x8d3: {  	v3 =	vperm.xlane v3, v2;
	v4 =	vadd.s32 v1, v4;
	_ =	sdelay $0x1  }
0x8d4: {  	v3 =	vadd.s32 v1, v3;
	_ =	sdelay $0x1  }
0x8d5: {  	s20 =	simm.s32 $0x1400  }
0x8d6: {  	[tilespmem:s20], [sflag:$0x5] =	stream.indirect_vreg.gather [hbm4b:s10+s21], $0x80, v4, vm0, $0xb8;
	[tilespmem:$0x1E400] =	vst v63  }
0x8d7: {  	s22 =	simm.s32 $0x1C00  }
0x8d8: {  	[tilespmem:s22], [sflag:$0x5] =	stream.indirect_vreg.gather [hbm4b:s10+s21], $0x80, v3, vm0, $0xb8;
	[tilespmem:$0x1E400] =	vst v63  }
0x8d9: {  	v3 =	vld [tilespmem:$0x220];
	_ =	sdelay $0x4  }
0x8da: {  	v56 =	vshll.u32 v3, $0x1  }
0x8db: {  	v3 =	vand.u32 $0x7, v3;
	v4 =	vand.u32 $0xFFFFFFF0, v56  }
0x8dc: {  	v3 =	vor.u32 v3, v4  }
0x8dd: {  	v4 =	vperm.xlane v3, v0;
	_ =	sdelay $0x1  }
0x8de: {  	v3 =	vperm.xlane v3, v2;
	v4 =	vadd.s32 v1, v4;
	_ =	sdelay $0x1  }
0x8df: {  	v3 =	vadd.s32 v1, v3;
	_ =	sdelay $0x1  }
0x8e0: {  	s23 =	simm.s32 $0x2400  }
0x8e1: {  	[tilespmem:s23], [sflag:$0x5] =	stream.indirect_vreg.gather [hbm4b:s10+s21], $0x80, v4, vm0, $0xb8;
	[tilespmem:$0x1E400] =	vst v63  }
0x8e2: {  	s24 =	simm.s32 $0x2C00  }
0x8e3: {  	[tilespmem:s24], [sflag:$0x5] =	stream.indirect_vreg.gather [hbm4b:s10+s21], $0x80, v3, vm0, $0xb8;
	[tilespmem:$0x1E400] =	vst v63  }
0x8e4: {  	v3 =	vld [tilespmem:$0x230];
	_ =	sdelay $0x4  }
0x8e5: {  	v57 =	vshll.u32 v3, $0x1  }
0x8e6: {  	v3 =	vand.u32 $0x7, v3;
	v4 =	vand.u32 $0xFFFFFFF0, v57  }
0x8e7: {  	v3 =	vor.u32 v3, v4  }
0x8e8: {  	v4 =	vperm.xlane v3, v0;
	_ =	sdelay $0x1  }
0x8e9: {  	v3 =	vperm.xlane v3, v2;
	v4 =	vadd.s32 v1, v4;
	_ =	sdelay $0x1  }
0x8ea: {  	v3 =	vadd.s32 v1, v3;
	_ =	sdelay $0x1  }
0x8eb: {  	s29 =	simm.s32 $0x3400  }
0x8ec: {  	[tilespmem:s29], [sflag:$0x5] =	stream.indirect_vreg.gather [hbm4b:s10+s21], $0x80, v4, vm0, $0xb8;
	[tilespmem:$0x1E400] =	vst v63  }
0x8ed: {  	s30 =	simm.s32 $0x3C00  }
0x8ee: {  	[tilespmem:s30], [sflag:$0x5] =	stream.indirect_vreg.gather [hbm4b:s10+s21], $0x80, v3, vm0, $0xb8;
	[tilespmem:$0x1E400] =	vst v63  }
0x8ef: {  	v3 =	vld [tilespmem:$0x240];
	_ =	sdelay $0x4  }
0x8f0: {  	v58 =	vshll.u32 v3, $0x1  }
0x8f1: {  	v3 =	vand.u32 $0x7, v3;
	v4 =	vand.u32 $0xFFFFFFF0, v58  }
0x8f2: {  	v3 =	vor.u32 v3, v4  }
0x8f3: {  	v4 =	vperm.xlane v3, v0;
	_ =	sdelay $0x1  }
0x8f4: {  	v3 =	vperm.xlane v3, v2;
	v4 =	vadd.s32 v1, v4;
	_ =	sdelay $0x1  }
0x8f5: {  	v3 =	vadd.s32 v1, v3;
	_ =	sdelay $0x1  }
0x8f6: {  	s31 =	simm.s32 $0x4400  }
0x8f7: {  	[tilespmem:s31], [sflag:$0x5] =	stream.indirect_vreg.gather [hbm4b:s10+s21], $0x80, v4, vm0, $0xb8;
	[tilespmem:$0x1E400] =	vst v63  }
0x8f8: {  	s3 =	simm.s32 $0x4C00  }
0x8f9: {  	[tilespmem:s3], [sflag:$0x5] =	stream.indirect_vreg.gather [hbm4b:s10+s21], $0x80, v3, vm0, $0xb8;
	[tilespmem:$0x1E400] =	vst v63  }
0x8fa: {  	v3 =	vld [tilespmem:$0x250];
	_ =	sdelay $0x4  }
0x8fb: {  	v59 =	vshll.u32 v3, $0x1  }
0x8fc: {  	v3 =	vand.u32 $0x7, v3;
	v4 =	vand.u32 $0xFFFFFFF0, v59  }
0x8fd: {  	v3 =	vor.u32 v3, v4  }
0x8fe: {  	v4 =	vperm.xlane v3, v0;
	_ =	sdelay $0x1  }
0x8ff: {  	v3 =	vperm.xlane v3, v2;
	v4 =	vadd.s32 v1, v4;
	_ =	sdelay $0x1  }
0x900: {  	v3 =	vadd.s32 v1, v3;
	_ =	sdelay $0x1  }
0x901: {  	s8 =	simm.s32 $0x5400  }
0x902: {  	[tilespmem:s8], [sflag:$0x5] =	stream.indirect_vreg.gather [hbm4b:s10+s21], $0x80, v4, vm0, $0xb8;
	[tilespmem:$0x1E400] =	vst v63  }
0x903: {  	s11 =	simm.s32 $0x5C00  }
0x904: {  	[tilespmem:s11], [sflag:$0x5] =	stream.indirect_vreg.gather [hbm4b:s10+s21], $0x80, v3, vm0, $0xb8;
	[tilespmem:$0x1E400] =	vst v63  }
0x905: {  	v3 =	vld [tilespmem:$0x260];
	_ =	sdelay $0x4  }
0x906: {  	v60 =	vshll.u32 v3, $0x1  }
0x907: {  	v3 =	vand.u32 $0x7, v3;
	v4 =	vand.u32 $0xFFFFFFF0, v60  }
0x908: {  	v3 =	vor.u32 v3, v4  }
0x909: {  	v4 =	vperm.xlane v3, v0;
	_ =	sdelay $0x1  }
0x90a: {  	v3 =	vperm.xlane v3, v2;
	v4 =	vadd.s32 v1, v4;
	_ =	sdelay $0x1  }
0x90b: {  	v3 =	vadd.s32 v1, v3;
	_ =	sdelay $0x1  }
0x90c: {  	s13 =	simm.s32 $0x6400  }
0x90d: {  	[tilespmem:s13], [sflag:$0x5] =	stream.indirect_vreg.gather [hbm4b:s10+s21], $0x80, v4, vm0, $0xb8;
	[tilespmem:$0x1E400] =	vst v63  }
0x90e: {  	s19 =	simm.s32 $0x6C00  }
0x90f: {  	[tilespmem:s19], [sflag:$0x5] =	stream.indirect_vreg.gather [hbm4b:s10+s21], $0x80, v3, vm0, $0xb8;
	[tilespmem:$0x1E400] =	vst v63  }
0x910: {  	v3 =	vld [tilespmem:$0x270];
	_ =	sdelay $0x4  }
0x911: {  	v61 =	vshll.u32 v3, $0x1  }
0x912: {  	v3 =	vand.u32 $0x7, v3;
	v4 =	vand.u32 $0xFFFFFFF0, v61  }
0x913: {  	v3 =	vor.u32 v3, v4  }
0x914: {  	v4 =	vperm.xlane v3, v0;
	_ =	sdelay $0x1  }
0x915: {  	v3 =	vperm.xlane v3, v2;
	v4 =	vadd.s32 v1, v4;
	_ =	sdelay $0x1  }
0x916: {  	v3 =	vadd.s32 v1, v3;
	_ =	sdelay $0x1  }
0x917: {  	s20 =	simm.s32 $0x7400  }
0x918: {  	[tilespmem:s20], [sflag:$0x5] =	stream.indirect_vreg.gather [hbm4b:s10+s21], $0x80, v4, vm0, $0xb8;
	[tilespmem:$0x1E400] =	vst v63  }
0x919: {  	s22 =	simm.s32 $0x7C00  }
0x91a: {  	[tilespmem:s22], [sflag:$0x5] =	stream.indirect_vreg.gather [hbm4b:s10+s21], $0x80, v3, vm0, $0xb8;
	[tilespmem:$0x1E400] =	vst v63  }
0x91b: {  	v3 =	vld [tilespmem:$0x280];
	_ =	sdelay $0x4  }
0x91c: {  	v62 =	vshll.u32 v3, $0x1  }
0x91d: {  	v3 =	vand.u32 $0x7, v3;
	v4 =	vand.u32 $0xFFFFFFF0, v62  }
0x91e: {  	v3 =	vor.u32 v3, v4  }
0x91f: {  	v4 =	vperm.xlane v3, v0;
	_ =	sdelay $0x1  }
0x920: {  	v3 =	vperm.xlane v3, v2;
	v4 =	vadd.s32 v1, v4;
	_ =	sdelay $0x1  }
0x921: {  	v3 =	vadd.s32 v1, v3;
	_ =	sdelay $0x1  }
0x922: {  	s23 =	simm.s32 $0x8400  }
0x923: {  	[tilespmem:s23], [sflag:$0x5] =	stream.indirect_vreg.gather [hbm4b:s10+s21], $0x80, v4, vm0, $0xb8;
	[tilespmem:$0x1E400] =	vst v63  }
0x924: {  	s24 =	simm.s32 $0x8C00  }
0x925: {  	[tilespmem:s24], [sflag:$0x5] =	stream.indirect_vreg.gather [hbm4b:s10+s21], $0x80, v3, vm0, $0xb8;
	[tilespmem:$0x1E400] =	vst v63  }
0x926: {  	v3 =	vld [tilespmem:$0x290];
	_ =	sdelay $0x4  }
0x927: {  	v63 =	vshll.u32 v3, $0x1  }
0x928: {  	v3 =	vand.u32 $0x7, v3;
	v4 =	vand.u32 $0xFFFFFFF0, v63  }
0x929: {  	v3 =	vor.u32 v3, v4  }
0x92a: {  	v4 =	vperm.xlane v3, v0;
	_ =	sdelay $0x1  }
0x92b: {  	v3 =	vperm.xlane v3, v2;
	v4 =	vadd.s32 v1, v4;
	_ =	sdelay $0x1  }
0x92c: {  	v3 =	vadd.s32 v1, v3;
	_ =	sdelay $0x1  }
0x92d: {  	s29 =	simm.s32 $0x9400  }
0x92e: {  	[tilespmem:s29], [sflag:$0x5] =	stream.indirect_vreg.gather [hbm4b:s10+s21], $0x80, v4, vm0, $0xb8;
	[tilespmem:$0x1E400] =	vst v63  }
0x92f: {  	s30 =	simm.s32 $0x9C00  }
0x930: {  	[tilespmem:s30], [sflag:$0x5] =	stream.indirect_vreg.gather [hbm4b:s10+s21], $0x80, v3, vm0, $0xb8;
	[tilespmem:$0x1E400] =	vst v63  }
.Ltmp2:
0x931: {  	_ =	swait.ge [sflag:s18], $0xA000;
	(pc) =	sbr.rel @p0 .LBB2_3-.Ltmp2, $4  }
0x932: {  	s31 =	sld [smem:$0x7FB]  }
0x933: {  	[sflag:s18] =	ssyncset.done $0x0  }
0x934: {  	s7 =	simm.s32 $0x14400;
	[sflag:s18] =	ssyncadd.s32 $0xFFFF6000  }
0x935: {  	[hbm4b:s31+s21] =	stream.linear.scatter [tilespmem:s7], [sflag:$0xA], $0xA000, $0x38;
	[tilespmem:$0x1E400] =	vst v63  }
0x936: {  	_ =	swait.ge [sflag:s26], $0xA0  }
0x937: {  	[sflag:s26] =	ssyncset.done $0x0  }
0x938: {  	[sflag:s26] =	ssyncadd.s32 $0xFFFFFF60  }
0x939: {  	_ =	swait.ge [sflag:s28], $0xA000  }
0x93a: {  	[sflag:s28] =	ssyncset.done $0x0  }
0x93b: {  	[sflag:s28] =	ssyncadd.s32 $0xFFFF6000  }
0x93c: {  	v3 =	vld [tilespmem:$0x300];
	_ =	sdelay $0x4  }
0x93d: {  	v4 =	vshll.u32 v3, $0x1  }
0x93e: {  	v3 =	vand.u32 $0x7, v3;
	v4 =	vand.u32 $0xFFFFFFF0, v4  }
0x93f: {  	v3 =	vor.u32 v3, v4  }
0x940: {  	v4 =	vperm.xlane v3, v0;
	_ =	sdelay $0x1  }
0x941: {  	v3 =	vperm.xlane v3, v2;
	v4 =	vadd.s32 v1, v4;
	_ =	sdelay $0x1  }
0x942: {  	v3 =	vadd.s32 v1, v3;
	_ =	sdelay $0x2  }
0x943: {  	[tilespmem:s12], [sflag:$0x6] =	stream.indirect_vreg.gather [hbm4b:s10+s21], $0x80, v4, vm0, $0xb8;
	[tilespmem:$0x1E400] =	vst v63  }
0x944: {  	s1 =	simm.s32 $0xAC00  }
0x945: {  	[tilespmem:s1], [sflag:$0x6] =	stream.indirect_vreg.gather [hbm4b:s10+s21], $0x80, v3, vm0, $0xb8;
	[tilespmem:$0x1E400] =	vst v63  }
0x946: {  	v3 =	vld [tilespmem:$0x310];
	_ =	sdelay $0x4  }
0x947: {  	v55 =	vshll.u32 v3, $0x1  }
0x948: {  	v3 =	vand.u32 $0x7, v3;
	v4 =	vand.u32 $0xFFFFFFF0, v55  }
0x949: {  	v3 =	vor.u32 v3, v4  }
0x94a: {  	v4 =	vperm.xlane v3, v0;
	_ =	sdelay $0x1  }
0x94b: {  	v3 =	vperm.xlane v3, v2;
	v4 =	vadd.s32 v1, v4;
	_ =	sdelay $0x1  }
0x94c: {  	v3 =	vadd.s32 v1, v3;
	_ =	sdelay $0x2  }
0x94d: {  	[tilespmem:s0], [sflag:$0x6] =	stream.indirect_vreg.gather [hbm4b:s10+s21], $0x80, v4, vm0, $0xb8;
	[tilespmem:$0x1E400] =	vst v63  }
0x94e: {  	s3 =	simm.s32 $0xBC00  }
0x94f: {  	[tilespmem:s3], [sflag:$0x6] =	stream.indirect_vreg.gather [hbm4b:s10+s21], $0x80, v3, vm0, $0xb8;
	[tilespmem:$0x1E400] =	vst v63  }
0x950: {  	v3 =	vld [tilespmem:$0x320];
	_ =	sdelay $0x4  }
0x951: {  	v56 =	vshll.u32 v3, $0x1  }
0x952: {  	v3 =	vand.u32 $0x7, v3;
	v4 =	vand.u32 $0xFFFFFFF0, v56  }
0x953: {  	v3 =	vor.u32 v3, v4  }
0x954: {  	v4 =	vperm.xlane v3, v0;
	_ =	sdelay $0x1  }
0x955: {  	v3 =	vperm.xlane v3, v2;
	v4 =	vadd.s32 v1, v4;
	_ =	sdelay $0x1  }
0x956: {  	v3 =	vadd.s32 v1, v3;
	_ =	sdelay $0x2  }
0x957: {  	[tilespmem:s2], [sflag:$0x6] =	stream.indirect_vreg.gather [hbm4b:s10+s21], $0x80, v4, vm0, $0xb8;
	[tilespmem:$0x1E400] =	vst v63  }
0x958: {  	s7 =	simm.s32 $0xCC00  }
0x959: {  	[tilespmem:s7], [sflag:$0x6] =	stream.indirect_vreg.gather [hbm4b:s10+s21], $0x80, v3, vm0, $0xb8;
	[tilespmem:$0x1E400] =	vst v63  }
0x95a: {  	v3 =	vld [tilespmem:$0x330];
	_ =	sdelay $0x4  }
0x95b: {  	v57 =	vshll.u32 v3, $0x1  }
0x95c: {  	v3 =	vand.u32 $0x7, v3;
	v4 =	vand.u32 $0xFFFFFFF0, v57  }
0x95d: {  	v3 =	vor.u32 v3, v4  }
0x95e: {  	v4 =	vperm.xlane v3, v0;
	_ =	sdelay $0x1  }
0x95f: {  	v3 =	vperm.xlane v3, v2;
	v4 =	vadd.s32 v1, v4;
	_ =	sdelay $0x1  }
0x960: {  	v3 =	vadd.s32 v1, v3;
	_ =	sdelay $0x1  }
0x961: {  	s8 =	simm.s32 $0xD400  }
0x962: {  	[tilespmem:s8], [sflag:$0x6] =	stream.indirect_vreg.gather [hbm4b:s10+s21], $0x80, v4, vm0, $0xb8;
	[tilespmem:$0x1E400] =	vst v63  }
0x963: {  	s11 =	simm.s32 $0xDC00  }
0x964: {  	[tilespmem:s11], [sflag:$0x6] =	stream.indirect_vreg.gather [hbm4b:s10+s21], $0x80, v3, vm0, $0xb8;
	[tilespmem:$0x1E400] =	vst v63  }
0x965: {  	v3 =	vld [tilespmem:$0x340];
	_ =	sdelay $0x4  }
0x966: {  	v58 =	vshll.u32 v3, $0x1  }
0x967: {  	v3 =	vand.u32 $0x7, v3;
	v4 =	vand.u32 $0xFFFFFFF0, v58  }
0x968: {  	v3 =	vor.u32 v3, v4  }
0x969: {  	v4 =	vperm.xlane v3, v0;
	_ =	sdelay $0x1  }
0x96a: {  	v3 =	vperm.xlane v3, v2;
	v4 =	vadd.s32 v1, v4;
	_ =	sdelay $0x1  }
0x96b: {  	v3 =	vadd.s32 v1, v3;
	_ =	sdelay $0x2  }
0x96c: {  	[tilespmem:s5], [sflag:$0x6] =	stream.indirect_vreg.gather [hbm4b:s10+s21], $0x80, v4, vm0, $0xb8;
	[tilespmem:$0x1E400] =	vst v63  }
0x96d: {  	s13 =	simm.s32 $0xEC00  }
0x96e: {  	[tilespmem:s13], [sflag:$0x6] =	stream.indirect_vreg.gather [hbm4b:s10+s21], $0x80, v3, vm0, $0xb8;
	[tilespmem:$0x1E400] =	vst v63  }
0x96f: {  	v3 =	vld [tilespmem:$0x350];
	_ =	sdelay $0x4  }
0x970: {  	v59 =	vshll.u32 v3, $0x1  }
0x971: {  	v3 =	vand.u32 $0x7, v3;
	v4 =	vand.u32 $0xFFFFFFF0, v59  }
0x972: {  	v3 =	vor.u32 v3, v4  }
0x973: {  	v4 =	vperm.xlane v3, v0;
	_ =	sdelay $0x1  }
0x974: {  	v3 =	vperm.xlane v3, v2;
	v4 =	vadd.s32 v1, v4;
	_ =	sdelay $0x1  }
0x975: {  	v3 =	vadd.s32 v1, v3;
	_ =	sdelay $0x2  }
0x976: {  	[tilespmem:s6], [sflag:$0x6] =	stream.indirect_vreg.gather [hbm4b:s10+s21], $0x80, v4, vm0, $0xb8;
	[tilespmem:$0x1E400] =	vst v63  }
0x977: {  	s19 =	simm.s32 $0xFC00  }
0x978: {  	[tilespmem:s19], [sflag:$0x6] =	stream.indirect_vreg.gather [hbm4b:s10+s21], $0x80, v3, vm0, $0xb8;
	[tilespmem:$0x1E400] =	vst v63  }
0x979: {  	v3 =	vld [tilespmem:$0x360];
	_ =	sdelay $0x4  }
0x97a: {  	v60 =	vshll.u32 v3, $0x1  }
0x97b: {  	v3 =	vand.u32 $0x7, v3;
	v4 =	vand.u32 $0xFFFFFFF0, v60  }
0x97c: {  	v3 =	vor.u32 v3, v4  }
0x97d: {  	v4 =	vperm.xlane v3, v0;
	_ =	sdelay $0x1  }
0x97e: {  	v3 =	vperm.xlane v3, v2;
	v4 =	vadd.s32 v1, v4;
	_ =	sdelay $0x1  }
0x97f: {  	v3 =	vadd.s32 v1, v3;
	_ =	sdelay $0x2  }
0x980: {  	[tilespmem:s25], [sflag:$0x6] =	stream.indirect_vreg.gather [hbm4b:s10+s21], $0x80, v4, vm0, $0xb8;
	[tilespmem:$0x1E400] =	vst v63  }
0x981: {  	s20 =	simm.s32 $0x10C00  }
0x982: {  	[tilespmem:s20], [sflag:$0x6] =	stream.indirect_vreg.gather [hbm4b:s10+s21], $0x80, v3, vm0, $0xb8;
	[tilespmem:$0x1E400] =	vst v63  }
0x983: {  	v3 =	vld [tilespmem:$0x370];
	_ =	sdelay $0x4  }
0x984: {  	v61 =	vshll.u32 v3, $0x1  }
0x985: {  	v3 =	vand.u32 $0x7, v3;
	v4 =	vand.u32 $0xFFFFFFF0, v61  }
0x986: {  	v3 =	vor.u32 v3, v4  }
0x987: {  	v4 =	vperm.xlane v3, v0;
	_ =	sdelay $0x1  }
0x988: {  	v3 =	vperm.xlane v3, v2;
	v4 =	vadd.s32 v1, v4;
	_ =	sdelay $0x1  }
0x989: {  	v3 =	vadd.s32 v1, v3;
	_ =	sdelay $0x1  }
0x98a: {  	s22 =	simm.s32 $0x11400  }
0x98b: {  	[tilespmem:s22], [sflag:$0x6] =	stream.indirect_vreg.gather [hbm4b:s10+s21], $0x80, v4, vm0, $0xb8;
	[tilespmem:$0x1E400] =	vst v63  }
0x98c: {  	s23 =	simm.s32 $0x11C00  }
0x98d: {  	[tilespmem:s23], [sflag:$0x6] =	stream.indirect_vreg.gather [hbm4b:s10+s21], $0x80, v3, vm0, $0xb8;
	[tilespmem:$0x1E400] =	vst v63  }
0x98e: {  	v3 =	vld [tilespmem:$0x380];
	_ =	sdelay $0x4  }
0x98f: {  	v62 =	vshll.u32 v3, $0x1  }
0x990: {  	v3 =	vand.u32 $0x7, v3;
	v4 =	vand.u32 $0xFFFFFFF0, v62  }
0x991: {  	v3 =	vor.u32 v3, v4  }
0x992: {  	v4 =	vperm.xlane v3, v0;
	_ =	sdelay $0x1  }
0x993: {  	v3 =	vperm.xlane v3, v2;
	v4 =	vadd.s32 v1, v4;
	_ =	sdelay $0x1  }
0x994: {  	v3 =	vadd.s32 v1, v3;
	_ =	sdelay $0x1  }
0x995: {  	s24 =	simm.s32 $0x12400  }
0x996: {  	[tilespmem:s24], [sflag:$0x6] =	stream.indirect_vreg.gather [hbm4b:s10+s21], $0x80, v4, vm0, $0xb8;
	[tilespmem:$0x1E400] =	vst v63  }
0x997: {  	s25 =	simm.s32 $0x12C00  }
0x998: {  	[tilespmem:s25], [sflag:$0x6] =	stream.indirect_vreg.gather [hbm4b:s10+s21], $0x80, v3, vm0, $0xb8;
	[tilespmem:$0x1E400] =	vst v63  }
0x999: {  	v3 =	vld [tilespmem:$0x390];
	_ =	sdelay $0x4  }
0x99a: {  	v63 =	vshll.u32 v3, $0x1  }
0x99b: {  	v3 =	vand.u32 $0x7, v3;
	v4 =	vand.u32 $0xFFFFFFF0, v63  }
0x99c: {  	v3 =	vor.u32 v3, v4  }
0x99d: {  	v4 =	vperm.xlane v3, v0;
	_ =	sdelay $0x1  }
0x99e: {  	v3 =	vperm.xlane v3, v2;
	v4 =	vadd.s32 v1, v4;
	_ =	sdelay $0x1  }
0x99f: {  	v3 =	vadd.s32 v1, v3;
	_ =	sdelay $0x1  }
0x9a0: {  	s29 =	simm.s32 $0x13400  }
0x9a1: {  	[tilespmem:s29], [sflag:$0x6] =	stream.indirect_vreg.gather [hbm4b:s10+s21], $0x80, v4, vm0, $0xb8;
	[tilespmem:$0x1E400] =	vst v63  }
0x9a2: {  	s30 =	simm.s32 $0x13C00  }
0x9a3: {  	[tilespmem:s30], [sflag:$0x6] =	stream.indirect_vreg.gather [hbm4b:s10+s21], $0x80, v3, vm0, $0xb8;
	[tilespmem:$0x1E400] =	vst v63  }
0x9a4: {  	_ =	swait.ge [sflag:s4], $0xA000  }
0x9a5: {  	s19 =	sld [smem:$0x7FC]  }
0x9a6: {  	[sflag:s4] =	ssyncset.done $0x0  }
0x9a7: {  	[sflag:s4] =	ssyncadd.s32 $0xFFFF6000  }
0x9a8: {  	[hbm4b:s19+s21] =	stream.linear.scatter [tilespmem:s14], [sflag:$0x8], $0xA000, $0x38;
	[tilespmem:$0x1E400] =	vst v63  }
.Ltmp3:
0x9a9: {  	_ =	swait.ge [sflag:s9], $0xA000;
	(pc) =	sbr.rel .LBB2_4-.Ltmp3, $4  }
0x9aa: {  	s31 =	sld [smem:$0x7FD]  }
0x9ab: {  	[sflag:s9] =	ssyncset.done $0x0  }
0x9ac: {  	s0 =	sld [smem:$0x7F1];
	[sflag:s9] =	ssyncadd.s32 $0xFFFF6000  }
0x9ad: {  	[hbm4b:s31+s21] =	stream.linear.scatter [tilespmem:s12], [sflag:$0x9], $0xA000, $0x38;
	[tilespmem:$0x1E400] =	vst v63  }
.LBB2_5:
0x9ae: {  	_ =	sfence.sel $0x180000  }
0x9af: {  	[bflag:$0x0] =	sbarrier.arrive $0xFFFF  }
0x9b0: {  	_ =	strace $0x90000047  }
0x9b1: {  	s0 =	stileid.u32;
	[bflag:$0x2] =	sbarrier.arrive $0xFFFF  }
0x9b2: {  	p0 =	sne.s32 s0, $0x0;
	s0 =	rddreg [dreg:$0x3]  }
0x9b3: {  	s0 =	sadd.s32 @!p0 $0x100000, s0  }
0x9b4: {  	[sflag:s0] =	ssyncadd.tile.s32 @!p0 $0x1;
	_ =	shalt  }
.Lfunc_end2:
_tile_overlayer_lowered:
.L_overlay_start_2:
0x9b5: {  	(tag) =	ssettag $0x2  }
0x9b6: {  	s0 =	rddreg [dreg:$0x0];
	s2 =	stileid.u32  }
0x9b7: {  	s1 =	rddreg [dreg:$0x1];
	p0 =	sne.s32 s2, $0x0  }
0x9b8: {  	s3 =	rddreg [dreg:$0x2];
	[bflag:$0x3] =	sbarrier.arrive $0xFFFF;
	s2 =	simm.s32 @!p0 $0x1C0B  }
0x9b9: {  	[timem:s3], [sflag:s2] =	dma.local @!p0 [hbm:s0], s1  }
0x9ba: {  	s0 =	simm.s32 @!p0 $0xB  }
0x9bb: {  	_ =	swait.ge @!p0 [sflag:s0], s1  }
0x9bc: {  	s1 =	ssub.s32 @!p0 $0x0, s1;
	[sflag:s0] =	ssyncset.done @!p0 $0x0  }
0x9bd: {  	[sflag:s0] =	ssyncadd.s32 @!p0 s1  }
0x9be: {  	[bflag:$0x3] =	sbarrier.arrive $0xFFFF  }
0x9bf: {  	_ =	shalt  }

</sc_bundles>
